<compile_context>
chip_gen: v7x
topology: tpu7x:2x2x1
jax: 0.10.2.dev20260603
libtpu: 0.0.44.dev20260713+nightly
codegen_flags: <defaults>
</compile_context>

<pallas_src>
import functools

import jax
import jax.numpy as jnp
from jax import lax
from jax.experimental import pallas as pl
from jax.experimental.pallas import tpu as pltpu
from jax.experimental.pallas import tpu_sc as plsc

N = 10000
NP = 10240
E = 320000
LANES = 16
NC = 2
NS = 16
NW = NC * NS
EPW = E // NW
ROWS_PER_TILE = NP // NS


def _sel_matrix(rows, cols, group):
    r = lax.broadcasted_iota(jnp.int32, (rows, cols), 0)
    c = lax.broadcasted_iota(jnp.int32, (rows, cols), 1)
    return jnp.where(r // group == c, 1.0, 0.0).astype(jnp.float32)


def _tc1_body(x_ref, w_ref, asrc_ref, adst_ref, hext_ref, oad_ref):
    h = jnp.dot(x_ref[...], w_ref[...], preferred_element_type=jnp.float32)
    hc = h.shape[1]
    s = _sel_matrix(hc, LANES, 16)
    hext_ref[:, :hc] = h
    hext_ref[:, hc:] = jnp.dot(h * asrc_ref[...], s,
                               preferred_element_type=jnp.float32)
    oad_ref[...] = jnp.dot(h * adst_ref[...], s,
                           preferred_element_type=jnp.float32)


def _tc1(x, w1, asrc_flat, adst_flat):
    hc = w1.shape[1]
    return pl.pallas_call(
        _tc1_body,
        out_shape=[
            jax.ShapeDtypeStruct((NP, hc + LANES), jnp.float32),
            jax.ShapeDtypeStruct((NP, LANES), jnp.float32),
        ],
    )(x, w1, asrc_flat, adst_flat)


def _tc2_body(accp_ref, b1_ref, w2_ref, as2_ref, ad2_ref, hext_ref, oad_ref):
    hc = accp_ref.shape[1] - LANES
    acc = accp_ref[:NP, :hc] + accp_ref[NP:, :hc]
    den = accp_ref[:NP, hc:] + accp_ref[NP:, hc:]
    recip = 1.0 / (den + 1e-16)
    r = lax.broadcasted_iota(jnp.int32, (LANES, hc), 0)
    c = lax.broadcasted_iota(jnp.int32, (LANES, hc), 1)
    expand = jnp.where(c // 16 == r, 1.0, 0.0).astype(jnp.float32)
    x2 = acc * jnp.dot(recip, expand, preferred_element_type=jnp.float32)
    x2 = x2 + b1_ref[...]
    x2 = jnp.where(x2 > 0.0, x2, jnp.exp(x2) - 1.0)
    h2 = jnp.dot(x2, w2_ref[...], preferred_element_type=jnp.float32)
    out = h2.shape[1]
    s2 = _sel_matrix(out, LANES, out)
    hext_ref[:, :out] = h2
    hext_ref[:, out:] = jnp.dot(h2 * as2_ref[...], s2,
                                preferred_element_type=jnp.float32)
    oad_ref[...] = jnp.dot(h2 * ad2_ref[...], s2,
                           preferred_element_type=jnp.float32)


def _tc2(accp, b1_flat, w2, as2_flat, ad2_flat):
    out = w2.shape[1]
    return pl.pallas_call(
        _tc2_body,
        out_shape=[
            jax.ShapeDtypeStruct((NP, out + LANES), jnp.float32),
            jax.ShapeDtypeStruct((NP, LANES), jnp.float32),
        ],
    )(accp, b1_flat, w2, as2_flat, ad2_flat)


def _tc3_body(accp_ref, b2_ref, out_ref):
    out = accp_ref.shape[1] - LANES
    acc = accp_ref[:NP, :out] + accp_ref[NP:, :out]
    den = accp_ref[:NP, out:] + accp_ref[NP:, out:]
    z = acc * (1.0 / (den[:, 0:1] + 1e-16)) + b2_ref[...]
    m = jnp.max(z, axis=1, keepdims=True)
    zs = z - m
    out_ref[...] = zs - jnp.log(jnp.sum(jnp.exp(zs), axis=1, keepdims=True))


def _tc3(accp, b2_flat):
    out = accp.shape[1] - LANES
    return pl.pallas_call(
        _tc3_body,
        out_shape=jax.ShapeDtypeStruct((NP, out), jnp.float32),
    )(accp, b2_flat)


def _make_edge_agg(d, heads, BLK, msg_dbl):
    NBLK = EPW // BLK
    nseg = d // LANES
    dext = d + LANES
    hos = [g * heads // nseg for g in range(nseg)]
    mesh = plsc.VectorSubcoreMesh(core_axis_name="c", subcore_axis_name="s",
                                  num_cores=NC, num_subcores=NS)

    @functools.partial(
        pl.kernel,
        mesh=mesh,
        compiler_params=pltpu.CompilerParams(use_tc_tiling_on_sc=False),
        out_type=jax.ShapeDtypeStruct((2 * NP, dext), jnp.float32),
        scratch_types=[
            pltpu.VMEM((4, BLK), jnp.int32),
            pltpu.VMEM((4, BLK), jnp.int32),
            pltpu.VMEM((2, BLK, LANES), jnp.float32),
            pltpu.VMEM((2, BLK, dext), jnp.float32),
            pltpu.VMEM((2 if msg_dbl else 1, BLK, dext), jnp.float32),
            pltpu.VMEM_SHARED((NP, dext), jnp.float32),
            pltpu.SemaphoreType.DMA((4,)),
            pltpu.SemaphoreType.DMA((2,)),
            pltpu.SemaphoreType.DMA((2,)),
        ],
    )
    def edge_kernel(src_hbm, dst_hbm, hext_hbm, ad_hbm, acc_out,
                    srci, dsti, adv, hvg, msg, acc_sh, isem, gsem, ssem):
        c = lax.axis_index("c")
        s = lax.axis_index("s")
        wid = c * NS + s

        zv = jnp.zeros((LANES,), jnp.float32)

        def zero_row(i, _):
            for g in range(nseg + 1):
                msg[0, i, pl.ds(g * LANES, LANES)] = zv
            return 0
        lax.fori_loop(0, BLK, zero_row, 0)
        r0 = s * ROWS_PER_TILE
        nch = ROWS_PER_TILE // BLK
        for j in range(nch):
            pltpu.async_copy(msg.at[0], acc_sh.at[pl.ds(r0 + j * BLK, BLK)],
                             gsem.at[0])
        for j in range(nch):
            pltpu.make_async_copy(msg.at[0],
                                  acc_sh.at[pl.ds(r0 + j * BLK, BLK)],
                                  gsem.at[0]).wait()
        plsc.subcore_barrier()

        ebase = wid * EPW

        def issue_idx(b, j):
            e0 = ebase + b * BLK
            pltpu.async_copy(src_hbm.at[pl.ds(e0, BLK)], srci.at[j], isem.at[j])
            pltpu.async_copy(dst_hbm.at[pl.ds(e0, BLK)], dsti.at[j], isem.at[j])

        def wait_idx(j):
            pltpu.make_async_copy(src_hbm.at[pl.ds(0, BLK)], srci.at[j],
                                  isem.at[j]).wait()
            pltpu.make_async_copy(dst_hbm.at[pl.ds(0, BLK)], dsti.at[j],
                                  isem.at[j]).wait()

        def issue_gathers(j, p):
            pltpu.async_copy(hext_hbm.at[srci.at[j]], hvg.at[p], gsem.at[p])
            pltpu.async_copy(ad_hbm.at[dsti.at[j]], adv.at[p], gsem.at[p])

        def wait_gathers(j, p):
            pltpu.make_async_copy(hext_hbm.at[srci.at[j]], hvg.at[p],
                                  gsem.at[p]).wait()
            pltpu.make_async_copy(ad_hbm.at[dsti.at[j]], adv.at[p],
                                  gsem.at[p]).wait()

        def drain_scatter(p):
            pltpu.make_async_copy(msg.at[p], acc_sh.at[dsti.at[0]],
                                  ssem.at[p]).wait()

        issue_idx(0, 0)
        issue_idx(1, 1)
        wait_idx(0)
        issue_gathers(0, 0)

        def blk_body(b, _):
            p = lax.rem(b, 2)
            q = lax.rem(b + 1, 2)
            mp = p if msg_dbl else 0

            if msg_dbl:
                @pl.when(b >= 2)
                def _():
                    drain_scatter(p)

            @pl.when(b + 2 < NBLK)
            def _():
                issue_idx(b + 2, lax.rem(b + 2, 4))

            @pl.when(b + 1 < NBLK)
            def _():
                j1 = lax.rem(b + 1, 4)
                wait_idx(j1)
                issue_gathers(j1, q)

            wait_gathers(lax.rem(b, 4), p)

            if not msg_dbl:
                @pl.when(b >= 1)
                def _():
                    drain_scatter(0)

            @plsc.parallel_loop(0, BLK, unroll=8)
            def _(e):
                a = hvg[p, e, pl.ds(d, LANES)] + adv[p, e, :]
                a = jnp.where(a > 0.0, a, 0.2 * a)
                w = jnp.exp(a)
                msg[mp, e, pl.ds(d, LANES)] = w
                for g in range(nseg):
                    seg = hvg[p, e, pl.ds(g * LANES, LANES)]
                    msg[mp, e, pl.ds(g * LANES, LANES)] = seg * w[hos[g]]

            pltpu.async_copy(msg.at[mp], acc_sh.at[dsti.at[lax.rem(b, 4)]],
                             ssem.at[mp], add=True)
            return 0
        lax.fori_loop(0, NBLK, blk_body, 0)

        drain_scatter(0)
        if msg_dbl:
            drain_scatter(1)

        plsc.subcore_barrier()

        ro = c * NP + s * ROWS_PER_TILE
        wob = [msg.at[0], msg.at[1] if msg_dbl else hvg.at[0]]
        pltpu.async_copy(acc_sh.at[pl.ds(r0, BLK)], wob[0], gsem.at[0])
        for j in range(nch):
            p = j % 2
            q = (j + 1) % 2
            if j + 1 < nch:
                if j >= 1:
                    pltpu.make_async_copy(
                        wob[q],
                        acc_out.at[pl.ds(ro + (j - 1) * BLK, BLK)],
                        ssem.at[q]).wait()
                pltpu.async_copy(acc_sh.at[pl.ds(r0 + (j + 1) * BLK, BLK)],
                                 wob[q], gsem.at[q])
            pltpu.make_async_copy(acc_sh.at[pl.ds(r0 + j * BLK, BLK)],
                                  wob[p], gsem.at[p]).wait()
            pltpu.async_copy(wob[p], acc_out.at[pl.ds(ro + j * BLK, BLK)],
                             ssem.at[p])
        for j in (nch - 2, nch - 1):
            pltpu.make_async_copy(wob[j % 2],
                                  acc_out.at[pl.ds(ro + j * BLK, BLK)],
                                  ssem.at[j % 2]).wait()

    return edge_kernel


def kernel(x, edge_index, W1, att_src1, att_dst1, b1, W2, att_src2, att_dst2, b2):
    src = edge_index[0]
    dst = edge_index[1]
    xp = jnp.pad(x, ((0, NP - N), (0, 0)))

    hext1, ad1 = _tc1(xp, W1, att_src1.reshape(1, -1), att_dst1.reshape(1, -1))
    edge1 = _make_edge_agg(W1.shape[1], att_src1.shape[1], 80, False)
    accp1 = edge1(src, dst, hext1, ad1)

    hext2, ad2 = _tc2(accp1, b1.reshape(1, -1), W2,
                      att_src2.reshape(1, -1), att_dst2.reshape(1, -1))
    edge2 = _make_edge_agg(W2.shape[1], att_src2.shape[1], 80, True)
    accp2 = edge2(src, dst, hext2, ad2)

    return _tc3(accp2, b2.reshape(1, -1))[:N]

# --- scband reference (transcript-rebuilt; emitter-appended) ---
"""Pipeline reference for scband-gat-18992345383339 (READ-ONLY COPY).

The authoritative reference and input builder live on the scoring server;
editing this copy changes nothing except your own understanding.
"""

import jax, jax.numpy as jnp
import numpy as np

N = 10000
E = 320000
IN = 128
H1 = 8
C1 = 16
OUT = 64


def setup_inputs(seed: int = 0) -> dict:
    key = jax.random.key(seed)
    ks = jax.random.split(key, 12)
    x = jax.random.normal(ks[0], (N, IN), dtype=jnp.float32)
    edge_index = jax.random.randint(ks[1], (2, E), 0, N, dtype=jnp.int32)
    s = 0.1
    W1 = jax.random.normal(ks[2], (IN, H1 * C1), dtype=jnp.float32) * s
    att_src1 = jax.random.normal(ks[3], (1, H1, C1), dtype=jnp.float32) * s
    att_dst1 = jax.random.normal(ks[4], (1, H1, C1), dtype=jnp.float32) * s
    b1 = jnp.zeros((H1 * C1,), dtype=jnp.float32)
    W2 = jax.random.normal(ks[5], (H1 * C1, 1 * OUT), dtype=jnp.float32) * s
    att_src2 = jax.random.normal(ks[6], (1, 1, OUT), dtype=jnp.float32) * s
    att_dst2 = jax.random.normal(ks[7], (1, 1, OUT), dtype=jnp.float32) * s
    b2 = jnp.zeros((OUT,), dtype=jnp.float32)
    return {"x": x, "edge_index": edge_index, "W1": W1, "att_src1": att_src1,
            "att_dst1": att_dst1, "b1": b1, "W2": W2, "att_src2": att_src2,
            "att_dst2": att_dst2, "b2": b2}


def gat_conv(x, edge_index, W, att_src, att_dst, bias, heads, out_ch, concat):
    n = x.shape[0]
    h = (x @ W).reshape(n, heads, out_ch)
    a_src = jnp.sum(h * att_src, axis=-1)  # [N, H]
    a_dst = jnp.sum(h * att_dst, axis=-1)  # [N, H]
    src = edge_index[0]
    dst = edge_index[1]
    alpha = a_src[src] + a_dst[dst]        # [E, H]
    alpha = jax.nn.leaky_relu(alpha, negative_slope=0.2)
    amax = jax.ops.segment_max(alpha, dst, num_segments=n)
    alpha = jnp.exp(alpha - amax[dst])
    denom = jax.ops.segment_sum(alpha, dst, num_segments=n)
    alpha = alpha / (denom[dst] + 1e-16)
    msg = h[src] * alpha[:, :, None]       # [E, H, C]
    out = jax.ops.segment_sum(msg, dst, num_segments=n)
    if concat:
        out = out.reshape(n, heads * out_ch)
    else:
        out = jnp.mean(out, axis=1)
    return out + bias


def reference(x, edge_index, W1, att_src1, att_dst1, b1, W2, att_src2, att_dst2, b2):
    # dropout is identity in eval mode
    h = gat_conv(x, edge_index, W1, att_src1, att_dst1, b1, H1, C1, True)
    h = jax.nn.elu(h)
    h = gat_conv(h, edge_index, W2, att_src2, att_dst2, b2, 1, OUT, False)
    return jax.nn.log_softmax(h, axis=1)

if __name__ == "__main__":
    import jax
    _d = setup_inputs()
    print(jax.jit(kernel)(*tuple(_d.values())))

</pallas_src>

<mosaic_0001>
#map = affine_map<(d0, d1) -> (0)>
#map1 = affine_map<(d0, d1) -> (0, 0)>
module attributes {stable_mosaic.version = 14 : i64} {
  func.func @edge_kernel(%arg0: i32, %arg1: i32, %arg2: memref<320000xi32, #tpu.memory_space<hbm>>, %arg3: memref<320000xi32, #tpu.memory_space<hbm>>, %arg4: memref<10240x144xf32, #tpu.memory_space<hbm>>, %arg5: memref<10240x16xf32, #tpu.memory_space<hbm>>, %arg6: memref<20480x144xf32, #tpu.memory_space<hbm>>, %arg7: memref<4x80xi32, #tpu.memory_space<vmem>>, %arg8: memref<4x80xi32, #tpu.memory_space<vmem>>, %arg9: memref<2x80x16xf32, #tpu.memory_space<vmem>>, %arg10: memref<2x80x144xf32, #tpu.memory_space<vmem>>, %arg11: memref<1x80x144xf32, #tpu.memory_space<vmem>>, %arg12: memref<10240x144xf32, #tpu.memory_space<vmem_shared>>, %arg13: memref<4x!tpu.dma_semaphore, #tpu.memory_space<semaphore_mem>>, %arg14: memref<2x!tpu.dma_semaphore, #tpu.memory_space<semaphore_mem>>, %arg15: memref<2x!tpu.dma_semaphore, #tpu.memory_space<semaphore_mem>>) attributes {dimension_semantics = [#tpu.dimension_semantics<core_parallel>, #tpu.dimension_semantics<subcore_parallel>], iteration_bounds = array<i64: 2, 16>, scalar_prefetch = 0 : i64, scratch_operands = 9 : i64, tpu.core_type = #tpu.core_type<sc_vector_subcore>, window_params = [{transform_indices = #map}, {transform_indices = #map}, {transform_indices = #map1}, {transform_indices = #map1}, {transform_indices = #map1}]} {
    %mul3A = arith.constant 16 : i32
    %mul3A_0 = arith.muli %arg0, %mul3A : i32
    %add3A = arith.addi %mul3A_0, %arg1 : i32
    %broadcast_in_dim3A = arith.constant 0.000000e+00 : f32
    %broadcast_in_dim3A_1 = vector.broadcast %broadcast_in_dim3A : f32 to vector<16xf32>
    %scan3A = arith.constant 0 : i32
    %scan3A_2 = arith.constant 0 : i32
    %scan3A_3 = arith.constant 80 : i32
    %scan3A_4 = arith.addi %scan3A_2, %scan3A_3 : i32
    %scan3A_5 = arith.constant 1 : i32
    %scan3A_6 = scf.for %scan3A_1010 = %scan3A_2 to %scan3A_4 step %scan3A_5 iter_args(%scan3A_1011 = %scan3A) -> (i32)  : i32 {
      %swap3A = arith.constant 0 : i32
      %swap3A_1012 = arith.index_cast %swap3A : i32 to index
      %swap3A_1013 = arith.index_cast %scan3A_1010 : i32 to index
      %swap3A_1014 = arith.constant 0 : index
      %swap3A_1015 = tpu.vector_load %arg11[%swap3A_1012, %swap3A_1013, %swap3A_1014] {strides = array<i32>} : memref<1x80x144xf32, #tpu.memory_space<vmem>>, vector<1x1x16xf32>,
      %swap3A_1016 = vector.shape_cast %swap3A_1015 : vector<1x1x16xf32> to vector<16xf32>
      %swap3A_1017 = vector.shape_cast %broadcast_in_dim3A_1 : vector<16xf32> to vector<1x1x16xf32>
      tpu.vector_store %arg11[%swap3A_1012, %swap3A_1013, %swap3A_1014], %swap3A_1017 {strides = array<i32>} : memref<1x80x144xf32, #tpu.memory_space<vmem>>, vector<1x1x16xf32>,
      %swap3A_1018 = arith.constant 0 : i32
      %swap3A_1019 = arith.index_cast %swap3A_1018 : i32 to index
      %swap3A_1020 = arith.index_cast %scan3A_1010 : i32 to index
      %swap3A_1021 = arith.constant 16 : index
      %swap3A_1022 = tpu.vector_load %arg11[%swap3A_1019, %swap3A_1020, %swap3A_1021] {strides = array<i32>} : memref<1x80x144xf32, #tpu.memory_space<vmem>>, vector<1x1x16xf32>,
      %swap3A_1023 = vector.shape_cast %swap3A_1022 : vector<1x1x16xf32> to vector<16xf32>
      %swap3A_1024 = vector.shape_cast %broadcast_in_dim3A_1 : vector<16xf32> to vector<1x1x16xf32>
      tpu.vector_store %arg11[%swap3A_1019, %swap3A_1020, %swap3A_1021], %swap3A_1024 {strides = array<i32>} : memref<1x80x144xf32, #tpu.memory_space<vmem>>, vector<1x1x16xf32>,
      %swap3A_1025 = arith.constant 0 : i32
      %swap3A_1026 = arith.index_cast %swap3A_1025 : i32 to index
      %swap3A_1027 = arith.index_cast %scan3A_1010 : i32 to index
      %swap3A_1028 = arith.constant 32 : index
      %swap3A_1029 = tpu.vector_load %arg11[%swap3A_1026, %swap3A_1027, %swap3A_1028] {strides = array<i32>} : memref<1x80x144xf32, #tpu.memory_space<vmem>>, vector<1x1x16xf32>,
      %swap3A_1030 = vector.shape_cast %swap3A_1029 : vector<1x1x16xf32> to vector<16xf32>
      %swap3A_1031 = vector.shape_cast %broadcast_in_dim3A_1 : vector<16xf32> to vector<1x1x16xf32>
      tpu.vector_store %arg11[%swap3A_1026, %swap3A_1027, %swap3A_1028], %swap3A_1031 {strides = array<i32>} : memref<1x80x144xf32, #tpu.memory_space<vmem>>, vector<1x1x16xf32>,
      %swap3A_1032 = arith.constant 0 : i32
      %swap3A_1033 = arith.index_cast %swap3A_1032 : i32 to index
      %swap3A_1034 = arith.index_cast %scan3A_1010 : i32 to index
      %swap3A_1035 = arith.constant 48 : index
      %swap3A_1036 = tpu.vector_load %arg11[%swap3A_1033, %swap3A_1034, %swap3A_1035] {strides = array<i32>} : memref<1x80x144xf32, #tpu.memory_space<vmem>>, vector<1x1x16xf32>,
      %swap3A_1037 = vector.shape_cast %swap3A_1036 : vector<1x1x16xf32> to vector<16xf32>
      %swap3A_1038 = vector.shape_cast %broadcast_in_dim3A_1 : vector<16xf32> to vector<1x1x16xf32>
      tpu.vector_store %arg11[%swap3A_1033, %swap3A_1034, %swap3A_1035], %swap3A_1038 {strides = array<i32>} : memref<1x80x144xf32, #tpu.memory_space<vmem>>, vector<1x1x16xf32>,
      %swap3A_1039 = arith.constant 0 : i32
      %swap3A_1040 = arith.index_cast %swap3A_1039 : i32 to index
      %swap3A_1041 = arith.index_cast %scan3A_1010 : i32 to index
      %swap3A_1042 = arith.constant 64 : index
      %swap3A_1043 = tpu.vector_load %arg11[%swap3A_1040, %swap3A_1041, %swap3A_1042] {strides = array<i32>} : memref<1x80x144xf32, #tpu.memory_space<vmem>>, vector<1x1x16xf32>,
      %swap3A_1044 = vector.shape_cast %swap3A_1043 : vector<1x1x16xf32> to vector<16xf32>
      %swap3A_1045 = vector.shape_cast %broadcast_in_dim3A_1 : vector<16xf32> to vector<1x1x16xf32>
      tpu.vector_store %arg11[%swap3A_1040, %swap3A_1041, %swap3A_1042], %swap3A_1045 {strides = array<i32>} : memref<1x80x144xf32, #tpu.memory_space<vmem>>, vector<1x1x16xf32>,
      %swap3A_1046 = arith.constant 0 : i32
      %swap3A_1047 = arith.index_cast %swap3A_1046 : i32 to index
      %swap3A_1048 = arith.index_cast %scan3A_1010 : i32 to index
      %swap3A_1049 = arith.constant 80 : index
      %swap3A_1050 = tpu.vector_load %arg11[%swap3A_1047, %swap3A_1048, %swap3A_1049] {strides = array<i32>} : memref<1x80x144xf32, #tpu.memory_space<vmem>>, vector<1x1x16xf32>,
      %swap3A_1051 = vector.shape_cast %swap3A_1050 : vector<1x1x16xf32> to vector<16xf32>
      %swap3A_1052 = vector.shape_cast %broadcast_in_dim3A_1 : vector<16xf32> to vector<1x1x16xf32>
      tpu.vector_store %arg11[%swap3A_1047, %swap3A_1048, %swap3A_1049], %swap3A_1052 {strides = array<i32>} : memref<1x80x144xf32, #tpu.memory_space<vmem>>, vector<1x1x16xf32>,
      %swap3A_1053 = arith.constant 0 : i32
      %swap3A_1054 = arith.index_cast %swap3A_1053 : i32 to index
      %swap3A_1055 = arith.index_cast %scan3A_1010 : i32 to index
      %swap3A_1056 = arith.constant 96 : index
      %swap3A_1057 = tpu.vector_load %arg11[%swap3A_1054, %swap3A_1055, %swap3A_1056] {strides = array<i32>} : memref<1x80x144xf32, #tpu.memory_space<vmem>>, vector<1x1x16xf32>,
      %swap3A_1058 = vector.shape_cast %swap3A_1057 : vector<1x1x16xf32> to vector<16xf32>
      %swap3A_1059 = vector.shape_cast %broadcast_in_dim3A_1 : vector<16xf32> to vector<1x1x16xf32>
      tpu.vector_store %arg11[%swap3A_1054, %swap3A_1055, %swap3A_1056], %swap3A_1059 {strides = array<i32>} : memref<1x80x144xf32, #tpu.memory_space<vmem>>, vector<1x1x16xf32>,
      %swap3A_1060 = arith.constant 0 : i32
      %swap3A_1061 = arith.index_cast %swap3A_1060 : i32 to index
      %swap3A_1062 = arith.index_cast %scan3A_1010 : i32 to index
      %swap3A_1063 = arith.constant 112 : index
      %swap3A_1064 = tpu.vector_load %arg11[%swap3A_1061, %swap3A_1062, %swap3A_1063] {strides = array<i32>} : memref<1x80x144xf32, #tpu.memory_space<vmem>>, vector<1x1x16xf32>,
      %swap3A_1065 = vector.shape_cast %swap3A_1064 : vector<1x1x16xf32> to vector<16xf32>
      %swap3A_1066 = vector.shape_cast %broadcast_in_dim3A_1 : vector<16xf32> to vector<1x1x16xf32>
      tpu.vector_store %arg11[%swap3A_1061, %swap3A_1062, %swap3A_1063], %swap3A_1066 {strides = array<i32>} : memref<1x80x144xf32, #tpu.memory_space<vmem>>, vector<1x1x16xf32>,
      %swap3A_1067 = arith.constant 0 : i32
      %swap3A_1068 = arith.index_cast %swap3A_1067 : i32 to index
      %swap3A_1069 = arith.index_cast %scan3A_1010 : i32 to index
      %swap3A_1070 = arith.constant 128 : index
      %swap3A_1071 = tpu.vector_load %arg11[%swap3A_1068, %swap3A_1069, %swap3A_1070] {strides = array<i32>} : memref<1x80x144xf32, #tpu.memory_space<vmem>>, vector<1x1x16xf32>,
      %swap3A_1072 = vector.shape_cast %swap3A_1071 : vector<1x1x16xf32> to vector<16xf32>
      %swap3A_1073 = vector.shape_cast %broadcast_in_dim3A_1 : vector<16xf32> to vector<1x1x16xf32>
      tpu.vector_store %arg11[%swap3A_1068, %swap3A_1069, %swap3A_1070], %swap3A_1073 {strides = array<i32>} : memref<1x80x144xf32, #tpu.memory_space<vmem>>, vector<1x1x16xf32>,
      %scan3A_1074 = arith.constant 0 : i32
      scf.yield %scan3A_1074 : i32
    }
    %scan3A_7 = arith.constant 80 : i32
    %mul3A_8 = arith.constant 640 : i32
    %mul3A_9 = arith.muli %arg1, %mul3A_8 : i32
    %add3A_10 = arith.constant 0 : i32
    %add3A_11 = arith.addi %mul3A_9, %add3A_10 : i32
    %dma_start3A = arith.constant 0 : i32
    %dma_start3A_12 = arith.constant 0 : i32
    %dma_start3A_13 = arith.constant 0 : i32
    %dma_start3A_14 = arith.constant 0 : i32
    %dma_start3A_15 = tpu.memref_slice %arg11[%dma_start3A, %dma_start3A_13, %dma_start3A_14] : memref<1x80x144xf32, #tpu.memory_space<vmem>> -> memref<1x80x144xf32, #tpu.memory_space<vmem>>
    %dma_start3A_16 = tpu.memref_squeeze %dma_start3A_15 : memref<1x80x144xf32, #tpu.memory_space<vmem>> -> memref<80x144xf32, #tpu.memory_space<vmem>>
    %dma_start3A_17 = arith.constant 0 : i32
    %dma_start3A_18 = tpu.memref_slice %arg12[%add3A_11, %dma_start3A_17] : memref<10240x144xf32, #tpu.memory_space<vmem_shared>> -> memref<80x144xf32, #tpu.memory_space<vmem_shared>>
    %dma_start3A_19 = tpu.memref_slice %arg14[%dma_start3A_12] : memref<2x!tpu.dma_semaphore, #tpu.memory_space<semaphore_mem>> -> memref<1x!tpu.dma_semaphore, #tpu.memory_space<semaphore_mem>>
    %dma_start3A_20 = tpu.memref_squeeze %dma_start3A_19 : memref<1x!tpu.dma_semaphore, #tpu.memory_space<semaphore_mem>> -> memref<!tpu.dma_semaphore, #tpu.memory_space<semaphore_mem>>
    %dma_start3A_21 = arith.constant 0 : i32
    %dma_start3A_22 = tpu.memref_slice %arg12[%add3A_11, %dma_start3A_21] : memref<10240x144xf32, #tpu.memory_space<vmem_shared>> -> memref<80x144xf32, #tpu.memory_space<vmem_shared>>
    %dma_start3A_23 = arith.constant 0 : i32
    %dma_start3A_24 = arith.constant 0 : i32
    %dma_start3A_25 = tpu.memref_slice %arg11[%dma_start3A, %dma_start3A_23, %dma_start3A_24] : memref<1x80x144xf32, #tpu.memory_space<vmem>> -> memref<1x80x144xf32, #tpu.memory_space<vmem>>
    %dma_start3A_26 = tpu.memref_squeeze %dma_start3A_25 : memref<1x80x144xf32, #tpu.memory_space<vmem>> -> memref<80x144xf32, #tpu.memory_space<vmem>>
    tpu.enqueue_dma source(%dma_start3A_26 : memref<80x144xf32, #tpu.memory_space<vmem>>) target(%dma_start3A_22 : memref<80x144xf32, #tpu.memory_space<vmem_shared>>) target_semaphore(%dma_start3A_20 : memref<!tpu.dma_semaphore, #tpu.memory_space<semaphore_mem>>)
    %add3A_27 = arith.constant 80 : i32
    %add3A_28 = arith.addi %mul3A_9, %add3A_27 : i32
    %dma_start3A_29 = arith.constant 0 : i32
    %dma_start3A_30 = arith.constant 0 : i32
    %dma_start3A_31 = arith.constant 0 : i32
    %dma_start3A_32 = arith.constant 0 : i32
    %dma_start3A_33 = tpu.memref_slice %arg11[%dma_start3A_29, %dma_start3A_31, %dma_start3A_32] : memref<1x80x144xf32, #tpu.memory_space<vmem>> -> memref<1x80x144xf32, #tpu.memory_space<vmem>>
    %dma_start3A_34 = tpu.memref_squeeze %dma_start3A_33 : memref<1x80x144xf32, #tpu.memory_space<vmem>> -> memref<80x144xf32, #tpu.memory_space<vmem>>
    %dma_start3A_35 = arith.constant 0 : i32
    %dma_start3A_36 = tpu.memref_slice %arg12[%add3A_28, %dma_start3A_35] : memref<10240x144xf32, #tpu.memory_space<vmem_shared>> -> memref<80x144xf32, #tpu.memory_space<vmem_shared>>
    %dma_start3A_37 = tpu.memref_slice %arg14[%dma_start3A_30] : memref<2x!tpu.dma_semaphore, #tpu.memory_space<semaphore_mem>> -> memref<1x!tpu.dma_semaphore, #tpu.memory_space<semaphore_mem>>
    %dma_start3A_38 = tpu.memref_squeeze %dma_start3A_37 : memref<1x!tpu.dma_semaphore, #tpu.memory_space<semaphore_mem>> -> memref<!tpu.dma_semaphore, #tpu.memory_space<semaphore_mem>>
    %dma_start3A_39 = arith.constant 0 : i32
    %dma_start3A_40 = tpu.memref_slice %arg12[%add3A_28, %dma_start3A_39] : memref<10240x144xf32, #tpu.memory_space<vmem_shared>> -> memref<80x144xf32, #tpu.memory_space<vmem_shared>>
    %dma_start3A_41 = arith.constant 0 : i32
    %dma_start3A_42 = arith.constant 0 : i32
    %dma_start3A_43 = tpu.memref_slice %arg11[%dma_start3A_29, %dma_start3A_41, %dma_start3A_42] : memref<1x80x144xf32, #tpu.memory_space<vmem>> -> memref<1x80x144xf32, #tpu.memory_space<vmem>>
    %dma_start3A_44 = tpu.memref_squeeze %dma_start3A_43 : memref<1x80x144xf32, #tpu.memory_space<vmem>> -> memref<80x144xf32, #tpu.memory_space<vmem>>
    tpu.enqueue_dma source(%dma_start3A_44 : memref<80x144xf32, #tpu.memory_space<vmem>>) target(%dma_start3A_40 : memref<80x144xf32, #tpu.memory_space<vmem_shared>>) target_semaphore(%dma_start3A_38 : memref<!tpu.dma_semaphore, #tpu.memory_space<semaphore_mem>>)
    %add3A_45 = arith.constant 160 : i32
    %add3A_46 = arith.addi %mul3A_9, %add3A_45 : i32
    %dma_start3A_47 = arith.constant 0 : i32
    %dma_start3A_48 = arith.constant 0 : i32
    %dma_start3A_49 = arith.constant 0 : i32
    %dma_start3A_50 = arith.constant 0 : i32
    %dma_start3A_51 = tpu.memref_slice %arg11[%dma_start3A_47, %dma_start3A_49, %dma_start3A_50] : memref<1x80x144xf32, #tpu.memory_space<vmem>> -> memref<1x80x144xf32, #tpu.memory_space<vmem>>
    %dma_start3A_52 = tpu.memref_squeeze %dma_start3A_51 : memref<1x80x144xf32, #tpu.memory_space<vmem>> -> memref<80x144xf32, #tpu.memory_space<vmem>>
    %dma_start3A_53 = arith.constant 0 : i32
    %dma_start3A_54 = tpu.memref_slice %arg12[%add3A_46, %dma_start3A_53] : memref<10240x144xf32, #tpu.memory_space<vmem_shared>> -> memref<80x144xf32, #tpu.memory_space<vmem_shared>>
    %dma_start3A_55 = tpu.memref_slice %arg14[%dma_start3A_48] : memref<2x!tpu.dma_semaphore, #tpu.memory_space<semaphore_mem>> -> memref<1x!tpu.dma_semaphore, #tpu.memory_space<semaphore_mem>>
    %dma_start3A_56 = tpu.memref_squeeze %dma_start3A_55 : memref<1x!tpu.dma_semaphore, #tpu.memory_space<semaphore_mem>> -> memref<!tpu.dma_semaphore, #tpu.memory_space<semaphore_mem>>
    %dma_start3A_57 = arith.constant 0 : i32
    %dma_start3A_58 = tpu.memref_slice %arg12[%add3A_46, %dma_start3A_57] : memref<10240x144xf32, #tpu.memory_space<vmem_shared>> -> memref<80x144xf32, #tpu.memory_space<vmem_shared>>
    %dma_start3A_59 = arith.constant 0 : i32
    %dma_start3A_60 = arith.constant 0 : i32
    %dma_start3A_61 = tpu.memref_slice %arg11[%dma_start3A_47, %dma_start3A_59, %dma_start3A_60] : memref<1x80x144xf32, #tpu.memory_space<vmem>> -> memref<1x80x144xf32, #tpu.memory_space<vmem>>
    %dma_start3A_62 = tpu.memref_squeeze %dma_start3A_61 : memref<1x80x144xf32, #tpu.memory_space<vmem>> -> memref<80x144xf32, #tpu.memory_space<vmem>>
    tpu.enqueue_dma source(%dma_start3A_62 : memref<80x144xf32, #tpu.memory_space<vmem>>) target(%dma_start3A_58 : memref<80x144xf32, #tpu.memory_space<vmem_shared>>) target_semaphore(%dma_start3A_56 : memref<!tpu.dma_semaphore, #tpu.memory_space<semaphore_mem>>)
    %add3A_63 = arith.constant 240 : i32
    %add3A_64 = arith.addi %mul3A_9, %add3A_63 : i32
    %dma_start3A_65 = arith.constant 0 : i32
    %dma_start3A_66 = arith.constant 0 : i32
    %dma_start3A_67 = arith.constant 0 : i32
    %dma_start3A_68 = arith.constant 0 : i32
    %dma_start3A_69 = tpu.memref_slice %arg11[%dma_start3A_65, %dma_start3A_67, %dma_start3A_68] : memref<1x80x144xf32, #tpu.memory_space<vmem>> -> memref<1x80x144xf32, #tpu.memory_space<vmem>>
    %dma_start3A_70 = tpu.memref_squeeze %dma_start3A_69 : memref<1x80x144xf32, #tpu.memory_space<vmem>> -> memref<80x144xf32, #tpu.memory_space<vmem>>
    %dma_start3A_71 = arith.constant 0 : i32
    %dma_start3A_72 = tpu.memref_slice %arg12[%add3A_64, %dma_start3A_71] : memref<10240x144xf32, #tpu.memory_space<vmem_shared>> -> memref<80x144xf32, #tpu.memory_space<vmem_shared>>
    %dma_start3A_73 = tpu.memref_slice %arg14[%dma_start3A_66] : memref<2x!tpu.dma_semaphore, #tpu.memory_space<semaphore_mem>> -> memref<1x!tpu.dma_semaphore, #tpu.memory_space<semaphore_mem>>
    %dma_start3A_74 = tpu.memref_squeeze %dma_start3A_73 : memref<1x!tpu.dma_semaphore, #tpu.memory_space<semaphore_mem>> -> memref<!tpu.dma_semaphore, #tpu.memory_space<semaphore_mem>>
    %dma_start3A_75 = arith.constant 0 : i32
    %dma_start3A_76 = tpu.memref_slice %arg12[%add3A_64, %dma_start3A_75] : memref<10240x144xf32, #tpu.memory_space<vmem_shared>> -> memref<80x144xf32, #tpu.memory_space<vmem_shared>>
    %dma_start3A_77 = arith.constant 0 : i32
    %dma_start3A_78 = arith.constant 0 : i32
    %dma_start3A_79 = tpu.memref_slice %arg11[%dma_start3A_65, %dma_start3A_77, %dma_start3A_78] : memref<1x80x144xf32, #tpu.memory_space<vmem>> -> memref<1x80x144xf32, #tpu.memory_space<vmem>>
    %dma_start3A_80 = tpu.memref_squeeze %dma_start3A_79 : memref<1x80x144xf32, #tpu.memory_space<vmem>> -> memref<80x144xf32, #tpu.memory_space<vmem>>
    tpu.enqueue_dma source(%dma_start3A_80 : memref<80x144xf32, #tpu.memory_space<vmem>>) target(%dma_start3A_76 : memref<80x144xf32, #tpu.memory_space<vmem_shared>>) target_semaphore(%dma_start3A_74 : memref<!tpu.dma_semaphore, #tpu.memory_space<semaphore_mem>>)
    %add3A_81 = arith.constant 320 : i32
    %add3A_82 = arith.addi %mul3A_9, %add3A_81 : i32
    %dma_start3A_83 = arith.constant 0 : i32
    %dma_start3A_84 = arith.constant 0 : i32
    %dma_start3A_85 = arith.constant 0 : i32
    %dma_start3A_86 = arith.constant 0 : i32
    %dma_start3A_87 = tpu.memref_slice %arg11[%dma_start3A_83, %dma_start3A_85, %dma_start3A_86] : memref<1x80x144xf32, #tpu.memory_space<vmem>> -> memref<1x80x144xf32, #tpu.memory_space<vmem>>
    %dma_start3A_88 = tpu.memref_squeeze %dma_start3A_87 : memref<1x80x144xf32, #tpu.memory_space<vmem>> -> memref<80x144xf32, #tpu.memory_space<vmem>>
    %dma_start3A_89 = arith.constant 0 : i32
    %dma_start3A_90 = tpu.memref_slice %arg12[%add3A_82, %dma_start3A_89] : memref<10240x144xf32, #tpu.memory_space<vmem_shared>> -> memref<80x144xf32, #tpu.memory_space<vmem_shared>>
    %dma_start3A_91 = tpu.memref_slice %arg14[%dma_start3A_84] : memref<2x!tpu.dma_semaphore, #tpu.memory_space<semaphore_mem>> -> memref<1x!tpu.dma_semaphore, #tpu.memory_space<semaphore_mem>>
    %dma_start3A_92 = tpu.memref_squeeze %dma_start3A_91 : memref<1x!tpu.dma_semaphore, #tpu.memory_space<semaphore_mem>> -> memref<!tpu.dma_semaphore, #tpu.memory_space<semaphore_mem>>
    %dma_start3A_93 = arith.constant 0 : i32
    %dma_start3A_94 = tpu.memref_slice %arg12[%add3A_82, %dma_start3A_93] : memref<10240x144xf32, #tpu.memory_space<vmem_shared>> -> memref<80x144xf32, #tpu.memory_space<vmem_shared>>
    %dma_start3A_95 = arith.constant 0 : i32
    %dma_start3A_96 = arith.constant 0 : i32
    %dma_start3A_97 = tpu.memref_slice %arg11[%dma_start3A_83, %dma_start3A_95, %dma_start3A_96] : memref<1x80x144xf32, #tpu.memory_space<vmem>> -> memref<1x80x144xf32, #tpu.memory_space<vmem>>
    %dma_start3A_98 = tpu.memref_squeeze %dma_start3A_97 : memref<1x80x144xf32, #tpu.memory_space<vmem>> -> memref<80x144xf32, #tpu.memory_space<vmem>>
    tpu.enqueue_dma source(%dma_start3A_98 : memref<80x144xf32, #tpu.memory_space<vmem>>) target(%dma_start3A_94 : memref<80x144xf32, #tpu.memory_space<vmem_shared>>) target_semaphore(%dma_start3A_92 : memref<!tpu.dma_semaphore, #tpu.memory_space<semaphore_mem>>)
    %add3A_99 = arith.constant 400 : i32
    %add3A_100 = arith.addi %mul3A_9, %add3A_99 : i32
    %dma_start3A_101 = arith.constant 0 : i32
    %dma_start3A_102 = arith.constant 0 : i32
    %dma_start3A_103 = arith.constant 0 : i32
    %dma_start3A_104 = arith.constant 0 : i32
    %dma_start3A_105 = tpu.memref_slice %arg11[%dma_start3A_101, %dma_start3A_103, %dma_start3A_104] : memref<1x80x144xf32, #tpu.memory_space<vmem>> -> memref<1x80x144xf32, #tpu.memory_space<vmem>>
    %dma_start3A_106 = tpu.memref_squeeze %dma_start3A_105 : memref<1x80x144xf32, #tpu.memory_space<vmem>> -> memref<80x144xf32, #tpu.memory_space<vmem>>
    %dma_start3A_107 = arith.constant 0 : i32
    %dma_start3A_108 = tpu.memref_slice %arg12[%add3A_100, %dma_start3A_107] : memref<10240x144xf32, #tpu.memory_space<vmem_shared>> -> memref<80x144xf32, #tpu.memory_space<vmem_shared>>
    %dma_start3A_109 = tpu.memref_slice %arg14[%dma_start3A_102] : memref<2x!tpu.dma_semaphore, #tpu.memory_space<semaphore_mem>> -> memref<1x!tpu.dma_semaphore, #tpu.memory_space<semaphore_mem>>
    %dma_start3A_110 = tpu.memref_squeeze %dma_start3A_109 : memref<1x!tpu.dma_semaphore, #tpu.memory_space<semaphore_mem>> -> memref<!tpu.dma_semaphore, #tpu.memory_space<semaphore_mem>>
    %dma_start3A_111 = arith.constant 0 : i32
    %dma_start3A_112 = tpu.memref_slice %arg12[%add3A_100, %dma_start3A_111] : memref<10240x144xf32, #tpu.memory_space<vmem_shared>> -> memref<80x144xf32, #tpu.memory_space<vmem_shared>>
    %dma_start3A_113 = arith.constant 0 : i32
    %dma_start3A_114 = arith.constant 0 : i32
    %dma_start3A_115 = tpu.memref_slice %arg11[%dma_start3A_101, %dma_start3A_113, %dma_start3A_114] : memref<1x80x144xf32, #tpu.memory_space<vmem>> -> memref<1x80x144xf32, #tpu.memory_space<vmem>>
    %dma_start3A_116 = tpu.memref_squeeze %dma_start3A_115 : memref<1x80x144xf32, #tpu.memory_space<vmem>> -> memref<80x144xf32, #tpu.memory_space<vmem>>
    tpu.enqueue_dma source(%dma_start3A_116 : memref<80x144xf32, #tpu.memory_space<vmem>>) target(%dma_start3A_112 : memref<80x144xf32, #tpu.memory_space<vmem_shared>>) target_semaphore(%dma_start3A_110 : memref<!tpu.dma_semaphore, #tpu.memory_space<semaphore_mem>>)
    %add3A_117 = arith.constant 480 : i32
    %add3A_118 = arith.addi %mul3A_9, %add3A_117 : i32
    %dma_start3A_119 = arith.constant 0 : i32
    %dma_start3A_120 = arith.constant 0 : i32
    %dma_start3A_121 = arith.constant 0 : i32
    %dma_start3A_122 = arith.constant 0 : i32
    %dma_start3A_123 = tpu.memref_slice %arg11[%dma_start3A_119, %dma_start3A_121, %dma_start3A_122] : memref<1x80x144xf32, #tpu.memory_space<vmem>> -> memref<1x80x144xf32, #tpu.memory_space<vmem>>
    %dma_start3A_124 = tpu.memref_squeeze %dma_start3A_123 : memref<1x80x144xf32, #tpu.memory_space<vmem>> -> memref<80x144xf32, #tpu.memory_space<vmem>>
    %dma_start3A_125 = arith.constant 0 : i32
    %dma_start3A_126 = tpu.memref_slice %arg12[%add3A_118, %dma_start3A_125] : memref<10240x144xf32, #tpu.memory_space<vmem_shared>> -> memref<80x144xf32, #tpu.memory_space<vmem_shared>>
    %dma_start3A_127 = tpu.memref_slice %arg14[%dma_start3A_120] : memref<2x!tpu.dma_semaphore, #tpu.memory_space<semaphore_mem>> -> memref<1x!tpu.dma_semaphore, #tpu.memory_space<semaphore_mem>>
    %dma_start3A_128 = tpu.memref_squeeze %dma_start3A_127 : memref<1x!tpu.dma_semaphore, #tpu.memory_space<semaphore_mem>> -> memref<!tpu.dma_semaphore, #tpu.memory_space<semaphore_mem>>
    %dma_start3A_129 = arith.constant 0 : i32
    %dma_start3A_130 = tpu.memref_slice %arg12[%add3A_118, %dma_start3A_129] : memref<10240x144xf32, #tpu.memory_space<vmem_shared>> -> memref<80x144xf32, #tpu.memory_space<vmem_shared>>
    %dma_start3A_131 = arith.constant 0 : i32
    %dma_start3A_132 = arith.constant 0 : i32
    %dma_start3A_133 = tpu.memref_slice %arg11[%dma_start3A_119, %dma_start3A_131, %dma_start3A_132] : memref<1x80x144xf32, #tpu.memory_space<vmem>> -> memref<1x80x144xf32, #tpu.memory_space<vmem>>
    %dma_start3A_134 = tpu.memref_squeeze %dma_start3A_133 : memref<1x80x144xf32, #tpu.memory_space<vmem>> -> memref<80x144xf32, #tpu.memory_space<vmem>>
    tpu.enqueue_dma source(%dma_start3A_134 : memref<80x144xf32, #tpu.memory_space<vmem>>) target(%dma_start3A_130 : memref<80x144xf32, #tpu.memory_space<vmem_shared>>) target_semaphore(%dma_start3A_128 : memref<!tpu.dma_semaphore, #tpu.memory_space<semaphore_mem>>)
    %add3A_135 = arith.constant 560 : i32
    %add3A_136 = arith.addi %mul3A_9, %add3A_135 : i32
    %dma_start3A_137 = arith.constant 0 : i32
    %dma_start3A_138 = arith.constant 0 : i32
    %dma_start3A_139 = arith.constant 0 : i32
    %dma_start3A_140 = arith.constant 0 : i32
    %dma_start3A_141 = tpu.memref_slice %arg11[%dma_start3A_137, %dma_start3A_139, %dma_start3A_140] : memref<1x80x144xf32, #tpu.memory_space<vmem>> -> memref<1x80x144xf32, #tpu.memory_space<vmem>>
    %dma_start3A_142 = tpu.memref_squeeze %dma_start3A_141 : memref<1x80x144xf32, #tpu.memory_space<vmem>> -> memref<80x144xf32, #tpu.memory_space<vmem>>
    %dma_start3A_143 = arith.constant 0 : i32
    %dma_start3A_144 = tpu.memref_slice %arg12[%add3A_136, %dma_start3A_143] : memref<10240x144xf32, #tpu.memory_space<vmem_shared>> -> memref<80x144xf32, #tpu.memory_space<vmem_shared>>
    %dma_start3A_145 = tpu.memref_slice %arg14[%dma_start3A_138] : memref<2x!tpu.dma_semaphore, #tpu.memory_space<semaphore_mem>> -> memref<1x!tpu.dma_semaphore, #tpu.memory_space<semaphore_mem>>
    %dma_start3A_146 = tpu.memref_squeeze %dma_start3A_145 : memref<1x!tpu.dma_semaphore, #tpu.memory_space<semaphore_mem>> -> memref<!tpu.dma_semaphore, #tpu.memory_space<semaphore_mem>>
    %dma_start3A_147 = arith.constant 0 : i32
    %dma_start3A_148 = tpu.memref_slice %arg12[%add3A_136, %dma_start3A_147] : memref<10240x144xf32, #tpu.memory_space<vmem_shared>> -> memref<80x144xf32, #tpu.memory_space<vmem_shared>>
    %dma_start3A_149 = arith.constant 0 : i32
    %dma_start3A_150 = arith.constant 0 : i32
    %dma_start3A_151 = tpu.memref_slice %arg11[%dma_start3A_137, %dma_start3A_149, %dma_start3A_150] : memref<1x80x144xf32, #tpu.memory_space<vmem>> -> memref<1x80x144xf32, #tpu.memory_space<vmem>>
    %dma_start3A_152 = tpu.memref_squeeze %dma_start3A_151 : memref<1x80x144xf32, #tpu.memory_space<vmem>> -> memref<80x144xf32, #tpu.memory_space<vmem>>
    tpu.enqueue_dma source(%dma_start3A_152 : memref<80x144xf32, #tpu.memory_space<vmem>>) target(%dma_start3A_148 : memref<80x144xf32, #tpu.memory_space<vmem_shared>>) target_semaphore(%dma_start3A_146 : memref<!tpu.dma_semaphore, #tpu.memory_space<semaphore_mem>>)
    %add3A_153 = arith.constant 0 : i32
    %add3A_154 = arith.addi %mul3A_9, %add3A_153 : i32
    %dma_wait3A = arith.constant 0 : i32
    %dma_wait3A_155 = arith.constant 0 : i32
    %dma_wait3A_156 = arith.constant 0 : i32
    %dma_wait3A_157 = arith.constant 0 : i32
    %dma_wait3A_158 = tpu.memref_slice %arg11[%dma_wait3A, %dma_wait3A_156, %dma_wait3A_157] : memref<1x80x144xf32, #tpu.memory_space<vmem>> -> memref<1x80x144xf32, #tpu.memory_space<vmem>>
    %dma_wait3A_159 = tpu.memref_squeeze %dma_wait3A_158 : memref<1x80x144xf32, #tpu.memory_space<vmem>> -> memref<80x144xf32, #tpu.memory_space<vmem>>
    %dma_wait3A_160 = arith.constant 0 : i32
    %dma_wait3A_161 = tpu.memref_slice %arg12[%add3A_154, %dma_wait3A_160] : memref<10240x144xf32, #tpu.memory_space<vmem_shared>> -> memref<80x144xf32, #tpu.memory_space<vmem_shared>>
    %dma_wait3A_162 = tpu.memref_slice %arg14[%dma_wait3A_155] : memref<2x!tpu.dma_semaphore, #tpu.memory_space<semaphore_mem>> -> memref<1x!tpu.dma_semaphore, #tpu.memory_space<semaphore_mem>>
    %dma_wait3A_163 = tpu.memref_squeeze %dma_wait3A_162 : memref<1x!tpu.dma_semaphore, #tpu.memory_space<semaphore_mem>> -> memref<!tpu.dma_semaphore, #tpu.memory_space<semaphore_mem>>
    %dma_wait3A_164 = arith.constant 0 : i32
    %dma_wait3A_165 = tpu.memref_slice %arg12[%add3A_154, %dma_wait3A_164] : memref<10240x144xf32, #tpu.memory_space<vmem_shared>> -> memref<80x144xf32, #tpu.memory_space<vmem_shared>>
    %dma_wait3A_166 = arith.constant 0 : i32
    %dma_wait3A_167 = arith.constant 0 : i32
    %dma_wait3A_168 = tpu.memref_slice %arg11[%dma_wait3A, %dma_wait3A_166, %dma_wait3A_167] : memref<1x80x144xf32, #tpu.memory_space<vmem>> -> memref<1x80x144xf32, #tpu.memory_space<vmem>>
    %dma_wait3A_169 = tpu.memref_squeeze %dma_wait3A_168 : memref<1x80x144xf32, #tpu.memory_space<vmem>> -> memref<80x144xf32, #tpu.memory_space<vmem>>
    tpu.wait_dma2 semaphore(%dma_wait3A_163 : memref<!tpu.dma_semaphore, #tpu.memory_space<semaphore_mem>>) src(%dma_wait3A_169 : memref<80x144xf32, #tpu.memory_space<vmem>>) dst(%dma_wait3A_165 : memref<80x144xf32, #tpu.memory_space<vmem_shared>>)
    %add3A_170 = arith.constant 80 : i32
    %add3A_171 = arith.addi %mul3A_9, %add3A_170 : i32
    %dma_wait3A_172 = arith.constant 0 : i32
    %dma_wait3A_173 = arith.constant 0 : i32
    %dma_wait3A_174 = arith.constant 0 : i32
    %dma_wait3A_175 = arith.constant 0 : i32
    %dma_wait3A_176 = tpu.memref_slice %arg11[%dma_wait3A_172, %dma_wait3A_174, %dma_wait3A_175] : memref<1x80x144xf32, #tpu.memory_space<vmem>> -> memref<1x80x144xf32, #tpu.memory_space<vmem>>
    %dma_wait3A_177 = tpu.memref_squeeze %dma_wait3A_176 : memref<1x80x144xf32, #tpu.memory_space<vmem>> -> memref<80x144xf32, #tpu.memory_space<vmem>>
    %dma_wait3A_178 = arith.constant 0 : i32
    %dma_wait3A_179 = tpu.memref_slice %arg12[%add3A_171, %dma_wait3A_178] : memref<10240x144xf32, #tpu.memory_space<vmem_shared>> -> memref<80x144xf32, #tpu.memory_space<vmem_shared>>
    %dma_wait3A_180 = tpu.memref_slice %arg14[%dma_wait3A_173] : memref<2x!tpu.dma_semaphore, #tpu.memory_space<semaphore_mem>> -> memref<1x!tpu.dma_semaphore, #tpu.memory_space<semaphore_mem>>
    %dma_wait3A_181 = tpu.memref_squeeze %dma_wait3A_180 : memref<1x!tpu.dma_semaphore, #tpu.memory_space<semaphore_mem>> -> memref<!tpu.dma_semaphore, #tpu.memory_space<semaphore_mem>>
    %dma_wait3A_182 = arith.constant 0 : i32
    %dma_wait3A_183 = tpu.memref_slice %arg12[%add3A_171, %dma_wait3A_182] : memref<10240x144xf32, #tpu.memory_space<vmem_shared>> -> memref<80x144xf32, #tpu.memory_space<vmem_shared>>
    %dma_wait3A_184 = arith.constant 0 : i32
    %dma_wait3A_185 = arith.constant 0 : i32
    %dma_wait3A_186 = tpu.memref_slice %arg11[%dma_wait3A_172, %dma_wait3A_184, %dma_wait3A_185] : memref<1x80x144xf32, #tpu.memory_space<vmem>> -> memref<1x80x144xf32, #tpu.memory_space<vmem>>
    %dma_wait3A_187 = tpu.memref_squeeze %dma_wait3A_186 : memref<1x80x144xf32, #tpu.memory_space<vmem>> -> memref<80x144xf32, #tpu.memory_space<vmem>>
    tpu.wait_dma2 semaphore(%dma_wait3A_181 : memref<!tpu.dma_semaphore, #tpu.memory_space<semaphore_mem>>) src(%dma_wait3A_187 : memref<80x144xf32, #tpu.memory_space<vmem>>) dst(%dma_wait3A_183 : memref<80x144xf32, #tpu.memory_space<vmem_shared>>)
    %add3A_188 = arith.constant 160 : i32
    %add3A_189 = arith.addi %mul3A_9, %add3A_188 : i32
    %dma_wait3A_190 = arith.constant 0 : i32
    %dma_wait3A_191 = arith.constant 0 : i32
    %dma_wait3A_192 = arith.constant 0 : i32
    %dma_wait3A_193 = arith.constant 0 : i32
    %dma_wait3A_194 = tpu.memref_slice %arg11[%dma_wait3A_190, %dma_wait3A_192, %dma_wait3A_193] : memref<1x80x144xf32, #tpu.memory_space<vmem>> -> memref<1x80x144xf32, #tpu.memory_space<vmem>>
    %dma_wait3A_195 = tpu.memref_squeeze %dma_wait3A_194 : memref<1x80x144xf32, #tpu.memory_space<vmem>> -> memref<80x144xf32, #tpu.memory_space<vmem>>
    %dma_wait3A_196 = arith.constant 0 : i32
    %dma_wait3A_197 = tpu.memref_slice %arg12[%add3A_189, %dma_wait3A_196] : memref<10240x144xf32, #tpu.memory_space<vmem_shared>> -> memref<80x144xf32, #tpu.memory_space<vmem_shared>>
    %dma_wait3A_198 = tpu.memref_slice %arg14[%dma_wait3A_191] : memref<2x!tpu.dma_semaphore, #tpu.memory_space<semaphore_mem>> -> memref<1x!tpu.dma_semaphore, #tpu.memory_space<semaphore_mem>>
    %dma_wait3A_199 = tpu.memref_squeeze %dma_wait3A_198 : memref<1x!tpu.dma_semaphore, #tpu.memory_space<semaphore_mem>> -> memref<!tpu.dma_semaphore, #tpu.memory_space<semaphore_mem>>
    %dma_wait3A_200 = arith.constant 0 : i32
    %dma_wait3A_201 = tpu.memref_slice %arg12[%add3A_189, %dma_wait3A_200] : memref<10240x144xf32, #tpu.memory_space<vmem_shared>> -> memref<80x144xf32, #tpu.memory_space<vmem_shared>>
    %dma_wait3A_202 = arith.constant 0 : i32
    %dma_wait3A_203 = arith.constant 0 : i32
    %dma_wait3A_204 = tpu.memref_slice %arg11[%dma_wait3A_190, %dma_wait3A_202, %dma_wait3A_203] : memref<1x80x144xf32, #tpu.memory_space<vmem>> -> memref<1x80x144xf32, #tpu.memory_space<vmem>>
    %dma_wait3A_205 = tpu.memref_squeeze %dma_wait3A_204 : memref<1x80x144xf32, #tpu.memory_space<vmem>> -> memref<80x144xf32, #tpu.memory_space<vmem>>
    tpu.wait_dma2 semaphore(%dma_wait3A_199 : memref<!tpu.dma_semaphore, #tpu.memory_space<semaphore_mem>>) src(%dma_wait3A_205 : memref<80x144xf32, #tpu.memory_space<vmem>>) dst(%dma_wait3A_201 : memref<80x144xf32, #tpu.memory_space<vmem_shared>>)
    %add3A_206 = arith.constant 240 : i32
    %add3A_207 = arith.addi %mul3A_9, %add3A_206 : i32
    %dma_wait3A_208 = arith.constant 0 : i32
    %dma_wait3A_209 = arith.constant 0 : i32
    %dma_wait3A_210 = arith.constant 0 : i32
    %dma_wait3A_211 = arith.constant 0 : i32
    %dma_wait3A_212 = tpu.memref_slice %arg11[%dma_wait3A_208, %dma_wait3A_210, %dma_wait3A_211] : memref<1x80x144xf32, #tpu.memory_space<vmem>> -> memref<1x80x144xf32, #tpu.memory_space<vmem>>
    %dma_wait3A_213 = tpu.memref_squeeze %dma_wait3A_212 : memref<1x80x144xf32, #tpu.memory_space<vmem>> -> memref<80x144xf32, #tpu.memory_space<vmem>>
    %dma_wait3A_214 = arith.constant 0 : i32
    %dma_wait3A_215 = tpu.memref_slice %arg12[%add3A_207, %dma_wait3A_214] : memref<10240x144xf32, #tpu.memory_space<vmem_shared>> -> memref<80x144xf32, #tpu.memory_space<vmem_shared>>
    %dma_wait3A_216 = tpu.memref_slice %arg14[%dma_wait3A_209] : memref<2x!tpu.dma_semaphore, #tpu.memory_space<semaphore_mem>> -> memref<1x!tpu.dma_semaphore, #tpu.memory_space<semaphore_mem>>
    %dma_wait3A_217 = tpu.memref_squeeze %dma_wait3A_216 : memref<1x!tpu.dma_semaphore, #tpu.memory_space<semaphore_mem>> -> memref<!tpu.dma_semaphore, #tpu.memory_space<semaphore_mem>>
    %dma_wait3A_218 = arith.constant 0 : i32
    %dma_wait3A_219 = tpu.memref_slice %arg12[%add3A_207, %dma_wait3A_218] : memref<10240x144xf32, #tpu.memory_space<vmem_shared>> -> memref<80x144xf32, #tpu.memory_space<vmem_shared>>
    %dma_wait3A_220 = arith.constant 0 : i32
    %dma_wait3A_221 = arith.constant 0 : i32
    %dma_wait3A_222 = tpu.memref_slice %arg11[%dma_wait3A_208, %dma_wait3A_220, %dma_wait3A_221] : memref<1x80x144xf32, #tpu.memory_space<vmem>> -> memref<1x80x144xf32, #tpu.memory_space<vmem>>
    %dma_wait3A_223 = tpu.memref_squeeze %dma_wait3A_222 : memref<1x80x144xf32, #tpu.memory_space<vmem>> -> memref<80x144xf32, #tpu.memory_space<vmem>>
    tpu.wait_dma2 semaphore(%dma_wait3A_217 : memref<!tpu.dma_semaphore, #tpu.memory_space<semaphore_mem>>) src(%dma_wait3A_223 : memref<80x144xf32, #tpu.memory_space<vmem>>) dst(%dma_wait3A_219 : memref<80x144xf32, #tpu.memory_space<vmem_shared>>)
    %add3A_224 = arith.constant 320 : i32
    %add3A_225 = arith.addi %mul3A_9, %add3A_224 : i32
    %dma_wait3A_226 = arith.constant 0 : i32
    %dma_wait3A_227 = arith.constant 0 : i32
    %dma_wait3A_228 = arith.constant 0 : i32
    %dma_wait3A_229 = arith.constant 0 : i32
    %dma_wait3A_230 = tpu.memref_slice %arg11[%dma_wait3A_226, %dma_wait3A_228, %dma_wait3A_229] : memref<1x80x144xf32, #tpu.memory_space<vmem>> -> memref<1x80x144xf32, #tpu.memory_space<vmem>>
    %dma_wait3A_231 = tpu.memref_squeeze %dma_wait3A_230 : memref<1x80x144xf32, #tpu.memory_space<vmem>> -> memref<80x144xf32, #tpu.memory_space<vmem>>
    %dma_wait3A_232 = arith.constant 0 : i32
    %dma_wait3A_233 = tpu.memref_slice %arg12[%add3A_225, %dma_wait3A_232] : memref<10240x144xf32, #tpu.memory_space<vmem_shared>> -> memref<80x144xf32, #tpu.memory_space<vmem_shared>>
    %dma_wait3A_234 = tpu.memref_slice %arg14[%dma_wait3A_227] : memref<2x!tpu.dma_semaphore, #tpu.memory_space<semaphore_mem>> -> memref<1x!tpu.dma_semaphore, #tpu.memory_space<semaphore_mem>>
    %dma_wait3A_235 = tpu.memref_squeeze %dma_wait3A_234 : memref<1x!tpu.dma_semaphore, #tpu.memory_space<semaphore_mem>> -> memref<!tpu.dma_semaphore, #tpu.memory_space<semaphore_mem>>
    %dma_wait3A_236 = arith.constant 0 : i32
    %dma_wait3A_237 = tpu.memref_slice %arg12[%add3A_225, %dma_wait3A_236] : memref<10240x144xf32, #tpu.memory_space<vmem_shared>> -> memref<80x144xf32, #tpu.memory_space<vmem_shared>>
    %dma_wait3A_238 = arith.constant 0 : i32
    %dma_wait3A_239 = arith.constant 0 : i32
    %dma_wait3A_240 = tpu.memref_slice %arg11[%dma_wait3A_226, %dma_wait3A_238, %dma_wait3A_239] : memref<1x80x144xf32, #tpu.memory_space<vmem>> -> memref<1x80x144xf32, #tpu.memory_space<vmem>>
    %dma_wait3A_241 = tpu.memref_squeeze %dma_wait3A_240 : memref<1x80x144xf32, #tpu.memory_space<vmem>> -> memref<80x144xf32, #tpu.memory_space<vmem>>
    tpu.wait_dma2 semaphore(%dma_wait3A_235 : memref<!tpu.dma_semaphore, #tpu.memory_space<semaphore_mem>>) src(%dma_wait3A_241 : memref<80x144xf32, #tpu.memory_space<vmem>>) dst(%dma_wait3A_237 : memref<80x144xf32, #tpu.memory_space<vmem_shared>>)
    %add3A_242 = arith.constant 400 : i32
    %add3A_243 = arith.addi %mul3A_9, %add3A_242 : i32
    %dma_wait3A_244 = arith.constant 0 : i32
    %dma_wait3A_245 = arith.constant 0 : i32
    %dma_wait3A_246 = arith.constant 0 : i32
    %dma_wait3A_247 = arith.constant 0 : i32
    %dma_wait3A_248 = tpu.memref_slice %arg11[%dma_wait3A_244, %dma_wait3A_246, %dma_wait3A_247] : memref<1x80x144xf32, #tpu.memory_space<vmem>> -> memref<1x80x144xf32, #tpu.memory_space<vmem>>
    %dma_wait3A_249 = tpu.memref_squeeze %dma_wait3A_248 : memref<1x80x144xf32, #tpu.memory_space<vmem>> -> memref<80x144xf32, #tpu.memory_space<vmem>>
    %dma_wait3A_250 = arith.constant 0 : i32
    %dma_wait3A_251 = tpu.memref_slice %arg12[%add3A_243, %dma_wait3A_250] : memref<10240x144xf32, #tpu.memory_space<vmem_shared>> -> memref<80x144xf32, #tpu.memory_space<vmem_shared>>
    %dma_wait3A_252 = tpu.memref_slice %arg14[%dma_wait3A_245] : memref<2x!tpu.dma_semaphore, #tpu.memory_space<semaphore_mem>> -> memref<1x!tpu.dma_semaphore, #tpu.memory_space<semaphore_mem>>
    %dma_wait3A_253 = tpu.memref_squeeze %dma_wait3A_252 : memref<1x!tpu.dma_semaphore, #tpu.memory_space<semaphore_mem>> -> memref<!tpu.dma_semaphore, #tpu.memory_space<semaphore_mem>>
    %dma_wait3A_254 = arith.constant 0 : i32
    %dma_wait3A_255 = tpu.memref_slice %arg12[%add3A_243, %dma_wait3A_254] : memref<10240x144xf32, #tpu.memory_space<vmem_shared>> -> memref<80x144xf32, #tpu.memory_space<vmem_shared>>
    %dma_wait3A_256 = arith.constant 0 : i32
    %dma_wait3A_257 = arith.constant 0 : i32
    %dma_wait3A_258 = tpu.memref_slice %arg11[%dma_wait3A_244, %dma_wait3A_256, %dma_wait3A_257] : memref<1x80x144xf32, #tpu.memory_space<vmem>> -> memref<1x80x144xf32, #tpu.memory_space<vmem>>
    %dma_wait3A_259 = tpu.memref_squeeze %dma_wait3A_258 : memref<1x80x144xf32, #tpu.memory_space<vmem>> -> memref<80x144xf32, #tpu.memory_space<vmem>>
    tpu.wait_dma2 semaphore(%dma_wait3A_253 : memref<!tpu.dma_semaphore, #tpu.memory_space<semaphore_mem>>) src(%dma_wait3A_259 : memref<80x144xf32, #tpu.memory_space<vmem>>) dst(%dma_wait3A_255 : memref<80x144xf32, #tpu.memory_space<vmem_shared>>)
    %add3A_260 = arith.constant 480 : i32
    %add3A_261 = arith.addi %mul3A_9, %add3A_260 : i32
    %dma_wait3A_262 = arith.constant 0 : i32
    %dma_wait3A_263 = arith.constant 0 : i32
    %dma_wait3A_264 = arith.constant 0 : i32
    %dma_wait3A_265 = arith.constant 0 : i32
    %dma_wait3A_266 = tpu.memref_slice %arg11[%dma_wait3A_262, %dma_wait3A_264, %dma_wait3A_265] : memref<1x80x144xf32, #tpu.memory_space<vmem>> -> memref<1x80x144xf32, #tpu.memory_space<vmem>>
    %dma_wait3A_267 = tpu.memref_squeeze %dma_wait3A_266 : memref<1x80x144xf32, #tpu.memory_space<vmem>> -> memref<80x144xf32, #tpu.memory_space<vmem>>
    %dma_wait3A_268 = arith.constant 0 : i32
    %dma_wait3A_269 = tpu.memref_slice %arg12[%add3A_261, %dma_wait3A_268] : memref<10240x144xf32, #tpu.memory_space<vmem_shared>> -> memref<80x144xf32, #tpu.memory_space<vmem_shared>>
    %dma_wait3A_270 = tpu.memref_slice %arg14[%dma_wait3A_263] : memref<2x!tpu.dma_semaphore, #tpu.memory_space<semaphore_mem>> -> memref<1x!tpu.dma_semaphore, #tpu.memory_space<semaphore_mem>>
    %dma_wait3A_271 = tpu.memref_squeeze %dma_wait3A_270 : memref<1x!tpu.dma_semaphore, #tpu.memory_space<semaphore_mem>> -> memref<!tpu.dma_semaphore, #tpu.memory_space<semaphore_mem>>
    %dma_wait3A_272 = arith.constant 0 : i32
    %dma_wait3A_273 = tpu.memref_slice %arg12[%add3A_261, %dma_wait3A_272] : memref<10240x144xf32, #tpu.memory_space<vmem_shared>> -> memref<80x144xf32, #tpu.memory_space<vmem_shared>>
    %dma_wait3A_274 = arith.constant 0 : i32
    %dma_wait3A_275 = arith.constant 0 : i32
    %dma_wait3A_276 = tpu.memref_slice %arg11[%dma_wait3A_262, %dma_wait3A_274, %dma_wait3A_275] : memref<1x80x144xf32, #tpu.memory_space<vmem>> -> memref<1x80x144xf32, #tpu.memory_space<vmem>>
    %dma_wait3A_277 = tpu.memref_squeeze %dma_wait3A_276 : memref<1x80x144xf32, #tpu.memory_space<vmem>> -> memref<80x144xf32, #tpu.memory_space<vmem>>
    tpu.wait_dma2 semaphore(%dma_wait3A_271 : memref<!tpu.dma_semaphore, #tpu.memory_space<semaphore_mem>>) src(%dma_wait3A_277 : memref<80x144xf32, #tpu.memory_space<vmem>>) dst(%dma_wait3A_273 : memref<80x144xf32, #tpu.memory_space<vmem_shared>>)
    %add3A_278 = arith.constant 560 : i32
    %add3A_279 = arith.addi %mul3A_9, %add3A_278 : i32
    %dma_wait3A_280 = arith.constant 0 : i32
    %dma_wait3A_281 = arith.constant 0 : i32
    %dma_wait3A_282 = arith.constant 0 : i32
    %dma_wait3A_283 = arith.constant 0 : i32
    %dma_wait3A_284 = tpu.memref_slice %arg11[%dma_wait3A_280, %dma_wait3A_282, %dma_wait3A_283] : memref<1x80x144xf32, #tpu.memory_space<vmem>> -> memref<1x80x144xf32, #tpu.memory_space<vmem>>
    %dma_wait3A_285 = tpu.memref_squeeze %dma_wait3A_284 : memref<1x80x144xf32, #tpu.memory_space<vmem>> -> memref<80x144xf32, #tpu.memory_space<vmem>>
    %dma_wait3A_286 = arith.constant 0 : i32
    %dma_wait3A_287 = tpu.memref_slice %arg12[%add3A_279, %dma_wait3A_286] : memref<10240x144xf32, #tpu.memory_space<vmem_shared>> -> memref<80x144xf32, #tpu.memory_space<vmem_shared>>
    %dma_wait3A_288 = tpu.memref_slice %arg14[%dma_wait3A_281] : memref<2x!tpu.dma_semaphore, #tpu.memory_space<semaphore_mem>> -> memref<1x!tpu.dma_semaphore, #tpu.memory_space<semaphore_mem>>
    %dma_wait3A_289 = tpu.memref_squeeze %dma_wait3A_288 : memref<1x!tpu.dma_semaphore, #tpu.memory_space<semaphore_mem>> -> memref<!tpu.dma_semaphore, #tpu.memory_space<semaphore_mem>>
    %dma_wait3A_290 = arith.constant 0 : i32
    %dma_wait3A_291 = tpu.memref_slice %arg12[%add3A_279, %dma_wait3A_290] : memref<10240x144xf32, #tpu.memory_space<vmem_shared>> -> memref<80x144xf32, #tpu.memory_space<vmem_shared>>
    %dma_wait3A_292 = arith.constant 0 : i32
    %dma_wait3A_293 = arith.constant 0 : i32
    %dma_wait3A_294 = tpu.memref_slice %arg11[%dma_wait3A_280, %dma_wait3A_292, %dma_wait3A_293] : memref<1x80x144xf32, #tpu.memory_space<vmem>> -> memref<1x80x144xf32, #tpu.memory_space<vmem>>
    %dma_wait3A_295 = tpu.memref_squeeze %dma_wait3A_294 : memref<1x80x144xf32, #tpu.memory_space<vmem>> -> memref<80x144xf32, #tpu.memory_space<vmem>>
    tpu.wait_dma2 semaphore(%dma_wait3A_289 : memref<!tpu.dma_semaphore, #tpu.memory_space<semaphore_mem>>) src(%dma_wait3A_295 : memref<80x144xf32, #tpu.memory_space<vmem>>) dst(%dma_wait3A_291 : memref<80x144xf32, #tpu.memory_space<vmem_shared>>)
    %barrier3A = arith.constant 0 : index
    tpu.barrier barrier_id(%barrier3A)
    %mul3A_296 = arith.constant 10000 : i32
    %mul3A_297 = arith.muli %add3A, %mul3A_296 : i32
    %add3A_298 = arith.constant 0 : i32
    %add3A_299 = arith.addi %mul3A_297, %add3A_298 : i32
    %dma_start3A_300 = arith.constant 0 : i32
    %dma_start3A_301 = arith.constant 0 : i32
    %dma_start3A_302 = arith.constant 0 : i32
    %dma_start3A_303 = tpu.memref_slice %arg7[%dma_start3A_300, %dma_start3A_302] : memref<4x80xi32, #tpu.memory_space<vmem>> -> memref<1x80xi32, #tpu.memory_space<vmem>>
    %dma_start3A_304 = tpu.memref_squeeze %dma_start3A_303 : memref<1x80xi32, #tpu.memory_space<vmem>> -> memref<80xi32, #tpu.memory_space<vmem>>
    %dma_start3A_305 = tpu.memref_slice %arg2[%add3A_299] : memref<320000xi32, #tpu.memory_space<hbm>> -> memref<80xi32, #tpu.memory_space<hbm>>
    %dma_start3A_306 = tpu.memref_slice %arg13[%dma_start3A_301] : memref<4x!tpu.dma_semaphore, #tpu.memory_space<semaphore_mem>> -> memref<1x!tpu.dma_semaphore, #tpu.memory_space<semaphore_mem>>
    %dma_start3A_307 = tpu.memref_squeeze %dma_start3A_306 : memref<1x!tpu.dma_semaphore, #tpu.memory_space<semaphore_mem>> -> memref<!tpu.dma_semaphore, #tpu.memory_space<semaphore_mem>>
    %dma_start3A_308 = arith.constant 0 : i32
    %dma_start3A_309 = tpu.memref_slice %arg7[%dma_start3A_300, %dma_start3A_308] : memref<4x80xi32, #tpu.memory_space<vmem>> -> memref<1x80xi32, #tpu.memory_space<vmem>>
    %dma_start3A_310 = tpu.memref_squeeze %dma_start3A_309 : memref<1x80xi32, #tpu.memory_space<vmem>> -> memref<80xi32, #tpu.memory_space<vmem>>
    %dma_start3A_311 = tpu.memref_slice %arg2[%add3A_299] : memref<320000xi32, #tpu.memory_space<hbm>> -> memref<80xi32, #tpu.memory_space<hbm>>
    tpu.enqueue_dma source(%dma_start3A_311 : memref<80xi32, #tpu.memory_space<hbm>>) target(%dma_start3A_310 : memref<80xi32, #tpu.memory_space<vmem>>) target_semaphore(%dma_start3A_307 : memref<!tpu.dma_semaphore, #tpu.memory_space<semaphore_mem>>)
    %dma_start3A_312 = arith.constant 0 : i32
    %dma_start3A_313 = arith.constant 0 : i32
    %dma_start3A_314 = arith.constant 0 : i32
    %dma_start3A_315 = tpu.memref_slice %arg8[%dma_start3A_312, %dma_start3A_314] : memref<4x80xi32, #tpu.memory_space<vmem>> -> memref<1x80xi32, #tpu.memory_space<vmem>>
    %dma_start3A_316 = tpu.memref_squeeze %dma_start3A_315 : memref<1x80xi32, #tpu.memory_space<vmem>> -> memref<80xi32, #tpu.memory_space<vmem>>
    %dma_start3A_317 = tpu.memref_slice %arg3[%add3A_299] : memref<320000xi32, #tpu.memory_space<hbm>> -> memref<80xi32, #tpu.memory_space<hbm>>
    %dma_start3A_318 = tpu.memref_slice %arg13[%dma_start3A_313] : memref<4x!tpu.dma_semaphore, #tpu.memory_space<semaphore_mem>> -> memref<1x!tpu.dma_semaphore, #tpu.memory_space<semaphore_mem>>
    %dma_start3A_319 = tpu.memref_squeeze %dma_start3A_318 : memref<1x!tpu.dma_semaphore, #tpu.memory_space<semaphore_mem>> -> memref<!tpu.dma_semaphore, #tpu.memory_space<semaphore_mem>>
    %dma_start3A_320 = arith.constant 0 : i32
    %dma_start3A_321 = tpu.memref_slice %arg8[%dma_start3A_312, %dma_start3A_320] : memref<4x80xi32, #tpu.memory_space<vmem>> -> memref<1x80xi32, #tpu.memory_space<vmem>>
    %dma_start3A_322 = tpu.memref_squeeze %dma_start3A_321 : memref<1x80xi32, #tpu.memory_space<vmem>> -> memref<80xi32, #tpu.memory_space<vmem>>
    %dma_start3A_323 = tpu.memref_slice %arg3[%add3A_299] : memref<320000xi32, #tpu.memory_space<hbm>> -> memref<80xi32, #tpu.memory_space<hbm>>
    tpu.enqueue_dma source(%dma_start3A_323 : memref<80xi32, #tpu.memory_space<hbm>>) target(%dma_start3A_322 : memref<80xi32, #tpu.memory_space<vmem>>) target_semaphore(%dma_start3A_319 : memref<!tpu.dma_semaphore, #tpu.memory_space<semaphore_mem>>)
    %add3A_324 = arith.constant 80 : i32
    %add3A_325 = arith.addi %mul3A_297, %add3A_324 : i32
    %dma_start3A_326 = arith.constant 1 : i32
    %dma_start3A_327 = arith.constant 1 : i32
    %dma_start3A_328 = arith.constant 0 : i32
    %dma_start3A_329 = tpu.memref_slice %arg7[%dma_start3A_326, %dma_start3A_328] : memref<4x80xi32, #tpu.memory_space<vmem>> -> memref<1x80xi32, #tpu.memory_space<vmem>>
    %dma_start3A_330 = tpu.memref_squeeze %dma_start3A_329 : memref<1x80xi32, #tpu.memory_space<vmem>> -> memref<80xi32, #tpu.memory_space<vmem>>
    %dma_start3A_331 = tpu.memref_slice %arg2[%add3A_325] : memref<320000xi32, #tpu.memory_space<hbm>> -> memref<80xi32, #tpu.memory_space<hbm>>
    %dma_start3A_332 = tpu.memref_slice %arg13[%dma_start3A_327] : memref<4x!tpu.dma_semaphore, #tpu.memory_space<semaphore_mem>> -> memref<1x!tpu.dma_semaphore, #tpu.memory_space<semaphore_mem>>
    %dma_start3A_333 = tpu.memref_squeeze %dma_start3A_332 : memref<1x!tpu.dma_semaphore, #tpu.memory_space<semaphore_mem>> -> memref<!tpu.dma_semaphore, #tpu.memory_space<semaphore_mem>>
    %dma_start3A_334 = arith.constant 0 : i32
    %dma_start3A_335 = tpu.memref_slice %arg7[%dma_start3A_326, %dma_start3A_334] : memref<4x80xi32, #tpu.memory_space<vmem>> -> memref<1x80xi32, #tpu.memory_space<vmem>>
    %dma_start3A_336 = tpu.memref_squeeze %dma_start3A_335 : memref<1x80xi32, #tpu.memory_space<vmem>> -> memref<80xi32, #tpu.memory_space<vmem>>
    %dma_start3A_337 = tpu.memref_slice %arg2[%add3A_325] : memref<320000xi32, #tpu.memory_space<hbm>> -> memref<80xi32, #tpu.memory_space<hbm>>
    tpu.enqueue_dma source(%dma_start3A_337 : memref<80xi32, #tpu.memory_space<hbm>>) target(%dma_start3A_336 : memref<80xi32, #tpu.memory_space<vmem>>) target_semaphore(%dma_start3A_333 : memref<!tpu.dma_semaphore, #tpu.memory_space<semaphore_mem>>)
    %dma_start3A_338 = arith.constant 1 : i32
    %dma_start3A_339 = arith.constant 1 : i32
    %dma_start3A_340 = arith.constant 0 : i32
    %dma_start3A_341 = tpu.memref_slice %arg8[%dma_start3A_338, %dma_start3A_340] : memref<4x80xi32, #tpu.memory_space<vmem>> -> memref<1x80xi32, #tpu.memory_space<vmem>>
    %dma_start3A_342 = tpu.memref_squeeze %dma_start3A_341 : memref<1x80xi32, #tpu.memory_space<vmem>> -> memref<80xi32, #tpu.memory_space<vmem>>
    %dma_start3A_343 = tpu.memref_slice %arg3[%add3A_325] : memref<320000xi32, #tpu.memory_space<hbm>> -> memref<80xi32, #tpu.memory_space<hbm>>
    %dma_start3A_344 = tpu.memref_slice %arg13[%dma_start3A_339] : memref<4x!tpu.dma_semaphore, #tpu.memory_space<semaphore_mem>> -> memref<1x!tpu.dma_semaphore, #tpu.memory_space<semaphore_mem>>
    %dma_start3A_345 = tpu.memref_squeeze %dma_start3A_344 : memref<1x!tpu.dma_semaphore, #tpu.memory_space<semaphore_mem>> -> memref<!tpu.dma_semaphore, #tpu.memory_space<semaphore_mem>>
    %dma_start3A_346 = arith.constant 0 : i32
    %dma_start3A_347 = tpu.memref_slice %arg8[%dma_start3A_338, %dma_start3A_346] : memref<4x80xi32, #tpu.memory_space<vmem>> -> memref<1x80xi32, #tpu.memory_space<vmem>>
    %dma_start3A_348 = tpu.memref_squeeze %dma_start3A_347 : memref<1x80xi32, #tpu.memory_space<vmem>> -> memref<80xi32, #tpu.memory_space<vmem>>
    %dma_start3A_349 = tpu.memref_slice %arg3[%add3A_325] : memref<320000xi32, #tpu.memory_space<hbm>> -> memref<80xi32, #tpu.memory_space<hbm>>
    tpu.enqueue_dma source(%dma_start3A_349 : memref<80xi32, #tpu.memory_space<hbm>>) target(%dma_start3A_348 : memref<80xi32, #tpu.memory_space<vmem>>) target_semaphore(%dma_start3A_345 : memref<!tpu.dma_semaphore, #tpu.memory_space<semaphore_mem>>)
    %dma_wait3A_350 = arith.constant 0 : i32
    %dma_wait3A_351 = arith.constant 0 : i32
    %dma_wait3A_352 = arith.constant 0 : i32
    %dma_wait3A_353 = tpu.memref_slice %arg7[%dma_wait3A_350, %dma_wait3A_352] : memref<4x80xi32, #tpu.memory_space<vmem>> -> memref<1x80xi32, #tpu.memory_space<vmem>>
    %dma_wait3A_354 = tpu.memref_squeeze %dma_wait3A_353 : memref<1x80xi32, #tpu.memory_space<vmem>> -> memref<80xi32, #tpu.memory_space<vmem>>
    %dma_wait3A_355 = arith.constant 0 : i32
    %dma_wait3A_356 = tpu.memref_slice %arg2[%dma_wait3A_355] : memref<320000xi32, #tpu.memory_space<hbm>> -> memref<80xi32, #tpu.memory_space<hbm>>
    %dma_wait3A_357 = tpu.memref_slice %arg13[%dma_wait3A_351] : memref<4x!tpu.dma_semaphore, #tpu.memory_space<semaphore_mem>> -> memref<1x!tpu.dma_semaphore, #tpu.memory_space<semaphore_mem>>
    %dma_wait3A_358 = tpu.memref_squeeze %dma_wait3A_357 : memref<1x!tpu.dma_semaphore, #tpu.memory_space<semaphore_mem>> -> memref<!tpu.dma_semaphore, #tpu.memory_space<semaphore_mem>>
    %dma_wait3A_359 = arith.constant 0 : i32
    %dma_wait3A_360 = tpu.memref_slice %arg7[%dma_wait3A_350, %dma_wait3A_359] : memref<4x80xi32, #tpu.memory_space<vmem>> -> memref<1x80xi32, #tpu.memory_space<vmem>>
    %dma_wait3A_361 = tpu.memref_squeeze %dma_wait3A_360 : memref<1x80xi32, #tpu.memory_space<vmem>> -> memref<80xi32, #tpu.memory_space<vmem>>
    %dma_wait3A_362 = arith.constant 0 : i32
    %dma_wait3A_363 = tpu.memref_slice %arg2[%dma_wait3A_362] : memref<320000xi32, #tpu.memory_space<hbm>> -> memref<80xi32, #tpu.memory_space<hbm>>
    tpu.wait_dma2 semaphore(%dma_wait3A_358 : memref<!tpu.dma_semaphore, #tpu.memory_space<semaphore_mem>>) src(%dma_wait3A_363 : memref<80xi32, #tpu.memory_space<hbm>>) dst(%dma_wait3A_361 : memref<80xi32, #tpu.memory_space<vmem>>)
    %dma_wait3A_364 = arith.constant 0 : i32
    %dma_wait3A_365 = arith.constant 0 : i32
    %dma_wait3A_366 = arith.constant 0 : i32
    %dma_wait3A_367 = tpu.memref_slice %arg8[%dma_wait3A_364, %dma_wait3A_366] : memref<4x80xi32, #tpu.memory_space<vmem>> -> memref<1x80xi32, #tpu.memory_space<vmem>>
    %dma_wait3A_368 = tpu.memref_squeeze %dma_wait3A_367 : memref<1x80xi32, #tpu.memory_space<vmem>> -> memref<80xi32, #tpu.memory_space<vmem>>
    %dma_wait3A_369 = arith.constant 0 : i32
    %dma_wait3A_370 = tpu.memref_slice %arg3[%dma_wait3A_369] : memref<320000xi32, #tpu.memory_space<hbm>> -> memref<80xi32, #tpu.memory_space<hbm>>
    %dma_wait3A_371 = tpu.memref_slice %arg13[%dma_wait3A_365] : memref<4x!tpu.dma_semaphore, #tpu.memory_space<semaphore_mem>> -> memref<1x!tpu.dma_semaphore, #tpu.memory_space<semaphore_mem>>
    %dma_wait3A_372 = tpu.memref_squeeze %dma_wait3A_371 : memref<1x!tpu.dma_semaphore, #tpu.memory_space<semaphore_mem>> -> memref<!tpu.dma_semaphore, #tpu.memory_space<semaphore_mem>>
    %dma_wait3A_373 = arith.constant 0 : i32
    %dma_wait3A_374 = tpu.memref_slice %arg8[%dma_wait3A_364, %dma_wait3A_373] : memref<4x80xi32, #tpu.memory_space<vmem>> -> memref<1x80xi32, #tpu.memory_space<vmem>>
    %dma_wait3A_375 = tpu.memref_squeeze %dma_wait3A_374 : memref<1x80xi32, #tpu.memory_space<vmem>> -> memref<80xi32, #tpu.memory_space<vmem>>
    %dma_wait3A_376 = arith.constant 0 : i32
    %dma_wait3A_377 = tpu.memref_slice %arg3[%dma_wait3A_376] : memref<320000xi32, #tpu.memory_space<hbm>> -> memref<80xi32, #tpu.memory_space<hbm>>
    tpu.wait_dma2 semaphore(%dma_wait3A_372 : memref<!tpu.dma_semaphore, #tpu.memory_space<semaphore_mem>>) src(%dma_wait3A_377 : memref<80xi32, #tpu.memory_space<hbm>>) dst(%dma_wait3A_375 : memref<80xi32, #tpu.memory_space<vmem>>)
    %dma_start3A_378 = arith.constant 0 : i32
    %dma_start3A_379 = arith.constant 0 : i32
    %dma_start3A_380 = arith.constant 0 : i32
    %dma_start3A_381 = arith.constant 0 : i32
    %dma_start3A_382 = arith.constant 0 : i32
    %dma_start3A_383 = tpu.memref_slice %arg10[%dma_start3A_379, %dma_start3A_381, %dma_start3A_382] : memref<2x80x144xf32, #tpu.memory_space<vmem>> -> memref<1x80x144xf32, #tpu.memory_space<vmem>>
    %dma_start3A_384 = tpu.memref_squeeze %dma_start3A_383 : memref<1x80x144xf32, #tpu.memory_space<vmem>> -> memref<80x144xf32, #tpu.memory_space<vmem>>
    %dma_start3A_385 = arith.constant 0 : i32
    %dma_start3A_386 = tpu.memref_slice %arg7[%dma_start3A_378, %dma_start3A_385] : memref<4x80xi32, #tpu.memory_space<vmem>> -> memref<1x80xi32, #tpu.memory_space<vmem>>
    %dma_start3A_387 = tpu.memref_squeeze %dma_start3A_386 : memref<1x80xi32, #tpu.memory_space<vmem>> -> memref<80xi32, #tpu.memory_space<vmem>>
    %dma_start3A_388 = arith.constant 0 : i32
    %dma_start3A_389 = arith.constant 0 : i32
    %dma_start3A_390 = tpu.memref_slice %arg4[%dma_start3A_388, %dma_start3A_389] : memref<10240x144xf32, #tpu.memory_space<hbm>> -> memref<10240x144xf32, #tpu.memory_space<hbm>>
    %dma_start3A_391 = tpu.memref_slice %arg14[%dma_start3A_380] : memref<2x!tpu.dma_semaphore, #tpu.memory_space<semaphore_mem>> -> memref<1x!tpu.dma_semaphore, #tpu.memory_space<semaphore_mem>>
    %dma_start3A_392 = tpu.memref_squeeze %dma_start3A_391 : memref<1x!tpu.dma_semaphore, #tpu.memory_space<semaphore_mem>> -> memref<!tpu.dma_semaphore, #tpu.memory_space<semaphore_mem>>
    tpu.enqueue_indirect_dma source(%dma_start3A_390 : memref<10240x144xf32, #tpu.memory_space<hbm>>) target(%dma_start3A_384 : memref<80x144xf32, #tpu.memory_space<vmem>>) offsets(%dma_start3A_387 : memref<80xi32, #tpu.memory_space<vmem>>) semaphore(%dma_start3A_392 : memref<!tpu.dma_semaphore, #tpu.memory_space<semaphore_mem>>)
    %dma_start3A_393 = arith.constant 0 : i32
    %dma_start3A_394 = arith.constant 0 : i32
    %dma_start3A_395 = arith.constant 0 : i32
    %dma_start3A_396 = arith.constant 0 : i32
    %dma_start3A_397 = arith.constant 0 : i32
    %dma_start3A_398 = tpu.memref_slice %arg9[%dma_start3A_394, %dma_start3A_396, %dma_start3A_397] : memref<2x80x16xf32, #tpu.memory_space<vmem>> -> memref<1x80x16xf32, #tpu.memory_space<vmem>>
    %dma_start3A_399 = tpu.memref_squeeze %dma_start3A_398 : memref<1x80x16xf32, #tpu.memory_space<vmem>> -> memref<80x16xf32, #tpu.memory_space<vmem>>
    %dma_start3A_400 = arith.constant 0 : i32
    %dma_start3A_401 = tpu.memref_slice %arg8[%dma_start3A_393, %dma_start3A_400] : memref<4x80xi32, #tpu.memory_space<vmem>> -> memref<1x80xi32, #tpu.memory_space<vmem>>
    %dma_start3A_402 = tpu.memref_squeeze %dma_start3A_401 : memref<1x80xi32, #tpu.memory_space<vmem>> -> memref<80xi32, #tpu.memory_space<vmem>>
    %dma_start3A_403 = arith.constant 0 : i32
    %dma_start3A_404 = arith.constant 0 : i32
    %dma_start3A_405 = tpu.memref_slice %arg5[%dma_start3A_403, %dma_start3A_404] : memref<10240x16xf32, #tpu.memory_space<hbm>> -> memref<10240x16xf32, #tpu.memory_space<hbm>>
    %dma_start3A_406 = tpu.memref_slice %arg14[%dma_start3A_395] : memref<2x!tpu.dma_semaphore, #tpu.memory_space<semaphore_mem>> -> memref<1x!tpu.dma_semaphore, #tpu.memory_space<semaphore_mem>>
    %dma_start3A_407 = tpu.memref_squeeze %dma_start3A_406 : memref<1x!tpu.dma_semaphore, #tpu.memory_space<semaphore_mem>> -> memref<!tpu.dma_semaphore, #tpu.memory_space<semaphore_mem>>
    tpu.enqueue_indirect_dma source(%dma_start3A_405 : memref<10240x16xf32, #tpu.memory_space<hbm>>) target(%dma_start3A_399 : memref<80x16xf32, #tpu.memory_space<vmem>>) offsets(%dma_start3A_402 : memref<80xi32, #tpu.memory_space<vmem>>) semaphore(%dma_start3A_407 : memref<!tpu.dma_semaphore, #tpu.memory_space<semaphore_mem>>)
    %scan3A_408 = arith.constant 0 : i32
    %scan3A_409 = arith.constant 0 : i32
    %scan3A_410 = arith.constant 125 : i32
    %scan3A_411 = arith.addi %scan3A_409, %scan3A_410 : i32
    %scan3A_412 = arith.constant 1 : i32
    %scan3A_413 = scf.for %scan3A_1010 = %scan3A_409 to %scan3A_411 step %scan3A_412 iter_args(%scan3A_1011 = %scan3A_408) -> (i32)  : i32 {
      %rem3A = arith.constant 2 : i32
      %rem3A_1012 = arith.remsi %scan3A_1010, %rem3A : i32
      %add3A_1013 = arith.constant 1 : i32
      %add3A_1014 = arith.addi %scan3A_1010, %add3A_1013 : i32
      %rem3A_1015 = arith.constant 2 : i32
      %rem3A_1016 = arith.remsi %add3A_1014, %rem3A_1015 : i32
      %add3A_1017 = arith.constant 2 : i32
      %add3A_1018 = arith.addi %scan3A_1010, %add3A_1017 : i32
      %lt3A = arith.constant 125 : i32
      %lt3A_1019 = arith.cmpi slt, %add3A_1018, %lt3A : i32
      %convert_element_type3A = arith.extui %lt3A_1019 : i1 to i32
      %cond3A = arith.constant 0 : i32
      %cond3A_1020 = arith.cmpi ne, %convert_element_type3A, %cond3A : i32
      scf.if %cond3A_1020 {
        %add3A_1077 = arith.constant 2 : i32
        %add3A_1078 = arith.addi %scan3A_1010, %add3A_1077 : i32
        %add3A_1079 = arith.constant 2 : i32
        %add3A_1080 = arith.addi %scan3A_1010, %add3A_1079 : i32
        %rem3A_1081 = arith.constant 4 : i32
        %rem3A_1082 = arith.remsi %add3A_1080, %rem3A_1081 : i32
        %mul3A_1083 = arith.constant 80 : i32
        %mul3A_1084 = arith.muli %add3A_1078, %mul3A_1083 : i32
        %add3A_1085 = arith.addi %mul3A_297, %mul3A_1084 : i32
        %dma_start3A_1086 = arith.constant 0 : i32
        %dma_start3A_1087 = tpu.memref_slice %arg7[%rem3A_1082, %dma_start3A_1086] : memref<4x80xi32, #tpu.memory_space<vmem>> -> memref<1x80xi32, #tpu.memory_space<vmem>>
        %dma_start3A_1088 = tpu.memref_squeeze %dma_start3A_1087 : memref<1x80xi32, #tpu.memory_space<vmem>> -> memref<80xi32, #tpu.memory_space<vmem>>
        %dma_start3A_1089 = tpu.memref_slice %arg2[%add3A_1085] : memref<320000xi32, #tpu.memory_space<hbm>> -> memref<80xi32, #tpu.memory_space<hbm>>
        %dma_start3A_1090 = tpu.memref_slice %arg13[%rem3A_1082] : memref<4x!tpu.dma_semaphore, #tpu.memory_space<semaphore_mem>> -> memref<1x!tpu.dma_semaphore, #tpu.memory_space<semaphore_mem>>
        %dma_start3A_1091 = tpu.memref_squeeze %dma_start3A_1090 : memref<1x!tpu.dma_semaphore, #tpu.memory_space<semaphore_mem>> -> memref<!tpu.dma_semaphore, #tpu.memory_space<semaphore_mem>>
        %dma_start3A_1092 = arith.constant 0 : i32
        %dma_start3A_1093 = tpu.memref_slice %arg7[%rem3A_1082, %dma_start3A_1092] : memref<4x80xi32, #tpu.memory_space<vmem>> -> memref<1x80xi32, #tpu.memory_space<vmem>>
        %dma_start3A_1094 = tpu.memref_squeeze %dma_start3A_1093 : memref<1x80xi32, #tpu.memory_space<vmem>> -> memref<80xi32, #tpu.memory_space<vmem>>
        %dma_start3A_1095 = tpu.memref_slice %arg2[%add3A_1085] : memref<320000xi32, #tpu.memory_space<hbm>> -> memref<80xi32, #tpu.memory_space<hbm>>
        tpu.enqueue_dma source(%dma_start3A_1095 : memref<80xi32, #tpu.memory_space<hbm>>) target(%dma_start3A_1094 : memref<80xi32, #tpu.memory_space<vmem>>) target_semaphore(%dma_start3A_1091 : memref<!tpu.dma_semaphore, #tpu.memory_space<semaphore_mem>>)
        %dma_start3A_1096 = arith.constant 0 : i32
        %dma_start3A_1097 = tpu.memref_slice %arg8[%rem3A_1082, %dma_start3A_1096] : memref<4x80xi32, #tpu.memory_space<vmem>> -> memref<1x80xi32, #tpu.memory_space<vmem>>
        %dma_start3A_1098 = tpu.memref_squeeze %dma_start3A_1097 : memref<1x80xi32, #tpu.memory_space<vmem>> -> memref<80xi32, #tpu.memory_space<vmem>>
        %dma_start3A_1099 = tpu.memref_slice %arg3[%add3A_1085] : memref<320000xi32, #tpu.memory_space<hbm>> -> memref<80xi32, #tpu.memory_space<hbm>>
        %dma_start3A_1100 = tpu.memref_slice %arg13[%rem3A_1082] : memref<4x!tpu.dma_semaphore, #tpu.memory_space<semaphore_mem>> -> memref<1x!tpu.dma_semaphore, #tpu.memory_space<semaphore_mem>>
        %dma_start3A_1101 = tpu.memref_squeeze %dma_start3A_1100 : memref<1x!tpu.dma_semaphore, #tpu.memory_space<semaphore_mem>> -> memref<!tpu.dma_semaphore, #tpu.memory_space<semaphore_mem>>
        %dma_start3A_1102 = arith.constant 0 : i32
        %dma_start3A_1103 = tpu.memref_slice %arg8[%rem3A_1082, %dma_start3A_1102] : memref<4x80xi32, #tpu.memory_space<vmem>> -> memref<1x80xi32, #tpu.memory_space<vmem>>
        %dma_start3A_1104 = tpu.memref_squeeze %dma_start3A_1103 : memref<1x80xi32, #tpu.memory_space<vmem>> -> memref<80xi32, #tpu.memory_space<vmem>>
        %dma_start3A_1105 = tpu.memref_slice %arg3[%add3A_1085] : memref<320000xi32, #tpu.memory_space<hbm>> -> memref<80xi32, #tpu.memory_space<hbm>>
        tpu.enqueue_dma source(%dma_start3A_1105 : memref<80xi32, #tpu.memory_space<hbm>>) target(%dma_start3A_1104 : memref<80xi32, #tpu.memory_space<vmem>>) target_semaphore(%dma_start3A_1101 : memref<!tpu.dma_semaphore, #tpu.memory_space<semaphore_mem>>)
      } else {
      }
      %add3A_1021 = arith.constant 1 : i32
      %add3A_1022 = arith.addi %scan3A_1010, %add3A_1021 : i32
      %lt3A_1023 = arith.constant 125 : i32
      %lt3A_1024 = arith.cmpi slt, %add3A_1022, %lt3A_1023 : i32
      %convert_element_type3A_1025 = arith.extui %lt3A_1024 : i1 to i32
      %cond3A_1026 = arith.constant 0 : i32
      %cond3A_1027 = arith.cmpi ne, %convert_element_type3A_1025, %cond3A_1026 : i32
      scf.if %cond3A_1027 {
        %add3A_1077 = arith.constant 1 : i32
        %add3A_1078 = arith.addi %scan3A_1010, %add3A_1077 : i32
        %rem3A_1079 = arith.constant 4 : i32
        %rem3A_1080 = arith.remsi %add3A_1078, %rem3A_1079 : i32
        %dma_wait3A_1081 = arith.constant 0 : i32
        %dma_wait3A_1082 = tpu.memref_slice %arg7[%rem3A_1080, %dma_wait3A_1081] : memref<4x80xi32, #tpu.memory_space<vmem>> -> memref<1x80xi32, #tpu.memory_space<vmem>>
        %dma_wait3A_1083 = tpu.memref_squeeze %dma_wait3A_1082 : memref<1x80xi32, #tpu.memory_space<vmem>> -> memref<80xi32, #tpu.memory_space<vmem>>
        %dma_wait3A_1084 = arith.constant 0 : i32
        %dma_wait3A_1085 = tpu.memref_slice %arg2[%dma_wait3A_1084] : memref<320000xi32, #tpu.memory_space<hbm>> -> memref<80xi32, #tpu.memory_space<hbm>>
        %dma_wait3A_1086 = tpu.memref_slice %arg13[%rem3A_1080] : memref<4x!tpu.dma_semaphore, #tpu.memory_space<semaphore_mem>> -> memref<1x!tpu.dma_semaphore, #tpu.memory_space<semaphore_mem>>
        %dma_wait3A_1087 = tpu.memref_squeeze %dma_wait3A_1086 : memref<1x!tpu.dma_semaphore, #tpu.memory_space<semaphore_mem>> -> memref<!tpu.dma_semaphore, #tpu.memory_space<semaphore_mem>>
        %dma_wait3A_1088 = arith.constant 0 : i32
        %dma_wait3A_1089 = tpu.memref_slice %arg7[%rem3A_1080, %dma_wait3A_1088] : memref<4x80xi32, #tpu.memory_space<vmem>> -> memref<1x80xi32, #tpu.memory_space<vmem>>
        %dma_wait3A_1090 = tpu.memref_squeeze %dma_wait3A_1089 : memref<1x80xi32, #tpu.memory_space<vmem>> -> memref<80xi32, #tpu.memory_space<vmem>>
        %dma_wait3A_1091 = arith.constant 0 : i32
        %dma_wait3A_1092 = tpu.memref_slice %arg2[%dma_wait3A_1091] : memref<320000xi32, #tpu.memory_space<hbm>> -> memref<80xi32, #tpu.memory_space<hbm>>
        tpu.wait_dma2 semaphore(%dma_wait3A_1087 : memref<!tpu.dma_semaphore, #tpu.memory_space<semaphore_mem>>) src(%dma_wait3A_1092 : memref<80xi32, #tpu.memory_space<hbm>>) dst(%dma_wait3A_1090 : memref<80xi32, #tpu.memory_space<vmem>>)
        %dma_wait3A_1093 = arith.constant 0 : i32
        %dma_wait3A_1094 = tpu.memref_slice %arg8[%rem3A_1080, %dma_wait3A_1093] : memref<4x80xi32, #tpu.memory_space<vmem>> -> memref<1x80xi32, #tpu.memory_space<vmem>>
        %dma_wait3A_1095 = tpu.memref_squeeze %dma_wait3A_1094 : memref<1x80xi32, #tpu.memory_space<vmem>> -> memref<80xi32, #tpu.memory_space<vmem>>
        %dma_wait3A_1096 = arith.constant 0 : i32
        %dma_wait3A_1097 = tpu.memref_slice %arg3[%dma_wait3A_1096] : memref<320000xi32, #tpu.memory_space<hbm>> -> memref<80xi32, #tpu.memory_space<hbm>>
        %dma_wait3A_1098 = tpu.memref_slice %arg13[%rem3A_1080] : memref<4x!tpu.dma_semaphore, #tpu.memory_space<semaphore_mem>> -> memref<1x!tpu.dma_semaphore, #tpu.memory_space<semaphore_mem>>
        %dma_wait3A_1099 = tpu.memref_squeeze %dma_wait3A_1098 : memref<1x!tpu.dma_semaphore, #tpu.memory_space<semaphore_mem>> -> memref<!tpu.dma_semaphore, #tpu.memory_space<semaphore_mem>>
        %dma_wait3A_1100 = arith.constant 0 : i32
        %dma_wait3A_1101 = tpu.memref_slice %arg8[%rem3A_1080, %dma_wait3A_1100] : memref<4x80xi32, #tpu.memory_space<vmem>> -> memref<1x80xi32, #tpu.memory_space<vmem>>
        %dma_wait3A_1102 = tpu.memref_squeeze %dma_wait3A_1101 : memref<1x80xi32, #tpu.memory_space<vmem>> -> memref<80xi32, #tpu.memory_space<vmem>>
        %dma_wait3A_1103 = arith.constant 0 : i32
        %dma_wait3A_1104 = tpu.memref_slice %arg3[%dma_wait3A_1103] : memref<320000xi32, #tpu.memory_space<hbm>> -> memref<80xi32, #tpu.memory_space<hbm>>
        tpu.wait_dma2 semaphore(%dma_wait3A_1099 : memref<!tpu.dma_semaphore, #tpu.memory_space<semaphore_mem>>) src(%dma_wait3A_1104 : memref<80xi32, #tpu.memory_space<hbm>>) dst(%dma_wait3A_1102 : memref<80xi32, #tpu.memory_space<vmem>>)
        %dma_start3A_1105 = arith.constant 0 : i32
        %dma_start3A_1106 = arith.constant 0 : i32
        %dma_start3A_1107 = tpu.memref_slice %arg10[%rem3A_1016, %dma_start3A_1105, %dma_start3A_1106] : memref<2x80x144xf32, #tpu.memory_space<vmem>> -> memref<1x80x144xf32, #tpu.memory_space<vmem>>
        %dma_start3A_1108 = tpu.memref_squeeze %dma_start3A_1107 : memref<1x80x144xf32, #tpu.memory_space<vmem>> -> memref<80x144xf32, #tpu.memory_space<vmem>>
        %dma_start3A_1109 = arith.constant 0 : i32
        %dma_start3A_1110 = tpu.memref_slice %arg7[%rem3A_1080, %dma_start3A_1109] : memref<4x80xi32, #tpu.memory_space<vmem>> -> memref<1x80xi32, #tpu.memory_space<vmem>>
        %dma_start3A_1111 = tpu.memref_squeeze %dma_start3A_1110 : memref<1x80xi32, #tpu.memory_space<vmem>> -> memref<80xi32, #tpu.memory_space<vmem>>
        %dma_start3A_1112 = arith.constant 0 : i32
        %dma_start3A_1113 = arith.constant 0 : i32
        %dma_start3A_1114 = tpu.memref_slice %arg4[%dma_start3A_1112, %dma_start3A_1113] : memref<10240x144xf32, #tpu.memory_space<hbm>> -> memref<10240x144xf32, #tpu.memory_space<hbm>>
        %dma_start3A_1115 = tpu.memref_slice %arg14[%rem3A_1016] : memref<2x!tpu.dma_semaphore, #tpu.memory_space<semaphore_mem>> -> memref<1x!tpu.dma_semaphore, #tpu.memory_space<semaphore_mem>>
        %dma_start3A_1116 = tpu.memref_squeeze %dma_start3A_1115 : memref<1x!tpu.dma_semaphore, #tpu.memory_space<semaphore_mem>> -> memref<!tpu.dma_semaphore, #tpu.memory_space<semaphore_mem>>
        tpu.enqueue_indirect_dma source(%dma_start3A_1114 : memref<10240x144xf32, #tpu.memory_space<hbm>>) target(%dma_start3A_1108 : memref<80x144xf32, #tpu.memory_space<vmem>>) offsets(%dma_start3A_1111 : memref<80xi32, #tpu.memory_space<vmem>>) semaphore(%dma_start3A_1116 : memref<!tpu.dma_semaphore, #tpu.memory_space<semaphore_mem>>)
        %dma_start3A_1117 = arith.constant 0 : i32
        %dma_start3A_1118 = arith.constant 0 : i32
        %dma_start3A_1119 = tpu.memref_slice %arg9[%rem3A_1016, %dma_start3A_1117, %dma_start3A_1118] : memref<2x80x16xf32, #tpu.memory_space<vmem>> -> memref<1x80x16xf32, #tpu.memory_space<vmem>>
        %dma_start3A_1120 = tpu.memref_squeeze %dma_start3A_1119 : memref<1x80x16xf32, #tpu.memory_space<vmem>> -> memref<80x16xf32, #tpu.memory_space<vmem>>
        %dma_start3A_1121 = arith.constant 0 : i32
        %dma_start3A_1122 = tpu.memref_slice %arg8[%rem3A_1080, %dma_start3A_1121] : memref<4x80xi32, #tpu.memory_space<vmem>> -> memref<1x80xi32, #tpu.memory_space<vmem>>
        %dma_start3A_1123 = tpu.memref_squeeze %dma_start3A_1122 : memref<1x80xi32, #tpu.memory_space<vmem>> -> memref<80xi32, #tpu.memory_space<vmem>>
        %dma_start3A_1124 = arith.constant 0 : i32
        %dma_start3A_1125 = arith.constant 0 : i32
        %dma_start3A_1126 = tpu.memref_slice %arg5[%dma_start3A_1124, %dma_start3A_1125] : memref<10240x16xf32, #tpu.memory_space<hbm>> -> memref<10240x16xf32, #tpu.memory_space<hbm>>
        %dma_start3A_1127 = tpu.memref_slice %arg14[%rem3A_1016] : memref<2x!tpu.dma_semaphore, #tpu.memory_space<semaphore_mem>> -> memref<1x!tpu.dma_semaphore, #tpu.memory_space<semaphore_mem>>
        %dma_start3A_1128 = tpu.memref_squeeze %dma_start3A_1127 : memref<1x!tpu.dma_semaphore, #tpu.memory_space<semaphore_mem>> -> memref<!tpu.dma_semaphore, #tpu.memory_space<semaphore_mem>>
        tpu.enqueue_indirect_dma source(%dma_start3A_1126 : memref<10240x16xf32, #tpu.memory_space<hbm>>) target(%dma_start3A_1120 : memref<80x16xf32, #tpu.memory_space<vmem>>) offsets(%dma_start3A_1123 : memref<80xi32, #tpu.memory_space<vmem>>) semaphore(%dma_start3A_1128 : memref<!tpu.dma_semaphore, #tpu.memory_space<semaphore_mem>>)
      } else {
      }
      %rem3A_1028 = arith.constant 4 : i32
      %rem3A_1029 = arith.remsi %scan3A_1010, %rem3A_1028 : i32
      %dma_wait3A_1030 = arith.constant 0 : i32
      %dma_wait3A_1031 = arith.constant 0 : i32
      %dma_wait3A_1032 = tpu.memref_slice %arg10[%rem3A_1012, %dma_wait3A_1030, %dma_wait3A_1031] : memref<2x80x144xf32, #tpu.memory_space<vmem>> -> memref<1x80x144xf32, #tpu.memory_space<vmem>>
      %dma_wait3A_1033 = tpu.memref_squeeze %dma_wait3A_1032 : memref<1x80x144xf32, #tpu.memory_space<vmem>> -> memref<80x144xf32, #tpu.memory_space<vmem>>
      %dma_wait3A_1034 = arith.constant 0 : i32
      %dma_wait3A_1035 = tpu.memref_slice %arg7[%rem3A_1029, %dma_wait3A_1034] : memref<4x80xi32, #tpu.memory_space<vmem>> -> memref<1x80xi32, #tpu.memory_space<vmem>>
      %dma_wait3A_1036 = tpu.memref_squeeze %dma_wait3A_1035 : memref<1x80xi32, #tpu.memory_space<vmem>> -> memref<80xi32, #tpu.memory_space<vmem>>
      %dma_wait3A_1037 = arith.constant 0 : i32
      %dma_wait3A_1038 = arith.constant 0 : i32
      %dma_wait3A_1039 = tpu.memref_slice %arg4[%dma_wait3A_1037, %dma_wait3A_1038] : memref<10240x144xf32, #tpu.memory_space<hbm>> -> memref<10240x144xf32, #tpu.memory_space<hbm>>
      %dma_wait3A_1040 = tpu.memref_slice %arg14[%rem3A_1012] : memref<2x!tpu.dma_semaphore, #tpu.memory_space<semaphore_mem>> -> memref<1x!tpu.dma_semaphore, #tpu.memory_space<semaphore_mem>>
      %dma_wait3A_1041 = tpu.memref_squeeze %dma_wait3A_1040 : memref<1x!tpu.dma_semaphore, #tpu.memory_space<semaphore_mem>> -> memref<!tpu.dma_semaphore, #tpu.memory_space<semaphore_mem>>
      tpu.wait_indirect_dma semaphore(%dma_wait3A_1041 : memref<!tpu.dma_semaphore, #tpu.memory_space<semaphore_mem>>) src(%dma_wait3A_1039 : memref<10240x144xf32, #tpu.memory_space<hbm>>) dst(%dma_wait3A_1033 : memref<80x144xf32, #tpu.memory_space<vmem>>)
      %dma_wait3A_1042 = arith.constant 0 : i32
      %dma_wait3A_1043 = arith.constant 0 : i32
      %dma_wait3A_1044 = tpu.memref_slice %arg9[%rem3A_1012, %dma_wait3A_1042, %dma_wait3A_1043] : memref<2x80x16xf32, #tpu.memory_space<vmem>> -> memref<1x80x16xf32, #tpu.memory_space<vmem>>
      %dma_wait3A_1045 = tpu.memref_squeeze %dma_wait3A_1044 : memref<1x80x16xf32, #tpu.memory_space<vmem>> -> memref<80x16xf32, #tpu.memory_space<vmem>>
      %dma_wait3A_1046 = arith.constant 0 : i32
      %dma_wait3A_1047 = tpu.memref_slice %arg8[%rem3A_1029, %dma_wait3A_1046] : memref<4x80xi32, #tpu.memory_space<vmem>> -> memref<1x80xi32, #tpu.memory_space<vmem>>
      %dma_wait3A_1048 = tpu.memref_squeeze %dma_wait3A_1047 : memref<1x80xi32, #tpu.memory_space<vmem>> -> memref<80xi32, #tpu.memory_space<vmem>>
      %dma_wait3A_1049 = arith.constant 0 : i32
      %dma_wait3A_1050 = arith.constant 0 : i32
      %dma_wait3A_1051 = tpu.memref_slice %arg5[%dma_wait3A_1049, %dma_wait3A_1050] : memref<10240x16xf32, #tpu.memory_space<hbm>> -> memref<10240x16xf32, #tpu.memory_space<hbm>>
      %dma_wait3A_1052 = tpu.memref_slice %arg14[%rem3A_1012] : memref<2x!tpu.dma_semaphore, #tpu.memory_space<semaphore_mem>> -> memref<1x!tpu.dma_semaphore, #tpu.memory_space<semaphore_mem>>
      %dma_wait3A_1053 = tpu.memref_squeeze %dma_wait3A_1052 : memref<1x!tpu.dma_semaphore, #tpu.memory_space<semaphore_mem>> -> memref<!tpu.dma_semaphore, #tpu.memory_space<semaphore_mem>>
      tpu.wait_indirect_dma semaphore(%dma_wait3A_1053 : memref<!tpu.dma_semaphore, #tpu.memory_space<semaphore_mem>>) src(%dma_wait3A_1051 : memref<10240x16xf32, #tpu.memory_space<hbm>>) dst(%dma_wait3A_1045 : memref<80x16xf32, #tpu.memory_space<vmem>>)
      %ge3A = arith.constant 1 : i32
      %ge3A_1054 = arith.cmpi sge, %scan3A_1010, %ge3A : i32
      %convert_element_type3A_1055 = arith.extui %ge3A_1054 : i1 to i32
      %cond3A_1056 = arith.constant 0 : i32
      %cond3A_1057 = arith.cmpi ne, %convert_element_type3A_1055, %cond3A_1056 : i32
      scf.if %cond3A_1057 {
        %dma_wait3A_1077 = arith.constant 0 : i32
        %dma_wait3A_1078 = arith.constant 0 : i32
        %dma_wait3A_1079 = arith.constant 0 : i32
        %dma_wait3A_1080 = arith.constant 0 : i32
        %dma_wait3A_1081 = arith.constant 0 : i32
        %dma_wait3A_1082 = tpu.memref_slice %arg11[%dma_wait3A_1077, %dma_wait3A_1080, %dma_wait3A_1081] : memref<1x80x144xf32, #tpu.memory_space<vmem>> -> memref<1x80x144xf32, #tpu.memory_space<vmem>>
        %dma_wait3A_1083 = tpu.memref_squeeze %dma_wait3A_1082 : memref<1x80x144xf32, #tpu.memory_space<vmem>> -> memref<80x144xf32, #tpu.memory_space<vmem>>
        %dma_wait3A_1084 = arith.constant 0 : i32
        %dma_wait3A_1085 = tpu.memref_slice %arg8[%dma_wait3A_1078, %dma_wait3A_1084] : memref<4x80xi32, #tpu.memory_space<vmem>> -> memref<1x80xi32, #tpu.memory_space<vmem>>
        %dma_wait3A_1086 = tpu.memref_squeeze %dma_wait3A_1085 : memref<1x80xi32, #tpu.memory_space<vmem>> -> memref<80xi32, #tpu.memory_space<vmem>>
        %dma_wait3A_1087 = arith.constant 0 : i32
        %dma_wait3A_1088 = arith.constant 0 : i32
        %dma_wait3A_1089 = tpu.memref_slice %arg12[%dma_wait3A_1087, %dma_wait3A_1088] : memref<10240x144xf32, #tpu.memory_space<vmem_shared>> -> memref<10240x144xf32, #tpu.memory_space<vmem_shared>>
        %dma_wait3A_1090 = tpu.memref_slice %arg15[%dma_wait3A_1079] : memref<2x!tpu.dma_semaphore, #tpu.memory_space<semaphore_mem>> -> memref<1x!tpu.dma_semaphore, #tpu.memory_space<semaphore_mem>>
        %dma_wait3A_1091 = tpu.memref_squeeze %dma_wait3A_1090 : memref<1x!tpu.dma_semaphore, #tpu.memory_space<semaphore_mem>> -> memref<!tpu.dma_semaphore, #tpu.memory_space<semaphore_mem>>
        tpu.wait_indirect_dma semaphore(%dma_wait3A_1091 : memref<!tpu.dma_semaphore, #tpu.memory_space<semaphore_mem>>) src(%dma_wait3A_1083 : memref<80x144xf32, #tpu.memory_space<vmem>>) dst(%dma_wait3A_1089 : memref<10240x144xf32, #tpu.memory_space<vmem_shared>>)
      } else {
      }
      %parallel_loop3A = arith.constant 0 : i32
      %parallel_loop3A_1058 = arith.constant 80 : i32
      %parallel_loop3A_1059 = arith.constant 1 : i32
      scf.for %parallel_loop3A_1077 = %parallel_loop3A to %parallel_loop3A_1058 step %parallel_loop3A_1059  : i32 {
        %parallel_loop3A_1078 = arith.index_cast %rem3A_1012 : i32 to index
        %parallel_loop3A_1079 = arith.index_cast %parallel_loop3A_1077 : i32 to index
        %parallel_loop3A_1080 = arith.constant 128 : index
        %parallel_loop3A_1081 = tpu.vector_load %arg10[%parallel_loop3A_1078, %parallel_loop3A_1079, %parallel_loop3A_1080] {strides = array<i32>} : memref<2x80x144xf32, #tpu.memory_space<vmem>>, vector<1x1x16xf32>,
        %parallel_loop3A_1082 = vector.shape_cast %parallel_loop3A_1081 : vector<1x1x16xf32> to vector<16xf32>
        %parallel_loop3A_1083 = arith.index_cast %rem3A_1012 : i32 to index
        %parallel_loop3A_1084 = arith.index_cast %parallel_loop3A_1077 : i32 to index
        %parallel_loop3A_1085 = arith.constant 0 : index
        %parallel_loop3A_1086 = tpu.vector_load %arg9[%parallel_loop3A_1083, %parallel_loop3A_1084, %parallel_loop3A_1085] {strides = array<i32>} : memref<2x80x16xf32, #tpu.memory_space<vmem>>, vector<1x1x16xf32>,
        %parallel_loop3A_1087 = vector.shape_cast %parallel_loop3A_1086 : vector<1x1x16xf32> to vector<16xf32>
        %parallel_loop3A_1088 = arith.addf %parallel_loop3A_1082, %parallel_loop3A_1087 : vector<16xf32>
        %parallel_loop3A_1089 = arith.constant 0.000000e+00 : f32
        %parallel_loop3A_1090 = vector.broadcast %parallel_loop3A_1089 : f32 to vector<16xf32>
        %parallel_loop3A_1091 = arith.cmpf ogt, %parallel_loop3A_1088, %parallel_loop3A_1090 : vector<16xf32>
        %parallel_loop3A_1092 = arith.constant 2.000000e-01 : f32
        %parallel_loop3A_1093 = vector.broadcast %parallel_loop3A_1092 : f32 to vector<16xf32>
        %parallel_loop3A_1094 = arith.mulf %parallel_loop3A_1093, %parallel_loop3A_1088 : vector<16xf32>
        %parallel_loop3A_1095 = arith.select %parallel_loop3A_1091, %parallel_loop3A_1088, %parallel_loop3A_1094 : vector<16xi1>, vector<16xf32>
        %parallel_loop3A_1096 = math.exp %parallel_loop3A_1095 : vector<16xf32>
        %parallel_loop3A_1097 = arith.constant 0 : i32
        %parallel_loop3A_1098 = arith.index_cast %parallel_loop3A_1097 : i32 to index
        %parallel_loop3A_1099 = arith.index_cast %parallel_loop3A_1077 : i32 to index
        %parallel_loop3A_1100 = arith.constant 128 : index
        %parallel_loop3A_1101 = tpu.vector_load %arg11[%parallel_loop3A_1098, %parallel_loop3A_1099, %parallel_loop3A_1100] {strides = array<i32>} : memref<1x80x144xf32, #tpu.memory_space<vmem>>, vector<1x1x16xf32>,
        %parallel_loop3A_1102 = vector.shape_cast %parallel_loop3A_1101 : vector<1x1x16xf32> to vector<16xf32>
        %parallel_loop3A_1103 = vector.shape_cast %parallel_loop3A_1096 : vector<16xf32> to vector<1x1x16xf32>
        tpu.vector_store %arg11[%parallel_loop3A_1098, %parallel_loop3A_1099, %parallel_loop3A_1100], %parallel_loop3A_1103 {strides = array<i32>} : memref<1x80x144xf32, #tpu.memory_space<vmem>>, vector<1x1x16xf32>,
        %parallel_loop3A_1104 = arith.index_cast %rem3A_1012 : i32 to index
        %parallel_loop3A_1105 = arith.index_cast %parallel_loop3A_1077 : i32 to index
        %parallel_loop3A_1106 = arith.constant 0 : index
        %parallel_loop3A_1107 = tpu.vector_load %arg10[%parallel_loop3A_1104, %parallel_loop3A_1105, %parallel_loop3A_1106] {strides = array<i32>} : memref<2x80x144xf32, #tpu.memory_space<vmem>>, vector<1x1x16xf32>,
        %parallel_loop3A_1108 = vector.shape_cast %parallel_loop3A_1107 : vector<1x1x16xf32> to vector<16xf32>
        %parallel_loop3A_1109 = vector.extract_strided_slice %parallel_loop3A_1096 {offsets = [0], sizes = [1], strides = [1]} : vector<16xf32> to vector<1xf32>
        %parallel_loop3A_1110 = vector.extract %parallel_loop3A_1109[0] : f32 from vector<1xf32>
        %parallel_loop3A_1111 = vector.broadcast %parallel_loop3A_1110 : f32 to vector<16xf32>
        %parallel_loop3A_1112 = arith.mulf %parallel_loop3A_1108, %parallel_loop3A_1111 : vector<16xf32>
        %parallel_loop3A_1113 = arith.constant 0 : i32
        %parallel_loop3A_1114 = arith.index_cast %parallel_loop3A_1113 : i32 to index
        %parallel_loop3A_1115 = arith.index_cast %parallel_loop3A_1077 : i32 to index
        %parallel_loop3A_1116 = arith.constant 0 : index
        %parallel_loop3A_1117 = tpu.vector_load %arg11[%parallel_loop3A_1114, %parallel_loop3A_1115, %parallel_loop3A_1116] {strides = array<i32>} : memref<1x80x144xf32, #tpu.memory_space<vmem>>, vector<1x1x16xf32>,
        %parallel_loop3A_1118 = vector.shape_cast %parallel_loop3A_1117 : vector<1x1x16xf32> to vector<16xf32>
        %parallel_loop3A_1119 = vector.shape_cast %parallel_loop3A_1112 : vector<16xf32> to vector<1x1x16xf32>
        tpu.vector_store %arg11[%parallel_loop3A_1114, %parallel_loop3A_1115, %parallel_loop3A_1116], %parallel_loop3A_1119 {strides = array<i32>} : memref<1x80x144xf32, #tpu.memory_space<vmem>>, vector<1x1x16xf32>,
        %parallel_loop3A_1120 = arith.index_cast %rem3A_1012 : i32 to index
        %parallel_loop3A_1121 = arith.index_cast %parallel_loop3A_1077 : i32 to index
        %parallel_loop3A_1122 = arith.constant 16 : index
        %parallel_loop3A_1123 = tpu.vector_load %arg10[%parallel_loop3A_1120, %parallel_loop3A_1121, %parallel_loop3A_1122] {strides = array<i32>} : memref<2x80x144xf32, #tpu.memory_space<vmem>>, vector<1x1x16xf32>,
        %parallel_loop3A_1124 = vector.shape_cast %parallel_loop3A_1123 : vector<1x1x16xf32> to vector<16xf32>
        %parallel_loop3A_1125 = vector.extract_strided_slice %parallel_loop3A_1096 {offsets = [1], sizes = [1], strides = [1]} : vector<16xf32> to vector<1xf32>
        %parallel_loop3A_1126 = vector.extract %parallel_loop3A_1125[0] : f32 from vector<1xf32>
        %parallel_loop3A_1127 = vector.broadcast %parallel_loop3A_1126 : f32 to vector<16xf32>
        %parallel_loop3A_1128 = arith.mulf %parallel_loop3A_1124, %parallel_loop3A_1127 : vector<16xf32>
        %parallel_loop3A_1129 = arith.constant 0 : i32
        %parallel_loop3A_1130 = arith.index_cast %parallel_loop3A_1129 : i32 to index
        %parallel_loop3A_1131 = arith.index_cast %parallel_loop3A_1077 : i32 to index
        %parallel_loop3A_1132 = arith.constant 16 : index
        %parallel_loop3A_1133 = tpu.vector_load %arg11[%parallel_loop3A_1130, %parallel_loop3A_1131, %parallel_loop3A_1132] {strides = array<i32>} : memref<1x80x144xf32, #tpu.memory_space<vmem>>, vector<1x1x16xf32>,
        %parallel_loop3A_1134 = vector.shape_cast %parallel_loop3A_1133 : vector<1x1x16xf32> to vector<16xf32>
        %parallel_loop3A_1135 = vector.shape_cast %parallel_loop3A_1128 : vector<16xf32> to vector<1x1x16xf32>
        tpu.vector_store %arg11[%parallel_loop3A_1130, %parallel_loop3A_1131, %parallel_loop3A_1132], %parallel_loop3A_1135 {strides = array<i32>} : memref<1x80x144xf32, #tpu.memory_space<vmem>>, vector<1x1x16xf32>,
        %parallel_loop3A_1136 = arith.index_cast %rem3A_1012 : i32 to index
        %parallel_loop3A_1137 = arith.index_cast %parallel_loop3A_1077 : i32 to index
        %parallel_loop3A_1138 = arith.constant 32 : index
        %parallel_loop3A_1139 = tpu.vector_load %arg10[%parallel_loop3A_1136, %parallel_loop3A_1137, %parallel_loop3A_1138] {strides = array<i32>} : memref<2x80x144xf32, #tpu.memory_space<vmem>>, vector<1x1x16xf32>,
        %parallel_loop3A_1140 = vector.shape_cast %parallel_loop3A_1139 : vector<1x1x16xf32> to vector<16xf32>
        %parallel_loop3A_1141 = vector.extract_strided_slice %parallel_loop3A_1096 {offsets = [2], sizes = [1], strides = [1]} : vector<16xf32> to vector<1xf32>
        %parallel_loop3A_1142 = vector.extract %parallel_loop3A_1141[0] : f32 from vector<1xf32>
        %parallel_loop3A_1143 = vector.broadcast %parallel_loop3A_1142 : f32 to vector<16xf32>
        %parallel_loop3A_1144 = arith.mulf %parallel_loop3A_1140, %parallel_loop3A_1143 : vector<16xf32>
        %parallel_loop3A_1145 = arith.constant 0 : i32
        %parallel_loop3A_1146 = arith.index_cast %parallel_loop3A_1145 : i32 to index
        %parallel_loop3A_1147 = arith.index_cast %parallel_loop3A_1077 : i32 to index
        %parallel_loop3A_1148 = arith.constant 32 : index
        %parallel_loop3A_1149 = tpu.vector_load %arg11[%parallel_loop3A_1146, %parallel_loop3A_1147, %parallel_loop3A_1148] {strides = array<i32>} : memref<1x80x144xf32, #tpu.memory_space<vmem>>, vector<1x1x16xf32>,
        %parallel_loop3A_1150 = vector.shape_cast %parallel_loop3A_1149 : vector<1x1x16xf32> to vector<16xf32>
        %parallel_loop3A_1151 = vector.shape_cast %parallel_loop3A_1144 : vector<16xf32> to vector<1x1x16xf32>
        tpu.vector_store %arg11[%parallel_loop3A_1146, %parallel_loop3A_1147, %parallel_loop3A_1148], %parallel_loop3A_1151 {strides = array<i32>} : memref<1x80x144xf32, #tpu.memory_space<vmem>>, vector<1x1x16xf32>,
        %parallel_loop3A_1152 = arith.index_cast %rem3A_1012 : i32 to index
        %parallel_loop3A_1153 = arith.index_cast %parallel_loop3A_1077 : i32 to index
        %parallel_loop3A_1154 = arith.constant 48 : index
        %parallel_loop3A_1155 = tpu.vector_load %arg10[%parallel_loop3A_1152, %parallel_loop3A_1153, %parallel_loop3A_1154] {strides = array<i32>} : memref<2x80x144xf32, #tpu.memory_space<vmem>>, vector<1x1x16xf32>,
        %parallel_loop3A_1156 = vector.shape_cast %parallel_loop3A_1155 : vector<1x1x16xf32> to vector<16xf32>
        %parallel_loop3A_1157 = vector.extract_strided_slice %parallel_loop3A_1096 {offsets = [3], sizes = [1], strides = [1]} : vector<16xf32> to vector<1xf32>
        %parallel_loop3A_1158 = vector.extract %parallel_loop3A_1157[0] : f32 from vector<1xf32>
        %parallel_loop3A_1159 = vector.broadcast %parallel_loop3A_1158 : f32 to vector<16xf32>
        %parallel_loop3A_1160 = arith.mulf %parallel_loop3A_1156, %parallel_loop3A_1159 : vector<16xf32>
        %parallel_loop3A_1161 = arith.constant 0 : i32
        %parallel_loop3A_1162 = arith.index_cast %parallel_loop3A_1161 : i32 to index
        %parallel_loop3A_1163 = arith.index_cast %parallel_loop3A_1077 : i32 to index
        %parallel_loop3A_1164 = arith.constant 48 : index
        %parallel_loop3A_1165 = tpu.vector_load %arg11[%parallel_loop3A_1162, %parallel_loop3A_1163, %parallel_loop3A_1164] {strides = array<i32>} : memref<1x80x144xf32, #tpu.memory_space<vmem>>, vector<1x1x16xf32>,
        %parallel_loop3A_1166 = vector.shape_cast %parallel_loop3A_1165 : vector<1x1x16xf32> to vector<16xf32>
        %parallel_loop3A_1167 = vector.shape_cast %parallel_loop3A_1160 : vector<16xf32> to vector<1x1x16xf32>
        tpu.vector_store %arg11[%parallel_loop3A_1162, %parallel_loop3A_1163, %parallel_loop3A_1164], %parallel_loop3A_1167 {strides = array<i32>} : memref<1x80x144xf32, #tpu.memory_space<vmem>>, vector<1x1x16xf32>,
        %parallel_loop3A_1168 = arith.index_cast %rem3A_1012 : i32 to index
        %parallel_loop3A_1169 = arith.index_cast %parallel_loop3A_1077 : i32 to index
        %parallel_loop3A_1170 = arith.constant 64 : index
        %parallel_loop3A_1171 = tpu.vector_load %arg10[%parallel_loop3A_1168, %parallel_loop3A_1169, %parallel_loop3A_1170] {strides = array<i32>} : memref<2x80x144xf32, #tpu.memory_space<vmem>>, vector<1x1x16xf32>,
        %parallel_loop3A_1172 = vector.shape_cast %parallel_loop3A_1171 : vector<1x1x16xf32> to vector<16xf32>
        %parallel_loop3A_1173 = vector.extract_strided_slice %parallel_loop3A_1096 {offsets = [4], sizes = [1], strides = [1]} : vector<16xf32> to vector<1xf32>
        %parallel_loop3A_1174 = vector.extract %parallel_loop3A_1173[0] : f32 from vector<1xf32>
        %parallel_loop3A_1175 = vector.broadcast %parallel_loop3A_1174 : f32 to vector<16xf32>
        %parallel_loop3A_1176 = arith.mulf %parallel_loop3A_1172, %parallel_loop3A_1175 : vector<16xf32>
        %parallel_loop3A_1177 = arith.constant 0 : i32
        %parallel_loop3A_1178 = arith.index_cast %parallel_loop3A_1177 : i32 to index
        %parallel_loop3A_1179 = arith.index_cast %parallel_loop3A_1077 : i32 to index
        %parallel_loop3A_1180 = arith.constant 64 : index
        %parallel_loop3A_1181 = tpu.vector_load %arg11[%parallel_loop3A_1178, %parallel_loop3A_1179, %parallel_loop3A_1180] {strides = array<i32>} : memref<1x80x144xf32, #tpu.memory_space<vmem>>, vector<1x1x16xf32>,
        %parallel_loop3A_1182 = vector.shape_cast %parallel_loop3A_1181 : vector<1x1x16xf32> to vector<16xf32>
        %parallel_loop3A_1183 = vector.shape_cast %parallel_loop3A_1176 : vector<16xf32> to vector<1x1x16xf32>
        tpu.vector_store %arg11[%parallel_loop3A_1178, %parallel_loop3A_1179, %parallel_loop3A_1180], %parallel_loop3A_1183 {strides = array<i32>} : memref<1x80x144xf32, #tpu.memory_space<vmem>>, vector<1x1x16xf32>,
        %parallel_loop3A_1184 = arith.index_cast %rem3A_1012 : i32 to index
        %parallel_loop3A_1185 = arith.index_cast %parallel_loop3A_1077 : i32 to index
        %parallel_loop3A_1186 = arith.constant 80 : index
        %parallel_loop3A_1187 = tpu.vector_load %arg10[%parallel_loop3A_1184, %parallel_loop3A_1185, %parallel_loop3A_1186] {strides = array<i32>} : memref<2x80x144xf32, #tpu.memory_space<vmem>>, vector<1x1x16xf32>,
        %parallel_loop3A_1188 = vector.shape_cast %parallel_loop3A_1187 : vector<1x1x16xf32> to vector<16xf32>
        %parallel_loop3A_1189 = vector.extract_strided_slice %parallel_loop3A_1096 {offsets = [5], sizes = [1], strides = [1]} : vector<16xf32> to vector<1xf32>
        %parallel_loop3A_1190 = vector.extract %parallel_loop3A_1189[0] : f32 from vector<1xf32>
        %parallel_loop3A_1191 = vector.broadcast %parallel_loop3A_1190 : f32 to vector<16xf32>
        %parallel_loop3A_1192 = arith.mulf %parallel_loop3A_1188, %parallel_loop3A_1191 : vector<16xf32>
        %parallel_loop3A_1193 = arith.constant 0 : i32
        %parallel_loop3A_1194 = arith.index_cast %parallel_loop3A_1193 : i32 to index
        %parallel_loop3A_1195 = arith.index_cast %parallel_loop3A_1077 : i32 to index
        %parallel_loop3A_1196 = arith.constant 80 : index
        %parallel_loop3A_1197 = tpu.vector_load %arg11[%parallel_loop3A_1194, %parallel_loop3A_1195, %parallel_loop3A_1196] {strides = array<i32>} : memref<1x80x144xf32, #tpu.memory_space<vmem>>, vector<1x1x16xf32>,
        %parallel_loop3A_1198 = vector.shape_cast %parallel_loop3A_1197 : vector<1x1x16xf32> to vector<16xf32>
        %parallel_loop3A_1199 = vector.shape_cast %parallel_loop3A_1192 : vector<16xf32> to vector<1x1x16xf32>
        tpu.vector_store %arg11[%parallel_loop3A_1194, %parallel_loop3A_1195, %parallel_loop3A_1196], %parallel_loop3A_1199 {strides = array<i32>} : memref<1x80x144xf32, #tpu.memory_space<vmem>>, vector<1x1x16xf32>,
        %parallel_loop3A_1200 = arith.index_cast %rem3A_1012 : i32 to index
        %parallel_loop3A_1201 = arith.index_cast %parallel_loop3A_1077 : i32 to index
        %parallel_loop3A_1202 = arith.constant 96 : index
        %parallel_loop3A_1203 = tpu.vector_load %arg10[%parallel_loop3A_1200, %parallel_loop3A_1201, %parallel_loop3A_1202] {strides = array<i32>} : memref<2x80x144xf32, #tpu.memory_space<vmem>>, vector<1x1x16xf32>,
        %parallel_loop3A_1204 = vector.shape_cast %parallel_loop3A_1203 : vector<1x1x16xf32> to vector<16xf32>
        %parallel_loop3A_1205 = vector.extract_strided_slice %parallel_loop3A_1096 {offsets = [6], sizes = [1], strides = [1]} : vector<16xf32> to vector<1xf32>
        %parallel_loop3A_1206 = vector.extract %parallel_loop3A_1205[0] : f32 from vector<1xf32>
        %parallel_loop3A_1207 = vector.broadcast %parallel_loop3A_1206 : f32 to vector<16xf32>
        %parallel_loop3A_1208 = arith.mulf %parallel_loop3A_1204, %parallel_loop3A_1207 : vector<16xf32>
        %parallel_loop3A_1209 = arith.constant 0 : i32
        %parallel_loop3A_1210 = arith.index_cast %parallel_loop3A_1209 : i32 to index
        %parallel_loop3A_1211 = arith.index_cast %parallel_loop3A_1077 : i32 to index
        %parallel_loop3A_1212 = arith.constant 96 : index
        %parallel_loop3A_1213 = tpu.vector_load %arg11[%parallel_loop3A_1210, %parallel_loop3A_1211, %parallel_loop3A_1212] {strides = array<i32>} : memref<1x80x144xf32, #tpu.memory_space<vmem>>, vector<1x1x16xf32>,
        %parallel_loop3A_1214 = vector.shape_cast %parallel_loop3A_1213 : vector<1x1x16xf32> to vector<16xf32>
        %parallel_loop3A_1215 = vector.shape_cast %parallel_loop3A_1208 : vector<16xf32> to vector<1x1x16xf32>
        tpu.vector_store %arg11[%parallel_loop3A_1210, %parallel_loop3A_1211, %parallel_loop3A_1212], %parallel_loop3A_1215 {strides = array<i32>} : memref<1x80x144xf32, #tpu.memory_space<vmem>>, vector<1x1x16xf32>,
        %parallel_loop3A_1216 = arith.index_cast %rem3A_1012 : i32 to index
        %parallel_loop3A_1217 = arith.index_cast %parallel_loop3A_1077 : i32 to index
        %parallel_loop3A_1218 = arith.constant 112 : index
        %parallel_loop3A_1219 = tpu.vector_load %arg10[%parallel_loop3A_1216, %parallel_loop3A_1217, %parallel_loop3A_1218] {strides = array<i32>} : memref<2x80x144xf32, #tpu.memory_space<vmem>>, vector<1x1x16xf32>,
        %parallel_loop3A_1220 = vector.shape_cast %parallel_loop3A_1219 : vector<1x1x16xf32> to vector<16xf32>
        %parallel_loop3A_1221 = vector.extract_strided_slice %parallel_loop3A_1096 {offsets = [7], sizes = [1], strides = [1]} : vector<16xf32> to vector<1xf32>
        %parallel_loop3A_1222 = vector.extract %parallel_loop3A_1221[0] : f32 from vector<1xf32>
        %parallel_loop3A_1223 = vector.broadcast %parallel_loop3A_1222 : f32 to vector<16xf32>
        %parallel_loop3A_1224 = arith.mulf %parallel_loop3A_1220, %parallel_loop3A_1223 : vector<16xf32>
        %parallel_loop3A_1225 = arith.constant 0 : i32
        %parallel_loop3A_1226 = arith.index_cast %parallel_loop3A_1225 : i32 to index
        %parallel_loop3A_1227 = arith.index_cast %parallel_loop3A_1077 : i32 to index
        %parallel_loop3A_1228 = arith.constant 112 : index
        %parallel_loop3A_1229 = tpu.vector_load %arg11[%parallel_loop3A_1226, %parallel_loop3A_1227, %parallel_loop3A_1228] {strides = array<i32>} : memref<1x80x144xf32, #tpu.memory_space<vmem>>, vector<1x1x16xf32>,
        %parallel_loop3A_1230 = vector.shape_cast %parallel_loop3A_1229 : vector<1x1x16xf32> to vector<16xf32>
        %parallel_loop3A_1231 = vector.shape_cast %parallel_loop3A_1224 : vector<16xf32> to vector<1x1x16xf32>
        tpu.vector_store %arg11[%parallel_loop3A_1226, %parallel_loop3A_1227, %parallel_loop3A_1228], %parallel_loop3A_1231 {strides = array<i32>} : memref<1x80x144xf32, #tpu.memory_space<vmem>>, vector<1x1x16xf32>,
      } {sc.loop_unroll_factor = 8 : i64, sc.parallel_access}
      %rem3A_1060 = arith.constant 4 : i32
      %rem3A_1061 = arith.remsi %scan3A_1010, %rem3A_1060 : i32
      %dma_start3A_1062 = arith.constant 0 : i32
      %dma_start3A_1063 = arith.constant 0 : i32
      %dma_start3A_1064 = arith.constant 0 : i32
      %dma_start3A_1065 = arith.constant 0 : i32
      %dma_start3A_1066 = tpu.memref_slice %arg11[%dma_start3A_1062, %dma_start3A_1064, %dma_start3A_1065] : memref<1x80x144xf32, #tpu.memory_space<vmem>> -> memref<1x80x144xf32, #tpu.memory_space<vmem>>
      %dma_start3A_1067 = tpu.memref_squeeze %dma_start3A_1066 : memref<1x80x144xf32, #tpu.memory_space<vmem>> -> memref<80x144xf32, #tpu.memory_space<vmem>>
      %dma_start3A_1068 = arith.constant 0 : i32
      %dma_start3A_1069 = tpu.memref_slice %arg8[%rem3A_1061, %dma_start3A_1068] : memref<4x80xi32, #tpu.memory_space<vmem>> -> memref<1x80xi32, #tpu.memory_space<vmem>>
      %dma_start3A_1070 = tpu.memref_squeeze %dma_start3A_1069 : memref<1x80xi32, #tpu.memory_space<vmem>> -> memref<80xi32, #tpu.memory_space<vmem>>
      %dma_start3A_1071 = arith.constant 0 : i32
      %dma_start3A_1072 = arith.constant 0 : i32
      %dma_start3A_1073 = tpu.memref_slice %arg12[%dma_start3A_1071, %dma_start3A_1072] : memref<10240x144xf32, #tpu.memory_space<vmem_shared>> -> memref<10240x144xf32, #tpu.memory_space<vmem_shared>>
      %dma_start3A_1074 = tpu.memref_slice %arg15[%dma_start3A_1063] : memref<2x!tpu.dma_semaphore, #tpu.memory_space<semaphore_mem>> -> memref<1x!tpu.dma_semaphore, #tpu.memory_space<semaphore_mem>>
      %dma_start3A_1075 = tpu.memref_squeeze %dma_start3A_1074 : memref<1x!tpu.dma_semaphore, #tpu.memory_space<semaphore_mem>> -> memref<!tpu.dma_semaphore, #tpu.memory_space<semaphore_mem>>
      tpu.enqueue_indirect_dma source(%dma_start3A_1067 : memref<80x144xf32, #tpu.memory_space<vmem>>) target(%dma_start3A_1073 : memref<10240x144xf32, #tpu.memory_space<vmem_shared>>) offsets(%dma_start3A_1070 : memref<80xi32, #tpu.memory_space<vmem>>) semaphore(%dma_start3A_1075 : memref<!tpu.dma_semaphore, #tpu.memory_space<semaphore_mem>>) {add = true}
      %scan3A_1076 = arith.constant 0 : i32
      scf.yield %scan3A_1076 : i32
    }
    %scan3A_414 = arith.constant 125 : i32
    %dma_wait3A_415 = arith.constant 0 : i32
    %dma_wait3A_416 = arith.constant 0 : i32
    %dma_wait3A_417 = arith.constant 0 : i32
    %dma_wait3A_418 = arith.constant 0 : i32
    %dma_wait3A_419 = arith.constant 0 : i32
    %dma_wait3A_420 = tpu.memref_slice %arg11[%dma_wait3A_415, %dma_wait3A_418, %dma_wait3A_419] : memref<1x80x144xf32, #tpu.memory_space<vmem>> -> memref<1x80x144xf32, #tpu.memory_space<vmem>>
    %dma_wait3A_421 = tpu.memref_squeeze %dma_wait3A_420 : memref<1x80x144xf32, #tpu.memory_space<vmem>> -> memref<80x144xf32, #tpu.memory_space<vmem>>
    %dma_wait3A_422 = arith.constant 0 : i32
    %dma_wait3A_423 = tpu.memref_slice %arg8[%dma_wait3A_416, %dma_wait3A_422] : memref<4x80xi32, #tpu.memory_space<vmem>> -> memref<1x80xi32, #tpu.memory_space<vmem>>
    %dma_wait3A_424 = tpu.memref_squeeze %dma_wait3A_423 : memref<1x80xi32, #tpu.memory_space<vmem>> -> memref<80xi32, #tpu.memory_space<vmem>>
    %dma_wait3A_425 = arith.constant 0 : i32
    %dma_wait3A_426 = arith.constant 0 : i32
    %dma_wait3A_427 = tpu.memref_slice %arg12[%dma_wait3A_425, %dma_wait3A_426] : memref<10240x144xf32, #tpu.memory_space<vmem_shared>> -> memref<10240x144xf32, #tpu.memory_space<vmem_shared>>
    %dma_wait3A_428 = tpu.memref_slice %arg15[%dma_wait3A_417] : memref<2x!tpu.dma_semaphore, #tpu.memory_space<semaphore_mem>> -> memref<1x!tpu.dma_semaphore, #tpu.memory_space<semaphore_mem>>
    %dma_wait3A_429 = tpu.memref_squeeze %dma_wait3A_428 : memref<1x!tpu.dma_semaphore, #tpu.memory_space<semaphore_mem>> -> memref<!tpu.dma_semaphore, #tpu.memory_space<semaphore_mem>>
    tpu.wait_indirect_dma semaphore(%dma_wait3A_429 : memref<!tpu.dma_semaphore, #tpu.memory_space<semaphore_mem>>) src(%dma_wait3A_421 : memref<80x144xf32, #tpu.memory_space<vmem>>) dst(%dma_wait3A_427 : memref<10240x144xf32, #tpu.memory_space<vmem_shared>>)
    %barrier3A_430 = arith.constant 0 : index
    tpu.barrier barrier_id(%barrier3A_430)
    %mul3A_431 = arith.constant 10240 : i32
    %mul3A_432 = arith.muli %arg0, %mul3A_431 : i32
    %mul3A_433 = arith.constant 640 : i32
    %mul3A_434 = arith.muli %arg1, %mul3A_433 : i32
    %add3A_435 = arith.addi %mul3A_432, %mul3A_434 : i32
    %dma_start3A_436 = arith.constant 0 : i32
    %dma_start3A_437 = arith.constant 0 : i32
    %dma_start3A_438 = arith.constant 0 : i32
    %dma_start3A_439 = arith.constant 0 : i32
    %dma_start3A_440 = tpu.memref_slice %arg11[%dma_start3A_436, %dma_start3A_438, %dma_start3A_439] : memref<1x80x144xf32, #tpu.memory_space<vmem>> -> memref<1x80x144xf32, #tpu.memory_space<vmem>>
    %dma_start3A_441 = tpu.memref_squeeze %dma_start3A_440 : memref<1x80x144xf32, #tpu.memory_space<vmem>> -> memref<80x144xf32, #tpu.memory_space<vmem>>
    %dma_start3A_442 = arith.constant 0 : i32
    %dma_start3A_443 = tpu.memref_slice %arg12[%mul3A_9, %dma_start3A_442] : memref<10240x144xf32, #tpu.memory_space<vmem_shared>> -> memref<80x144xf32, #tpu.memory_space<vmem_shared>>
    %dma_start3A_444 = tpu.memref_slice %arg14[%dma_start3A_437] : memref<2x!tpu.dma_semaphore, #tpu.memory_space<semaphore_mem>> -> memref<1x!tpu.dma_semaphore, #tpu.memory_space<semaphore_mem>>
    %dma_start3A_445 = tpu.memref_squeeze %dma_start3A_444 : memref<1x!tpu.dma_semaphore, #tpu.memory_space<semaphore_mem>> -> memref<!tpu.dma_semaphore, #tpu.memory_space<semaphore_mem>>
    %dma_start3A_446 = arith.constant 0 : i32
    %dma_start3A_447 = arith.constant 0 : i32
    %dma_start3A_448 = tpu.memref_slice %arg11[%dma_start3A_436, %dma_start3A_446, %dma_start3A_447] : memref<1x80x144xf32, #tpu.memory_space<vmem>> -> memref<1x80x144xf32, #tpu.memory_space<vmem>>
    %dma_start3A_449 = tpu.memref_squeeze %dma_start3A_448 : memref<1x80x144xf32, #tpu.memory_space<vmem>> -> memref<80x144xf32, #tpu.memory_space<vmem>>
    %dma_start3A_450 = arith.constant 0 : i32
    %dma_start3A_451 = tpu.memref_slice %arg12[%mul3A_9, %dma_start3A_450] : memref<10240x144xf32, #tpu.memory_space<vmem_shared>> -> memref<80x144xf32, #tpu.memory_space<vmem_shared>>
    tpu.enqueue_dma source(%dma_start3A_451 : memref<80x144xf32, #tpu.memory_space<vmem_shared>>) target(%dma_start3A_449 : memref<80x144xf32, #tpu.memory_space<vmem>>) target_semaphore(%dma_start3A_445 : memref<!tpu.dma_semaphore, #tpu.memory_space<semaphore_mem>>)
    %add3A_452 = arith.constant 80 : i32
    %add3A_453 = arith.addi %mul3A_9, %add3A_452 : i32
    %dma_start3A_454 = arith.constant 0 : i32
    %dma_start3A_455 = arith.constant 1 : i32
    %dma_start3A_456 = arith.constant 0 : i32
    %dma_start3A_457 = arith.constant 0 : i32
    %dma_start3A_458 = tpu.memref_slice %arg10[%dma_start3A_454, %dma_start3A_456, %dma_start3A_457] : memref<2x80x144xf32, #tpu.memory_space<vmem>> -> memref<1x80x144xf32, #tpu.memory_space<vmem>>
    %dma_start3A_459 = tpu.memref_squeeze %dma_start3A_458 : memref<1x80x144xf32, #tpu.memory_space<vmem>> -> memref<80x144xf32, #tpu.memory_space<vmem>>
    %dma_start3A_460 = arith.constant 0 : i32
    %dma_start3A_461 = tpu.memref_slice %arg12[%add3A_453, %dma_start3A_460] : memref<10240x144xf32, #tpu.memory_space<vmem_shared>> -> memref<80x144xf32, #tpu.memory_space<vmem_shared>>
    %dma_start3A_462 = tpu.memref_slice %arg14[%dma_start3A_455] : memref<2x!tpu.dma_semaphore, #tpu.memory_space<semaphore_mem>> -> memref<1x!tpu.dma_semaphore, #tpu.memory_space<semaphore_mem>>
    %dma_start3A_463 = tpu.memref_squeeze %dma_start3A_462 : memref<1x!tpu.dma_semaphore, #tpu.memory_space<semaphore_mem>> -> memref<!tpu.dma_semaphore, #tpu.memory_space<semaphore_mem>>
    %dma_start3A_464 = arith.constant 0 : i32
    %dma_start3A_465 = arith.constant 0 : i32
    %dma_start3A_466 = tpu.memref_slice %arg10[%dma_start3A_454, %dma_start3A_464, %dma_start3A_465] : memref<2x80x144xf32, #tpu.memory_space<vmem>> -> memref<1x80x144xf32, #tpu.memory_space<vmem>>
    %dma_start3A_467 = tpu.memref_squeeze %dma_start3A_466 : memref<1x80x144xf32, #tpu.memory_space<vmem>> -> memref<80x144xf32, #tpu.memory_space<vmem>>
    %dma_start3A_468 = arith.constant 0 : i32
    %dma_start3A_469 = tpu.memref_slice %arg12[%add3A_453, %dma_start3A_468] : memref<10240x144xf32, #tpu.memory_space<vmem_shared>> -> memref<80x144xf32, #tpu.memory_space<vmem_shared>>
    tpu.enqueue_dma source(%dma_start3A_469 : memref<80x144xf32, #tpu.memory_space<vmem_shared>>) target(%dma_start3A_467 : memref<80x144xf32, #tpu.memory_space<vmem>>) target_semaphore(%dma_start3A_463 : memref<!tpu.dma_semaphore, #tpu.memory_space<semaphore_mem>>)
    %add3A_470 = arith.constant 0 : i32
    %add3A_471 = arith.addi %mul3A_9, %add3A_470 : i32
    %dma_wait3A_472 = arith.constant 0 : i32
    %dma_wait3A_473 = arith.constant 0 : i32
    %dma_wait3A_474 = arith.constant 0 : i32
    %dma_wait3A_475 = arith.constant 0 : i32
    %dma_wait3A_476 = tpu.memref_slice %arg11[%dma_wait3A_472, %dma_wait3A_474, %dma_wait3A_475] : memref<1x80x144xf32, #tpu.memory_space<vmem>> -> memref<1x80x144xf32, #tpu.memory_space<vmem>>
    %dma_wait3A_477 = tpu.memref_squeeze %dma_wait3A_476 : memref<1x80x144xf32, #tpu.memory_space<vmem>> -> memref<80x144xf32, #tpu.memory_space<vmem>>
    %dma_wait3A_478 = arith.constant 0 : i32
    %dma_wait3A_479 = tpu.memref_slice %arg12[%add3A_471, %dma_wait3A_478] : memref<10240x144xf32, #tpu.memory_space<vmem_shared>> -> memref<80x144xf32, #tpu.memory_space<vmem_shared>>
    %dma_wait3A_480 = tpu.memref_slice %arg14[%dma_wait3A_473] : memref<2x!tpu.dma_semaphore, #tpu.memory_space<semaphore_mem>> -> memref<1x!tpu.dma_semaphore, #tpu.memory_space<semaphore_mem>>
    %dma_wait3A_481 = tpu.memref_squeeze %dma_wait3A_480 : memref<1x!tpu.dma_semaphore, #tpu.memory_space<semaphore_mem>> -> memref<!tpu.dma_semaphore, #tpu.memory_space<semaphore_mem>>
    %dma_wait3A_482 = arith.constant 0 : i32
    %dma_wait3A_483 = arith.constant 0 : i32
    %dma_wait3A_484 = tpu.memref_slice %arg11[%dma_wait3A_472, %dma_wait3A_482, %dma_wait3A_483] : memref<1x80x144xf32, #tpu.memory_space<vmem>> -> memref<1x80x144xf32, #tpu.memory_space<vmem>>
    %dma_wait3A_485 = tpu.memref_squeeze %dma_wait3A_484 : memref<1x80x144xf32, #tpu.memory_space<vmem>> -> memref<80x144xf32, #tpu.memory_space<vmem>>
    %dma_wait3A_486 = arith.constant 0 : i32
    %dma_wait3A_487 = tpu.memref_slice %arg12[%add3A_471, %dma_wait3A_486] : memref<10240x144xf32, #tpu.memory_space<vmem_shared>> -> memref<80x144xf32, #tpu.memory_space<vmem_shared>>
    tpu.wait_dma2 semaphore(%dma_wait3A_481 : memref<!tpu.dma_semaphore, #tpu.memory_space<semaphore_mem>>) src(%dma_wait3A_487 : memref<80x144xf32, #tpu.memory_space<vmem_shared>>) dst(%dma_wait3A_485 : memref<80x144xf32, #tpu.memory_space<vmem>>)
    %add3A_488 = arith.constant 0 : i32
    %add3A_489 = arith.addi %add3A_435, %add3A_488 : i32
    %dma_start3A_490 = arith.constant 0 : i32
    %dma_start3A_491 = arith.constant 0 : i32
    %dma_start3A_492 = arith.constant 0 : i32
    %dma_start3A_493 = arith.constant 0 : i32
    %dma_start3A_494 = tpu.memref_slice %arg11[%dma_start3A_490, %dma_start3A_492, %dma_start3A_493] : memref<1x80x144xf32, #tpu.memory_space<vmem>> -> memref<1x80x144xf32, #tpu.memory_space<vmem>>
    %dma_start3A_495 = tpu.memref_squeeze %dma_start3A_494 : memref<1x80x144xf32, #tpu.memory_space<vmem>> -> memref<80x144xf32, #tpu.memory_space<vmem>>
    %dma_start3A_496 = arith.constant 0 : i32
    %dma_start3A_497 = tpu.memref_slice %arg6[%add3A_489, %dma_start3A_496] : memref<20480x144xf32, #tpu.memory_space<hbm>> -> memref<80x144xf32, #tpu.memory_space<hbm>>
    %dma_start3A_498 = tpu.memref_slice %arg15[%dma_start3A_491] : memref<2x!tpu.dma_semaphore, #tpu.memory_space<semaphore_mem>> -> memref<1x!tpu.dma_semaphore, #tpu.memory_space<semaphore_mem>>
    %dma_start3A_499 = tpu.memref_squeeze %dma_start3A_498 : memref<1x!tpu.dma_semaphore, #tpu.memory_space<semaphore_mem>> -> memref<!tpu.dma_semaphore, #tpu.memory_space<semaphore_mem>>
    %dma_start3A_500 = arith.constant 0 : i32
    %dma_start3A_501 = tpu.memref_slice %arg6[%add3A_489, %dma_start3A_500] : memref<20480x144xf32, #tpu.memory_space<hbm>> -> memref<80x144xf32, #tpu.memory_space<hbm>>
    %dma_start3A_502 = arith.constant 0 : i32
    %dma_start3A_503 = arith.constant 0 : i32
    %dma_start3A_504 = tpu.memref_slice %arg11[%dma_start3A_490, %dma_start3A_502, %dma_start3A_503] : memref<1x80x144xf32, #tpu.memory_space<vmem>> -> memref<1x80x144xf32, #tpu.memory_space<vmem>>
    %dma_start3A_505 = tpu.memref_squeeze %dma_start3A_504 : memref<1x80x144xf32, #tpu.memory_space<vmem>> -> memref<80x144xf32, #tpu.memory_space<vmem>>
    tpu.enqueue_dma source(%dma_start3A_505 : memref<80x144xf32, #tpu.memory_space<vmem>>) target(%dma_start3A_501 : memref<80x144xf32, #tpu.memory_space<hbm>>) target_semaphore(%dma_start3A_499 : memref<!tpu.dma_semaphore, #tpu.memory_space<semaphore_mem>>)
    %add3A_506 = arith.constant 0 : i32
    %add3A_507 = arith.addi %add3A_435, %add3A_506 : i32
    %dma_wait3A_508 = arith.constant 0 : i32
    %dma_wait3A_509 = arith.constant 0 : i32
    %dma_wait3A_510 = arith.constant 0 : i32
    %dma_wait3A_511 = arith.constant 0 : i32
    %dma_wait3A_512 = tpu.memref_slice %arg11[%dma_wait3A_508, %dma_wait3A_510, %dma_wait3A_511] : memref<1x80x144xf32, #tpu.memory_space<vmem>> -> memref<1x80x144xf32, #tpu.memory_space<vmem>>
    %dma_wait3A_513 = tpu.memref_squeeze %dma_wait3A_512 : memref<1x80x144xf32, #tpu.memory_space<vmem>> -> memref<80x144xf32, #tpu.memory_space<vmem>>
    %dma_wait3A_514 = arith.constant 0 : i32
    %dma_wait3A_515 = tpu.memref_slice %arg6[%add3A_507, %dma_wait3A_514] : memref<20480x144xf32, #tpu.memory_space<hbm>> -> memref<80x144xf32, #tpu.memory_space<hbm>>
    %dma_wait3A_516 = tpu.memref_slice %arg15[%dma_wait3A_509] : memref<2x!tpu.dma_semaphore, #tpu.memory_space<semaphore_mem>> -> memref<1x!tpu.dma_semaphore, #tpu.memory_space<semaphore_mem>>
    %dma_wait3A_517 = tpu.memref_squeeze %dma_wait3A_516 : memref<1x!tpu.dma_semaphore, #tpu.memory_space<semaphore_mem>> -> memref<!tpu.dma_semaphore, #tpu.memory_space<semaphore_mem>>
    %dma_wait3A_518 = arith.constant 0 : i32
    %dma_wait3A_519 = tpu.memref_slice %arg6[%add3A_507, %dma_wait3A_518] : memref<20480x144xf32, #tpu.memory_space<hbm>> -> memref<80x144xf32, #tpu.memory_space<hbm>>
    %dma_wait3A_520 = arith.constant 0 : i32
    %dma_wait3A_521 = arith.constant 0 : i32
    %dma_wait3A_522 = tpu.memref_slice %arg11[%dma_wait3A_508, %dma_wait3A_520, %dma_wait3A_521] : memref<1x80x144xf32, #tpu.memory_space<vmem>> -> memref<1x80x144xf32, #tpu.memory_space<vmem>>
    %dma_wait3A_523 = tpu.memref_squeeze %dma_wait3A_522 : memref<1x80x144xf32, #tpu.memory_space<vmem>> -> memref<80x144xf32, #tpu.memory_space<vmem>>
    tpu.wait_dma2 semaphore(%dma_wait3A_517 : memref<!tpu.dma_semaphore, #tpu.memory_space<semaphore_mem>>) src(%dma_wait3A_523 : memref<80x144xf32, #tpu.memory_space<vmem>>) dst(%dma_wait3A_519 : memref<80x144xf32, #tpu.memory_space<hbm>>)
    %add3A_524 = arith.constant 160 : i32
    %add3A_525 = arith.addi %mul3A_9, %add3A_524 : i32
    %dma_start3A_526 = arith.constant 0 : i32
    %dma_start3A_527 = arith.constant 0 : i32
    %dma_start3A_528 = arith.constant 0 : i32
    %dma_start3A_529 = arith.constant 0 : i32
    %dma_start3A_530 = tpu.memref_slice %arg11[%dma_start3A_526, %dma_start3A_528, %dma_start3A_529] : memref<1x80x144xf32, #tpu.memory_space<vmem>> -> memref<1x80x144xf32, #tpu.memory_space<vmem>>
    %dma_start3A_531 = tpu.memref_squeeze %dma_start3A_530 : memref<1x80x144xf32, #tpu.memory_space<vmem>> -> memref<80x144xf32, #tpu.memory_space<vmem>>
    %dma_start3A_532 = arith.constant 0 : i32
    %dma_start3A_533 = tpu.memref_slice %arg12[%add3A_525, %dma_start3A_532] : memref<10240x144xf32, #tpu.memory_space<vmem_shared>> -> memref<80x144xf32, #tpu.memory_space<vmem_shared>>
    %dma_start3A_534 = tpu.memref_slice %arg14[%dma_start3A_527] : memref<2x!tpu.dma_semaphore, #tpu.memory_space<semaphore_mem>> -> memref<1x!tpu.dma_semaphore, #tpu.memory_space<semaphore_mem>>
    %dma_start3A_535 = tpu.memref_squeeze %dma_start3A_534 : memref<1x!tpu.dma_semaphore, #tpu.memory_space<semaphore_mem>> -> memref<!tpu.dma_semaphore, #tpu.memory_space<semaphore_mem>>
    %dma_start3A_536 = arith.constant 0 : i32
    %dma_start3A_537 = arith.constant 0 : i32
    %dma_start3A_538 = tpu.memref_slice %arg11[%dma_start3A_526, %dma_start3A_536, %dma_start3A_537] : memref<1x80x144xf32, #tpu.memory_space<vmem>> -> memref<1x80x144xf32, #tpu.memory_space<vmem>>
    %dma_start3A_539 = tpu.memref_squeeze %dma_start3A_538 : memref<1x80x144xf32, #tpu.memory_space<vmem>> -> memref<80x144xf32, #tpu.memory_space<vmem>>
    %dma_start3A_540 = arith.constant 0 : i32
    %dma_start3A_541 = tpu.memref_slice %arg12[%add3A_525, %dma_start3A_540] : memref<10240x144xf32, #tpu.memory_space<vmem_shared>> -> memref<80x144xf32, #tpu.memory_space<vmem_shared>>
    tpu.enqueue_dma source(%dma_start3A_541 : memref<80x144xf32, #tpu.memory_space<vmem_shared>>) target(%dma_start3A_539 : memref<80x144xf32, #tpu.memory_space<vmem>>) target_semaphore(%dma_start3A_535 : memref<!tpu.dma_semaphore, #tpu.memory_space<semaphore_mem>>)
    %add3A_542 = arith.constant 80 : i32
    %add3A_543 = arith.addi %mul3A_9, %add3A_542 : i32
    %dma_wait3A_544 = arith.constant 0 : i32
    %dma_wait3A_545 = arith.constant 1 : i32
    %dma_wait3A_546 = arith.constant 0 : i32
    %dma_wait3A_547 = arith.constant 0 : i32
    %dma_wait3A_548 = tpu.memref_slice %arg10[%dma_wait3A_544, %dma_wait3A_546, %dma_wait3A_547] : memref<2x80x144xf32, #tpu.memory_space<vmem>> -> memref<1x80x144xf32, #tpu.memory_space<vmem>>
    %dma_wait3A_549 = tpu.memref_squeeze %dma_wait3A_548 : memref<1x80x144xf32, #tpu.memory_space<vmem>> -> memref<80x144xf32, #tpu.memory_space<vmem>>
    %dma_wait3A_550 = arith.constant 0 : i32
    %dma_wait3A_551 = tpu.memref_slice %arg12[%add3A_543, %dma_wait3A_550] : memref<10240x144xf32, #tpu.memory_space<vmem_shared>> -> memref<80x144xf32, #tpu.memory_space<vmem_shared>>
    %dma_wait3A_552 = tpu.memref_slice %arg14[%dma_wait3A_545] : memref<2x!tpu.dma_semaphore, #tpu.memory_space<semaphore_mem>> -> memref<1x!tpu.dma_semaphore, #tpu.memory_space<semaphore_mem>>
    %dma_wait3A_553 = tpu.memref_squeeze %dma_wait3A_552 : memref<1x!tpu.dma_semaphore, #tpu.memory_space<semaphore_mem>> -> memref<!tpu.dma_semaphore, #tpu.memory_space<semaphore_mem>>
    %dma_wait3A_554 = arith.constant 0 : i32
    %dma_wait3A_555 = arith.constant 0 : i32
    %dma_wait3A_556 = tpu.memref_slice %arg10[%dma_wait3A_544, %dma_wait3A_554, %dma_wait3A_555] : memref<2x80x144xf32, #tpu.memory_space<vmem>> -> memref<1x80x144xf32, #tpu.memory_space<vmem>>
    %dma_wait3A_557 = tpu.memref_squeeze %dma_wait3A_556 : memref<1x80x144xf32, #tpu.memory_space<vmem>> -> memref<80x144xf32, #tpu.memory_space<vmem>>
    %dma_wait3A_558 = arith.constant 0 : i32
    %dma_wait3A_559 = tpu.memref_slice %arg12[%add3A_543, %dma_wait3A_558] : memref<10240x144xf32, #tpu.memory_space<vmem_shared>> -> memref<80x144xf32, #tpu.memory_space<vmem_shared>>
    tpu.wait_dma2 semaphore(%dma_wait3A_553 : memref<!tpu.dma_semaphore, #tpu.memory_space<semaphore_mem>>) src(%dma_wait3A_559 : memref<80x144xf32, #tpu.memory_space<vmem_shared>>) dst(%dma_wait3A_557 : memref<80x144xf32, #tpu.memory_space<vmem>>)
    %add3A_560 = arith.constant 80 : i32
    %add3A_561 = arith.addi %add3A_435, %add3A_560 : i32
    %dma_start3A_562 = arith.constant 0 : i32
    %dma_start3A_563 = arith.constant 1 : i32
    %dma_start3A_564 = arith.constant 0 : i32
    %dma_start3A_565 = arith.constant 0 : i32
    %dma_start3A_566 = tpu.memref_slice %arg10[%dma_start3A_562, %dma_start3A_564, %dma_start3A_565] : memref<2x80x144xf32, #tpu.memory_space<vmem>> -> memref<1x80x144xf32, #tpu.memory_space<vmem>>
    %dma_start3A_567 = tpu.memref_squeeze %dma_start3A_566 : memref<1x80x144xf32, #tpu.memory_space<vmem>> -> memref<80x144xf32, #tpu.memory_space<vmem>>
    %dma_start3A_568 = arith.constant 0 : i32
    %dma_start3A_569 = tpu.memref_slice %arg6[%add3A_561, %dma_start3A_568] : memref<20480x144xf32, #tpu.memory_space<hbm>> -> memref<80x144xf32, #tpu.memory_space<hbm>>
    %dma_start3A_570 = tpu.memref_slice %arg15[%dma_start3A_563] : memref<2x!tpu.dma_semaphore, #tpu.memory_space<semaphore_mem>> -> memref<1x!tpu.dma_semaphore, #tpu.memory_space<semaphore_mem>>
    %dma_start3A_571 = tpu.memref_squeeze %dma_start3A_570 : memref<1x!tpu.dma_semaphore, #tpu.memory_space<semaphore_mem>> -> memref<!tpu.dma_semaphore, #tpu.memory_space<semaphore_mem>>
    %dma_start3A_572 = arith.constant 0 : i32
    %dma_start3A_573 = tpu.memref_slice %arg6[%add3A_561, %dma_start3A_572] : memref<20480x144xf32, #tpu.memory_space<hbm>> -> memref<80x144xf32, #tpu.memory_space<hbm>>
    %dma_start3A_574 = arith.constant 0 : i32
    %dma_start3A_575 = arith.constant 0 : i32
    %dma_start3A_576 = tpu.memref_slice %arg10[%dma_start3A_562, %dma_start3A_574, %dma_start3A_575] : memref<2x80x144xf32, #tpu.memory_space<vmem>> -> memref<1x80x144xf32, #tpu.memory_space<vmem>>
    %dma_start3A_577 = tpu.memref_squeeze %dma_start3A_576 : memref<1x80x144xf32, #tpu.memory_space<vmem>> -> memref<80x144xf32, #tpu.memory_space<vmem>>
    tpu.enqueue_dma source(%dma_start3A_577 : memref<80x144xf32, #tpu.memory_space<vmem>>) target(%dma_start3A_573 : memref<80x144xf32, #tpu.memory_space<hbm>>) target_semaphore(%dma_start3A_571 : memref<!tpu.dma_semaphore, #tpu.memory_space<semaphore_mem>>)
    %add3A_578 = arith.constant 80 : i32
    %add3A_579 = arith.addi %add3A_435, %add3A_578 : i32
    %dma_wait3A_580 = arith.constant 0 : i32
    %dma_wait3A_581 = arith.constant 1 : i32
    %dma_wait3A_582 = arith.constant 0 : i32
    %dma_wait3A_583 = arith.constant 0 : i32
    %dma_wait3A_584 = tpu.memref_slice %arg10[%dma_wait3A_580, %dma_wait3A_582, %dma_wait3A_583] : memref<2x80x144xf32, #tpu.memory_space<vmem>> -> memref<1x80x144xf32, #tpu.memory_space<vmem>>
    %dma_wait3A_585 = tpu.memref_squeeze %dma_wait3A_584 : memref<1x80x144xf32, #tpu.memory_space<vmem>> -> memref<80x144xf32, #tpu.memory_space<vmem>>
    %dma_wait3A_586 = arith.constant 0 : i32
    %dma_wait3A_587 = tpu.memref_slice %arg6[%add3A_579, %dma_wait3A_586] : memref<20480x144xf32, #tpu.memory_space<hbm>> -> memref<80x144xf32, #tpu.memory_space<hbm>>
    %dma_wait3A_588 = tpu.memref_slice %arg15[%dma_wait3A_581] : memref<2x!tpu.dma_semaphore, #tpu.memory_space<semaphore_mem>> -> memref<1x!tpu.dma_semaphore, #tpu.memory_space<semaphore_mem>>
    %dma_wait3A_589 = tpu.memref_squeeze %dma_wait3A_588 : memref<1x!tpu.dma_semaphore, #tpu.memory_space<semaphore_mem>> -> memref<!tpu.dma_semaphore, #tpu.memory_space<semaphore_mem>>
    %dma_wait3A_590 = arith.constant 0 : i32
    %dma_wait3A_591 = tpu.memref_slice %arg6[%add3A_579, %dma_wait3A_590] : memref<20480x144xf32, #tpu.memory_space<hbm>> -> memref<80x144xf32, #tpu.memory_space<hbm>>
    %dma_wait3A_592 = arith.constant 0 : i32
    %dma_wait3A_593 = arith.constant 0 : i32
    %dma_wait3A_594 = tpu.memref_slice %arg10[%dma_wait3A_580, %dma_wait3A_592, %dma_wait3A_593] : memref<2x80x144xf32, #tpu.memory_space<vmem>> -> memref<1x80x144xf32, #tpu.memory_space<vmem>>
    %dma_wait3A_595 = tpu.memref_squeeze %dma_wait3A_594 : memref<1x80x144xf32, #tpu.memory_space<vmem>> -> memref<80x144xf32, #tpu.memory_space<vmem>>
    tpu.wait_dma2 semaphore(%dma_wait3A_589 : memref<!tpu.dma_semaphore, #tpu.memory_space<semaphore_mem>>) src(%dma_wait3A_595 : memref<80x144xf32, #tpu.memory_space<vmem>>) dst(%dma_wait3A_591 : memref<80x144xf32, #tpu.memory_space<hbm>>)
    %add3A_596 = arith.constant 240 : i32
    %add3A_597 = arith.addi %mul3A_9, %add3A_596 : i32
    %dma_start3A_598 = arith.constant 0 : i32
    %dma_start3A_599 = arith.constant 1 : i32
    %dma_start3A_600 = arith.constant 0 : i32
    %dma_start3A_601 = arith.constant 0 : i32
    %dma_start3A_602 = tpu.memref_slice %arg10[%dma_start3A_598, %dma_start3A_600, %dma_start3A_601] : memref<2x80x144xf32, #tpu.memory_space<vmem>> -> memref<1x80x144xf32, #tpu.memory_space<vmem>>
    %dma_start3A_603 = tpu.memref_squeeze %dma_start3A_602 : memref<1x80x144xf32, #tpu.memory_space<vmem>> -> memref<80x144xf32, #tpu.memory_space<vmem>>
    %dma_start3A_604 = arith.constant 0 : i32
    %dma_start3A_605 = tpu.memref_slice %arg12[%add3A_597, %dma_start3A_604] : memref<10240x144xf32, #tpu.memory_space<vmem_shared>> -> memref<80x144xf32, #tpu.memory_space<vmem_shared>>
    %dma_start3A_606 = tpu.memref_slice %arg14[%dma_start3A_599] : memref<2x!tpu.dma_semaphore, #tpu.memory_space<semaphore_mem>> -> memref<1x!tpu.dma_semaphore, #tpu.memory_space<semaphore_mem>>
    %dma_start3A_607 = tpu.memref_squeeze %dma_start3A_606 : memref<1x!tpu.dma_semaphore, #tpu.memory_space<semaphore_mem>> -> memref<!tpu.dma_semaphore, #tpu.memory_space<semaphore_mem>>
    %dma_start3A_608 = arith.constant 0 : i32
    %dma_start3A_609 = arith.constant 0 : i32
    %dma_start3A_610 = tpu.memref_slice %arg10[%dma_start3A_598, %dma_start3A_608, %dma_start3A_609] : memref<2x80x144xf32, #tpu.memory_space<vmem>> -> memref<1x80x144xf32, #tpu.memory_space<vmem>>
    %dma_start3A_611 = tpu.memref_squeeze %dma_start3A_610 : memref<1x80x144xf32, #tpu.memory_space<vmem>> -> memref<80x144xf32, #tpu.memory_space<vmem>>
    %dma_start3A_612 = arith.constant 0 : i32
    %dma_start3A_613 = tpu.memref_slice %arg12[%add3A_597, %dma_start3A_612] : memref<10240x144xf32, #tpu.memory_space<vmem_shared>> -> memref<80x144xf32, #tpu.memory_space<vmem_shared>>
    tpu.enqueue_dma source(%dma_start3A_613 : memref<80x144xf32, #tpu.memory_space<vmem_shared>>) target(%dma_start3A_611 : memref<80x144xf32, #tpu.memory_space<vmem>>) target_semaphore(%dma_start3A_607 : memref<!tpu.dma_semaphore, #tpu.memory_space<semaphore_mem>>)
    %add3A_614 = arith.constant 160 : i32
    %add3A_615 = arith.addi %mul3A_9, %add3A_614 : i32
    %dma_wait3A_616 = arith.constant 0 : i32
    %dma_wait3A_617 = arith.constant 0 : i32
    %dma_wait3A_618 = arith.constant 0 : i32
    %dma_wait3A_619 = arith.constant 0 : i32
    %dma_wait3A_620 = tpu.memref_slice %arg11[%dma_wait3A_616, %dma_wait3A_618, %dma_wait3A_619] : memref<1x80x144xf32, #tpu.memory_space<vmem>> -> memref<1x80x144xf32, #tpu.memory_space<vmem>>
    %dma_wait3A_621 = tpu.memref_squeeze %dma_wait3A_620 : memref<1x80x144xf32, #tpu.memory_space<vmem>> -> memref<80x144xf32, #tpu.memory_space<vmem>>
    %dma_wait3A_622 = arith.constant 0 : i32
    %dma_wait3A_623 = tpu.memref_slice %arg12[%add3A_615, %dma_wait3A_622] : memref<10240x144xf32, #tpu.memory_space<vmem_shared>> -> memref<80x144xf32, #tpu.memory_space<vmem_shared>>
    %dma_wait3A_624 = tpu.memref_slice %arg14[%dma_wait3A_617] : memref<2x!tpu.dma_semaphore, #tpu.memory_space<semaphore_mem>> -> memref<1x!tpu.dma_semaphore, #tpu.memory_space<semaphore_mem>>
    %dma_wait3A_625 = tpu.memref_squeeze %dma_wait3A_624 : memref<1x!tpu.dma_semaphore, #tpu.memory_space<semaphore_mem>> -> memref<!tpu.dma_semaphore, #tpu.memory_space<semaphore_mem>>
    %dma_wait3A_626 = arith.constant 0 : i32
    %dma_wait3A_627 = arith.constant 0 : i32
    %dma_wait3A_628 = tpu.memref_slice %arg11[%dma_wait3A_616, %dma_wait3A_626, %dma_wait3A_627] : memref<1x80x144xf32, #tpu.memory_space<vmem>> -> memref<1x80x144xf32, #tpu.memory_space<vmem>>
    %dma_wait3A_629 = tpu.memref_squeeze %dma_wait3A_628 : memref<1x80x144xf32, #tpu.memory_space<vmem>> -> memref<80x144xf32, #tpu.memory_space<vmem>>
    %dma_wait3A_630 = arith.constant 0 : i32
    %dma_wait3A_631 = tpu.memref_slice %arg12[%add3A_615, %dma_wait3A_630] : memref<10240x144xf32, #tpu.memory_space<vmem_shared>> -> memref<80x144xf32, #tpu.memory_space<vmem_shared>>
    tpu.wait_dma2 semaphore(%dma_wait3A_625 : memref<!tpu.dma_semaphore, #tpu.memory_space<semaphore_mem>>) src(%dma_wait3A_631 : memref<80x144xf32, #tpu.memory_space<vmem_shared>>) dst(%dma_wait3A_629 : memref<80x144xf32, #tpu.memory_space<vmem>>)
    %add3A_632 = arith.constant 160 : i32
    %add3A_633 = arith.addi %add3A_435, %add3A_632 : i32
    %dma_start3A_634 = arith.constant 0 : i32
    %dma_start3A_635 = arith.constant 0 : i32
    %dma_start3A_636 = arith.constant 0 : i32
    %dma_start3A_637 = arith.constant 0 : i32
    %dma_start3A_638 = tpu.memref_slice %arg11[%dma_start3A_634, %dma_start3A_636, %dma_start3A_637] : memref<1x80x144xf32, #tpu.memory_space<vmem>> -> memref<1x80x144xf32, #tpu.memory_space<vmem>>
    %dma_start3A_639 = tpu.memref_squeeze %dma_start3A_638 : memref<1x80x144xf32, #tpu.memory_space<vmem>> -> memref<80x144xf32, #tpu.memory_space<vmem>>
    %dma_start3A_640 = arith.constant 0 : i32
    %dma_start3A_641 = tpu.memref_slice %arg6[%add3A_633, %dma_start3A_640] : memref<20480x144xf32, #tpu.memory_space<hbm>> -> memref<80x144xf32, #tpu.memory_space<hbm>>
    %dma_start3A_642 = tpu.memref_slice %arg15[%dma_start3A_635] : memref<2x!tpu.dma_semaphore, #tpu.memory_space<semaphore_mem>> -> memref<1x!tpu.dma_semaphore, #tpu.memory_space<semaphore_mem>>
    %dma_start3A_643 = tpu.memref_squeeze %dma_start3A_642 : memref<1x!tpu.dma_semaphore, #tpu.memory_space<semaphore_mem>> -> memref<!tpu.dma_semaphore, #tpu.memory_space<semaphore_mem>>
    %dma_start3A_644 = arith.constant 0 : i32
    %dma_start3A_645 = tpu.memref_slice %arg6[%add3A_633, %dma_start3A_644] : memref<20480x144xf32, #tpu.memory_space<hbm>> -> memref<80x144xf32, #tpu.memory_space<hbm>>
    %dma_start3A_646 = arith.constant 0 : i32
    %dma_start3A_647 = arith.constant 0 : i32
    %dma_start3A_648 = tpu.memref_slice %arg11[%dma_start3A_634, %dma_start3A_646, %dma_start3A_647] : memref<1x80x144xf32, #tpu.memory_space<vmem>> -> memref<1x80x144xf32, #tpu.memory_space<vmem>>
    %dma_start3A_649 = tpu.memref_squeeze %dma_start3A_648 : memref<1x80x144xf32, #tpu.memory_space<vmem>> -> memref<80x144xf32, #tpu.memory_space<vmem>>
    tpu.enqueue_dma source(%dma_start3A_649 : memref<80x144xf32, #tpu.memory_space<vmem>>) target(%dma_start3A_645 : memref<80x144xf32, #tpu.memory_space<hbm>>) target_semaphore(%dma_start3A_643 : memref<!tpu.dma_semaphore, #tpu.memory_space<semaphore_mem>>)
    %add3A_650 = arith.constant 160 : i32
    %add3A_651 = arith.addi %add3A_435, %add3A_650 : i32
    %dma_wait3A_652 = arith.constant 0 : i32
    %dma_wait3A_653 = arith.constant 0 : i32
    %dma_wait3A_654 = arith.constant 0 : i32
    %dma_wait3A_655 = arith.constant 0 : i32
    %dma_wait3A_656 = tpu.memref_slice %arg11[%dma_wait3A_652, %dma_wait3A_654, %dma_wait3A_655] : memref<1x80x144xf32, #tpu.memory_space<vmem>> -> memref<1x80x144xf32, #tpu.memory_space<vmem>>
    %dma_wait3A_657 = tpu.memref_squeeze %dma_wait3A_656 : memref<1x80x144xf32, #tpu.memory_space<vmem>> -> memref<80x144xf32, #tpu.memory_space<vmem>>
    %dma_wait3A_658 = arith.constant 0 : i32
    %dma_wait3A_659 = tpu.memref_slice %arg6[%add3A_651, %dma_wait3A_658] : memref<20480x144xf32, #tpu.memory_space<hbm>> -> memref<80x144xf32, #tpu.memory_space<hbm>>
    %dma_wait3A_660 = tpu.memref_slice %arg15[%dma_wait3A_653] : memref<2x!tpu.dma_semaphore, #tpu.memory_space<semaphore_mem>> -> memref<1x!tpu.dma_semaphore, #tpu.memory_space<semaphore_mem>>
    %dma_wait3A_661 = tpu.memref_squeeze %dma_wait3A_660 : memref<1x!tpu.dma_semaphore, #tpu.memory_space<semaphore_mem>> -> memref<!tpu.dma_semaphore, #tpu.memory_space<semaphore_mem>>
    %dma_wait3A_662 = arith.constant 0 : i32
    %dma_wait3A_663 = tpu.memref_slice %arg6[%add3A_651, %dma_wait3A_662] : memref<20480x144xf32, #tpu.memory_space<hbm>> -> memref<80x144xf32, #tpu.memory_space<hbm>>
    %dma_wait3A_664 = arith.constant 0 : i32
    %dma_wait3A_665 = arith.constant 0 : i32
    %dma_wait3A_666 = tpu.memref_slice %arg11[%dma_wait3A_652, %dma_wait3A_664, %dma_wait3A_665] : memref<1x80x144xf32, #tpu.memory_space<vmem>> -> memref<1x80x144xf32, #tpu.memory_space<vmem>>
    %dma_wait3A_667 = tpu.memref_squeeze %dma_wait3A_666 : memref<1x80x144xf32, #tpu.memory_space<vmem>> -> memref<80x144xf32, #tpu.memory_space<vmem>>
    tpu.wait_dma2 semaphore(%dma_wait3A_661 : memref<!tpu.dma_semaphore, #tpu.memory_space<semaphore_mem>>) src(%dma_wait3A_667 : memref<80x144xf32, #tpu.memory_space<vmem>>) dst(%dma_wait3A_663 : memref<80x144xf32, #tpu.memory_space<hbm>>)
    %add3A_668 = arith.constant 320 : i32
    %add3A_669 = arith.addi %mul3A_9, %add3A_668 : i32
    %dma_start3A_670 = arith.constant 0 : i32
    %dma_start3A_671 = arith.constant 0 : i32
    %dma_start3A_672 = arith.constant 0 : i32
    %dma_start3A_673 = arith.constant 0 : i32
    %dma_start3A_674 = tpu.memref_slice %arg11[%dma_start3A_670, %dma_start3A_672, %dma_start3A_673] : memref<1x80x144xf32, #tpu.memory_space<vmem>> -> memref<1x80x144xf32, #tpu.memory_space<vmem>>
    %dma_start3A_675 = tpu.memref_squeeze %dma_start3A_674 : memref<1x80x144xf32, #tpu.memory_space<vmem>> -> memref<80x144xf32, #tpu.memory_space<vmem>>
    %dma_start3A_676 = arith.constant 0 : i32
    %dma_start3A_677 = tpu.memref_slice %arg12[%add3A_669, %dma_start3A_676] : memref<10240x144xf32, #tpu.memory_space<vmem_shared>> -> memref<80x144xf32, #tpu.memory_space<vmem_shared>>
    %dma_start3A_678 = tpu.memref_slice %arg14[%dma_start3A_671] : memref<2x!tpu.dma_semaphore, #tpu.memory_space<semaphore_mem>> -> memref<1x!tpu.dma_semaphore, #tpu.memory_space<semaphore_mem>>
    %dma_start3A_679 = tpu.memref_squeeze %dma_start3A_678 : memref<1x!tpu.dma_semaphore, #tpu.memory_space<semaphore_mem>> -> memref<!tpu.dma_semaphore, #tpu.memory_space<semaphore_mem>>
    %dma_start3A_680 = arith.constant 0 : i32
    %dma_start3A_681 = arith.constant 0 : i32
    %dma_start3A_682 = tpu.memref_slice %arg11[%dma_start3A_670, %dma_start3A_680, %dma_start3A_681] : memref<1x80x144xf32, #tpu.memory_space<vmem>> -> memref<1x80x144xf32, #tpu.memory_space<vmem>>
    %dma_start3A_683 = tpu.memref_squeeze %dma_start3A_682 : memref<1x80x144xf32, #tpu.memory_space<vmem>> -> memref<80x144xf32, #tpu.memory_space<vmem>>
    %dma_start3A_684 = arith.constant 0 : i32
    %dma_start3A_685 = tpu.memref_slice %arg12[%add3A_669, %dma_start3A_684] : memref<10240x144xf32, #tpu.memory_space<vmem_shared>> -> memref<80x144xf32, #tpu.memory_space<vmem_shared>>
    tpu.enqueue_dma source(%dma_start3A_685 : memref<80x144xf32, #tpu.memory_space<vmem_shared>>) target(%dma_start3A_683 : memref<80x144xf32, #tpu.memory_space<vmem>>) target_semaphore(%dma_start3A_679 : memref<!tpu.dma_semaphore, #tpu.memory_space<semaphore_mem>>)
    %add3A_686 = arith.constant 240 : i32
    %add3A_687 = arith.addi %mul3A_9, %add3A_686 : i32
    %dma_wait3A_688 = arith.constant 0 : i32
    %dma_wait3A_689 = arith.constant 1 : i32
    %dma_wait3A_690 = arith.constant 0 : i32
    %dma_wait3A_691 = arith.constant 0 : i32
    %dma_wait3A_692 = tpu.memref_slice %arg10[%dma_wait3A_688, %dma_wait3A_690, %dma_wait3A_691] : memref<2x80x144xf32, #tpu.memory_space<vmem>> -> memref<1x80x144xf32, #tpu.memory_space<vmem>>
    %dma_wait3A_693 = tpu.memref_squeeze %dma_wait3A_692 : memref<1x80x144xf32, #tpu.memory_space<vmem>> -> memref<80x144xf32, #tpu.memory_space<vmem>>
    %dma_wait3A_694 = arith.constant 0 : i32
    %dma_wait3A_695 = tpu.memref_slice %arg12[%add3A_687, %dma_wait3A_694] : memref<10240x144xf32, #tpu.memory_space<vmem_shared>> -> memref<80x144xf32, #tpu.memory_space<vmem_shared>>
    %dma_wait3A_696 = tpu.memref_slice %arg14[%dma_wait3A_689] : memref<2x!tpu.dma_semaphore, #tpu.memory_space<semaphore_mem>> -> memref<1x!tpu.dma_semaphore, #tpu.memory_space<semaphore_mem>>
    %dma_wait3A_697 = tpu.memref_squeeze %dma_wait3A_696 : memref<1x!tpu.dma_semaphore, #tpu.memory_space<semaphore_mem>> -> memref<!tpu.dma_semaphore, #tpu.memory_space<semaphore_mem>>
    %dma_wait3A_698 = arith.constant 0 : i32
    %dma_wait3A_699 = arith.constant 0 : i32
    %dma_wait3A_700 = tpu.memref_slice %arg10[%dma_wait3A_688, %dma_wait3A_698, %dma_wait3A_699] : memref<2x80x144xf32, #tpu.memory_space<vmem>> -> memref<1x80x144xf32, #tpu.memory_space<vmem>>
    %dma_wait3A_701 = tpu.memref_squeeze %dma_wait3A_700 : memref<1x80x144xf32, #tpu.memory_space<vmem>> -> memref<80x144xf32, #tpu.memory_space<vmem>>
    %dma_wait3A_702 = arith.constant 0 : i32
    %dma_wait3A_703 = tpu.memref_slice %arg12[%add3A_687, %dma_wait3A_702] : memref<10240x144xf32, #tpu.memory_space<vmem_shared>> -> memref<80x144xf32, #tpu.memory_space<vmem_shared>>
    tpu.wait_dma2 semaphore(%dma_wait3A_697 : memref<!tpu.dma_semaphore, #tpu.memory_space<semaphore_mem>>) src(%dma_wait3A_703 : memref<80x144xf32, #tpu.memory_space<vmem_shared>>) dst(%dma_wait3A_701 : memref<80x144xf32, #tpu.memory_space<vmem>>)
    %add3A_704 = arith.constant 240 : i32
    %add3A_705 = arith.addi %add3A_435, %add3A_704 : i32
    %dma_start3A_706 = arith.constant 0 : i32
    %dma_start3A_707 = arith.constant 1 : i32
    %dma_start3A_708 = arith.constant 0 : i32
    %dma_start3A_709 = arith.constant 0 : i32
    %dma_start3A_710 = tpu.memref_slice %arg10[%dma_start3A_706, %dma_start3A_708, %dma_start3A_709] : memref<2x80x144xf32, #tpu.memory_space<vmem>> -> memref<1x80x144xf32, #tpu.memory_space<vmem>>
    %dma_start3A_711 = tpu.memref_squeeze %dma_start3A_710 : memref<1x80x144xf32, #tpu.memory_space<vmem>> -> memref<80x144xf32, #tpu.memory_space<vmem>>
    %dma_start3A_712 = arith.constant 0 : i32
    %dma_start3A_713 = tpu.memref_slice %arg6[%add3A_705, %dma_start3A_712] : memref<20480x144xf32, #tpu.memory_space<hbm>> -> memref<80x144xf32, #tpu.memory_space<hbm>>
    %dma_start3A_714 = tpu.memref_slice %arg15[%dma_start3A_707] : memref<2x!tpu.dma_semaphore, #tpu.memory_space<semaphore_mem>> -> memref<1x!tpu.dma_semaphore, #tpu.memory_space<semaphore_mem>>
    %dma_start3A_715 = tpu.memref_squeeze %dma_start3A_714 : memref<1x!tpu.dma_semaphore, #tpu.memory_space<semaphore_mem>> -> memref<!tpu.dma_semaphore, #tpu.memory_space<semaphore_mem>>
    %dma_start3A_716 = arith.constant 0 : i32
    %dma_start3A_717 = tpu.memref_slice %arg6[%add3A_705, %dma_start3A_716] : memref<20480x144xf32, #tpu.memory_space<hbm>> -> memref<80x144xf32, #tpu.memory_space<hbm>>
    %dma_start3A_718 = arith.constant 0 : i32
    %dma_start3A_719 = arith.constant 0 : i32
    %dma_start3A_720 = tpu.memref_slice %arg10[%dma_start3A_706, %dma_start3A_718, %dma_start3A_719] : memref<2x80x144xf32, #tpu.memory_space<vmem>> -> memref<1x80x144xf32, #tpu.memory_space<vmem>>
    %dma_start3A_721 = tpu.memref_squeeze %dma_start3A_720 : memref<1x80x144xf32, #tpu.memory_space<vmem>> -> memref<80x144xf32, #tpu.memory_space<vmem>>
    tpu.enqueue_dma source(%dma_start3A_721 : memref<80x144xf32, #tpu.memory_space<vmem>>) target(%dma_start3A_717 : memref<80x144xf32, #tpu.memory_space<hbm>>) target_semaphore(%dma_start3A_715 : memref<!tpu.dma_semaphore, #tpu.memory_space<semaphore_mem>>)
    %add3A_722 = arith.constant 240 : i32
    %add3A_723 = arith.addi %add3A_435, %add3A_722 : i32
    %dma_wait3A_724 = arith.constant 0 : i32
    %dma_wait3A_725 = arith.constant 1 : i32
    %dma_wait3A_726 = arith.constant 0 : i32
    %dma_wait3A_727 = arith.constant 0 : i32
    %dma_wait3A_728 = tpu.memref_slice %arg10[%dma_wait3A_724, %dma_wait3A_726, %dma_wait3A_727] : memref<2x80x144xf32, #tpu.memory_space<vmem>> -> memref<1x80x144xf32, #tpu.memory_space<vmem>>
    %dma_wait3A_729 = tpu.memref_squeeze %dma_wait3A_728 : memref<1x80x144xf32, #tpu.memory_space<vmem>> -> memref<80x144xf32, #tpu.memory_space<vmem>>
    %dma_wait3A_730 = arith.constant 0 : i32
    %dma_wait3A_731 = tpu.memref_slice %arg6[%add3A_723, %dma_wait3A_730] : memref<20480x144xf32, #tpu.memory_space<hbm>> -> memref<80x144xf32, #tpu.memory_space<hbm>>
    %dma_wait3A_732 = tpu.memref_slice %arg15[%dma_wait3A_725] : memref<2x!tpu.dma_semaphore, #tpu.memory_space<semaphore_mem>> -> memref<1x!tpu.dma_semaphore, #tpu.memory_space<semaphore_mem>>
    %dma_wait3A_733 = tpu.memref_squeeze %dma_wait3A_732 : memref<1x!tpu.dma_semaphore, #tpu.memory_space<semaphore_mem>> -> memref<!tpu.dma_semaphore, #tpu.memory_space<semaphore_mem>>
    %dma_wait3A_734 = arith.constant 0 : i32
    %dma_wait3A_735 = tpu.memref_slice %arg6[%add3A_723, %dma_wait3A_734] : memref<20480x144xf32, #tpu.memory_space<hbm>> -> memref<80x144xf32, #tpu.memory_space<hbm>>
    %dma_wait3A_736 = arith.constant 0 : i32
    %dma_wait3A_737 = arith.constant 0 : i32
    %dma_wait3A_738 = tpu.memref_slice %arg10[%dma_wait3A_724, %dma_wait3A_736, %dma_wait3A_737] : memref<2x80x144xf32, #tpu.memory_space<vmem>> -> memref<1x80x144xf32, #tpu.memory_space<vmem>>
    %dma_wait3A_739 = tpu.memref_squeeze %dma_wait3A_738 : memref<1x80x144xf32, #tpu.memory_space<vmem>> -> memref<80x144xf32, #tpu.memory_space<vmem>>
    tpu.wait_dma2 semaphore(%dma_wait3A_733 : memref<!tpu.dma_semaphore, #tpu.memory_space<semaphore_mem>>) src(%dma_wait3A_739 : memref<80x144xf32, #tpu.memory_space<vmem>>) dst(%dma_wait3A_735 : memref<80x144xf32, #tpu.memory_space<hbm>>)
    %add3A_740 = arith.constant 400 : i32
    %add3A_741 = arith.addi %mul3A_9, %add3A_740 : i32
    %dma_start3A_742 = arith.constant 0 : i32
    %dma_start3A_743 = arith.constant 1 : i32
    %dma_start3A_744 = arith.constant 0 : i32
    %dma_start3A_745 = arith.constant 0 : i32
    %dma_start3A_746 = tpu.memref_slice %arg10[%dma_start3A_742, %dma_start3A_744, %dma_start3A_745] : memref<2x80x144xf32, #tpu.memory_space<vmem>> -> memref<1x80x144xf32, #tpu.memory_space<vmem>>
    %dma_start3A_747 = tpu.memref_squeeze %dma_start3A_746 : memref<1x80x144xf32, #tpu.memory_space<vmem>> -> memref<80x144xf32, #tpu.memory_space<vmem>>
    %dma_start3A_748 = arith.constant 0 : i32
    %dma_start3A_749 = tpu.memref_slice %arg12[%add3A_741, %dma_start3A_748] : memref<10240x144xf32, #tpu.memory_space<vmem_shared>> -> memref<80x144xf32, #tpu.memory_space<vmem_shared>>
    %dma_start3A_750 = tpu.memref_slice %arg14[%dma_start3A_743] : memref<2x!tpu.dma_semaphore, #tpu.memory_space<semaphore_mem>> -> memref<1x!tpu.dma_semaphore, #tpu.memory_space<semaphore_mem>>
    %dma_start3A_751 = tpu.memref_squeeze %dma_start3A_750 : memref<1x!tpu.dma_semaphore, #tpu.memory_space<semaphore_mem>> -> memref<!tpu.dma_semaphore, #tpu.memory_space<semaphore_mem>>
    %dma_start3A_752 = arith.constant 0 : i32
    %dma_start3A_753 = arith.constant 0 : i32
    %dma_start3A_754 = tpu.memref_slice %arg10[%dma_start3A_742, %dma_start3A_752, %dma_start3A_753] : memref<2x80x144xf32, #tpu.memory_space<vmem>> -> memref<1x80x144xf32, #tpu.memory_space<vmem>>
    %dma_start3A_755 = tpu.memref_squeeze %dma_start3A_754 : memref<1x80x144xf32, #tpu.memory_space<vmem>> -> memref<80x144xf32, #tpu.memory_space<vmem>>
    %dma_start3A_756 = arith.constant 0 : i32
    %dma_start3A_757 = tpu.memref_slice %arg12[%add3A_741, %dma_start3A_756] : memref<10240x144xf32, #tpu.memory_space<vmem_shared>> -> memref<80x144xf32, #tpu.memory_space<vmem_shared>>
    tpu.enqueue_dma source(%dma_start3A_757 : memref<80x144xf32, #tpu.memory_space<vmem_shared>>) target(%dma_start3A_755 : memref<80x144xf32, #tpu.memory_space<vmem>>) target_semaphore(%dma_start3A_751 : memref<!tpu.dma_semaphore, #tpu.memory_space<semaphore_mem>>)
    %add3A_758 = arith.constant 320 : i32
    %add3A_759 = arith.addi %mul3A_9, %add3A_758 : i32
    %dma_wait3A_760 = arith.constant 0 : i32
    %dma_wait3A_761 = arith.constant 0 : i32
    %dma_wait3A_762 = arith.constant 0 : i32
    %dma_wait3A_763 = arith.constant 0 : i32
    %dma_wait3A_764 = tpu.memref_slice %arg11[%dma_wait3A_760, %dma_wait3A_762, %dma_wait3A_763] : memref<1x80x144xf32, #tpu.memory_space<vmem>> -> memref<1x80x144xf32, #tpu.memory_space<vmem>>
    %dma_wait3A_765 = tpu.memref_squeeze %dma_wait3A_764 : memref<1x80x144xf32, #tpu.memory_space<vmem>> -> memref<80x144xf32, #tpu.memory_space<vmem>>
    %dma_wait3A_766 = arith.constant 0 : i32
    %dma_wait3A_767 = tpu.memref_slice %arg12[%add3A_759, %dma_wait3A_766] : memref<10240x144xf32, #tpu.memory_space<vmem_shared>> -> memref<80x144xf32, #tpu.memory_space<vmem_shared>>
    %dma_wait3A_768 = tpu.memref_slice %arg14[%dma_wait3A_761] : memref<2x!tpu.dma_semaphore, #tpu.memory_space<semaphore_mem>> -> memref<1x!tpu.dma_semaphore, #tpu.memory_space<semaphore_mem>>
    %dma_wait3A_769 = tpu.memref_squeeze %dma_wait3A_768 : memref<1x!tpu.dma_semaphore, #tpu.memory_space<semaphore_mem>> -> memref<!tpu.dma_semaphore, #tpu.memory_space<semaphore_mem>>
    %dma_wait3A_770 = arith.constant 0 : i32
    %dma_wait3A_771 = arith.constant 0 : i32
    %dma_wait3A_772 = tpu.memref_slice %arg11[%dma_wait3A_760, %dma_wait3A_770, %dma_wait3A_771] : memref<1x80x144xf32, #tpu.memory_space<vmem>> -> memref<1x80x144xf32, #tpu.memory_space<vmem>>
    %dma_wait3A_773 = tpu.memref_squeeze %dma_wait3A_772 : memref<1x80x144xf32, #tpu.memory_space<vmem>> -> memref<80x144xf32, #tpu.memory_space<vmem>>
    %dma_wait3A_774 = arith.constant 0 : i32
    %dma_wait3A_775 = tpu.memref_slice %arg12[%add3A_759, %dma_wait3A_774] : memref<10240x144xf32, #tpu.memory_space<vmem_shared>> -> memref<80x144xf32, #tpu.memory_space<vmem_shared>>
    tpu.wait_dma2 semaphore(%dma_wait3A_769 : memref<!tpu.dma_semaphore, #tpu.memory_space<semaphore_mem>>) src(%dma_wait3A_775 : memref<80x144xf32, #tpu.memory_space<vmem_shared>>) dst(%dma_wait3A_773 : memref<80x144xf32, #tpu.memory_space<vmem>>)
    %add3A_776 = arith.constant 320 : i32
    %add3A_777 = arith.addi %add3A_435, %add3A_776 : i32
    %dma_start3A_778 = arith.constant 0 : i32
    %dma_start3A_779 = arith.constant 0 : i32
    %dma_start3A_780 = arith.constant 0 : i32
    %dma_start3A_781 = arith.constant 0 : i32
    %dma_start3A_782 = tpu.memref_slice %arg11[%dma_start3A_778, %dma_start3A_780, %dma_start3A_781] : memref<1x80x144xf32, #tpu.memory_space<vmem>> -> memref<1x80x144xf32, #tpu.memory_space<vmem>>
    %dma_start3A_783 = tpu.memref_squeeze %dma_start3A_782 : memref<1x80x144xf32, #tpu.memory_space<vmem>> -> memref<80x144xf32, #tpu.memory_space<vmem>>
    %dma_start3A_784 = arith.constant 0 : i32
    %dma_start3A_785 = tpu.memref_slice %arg6[%add3A_777, %dma_start3A_784] : memref<20480x144xf32, #tpu.memory_space<hbm>> -> memref<80x144xf32, #tpu.memory_space<hbm>>
    %dma_start3A_786 = tpu.memref_slice %arg15[%dma_start3A_779] : memref<2x!tpu.dma_semaphore, #tpu.memory_space<semaphore_mem>> -> memref<1x!tpu.dma_semaphore, #tpu.memory_space<semaphore_mem>>
    %dma_start3A_787 = tpu.memref_squeeze %dma_start3A_786 : memref<1x!tpu.dma_semaphore, #tpu.memory_space<semaphore_mem>> -> memref<!tpu.dma_semaphore, #tpu.memory_space<semaphore_mem>>
    %dma_start3A_788 = arith.constant 0 : i32
    %dma_start3A_789 = tpu.memref_slice %arg6[%add3A_777, %dma_start3A_788] : memref<20480x144xf32, #tpu.memory_space<hbm>> -> memref<80x144xf32, #tpu.memory_space<hbm>>
    %dma_start3A_790 = arith.constant 0 : i32
    %dma_start3A_791 = arith.constant 0 : i32
    %dma_start3A_792 = tpu.memref_slice %arg11[%dma_start3A_778, %dma_start3A_790, %dma_start3A_791] : memref<1x80x144xf32, #tpu.memory_space<vmem>> -> memref<1x80x144xf32, #tpu.memory_space<vmem>>
    %dma_start3A_793 = tpu.memref_squeeze %dma_start3A_792 : memref<1x80x144xf32, #tpu.memory_space<vmem>> -> memref<80x144xf32, #tpu.memory_space<vmem>>
    tpu.enqueue_dma source(%dma_start3A_793 : memref<80x144xf32, #tpu.memory_space<vmem>>) target(%dma_start3A_789 : memref<80x144xf32, #tpu.memory_space<hbm>>) target_semaphore(%dma_start3A_787 : memref<!tpu.dma_semaphore, #tpu.memory_space<semaphore_mem>>)
    %add3A_794 = arith.constant 320 : i32
    %add3A_795 = arith.addi %add3A_435, %add3A_794 : i32
    %dma_wait3A_796 = arith.constant 0 : i32
    %dma_wait3A_797 = arith.constant 0 : i32
    %dma_wait3A_798 = arith.constant 0 : i32
    %dma_wait3A_799 = arith.constant 0 : i32
    %dma_wait3A_800 = tpu.memref_slice %arg11[%dma_wait3A_796, %dma_wait3A_798, %dma_wait3A_799] : memref<1x80x144xf32, #tpu.memory_space<vmem>> -> memref<1x80x144xf32, #tpu.memory_space<vmem>>
    %dma_wait3A_801 = tpu.memref_squeeze %dma_wait3A_800 : memref<1x80x144xf32, #tpu.memory_space<vmem>> -> memref<80x144xf32, #tpu.memory_space<vmem>>
    %dma_wait3A_802 = arith.constant 0 : i32
    %dma_wait3A_803 = tpu.memref_slice %arg6[%add3A_795, %dma_wait3A_802] : memref<20480x144xf32, #tpu.memory_space<hbm>> -> memref<80x144xf32, #tpu.memory_space<hbm>>
    %dma_wait3A_804 = tpu.memref_slice %arg15[%dma_wait3A_797] : memref<2x!tpu.dma_semaphore, #tpu.memory_space<semaphore_mem>> -> memref<1x!tpu.dma_semaphore, #tpu.memory_space<semaphore_mem>>
    %dma_wait3A_805 = tpu.memref_squeeze %dma_wait3A_804 : memref<1x!tpu.dma_semaphore, #tpu.memory_space<semaphore_mem>> -> memref<!tpu.dma_semaphore, #tpu.memory_space<semaphore_mem>>
    %dma_wait3A_806 = arith.constant 0 : i32
    %dma_wait3A_807 = tpu.memref_slice %arg6[%add3A_795, %dma_wait3A_806] : memref<20480x144xf32, #tpu.memory_space<hbm>> -> memref<80x144xf32, #tpu.memory_space<hbm>>
    %dma_wait3A_808 = arith.constant 0 : i32
    %dma_wait3A_809 = arith.constant 0 : i32
    %dma_wait3A_810 = tpu.memref_slice %arg11[%dma_wait3A_796, %dma_wait3A_808, %dma_wait3A_809] : memref<1x80x144xf32, #tpu.memory_space<vmem>> -> memref<1x80x144xf32, #tpu.memory_space<vmem>>
    %dma_wait3A_811 = tpu.memref_squeeze %dma_wait3A_810 : memref<1x80x144xf32, #tpu.memory_space<vmem>> -> memref<80x144xf32, #tpu.memory_space<vmem>>
    tpu.wait_dma2 semaphore(%dma_wait3A_805 : memref<!tpu.dma_semaphore, #tpu.memory_space<semaphore_mem>>) src(%dma_wait3A_811 : memref<80x144xf32, #tpu.memory_space<vmem>>) dst(%dma_wait3A_807 : memref<80x144xf32, #tpu.memory_space<hbm>>)
    %add3A_812 = arith.constant 480 : i32
    %add3A_813 = arith.addi %mul3A_9, %add3A_812 : i32
    %dma_start3A_814 = arith.constant 0 : i32
    %dma_start3A_815 = arith.constant 0 : i32
    %dma_start3A_816 = arith.constant 0 : i32
    %dma_start3A_817 = arith.constant 0 : i32
    %dma_start3A_818 = tpu.memref_slice %arg11[%dma_start3A_814, %dma_start3A_816, %dma_start3A_817] : memref<1x80x144xf32, #tpu.memory_space<vmem>> -> memref<1x80x144xf32, #tpu.memory_space<vmem>>
    %dma_start3A_819 = tpu.memref_squeeze %dma_start3A_818 : memref<1x80x144xf32, #tpu.memory_space<vmem>> -> memref<80x144xf32, #tpu.memory_space<vmem>>
    %dma_start3A_820 = arith.constant 0 : i32
    %dma_start3A_821 = tpu.memref_slice %arg12[%add3A_813, %dma_start3A_820] : memref<10240x144xf32, #tpu.memory_space<vmem_shared>> -> memref<80x144xf32, #tpu.memory_space<vmem_shared>>
    %dma_start3A_822 = tpu.memref_slice %arg14[%dma_start3A_815] : memref<2x!tpu.dma_semaphore, #tpu.memory_space<semaphore_mem>> -> memref<1x!tpu.dma_semaphore, #tpu.memory_space<semaphore_mem>>
    %dma_start3A_823 = tpu.memref_squeeze %dma_start3A_822 : memref<1x!tpu.dma_semaphore, #tpu.memory_space<semaphore_mem>> -> memref<!tpu.dma_semaphore, #tpu.memory_space<semaphore_mem>>
    %dma_start3A_824 = arith.constant 0 : i32
    %dma_start3A_825 = arith.constant 0 : i32
    %dma_start3A_826 = tpu.memref_slice %arg11[%dma_start3A_814, %dma_start3A_824, %dma_start3A_825] : memref<1x80x144xf32, #tpu.memory_space<vmem>> -> memref<1x80x144xf32, #tpu.memory_space<vmem>>
    %dma_start3A_827 = tpu.memref_squeeze %dma_start3A_826 : memref<1x80x144xf32, #tpu.memory_space<vmem>> -> memref<80x144xf32, #tpu.memory_space<vmem>>
    %dma_start3A_828 = arith.constant 0 : i32
    %dma_start3A_829 = tpu.memref_slice %arg12[%add3A_813, %dma_start3A_828] : memref<10240x144xf32, #tpu.memory_space<vmem_shared>> -> memref<80x144xf32, #tpu.memory_space<vmem_shared>>
    tpu.enqueue_dma source(%dma_start3A_829 : memref<80x144xf32, #tpu.memory_space<vmem_shared>>) target(%dma_start3A_827 : memref<80x144xf32, #tpu.memory_space<vmem>>) target_semaphore(%dma_start3A_823 : memref<!tpu.dma_semaphore, #tpu.memory_space<semaphore_mem>>)
    %add3A_830 = arith.constant 400 : i32
    %add3A_831 = arith.addi %mul3A_9, %add3A_830 : i32
    %dma_wait3A_832 = arith.constant 0 : i32
    %dma_wait3A_833 = arith.constant 1 : i32
    %dma_wait3A_834 = arith.constant 0 : i32
    %dma_wait3A_835 = arith.constant 0 : i32
    %dma_wait3A_836 = tpu.memref_slice %arg10[%dma_wait3A_832, %dma_wait3A_834, %dma_wait3A_835] : memref<2x80x144xf32, #tpu.memory_space<vmem>> -> memref<1x80x144xf32, #tpu.memory_space<vmem>>
    %dma_wait3A_837 = tpu.memref_squeeze %dma_wait3A_836 : memref<1x80x144xf32, #tpu.memory_space<vmem>> -> memref<80x144xf32, #tpu.memory_space<vmem>>
    %dma_wait3A_838 = arith.constant 0 : i32
    %dma_wait3A_839 = tpu.memref_slice %arg12[%add3A_831, %dma_wait3A_838] : memref<10240x144xf32, #tpu.memory_space<vmem_shared>> -> memref<80x144xf32, #tpu.memory_space<vmem_shared>>
    %dma_wait3A_840 = tpu.memref_slice %arg14[%dma_wait3A_833] : memref<2x!tpu.dma_semaphore, #tpu.memory_space<semaphore_mem>> -> memref<1x!tpu.dma_semaphore, #tpu.memory_space<semaphore_mem>>
    %dma_wait3A_841 = tpu.memref_squeeze %dma_wait3A_840 : memref<1x!tpu.dma_semaphore, #tpu.memory_space<semaphore_mem>> -> memref<!tpu.dma_semaphore, #tpu.memory_space<semaphore_mem>>
    %dma_wait3A_842 = arith.constant 0 : i32
    %dma_wait3A_843 = arith.constant 0 : i32
    %dma_wait3A_844 = tpu.memref_slice %arg10[%dma_wait3A_832, %dma_wait3A_842, %dma_wait3A_843] : memref<2x80x144xf32, #tpu.memory_space<vmem>> -> memref<1x80x144xf32, #tpu.memory_space<vmem>>
    %dma_wait3A_845 = tpu.memref_squeeze %dma_wait3A_844 : memref<1x80x144xf32, #tpu.memory_space<vmem>> -> memref<80x144xf32, #tpu.memory_space<vmem>>
    %dma_wait3A_846 = arith.constant 0 : i32
    %dma_wait3A_847 = tpu.memref_slice %arg12[%add3A_831, %dma_wait3A_846] : memref<10240x144xf32, #tpu.memory_space<vmem_shared>> -> memref<80x144xf32, #tpu.memory_space<vmem_shared>>
    tpu.wait_dma2 semaphore(%dma_wait3A_841 : memref<!tpu.dma_semaphore, #tpu.memory_space<semaphore_mem>>) src(%dma_wait3A_847 : memref<80x144xf32, #tpu.memory_space<vmem_shared>>) dst(%dma_wait3A_845 : memref<80x144xf32, #tpu.memory_space<vmem>>)
    %add3A_848 = arith.constant 400 : i32
    %add3A_849 = arith.addi %add3A_435, %add3A_848 : i32
    %dma_start3A_850 = arith.constant 0 : i32
    %dma_start3A_851 = arith.constant 1 : i32
    %dma_start3A_852 = arith.constant 0 : i32
    %dma_start3A_853 = arith.constant 0 : i32
    %dma_start3A_854 = tpu.memref_slice %arg10[%dma_start3A_850, %dma_start3A_852, %dma_start3A_853] : memref<2x80x144xf32, #tpu.memory_space<vmem>> -> memref<1x80x144xf32, #tpu.memory_space<vmem>>
    %dma_start3A_855 = tpu.memref_squeeze %dma_start3A_854 : memref<1x80x144xf32, #tpu.memory_space<vmem>> -> memref<80x144xf32, #tpu.memory_space<vmem>>
    %dma_start3A_856 = arith.constant 0 : i32
    %dma_start3A_857 = tpu.memref_slice %arg6[%add3A_849, %dma_start3A_856] : memref<20480x144xf32, #tpu.memory_space<hbm>> -> memref<80x144xf32, #tpu.memory_space<hbm>>
    %dma_start3A_858 = tpu.memref_slice %arg15[%dma_start3A_851] : memref<2x!tpu.dma_semaphore, #tpu.memory_space<semaphore_mem>> -> memref<1x!tpu.dma_semaphore, #tpu.memory_space<semaphore_mem>>
    %dma_start3A_859 = tpu.memref_squeeze %dma_start3A_858 : memref<1x!tpu.dma_semaphore, #tpu.memory_space<semaphore_mem>> -> memref<!tpu.dma_semaphore, #tpu.memory_space<semaphore_mem>>
    %dma_start3A_860 = arith.constant 0 : i32
    %dma_start3A_861 = tpu.memref_slice %arg6[%add3A_849, %dma_start3A_860] : memref<20480x144xf32, #tpu.memory_space<hbm>> -> memref<80x144xf32, #tpu.memory_space<hbm>>
    %dma_start3A_862 = arith.constant 0 : i32
    %dma_start3A_863 = arith.constant 0 : i32
    %dma_start3A_864 = tpu.memref_slice %arg10[%dma_start3A_850, %dma_start3A_862, %dma_start3A_863] : memref<2x80x144xf32, #tpu.memory_space<vmem>> -> memref<1x80x144xf32, #tpu.memory_space<vmem>>
    %dma_start3A_865 = tpu.memref_squeeze %dma_start3A_864 : memref<1x80x144xf32, #tpu.memory_space<vmem>> -> memref<80x144xf32, #tpu.memory_space<vmem>>
    tpu.enqueue_dma source(%dma_start3A_865 : memref<80x144xf32, #tpu.memory_space<vmem>>) target(%dma_start3A_861 : memref<80x144xf32, #tpu.memory_space<hbm>>) target_semaphore(%dma_start3A_859 : memref<!tpu.dma_semaphore, #tpu.memory_space<semaphore_mem>>)
    %add3A_866 = arith.constant 400 : i32
    %add3A_867 = arith.addi %add3A_435, %add3A_866 : i32
    %dma_wait3A_868 = arith.constant 0 : i32
    %dma_wait3A_869 = arith.constant 1 : i32
    %dma_wait3A_870 = arith.constant 0 : i32
    %dma_wait3A_871 = arith.constant 0 : i32
    %dma_wait3A_872 = tpu.memref_slice %arg10[%dma_wait3A_868, %dma_wait3A_870, %dma_wait3A_871] : memref<2x80x144xf32, #tpu.memory_space<vmem>> -> memref<1x80x144xf32, #tpu.memory_space<vmem>>
    %dma_wait3A_873 = tpu.memref_squeeze %dma_wait3A_872 : memref<1x80x144xf32, #tpu.memory_space<vmem>> -> memref<80x144xf32, #tpu.memory_space<vmem>>
    %dma_wait3A_874 = arith.constant 0 : i32
    %dma_wait3A_875 = tpu.memref_slice %arg6[%add3A_867, %dma_wait3A_874] : memref<20480x144xf32, #tpu.memory_space<hbm>> -> memref<80x144xf32, #tpu.memory_space<hbm>>
    %dma_wait3A_876 = tpu.memref_slice %arg15[%dma_wait3A_869] : memref<2x!tpu.dma_semaphore, #tpu.memory_space<semaphore_mem>> -> memref<1x!tpu.dma_semaphore, #tpu.memory_space<semaphore_mem>>
    %dma_wait3A_877 = tpu.memref_squeeze %dma_wait3A_876 : memref<1x!tpu.dma_semaphore, #tpu.memory_space<semaphore_mem>> -> memref<!tpu.dma_semaphore, #tpu.memory_space<semaphore_mem>>
    %dma_wait3A_878 = arith.constant 0 : i32
    %dma_wait3A_879 = tpu.memref_slice %arg6[%add3A_867, %dma_wait3A_878] : memref<20480x144xf32, #tpu.memory_space<hbm>> -> memref<80x144xf32, #tpu.memory_space<hbm>>
    %dma_wait3A_880 = arith.constant 0 : i32
    %dma_wait3A_881 = arith.constant 0 : i32
    %dma_wait3A_882 = tpu.memref_slice %arg10[%dma_wait3A_868, %dma_wait3A_880, %dma_wait3A_881] : memref<2x80x144xf32, #tpu.memory_space<vmem>> -> memref<1x80x144xf32, #tpu.memory_space<vmem>>
    %dma_wait3A_883 = tpu.memref_squeeze %dma_wait3A_882 : memref<1x80x144xf32, #tpu.memory_space<vmem>> -> memref<80x144xf32, #tpu.memory_space<vmem>>
    tpu.wait_dma2 semaphore(%dma_wait3A_877 : memref<!tpu.dma_semaphore, #tpu.memory_space<semaphore_mem>>) src(%dma_wait3A_883 : memref<80x144xf32, #tpu.memory_space<vmem>>) dst(%dma_wait3A_879 : memref<80x144xf32, #tpu.memory_space<hbm>>)
    %add3A_884 = arith.constant 560 : i32
    %add3A_885 = arith.addi %mul3A_9, %add3A_884 : i32
    %dma_start3A_886 = arith.constant 0 : i32
    %dma_start3A_887 = arith.constant 1 : i32
    %dma_start3A_888 = arith.constant 0 : i32
    %dma_start3A_889 = arith.constant 0 : i32
    %dma_start3A_890 = tpu.memref_slice %arg10[%dma_start3A_886, %dma_start3A_888, %dma_start3A_889] : memref<2x80x144xf32, #tpu.memory_space<vmem>> -> memref<1x80x144xf32, #tpu.memory_space<vmem>>
    %dma_start3A_891 = tpu.memref_squeeze %dma_start3A_890 : memref<1x80x144xf32, #tpu.memory_space<vmem>> -> memref<80x144xf32, #tpu.memory_space<vmem>>
    %dma_start3A_892 = arith.constant 0 : i32
    %dma_start3A_893 = tpu.memref_slice %arg12[%add3A_885, %dma_start3A_892] : memref<10240x144xf32, #tpu.memory_space<vmem_shared>> -> memref<80x144xf32, #tpu.memory_space<vmem_shared>>
    %dma_start3A_894 = tpu.memref_slice %arg14[%dma_start3A_887] : memref<2x!tpu.dma_semaphore, #tpu.memory_space<semaphore_mem>> -> memref<1x!tpu.dma_semaphore, #tpu.memory_space<semaphore_mem>>
    %dma_start3A_895 = tpu.memref_squeeze %dma_start3A_894 : memref<1x!tpu.dma_semaphore, #tpu.memory_space<semaphore_mem>> -> memref<!tpu.dma_semaphore, #tpu.memory_space<semaphore_mem>>
    %dma_start3A_896 = arith.constant 0 : i32
    %dma_start3A_897 = arith.constant 0 : i32
    %dma_start3A_898 = tpu.memref_slice %arg10[%dma_start3A_886, %dma_start3A_896, %dma_start3A_897] : memref<2x80x144xf32, #tpu.memory_space<vmem>> -> memref<1x80x144xf32, #tpu.memory_space<vmem>>
    %dma_start3A_899 = tpu.memref_squeeze %dma_start3A_898 : memref<1x80x144xf32, #tpu.memory_space<vmem>> -> memref<80x144xf32, #tpu.memory_space<vmem>>
    %dma_start3A_900 = arith.constant 0 : i32
    %dma_start3A_901 = tpu.memref_slice %arg12[%add3A_885, %dma_start3A_900] : memref<10240x144xf32, #tpu.memory_space<vmem_shared>> -> memref<80x144xf32, #tpu.memory_space<vmem_shared>>
    tpu.enqueue_dma source(%dma_start3A_901 : memref<80x144xf32, #tpu.memory_space<vmem_shared>>) target(%dma_start3A_899 : memref<80x144xf32, #tpu.memory_space<vmem>>) target_semaphore(%dma_start3A_895 : memref<!tpu.dma_semaphore, #tpu.memory_space<semaphore_mem>>)
    %add3A_902 = arith.constant 480 : i32
    %add3A_903 = arith.addi %mul3A_9, %add3A_902 : i32
    %dma_wait3A_904 = arith.constant 0 : i32
    %dma_wait3A_905 = arith.constant 0 : i32
    %dma_wait3A_906 = arith.constant 0 : i32
    %dma_wait3A_907 = arith.constant 0 : i32
    %dma_wait3A_908 = tpu.memref_slice %arg11[%dma_wait3A_904, %dma_wait3A_906, %dma_wait3A_907] : memref<1x80x144xf32, #tpu.memory_space<vmem>> -> memref<1x80x144xf32, #tpu.memory_space<vmem>>
    %dma_wait3A_909 = tpu.memref_squeeze %dma_wait3A_908 : memref<1x80x144xf32, #tpu.memory_space<vmem>> -> memref<80x144xf32, #tpu.memory_space<vmem>>
    %dma_wait3A_910 = arith.constant 0 : i32
    %dma_wait3A_911 = tpu.memref_slice %arg12[%add3A_903, %dma_wait3A_910] : memref<10240x144xf32, #tpu.memory_space<vmem_shared>> -> memref<80x144xf32, #tpu.memory_space<vmem_shared>>
    %dma_wait3A_912 = tpu.memref_slice %arg14[%dma_wait3A_905] : memref<2x!tpu.dma_semaphore, #tpu.memory_space<semaphore_mem>> -> memref<1x!tpu.dma_semaphore, #tpu.memory_space<semaphore_mem>>
    %dma_wait3A_913 = tpu.memref_squeeze %dma_wait3A_912 : memref<1x!tpu.dma_semaphore, #tpu.memory_space<semaphore_mem>> -> memref<!tpu.dma_semaphore, #tpu.memory_space<semaphore_mem>>
    %dma_wait3A_914 = arith.constant 0 : i32
    %dma_wait3A_915 = arith.constant 0 : i32
    %dma_wait3A_916 = tpu.memref_slice %arg11[%dma_wait3A_904, %dma_wait3A_914, %dma_wait3A_915] : memref<1x80x144xf32, #tpu.memory_space<vmem>> -> memref<1x80x144xf32, #tpu.memory_space<vmem>>
    %dma_wait3A_917 = tpu.memref_squeeze %dma_wait3A_916 : memref<1x80x144xf32, #tpu.memory_space<vmem>> -> memref<80x144xf32, #tpu.memory_space<vmem>>
    %dma_wait3A_918 = arith.constant 0 : i32
    %dma_wait3A_919 = tpu.memref_slice %arg12[%add3A_903, %dma_wait3A_918] : memref<10240x144xf32, #tpu.memory_space<vmem_shared>> -> memref<80x144xf32, #tpu.memory_space<vmem_shared>>
    tpu.wait_dma2 semaphore(%dma_wait3A_913 : memref<!tpu.dma_semaphore, #tpu.memory_space<semaphore_mem>>) src(%dma_wait3A_919 : memref<80x144xf32, #tpu.memory_space<vmem_shared>>) dst(%dma_wait3A_917 : memref<80x144xf32, #tpu.memory_space<vmem>>)
    %add3A_920 = arith.constant 480 : i32
    %add3A_921 = arith.addi %add3A_435, %add3A_920 : i32
    %dma_start3A_922 = arith.constant 0 : i32
    %dma_start3A_923 = arith.constant 0 : i32
    %dma_start3A_924 = arith.constant 0 : i32
    %dma_start3A_925 = arith.constant 0 : i32
    %dma_start3A_926 = tpu.memref_slice %arg11[%dma_start3A_922, %dma_start3A_924, %dma_start3A_925] : memref<1x80x144xf32, #tpu.memory_space<vmem>> -> memref<1x80x144xf32, #tpu.memory_space<vmem>>
    %dma_start3A_927 = tpu.memref_squeeze %dma_start3A_926 : memref<1x80x144xf32, #tpu.memory_space<vmem>> -> memref<80x144xf32, #tpu.memory_space<vmem>>
    %dma_start3A_928 = arith.constant 0 : i32
    %dma_start3A_929 = tpu.memref_slice %arg6[%add3A_921, %dma_start3A_928] : memref<20480x144xf32, #tpu.memory_space<hbm>> -> memref<80x144xf32, #tpu.memory_space<hbm>>
    %dma_start3A_930 = tpu.memref_slice %arg15[%dma_start3A_923] : memref<2x!tpu.dma_semaphore, #tpu.memory_space<semaphore_mem>> -> memref<1x!tpu.dma_semaphore, #tpu.memory_space<semaphore_mem>>
    %dma_start3A_931 = tpu.memref_squeeze %dma_start3A_930 : memref<1x!tpu.dma_semaphore, #tpu.memory_space<semaphore_mem>> -> memref<!tpu.dma_semaphore, #tpu.memory_space<semaphore_mem>>
    %dma_start3A_932 = arith.constant 0 : i32
    %dma_start3A_933 = tpu.memref_slice %arg6[%add3A_921, %dma_start3A_932] : memref<20480x144xf32, #tpu.memory_space<hbm>> -> memref<80x144xf32, #tpu.memory_space<hbm>>
    %dma_start3A_934 = arith.constant 0 : i32
    %dma_start3A_935 = arith.constant 0 : i32
    %dma_start3A_936 = tpu.memref_slice %arg11[%dma_start3A_922, %dma_start3A_934, %dma_start3A_935] : memref<1x80x144xf32, #tpu.memory_space<vmem>> -> memref<1x80x144xf32, #tpu.memory_space<vmem>>
    %dma_start3A_937 = tpu.memref_squeeze %dma_start3A_936 : memref<1x80x144xf32, #tpu.memory_space<vmem>> -> memref<80x144xf32, #tpu.memory_space<vmem>>
    tpu.enqueue_dma source(%dma_start3A_937 : memref<80x144xf32, #tpu.memory_space<vmem>>) target(%dma_start3A_933 : memref<80x144xf32, #tpu.memory_space<hbm>>) target_semaphore(%dma_start3A_931 : memref<!tpu.dma_semaphore, #tpu.memory_space<semaphore_mem>>)
    %add3A_938 = arith.constant 560 : i32
    %add3A_939 = arith.addi %mul3A_9, %add3A_938 : i32
    %dma_wait3A_940 = arith.constant 0 : i32
    %dma_wait3A_941 = arith.constant 1 : i32
    %dma_wait3A_942 = arith.constant 0 : i32
    %dma_wait3A_943 = arith.constant 0 : i32
    %dma_wait3A_944 = tpu.memref_slice %arg10[%dma_wait3A_940, %dma_wait3A_942, %dma_wait3A_943] : memref<2x80x144xf32, #tpu.memory_space<vmem>> -> memref<1x80x144xf32, #tpu.memory_space<vmem>>
    %dma_wait3A_945 = tpu.memref_squeeze %dma_wait3A_944 : memref<1x80x144xf32, #tpu.memory_space<vmem>> -> memref<80x144xf32, #tpu.memory_space<vmem>>
    %dma_wait3A_946 = arith.constant 0 : i32
    %dma_wait3A_947 = tpu.memref_slice %arg12[%add3A_939, %dma_wait3A_946] : memref<10240x144xf32, #tpu.memory_space<vmem_shared>> -> memref<80x144xf32, #tpu.memory_space<vmem_shared>>
    %dma_wait3A_948 = tpu.memref_slice %arg14[%dma_wait3A_941] : memref<2x!tpu.dma_semaphore, #tpu.memory_space<semaphore_mem>> -> memref<1x!tpu.dma_semaphore, #tpu.memory_space<semaphore_mem>>
    %dma_wait3A_949 = tpu.memref_squeeze %dma_wait3A_948 : memref<1x!tpu.dma_semaphore, #tpu.memory_space<semaphore_mem>> -> memref<!tpu.dma_semaphore, #tpu.memory_space<semaphore_mem>>
    %dma_wait3A_950 = arith.constant 0 : i32
    %dma_wait3A_951 = arith.constant 0 : i32
    %dma_wait3A_952 = tpu.memref_slice %arg10[%dma_wait3A_940, %dma_wait3A_950, %dma_wait3A_951] : memref<2x80x144xf32, #tpu.memory_space<vmem>> -> memref<1x80x144xf32, #tpu.memory_space<vmem>>
    %dma_wait3A_953 = tpu.memref_squeeze %dma_wait3A_952 : memref<1x80x144xf32, #tpu.memory_space<vmem>> -> memref<80x144xf32, #tpu.memory_space<vmem>>
    %dma_wait3A_954 = arith.constant 0 : i32
    %dma_wait3A_955 = tpu.memref_slice %arg12[%add3A_939, %dma_wait3A_954] : memref<10240x144xf32, #tpu.memory_space<vmem_shared>> -> memref<80x144xf32, #tpu.memory_space<vmem_shared>>
    tpu.wait_dma2 semaphore(%dma_wait3A_949 : memref<!tpu.dma_semaphore, #tpu.memory_space<semaphore_mem>>) src(%dma_wait3A_955 : memref<80x144xf32, #tpu.memory_space<vmem_shared>>) dst(%dma_wait3A_953 : memref<80x144xf32, #tpu.memory_space<vmem>>)
    %add3A_956 = arith.constant 560 : i32
    %add3A_957 = arith.addi %add3A_435, %add3A_956 : i32
    %dma_start3A_958 = arith.constant 0 : i32
    %dma_start3A_959 = arith.constant 1 : i32
    %dma_start3A_960 = arith.constant 0 : i32
    %dma_start3A_961 = arith.constant 0 : i32
    %dma_start3A_962 = tpu.memref_slice %arg10[%dma_start3A_958, %dma_start3A_960, %dma_start3A_961] : memref<2x80x144xf32, #tpu.memory_space<vmem>> -> memref<1x80x144xf32, #tpu.memory_space<vmem>>
    %dma_start3A_963 = tpu.memref_squeeze %dma_start3A_962 : memref<1x80x144xf32, #tpu.memory_space<vmem>> -> memref<80x144xf32, #tpu.memory_space<vmem>>
    %dma_start3A_964 = arith.constant 0 : i32
    %dma_start3A_965 = tpu.memref_slice %arg6[%add3A_957, %dma_start3A_964] : memref<20480x144xf32, #tpu.memory_space<hbm>> -> memref<80x144xf32, #tpu.memory_space<hbm>>
    %dma_start3A_966 = tpu.memref_slice %arg15[%dma_start3A_959] : memref<2x!tpu.dma_semaphore, #tpu.memory_space<semaphore_mem>> -> memref<1x!tpu.dma_semaphore, #tpu.memory_space<semaphore_mem>>
    %dma_start3A_967 = tpu.memref_squeeze %dma_start3A_966 : memref<1x!tpu.dma_semaphore, #tpu.memory_space<semaphore_mem>> -> memref<!tpu.dma_semaphore, #tpu.memory_space<semaphore_mem>>
    %dma_start3A_968 = arith.constant 0 : i32
    %dma_start3A_969 = tpu.memref_slice %arg6[%add3A_957, %dma_start3A_968] : memref<20480x144xf32, #tpu.memory_space<hbm>> -> memref<80x144xf32, #tpu.memory_space<hbm>>
    %dma_start3A_970 = arith.constant 0 : i32
    %dma_start3A_971 = arith.constant 0 : i32
    %dma_start3A_972 = tpu.memref_slice %arg10[%dma_start3A_958, %dma_start3A_970, %dma_start3A_971] : memref<2x80x144xf32, #tpu.memory_space<vmem>> -> memref<1x80x144xf32, #tpu.memory_space<vmem>>
    %dma_start3A_973 = tpu.memref_squeeze %dma_start3A_972 : memref<1x80x144xf32, #tpu.memory_space<vmem>> -> memref<80x144xf32, #tpu.memory_space<vmem>>
    tpu.enqueue_dma source(%dma_start3A_973 : memref<80x144xf32, #tpu.memory_space<vmem>>) target(%dma_start3A_969 : memref<80x144xf32, #tpu.memory_space<hbm>>) target_semaphore(%dma_start3A_967 : memref<!tpu.dma_semaphore, #tpu.memory_space<semaphore_mem>>)
    %add3A_974 = arith.constant 480 : i32
    %add3A_975 = arith.addi %add3A_435, %add3A_974 : i32
    %dma_wait3A_976 = arith.constant 0 : i32
    %dma_wait3A_977 = arith.constant 0 : i32
    %dma_wait3A_978 = arith.constant 0 : i32
    %dma_wait3A_979 = arith.constant 0 : i32
    %dma_wait3A_980 = tpu.memref_slice %arg11[%dma_wait3A_976, %dma_wait3A_978, %dma_wait3A_979] : memref<1x80x144xf32, #tpu.memory_space<vmem>> -> memref<1x80x144xf32, #tpu.memory_space<vmem>>
    %dma_wait3A_981 = tpu.memref_squeeze %dma_wait3A_980 : memref<1x80x144xf32, #tpu.memory_space<vmem>> -> memref<80x144xf32, #tpu.memory_space<vmem>>
    %dma_wait3A_982 = arith.constant 0 : i32
    %dma_wait3A_983 = tpu.memref_slice %arg6[%add3A_975, %dma_wait3A_982] : memref<20480x144xf32, #tpu.memory_space<hbm>> -> memref<80x144xf32, #tpu.memory_space<hbm>>
    %dma_wait3A_984 = tpu.memref_slice %arg15[%dma_wait3A_977] : memref<2x!tpu.dma_semaphore, #tpu.memory_space<semaphore_mem>> -> memref<1x!tpu.dma_semaphore, #tpu.memory_space<semaphore_mem>>
    %dma_wait3A_985 = tpu.memref_squeeze %dma_wait3A_984 : memref<1x!tpu.dma_semaphore, #tpu.memory_space<semaphore_mem>> -> memref<!tpu.dma_semaphore, #tpu.memory_space<semaphore_mem>>
    %dma_wait3A_986 = arith.constant 0 : i32
    %dma_wait3A_987 = tpu.memref_slice %arg6[%add3A_975, %dma_wait3A_986] : memref<20480x144xf32, #tpu.memory_space<hbm>> -> memref<80x144xf32, #tpu.memory_space<hbm>>
    %dma_wait3A_988 = arith.constant 0 : i32
    %dma_wait3A_989 = arith.constant 0 : i32
    %dma_wait3A_990 = tpu.memref_slice %arg11[%dma_wait3A_976, %dma_wait3A_988, %dma_wait3A_989] : memref<1x80x144xf32, #tpu.memory_space<vmem>> -> memref<1x80x144xf32, #tpu.memory_space<vmem>>
    %dma_wait3A_991 = tpu.memref_squeeze %dma_wait3A_990 : memref<1x80x144xf32, #tpu.memory_space<vmem>> -> memref<80x144xf32, #tpu.memory_space<vmem>>
    tpu.wait_dma2 semaphore(%dma_wait3A_985 : memref<!tpu.dma_semaphore, #tpu.memory_space<semaphore_mem>>) src(%dma_wait3A_991 : memref<80x144xf32, #tpu.memory_space<vmem>>) dst(%dma_wait3A_987 : memref<80x144xf32, #tpu.memory_space<hbm>>)
    %add3A_992 = arith.constant 560 : i32
    %add3A_993 = arith.addi %add3A_435, %add3A_992 : i32
    %dma_wait3A_994 = arith.constant 0 : i32
    %dma_wait3A_995 = arith.constant 1 : i32
    %dma_wait3A_996 = arith.constant 0 : i32
    %dma_wait3A_997 = arith.constant 0 : i32
    %dma_wait3A_998 = tpu.memref_slice %arg10[%dma_wait3A_994, %dma_wait3A_996, %dma_wait3A_997] : memref<2x80x144xf32, #tpu.memory_space<vmem>> -> memref<1x80x144xf32, #tpu.memory_space<vmem>>
    %dma_wait3A_999 = tpu.memref_squeeze %dma_wait3A_998 : memref<1x80x144xf32, #tpu.memory_space<vmem>> -> memref<80x144xf32, #tpu.memory_space<vmem>>
    %dma_wait3A_1000 = arith.constant 0 : i32
    %dma_wait3A_1001 = tpu.memref_slice %arg6[%add3A_993, %dma_wait3A_1000] : memref<20480x144xf32, #tpu.memory_space<hbm>> -> memref<80x144xf32, #tpu.memory_space<hbm>>
    %dma_wait3A_1002 = tpu.memref_slice %arg15[%dma_wait3A_995] : memref<2x!tpu.dma_semaphore, #tpu.memory_space<semaphore_mem>> -> memref<1x!tpu.dma_semaphore, #tpu.memory_space<semaphore_mem>>
    %dma_wait3A_1003 = tpu.memref_squeeze %dma_wait3A_1002 : memref<1x!tpu.dma_semaphore, #tpu.memory_space<semaphore_mem>> -> memref<!tpu.dma_semaphore, #tpu.memory_space<semaphore_mem>>
    %dma_wait3A_1004 = arith.constant 0 : i32
    %dma_wait3A_1005 = tpu.memref_slice %arg6[%add3A_993, %dma_wait3A_1004] : memref<20480x144xf32, #tpu.memory_space<hbm>> -> memref<80x144xf32, #tpu.memory_space<hbm>>
    %dma_wait3A_1006 = arith.constant 0 : i32
    %dma_wait3A_1007 = arith.constant 0 : i32
    %dma_wait3A_1008 = tpu.memref_slice %arg10[%dma_wait3A_994, %dma_wait3A_1006, %dma_wait3A_1007] : memref<2x80x144xf32, #tpu.memory_space<vmem>> -> memref<1x80x144xf32, #tpu.memory_space<vmem>>
    %dma_wait3A_1009 = tpu.memref_squeeze %dma_wait3A_1008 : memref<1x80x144xf32, #tpu.memory_space<vmem>> -> memref<80x144xf32, #tpu.memory_space<vmem>>
    tpu.wait_dma2 semaphore(%dma_wait3A_1003 : memref<!tpu.dma_semaphore, #tpu.memory_space<semaphore_mem>>) src(%dma_wait3A_1009 : memref<80x144xf32, #tpu.memory_space<vmem>>) dst(%dma_wait3A_1005 : memref<80x144xf32, #tpu.memory_space<hbm>>)
    return
  }
}

#map = affine_map<(d0, d1) -> (0)>
#map1 = affine_map<(d0, d1) -> (0, 0)>
module attributes {stable_mosaic.version = 14 : i64} {
  func.func @edge_kernel(%arg0: i32, %arg1: i32, %arg2: memref<320000xi32, #tpu.memory_space<hbm>>, %arg3: memref<320000xi32, #tpu.memory_space<hbm>>, %arg4: memref<10240x80xf32, #tpu.memory_space<hbm>>, %arg5: memref<10240x16xf32, #tpu.memory_space<hbm>>, %arg6: memref<20480x80xf32, #tpu.memory_space<hbm>>, %arg7: memref<4x80xi32, #tpu.memory_space<vmem>>, %arg8: memref<4x80xi32, #tpu.memory_space<vmem>>, %arg9: memref<2x80x16xf32, #tpu.memory_space<vmem>>, %arg10: memref<2x80x80xf32, #tpu.memory_space<vmem>>, %arg11: memref<2x80x80xf32, #tpu.memory_space<vmem>>, %arg12: memref<10240x80xf32, #tpu.memory_space<vmem_shared>>, %arg13: memref<4x!tpu.dma_semaphore, #tpu.memory_space<semaphore_mem>>, %arg14: memref<2x!tpu.dma_semaphore, #tpu.memory_space<semaphore_mem>>, %arg15: memref<2x!tpu.dma_semaphore, #tpu.memory_space<semaphore_mem>>) attributes {dimension_semantics = [#tpu.dimension_semantics<core_parallel>, #tpu.dimension_semantics<subcore_parallel>], iteration_bounds = array<i64: 2, 16>, scalar_prefetch = 0 : i64, scratch_operands = 9 : i64, tpu.core_type = #tpu.core_type<sc_vector_subcore>, window_params = [{transform_indices = #map}, {transform_indices = #map}, {transform_indices = #map1}, {transform_indices = #map1}, {transform_indices = #map1}]} {
    %mul3A = arith.constant 16 : i32
    %mul3A_0 = arith.muli %arg0, %mul3A : i32
    %add3A = arith.addi %mul3A_0, %arg1 : i32
    %broadcast_in_dim3A = arith.constant 0.000000e+00 : f32
    %broadcast_in_dim3A_1 = vector.broadcast %broadcast_in_dim3A : f32 to vector<16xf32>
    %scan3A = arith.constant 0 : i32
    %scan3A_2 = arith.constant 0 : i32
    %scan3A_3 = arith.constant 80 : i32
    %scan3A_4 = arith.addi %scan3A_2, %scan3A_3 : i32
    %scan3A_5 = arith.constant 1 : i32
    %scan3A_6 = scf.for %scan3A_1025 = %scan3A_2 to %scan3A_4 step %scan3A_5 iter_args(%scan3A_1026 = %scan3A) -> (i32)  : i32 {
      %swap3A = arith.constant 0 : i32
      %swap3A_1027 = arith.index_cast %swap3A : i32 to index
      %swap3A_1028 = arith.index_cast %scan3A_1025 : i32 to index
      %swap3A_1029 = arith.constant 0 : index
      %swap3A_1030 = tpu.vector_load %arg11[%swap3A_1027, %swap3A_1028, %swap3A_1029] {strides = array<i32>} : memref<2x80x80xf32, #tpu.memory_space<vmem>>, vector<1x1x16xf32>,
      %swap3A_1031 = vector.shape_cast %swap3A_1030 : vector<1x1x16xf32> to vector<16xf32>
      %swap3A_1032 = vector.shape_cast %broadcast_in_dim3A_1 : vector<16xf32> to vector<1x1x16xf32>
      tpu.vector_store %arg11[%swap3A_1027, %swap3A_1028, %swap3A_1029], %swap3A_1032 {strides = array<i32>} : memref<2x80x80xf32, #tpu.memory_space<vmem>>, vector<1x1x16xf32>,
      %swap3A_1033 = arith.constant 0 : i32
      %swap3A_1034 = arith.index_cast %swap3A_1033 : i32 to index
      %swap3A_1035 = arith.index_cast %scan3A_1025 : i32 to index
      %swap3A_1036 = arith.constant 16 : index
      %swap3A_1037 = tpu.vector_load %arg11[%swap3A_1034, %swap3A_1035, %swap3A_1036] {strides = array<i32>} : memref<2x80x80xf32, #tpu.memory_space<vmem>>, vector<1x1x16xf32>,
      %swap3A_1038 = vector.shape_cast %swap3A_1037 : vector<1x1x16xf32> to vector<16xf32>
      %swap3A_1039 = vector.shape_cast %broadcast_in_dim3A_1 : vector<16xf32> to vector<1x1x16xf32>
      tpu.vector_store %arg11[%swap3A_1034, %swap3A_1035, %swap3A_1036], %swap3A_1039 {strides = array<i32>} : memref<2x80x80xf32, #tpu.memory_space<vmem>>, vector<1x1x16xf32>,
      %swap3A_1040 = arith.constant 0 : i32
      %swap3A_1041 = arith.index_cast %swap3A_1040 : i32 to index
      %swap3A_1042 = arith.index_cast %scan3A_1025 : i32 to index
      %swap3A_1043 = arith.constant 32 : index
      %swap3A_1044 = tpu.vector_load %arg11[%swap3A_1041, %swap3A_1042, %swap3A_1043] {strides = array<i32>} : memref<2x80x80xf32, #tpu.memory_space<vmem>>, vector<1x1x16xf32>,
      %swap3A_1045 = vector.shape_cast %swap3A_1044 : vector<1x1x16xf32> to vector<16xf32>
      %swap3A_1046 = vector.shape_cast %broadcast_in_dim3A_1 : vector<16xf32> to vector<1x1x16xf32>
      tpu.vector_store %arg11[%swap3A_1041, %swap3A_1042, %swap3A_1043], %swap3A_1046 {strides = array<i32>} : memref<2x80x80xf32, #tpu.memory_space<vmem>>, vector<1x1x16xf32>,
      %swap3A_1047 = arith.constant 0 : i32
      %swap3A_1048 = arith.index_cast %swap3A_1047 : i32 to index
      %swap3A_1049 = arith.index_cast %scan3A_1025 : i32 to index
      %swap3A_1050 = arith.constant 48 : index
      %swap3A_1051 = tpu.vector_load %arg11[%swap3A_1048, %swap3A_1049, %swap3A_1050] {strides = array<i32>} : memref<2x80x80xf32, #tpu.memory_space<vmem>>, vector<1x1x16xf32>,
      %swap3A_1052 = vector.shape_cast %swap3A_1051 : vector<1x1x16xf32> to vector<16xf32>
      %swap3A_1053 = vector.shape_cast %broadcast_in_dim3A_1 : vector<16xf32> to vector<1x1x16xf32>
      tpu.vector_store %arg11[%swap3A_1048, %swap3A_1049, %swap3A_1050], %swap3A_1053 {strides = array<i32>} : memref<2x80x80xf32, #tpu.memory_space<vmem>>, vector<1x1x16xf32>,
      %swap3A_1054 = arith.constant 0 : i32
      %swap3A_1055 = arith.index_cast %swap3A_1054 : i32 to index
      %swap3A_1056 = arith.index_cast %scan3A_1025 : i32 to index
      %swap3A_1057 = arith.constant 64 : index
      %swap3A_1058 = tpu.vector_load %arg11[%swap3A_1055, %swap3A_1056, %swap3A_1057] {strides = array<i32>} : memref<2x80x80xf32, #tpu.memory_space<vmem>>, vector<1x1x16xf32>,
      %swap3A_1059 = vector.shape_cast %swap3A_1058 : vector<1x1x16xf32> to vector<16xf32>
      %swap3A_1060 = vector.shape_cast %broadcast_in_dim3A_1 : vector<16xf32> to vector<1x1x16xf32>
      tpu.vector_store %arg11[%swap3A_1055, %swap3A_1056, %swap3A_1057], %swap3A_1060 {strides = array<i32>} : memref<2x80x80xf32, #tpu.memory_space<vmem>>, vector<1x1x16xf32>,
      %scan3A_1061 = arith.constant 0 : i32
      scf.yield %scan3A_1061 : i32
    }
    %scan3A_7 = arith.constant 80 : i32
    %mul3A_8 = arith.constant 640 : i32
    %mul3A_9 = arith.muli %arg1, %mul3A_8 : i32
    %add3A_10 = arith.constant 0 : i32
    %add3A_11 = arith.addi %mul3A_9, %add3A_10 : i32
    %dma_start3A = arith.constant 0 : i32
    %dma_start3A_12 = arith.constant 0 : i32
    %dma_start3A_13 = arith.constant 0 : i32
    %dma_start3A_14 = arith.constant 0 : i32
    %dma_start3A_15 = tpu.memref_slice %arg11[%dma_start3A, %dma_start3A_13, %dma_start3A_14] : memref<2x80x80xf32, #tpu.memory_space<vmem>> -> memref<1x80x80xf32, #tpu.memory_space<vmem>>
    %dma_start3A_16 = tpu.memref_squeeze %dma_start3A_15 : memref<1x80x80xf32, #tpu.memory_space<vmem>> -> memref<80x80xf32, #tpu.memory_space<vmem>>
    %dma_start3A_17 = arith.constant 0 : i32
    %dma_start3A_18 = tpu.memref_slice %arg12[%add3A_11, %dma_start3A_17] : memref<10240x80xf32, #tpu.memory_space<vmem_shared>> -> memref<80x80xf32, #tpu.memory_space<vmem_shared>>
    %dma_start3A_19 = tpu.memref_slice %arg14[%dma_start3A_12] : memref<2x!tpu.dma_semaphore, #tpu.memory_space<semaphore_mem>> -> memref<1x!tpu.dma_semaphore, #tpu.memory_space<semaphore_mem>>
    %dma_start3A_20 = tpu.memref_squeeze %dma_start3A_19 : memref<1x!tpu.dma_semaphore, #tpu.memory_space<semaphore_mem>> -> memref<!tpu.dma_semaphore, #tpu.memory_space<semaphore_mem>>
    %dma_start3A_21 = arith.constant 0 : i32
    %dma_start3A_22 = tpu.memref_slice %arg12[%add3A_11, %dma_start3A_21] : memref<10240x80xf32, #tpu.memory_space<vmem_shared>> -> memref<80x80xf32, #tpu.memory_space<vmem_shared>>
    %dma_start3A_23 = arith.constant 0 : i32
    %dma_start3A_24 = arith.constant 0 : i32
    %dma_start3A_25 = tpu.memref_slice %arg11[%dma_start3A, %dma_start3A_23, %dma_start3A_24] : memref<2x80x80xf32, #tpu.memory_space<vmem>> -> memref<1x80x80xf32, #tpu.memory_space<vmem>>
    %dma_start3A_26 = tpu.memref_squeeze %dma_start3A_25 : memref<1x80x80xf32, #tpu.memory_space<vmem>> -> memref<80x80xf32, #tpu.memory_space<vmem>>
    tpu.enqueue_dma source(%dma_start3A_26 : memref<80x80xf32, #tpu.memory_space<vmem>>) target(%dma_start3A_22 : memref<80x80xf32, #tpu.memory_space<vmem_shared>>) target_semaphore(%dma_start3A_20 : memref<!tpu.dma_semaphore, #tpu.memory_space<semaphore_mem>>)
    %add3A_27 = arith.constant 80 : i32
    %add3A_28 = arith.addi %mul3A_9, %add3A_27 : i32
    %dma_start3A_29 = arith.constant 0 : i32
    %dma_start3A_30 = arith.constant 0 : i32
    %dma_start3A_31 = arith.constant 0 : i32
    %dma_start3A_32 = arith.constant 0 : i32
    %dma_start3A_33 = tpu.memref_slice %arg11[%dma_start3A_29, %dma_start3A_31, %dma_start3A_32] : memref<2x80x80xf32, #tpu.memory_space<vmem>> -> memref<1x80x80xf32, #tpu.memory_space<vmem>>
    %dma_start3A_34 = tpu.memref_squeeze %dma_start3A_33 : memref<1x80x80xf32, #tpu.memory_space<vmem>> -> memref<80x80xf32, #tpu.memory_space<vmem>>
    %dma_start3A_35 = arith.constant 0 : i32
    %dma_start3A_36 = tpu.memref_slice %arg12[%add3A_28, %dma_start3A_35] : memref<10240x80xf32, #tpu.memory_space<vmem_shared>> -> memref<80x80xf32, #tpu.memory_space<vmem_shared>>
    %dma_start3A_37 = tpu.memref_slice %arg14[%dma_start3A_30] : memref<2x!tpu.dma_semaphore, #tpu.memory_space<semaphore_mem>> -> memref<1x!tpu.dma_semaphore, #tpu.memory_space<semaphore_mem>>
    %dma_start3A_38 = tpu.memref_squeeze %dma_start3A_37 : memref<1x!tpu.dma_semaphore, #tpu.memory_space<semaphore_mem>> -> memref<!tpu.dma_semaphore, #tpu.memory_space<semaphore_mem>>
    %dma_start3A_39 = arith.constant 0 : i32
    %dma_start3A_40 = tpu.memref_slice %arg12[%add3A_28, %dma_start3A_39] : memref<10240x80xf32, #tpu.memory_space<vmem_shared>> -> memref<80x80xf32, #tpu.memory_space<vmem_shared>>
    %dma_start3A_41 = arith.constant 0 : i32
    %dma_start3A_42 = arith.constant 0 : i32
    %dma_start3A_43 = tpu.memref_slice %arg11[%dma_start3A_29, %dma_start3A_41, %dma_start3A_42] : memref<2x80x80xf32, #tpu.memory_space<vmem>> -> memref<1x80x80xf32, #tpu.memory_space<vmem>>
    %dma_start3A_44 = tpu.memref_squeeze %dma_start3A_43 : memref<1x80x80xf32, #tpu.memory_space<vmem>> -> memref<80x80xf32, #tpu.memory_space<vmem>>
    tpu.enqueue_dma source(%dma_start3A_44 : memref<80x80xf32, #tpu.memory_space<vmem>>) target(%dma_start3A_40 : memref<80x80xf32, #tpu.memory_space<vmem_shared>>) target_semaphore(%dma_start3A_38 : memref<!tpu.dma_semaphore, #tpu.memory_space<semaphore_mem>>)
    %add3A_45 = arith.constant 160 : i32
    %add3A_46 = arith.addi %mul3A_9, %add3A_45 : i32
    %dma_start3A_47 = arith.constant 0 : i32
    %dma_start3A_48 = arith.constant 0 : i32
    %dma_start3A_49 = arith.constant 0 : i32
    %dma_start3A_50 = arith.constant 0 : i32
    %dma_start3A_51 = tpu.memref_slice %arg11[%dma_start3A_47, %dma_start3A_49, %dma_start3A_50] : memref<2x80x80xf32, #tpu.memory_space<vmem>> -> memref<1x80x80xf32, #tpu.memory_space<vmem>>
    %dma_start3A_52 = tpu.memref_squeeze %dma_start3A_51 : memref<1x80x80xf32, #tpu.memory_space<vmem>> -> memref<80x80xf32, #tpu.memory_space<vmem>>
    %dma_start3A_53 = arith.constant 0 : i32
    %dma_start3A_54 = tpu.memref_slice %arg12[%add3A_46, %dma_start3A_53] : memref<10240x80xf32, #tpu.memory_space<vmem_shared>> -> memref<80x80xf32, #tpu.memory_space<vmem_shared>>
    %dma_start3A_55 = tpu.memref_slice %arg14[%dma_start3A_48] : memref<2x!tpu.dma_semaphore, #tpu.memory_space<semaphore_mem>> -> memref<1x!tpu.dma_semaphore, #tpu.memory_space<semaphore_mem>>
    %dma_start3A_56 = tpu.memref_squeeze %dma_start3A_55 : memref<1x!tpu.dma_semaphore, #tpu.memory_space<semaphore_mem>> -> memref<!tpu.dma_semaphore, #tpu.memory_space<semaphore_mem>>
    %dma_start3A_57 = arith.constant 0 : i32
    %dma_start3A_58 = tpu.memref_slice %arg12[%add3A_46, %dma_start3A_57] : memref<10240x80xf32, #tpu.memory_space<vmem_shared>> -> memref<80x80xf32, #tpu.memory_space<vmem_shared>>
    %dma_start3A_59 = arith.constant 0 : i32
    %dma_start3A_60 = arith.constant 0 : i32
    %dma_start3A_61 = tpu.memref_slice %arg11[%dma_start3A_47, %dma_start3A_59, %dma_start3A_60] : memref<2x80x80xf32, #tpu.memory_space<vmem>> -> memref<1x80x80xf32, #tpu.memory_space<vmem>>
    %dma_start3A_62 = tpu.memref_squeeze %dma_start3A_61 : memref<1x80x80xf32, #tpu.memory_space<vmem>> -> memref<80x80xf32, #tpu.memory_space<vmem>>
    tpu.enqueue_dma source(%dma_start3A_62 : memref<80x80xf32, #tpu.memory_space<vmem>>) target(%dma_start3A_58 : memref<80x80xf32, #tpu.memory_space<vmem_shared>>) target_semaphore(%dma_start3A_56 : memref<!tpu.dma_semaphore, #tpu.memory_space<semaphore_mem>>)
    %add3A_63 = arith.constant 240 : i32
    %add3A_64 = arith.addi %mul3A_9, %add3A_63 : i32
    %dma_start3A_65 = arith.constant 0 : i32
    %dma_start3A_66 = arith.constant 0 : i32
    %dma_start3A_67 = arith.constant 0 : i32
    %dma_start3A_68 = arith.constant 0 : i32
    %dma_start3A_69 = tpu.memref_slice %arg11[%dma_start3A_65, %dma_start3A_67, %dma_start3A_68] : memref<2x80x80xf32, #tpu.memory_space<vmem>> -> memref<1x80x80xf32, #tpu.memory_space<vmem>>
    %dma_start3A_70 = tpu.memref_squeeze %dma_start3A_69 : memref<1x80x80xf32, #tpu.memory_space<vmem>> -> memref<80x80xf32, #tpu.memory_space<vmem>>
    %dma_start3A_71 = arith.constant 0 : i32
    %dma_start3A_72 = tpu.memref_slice %arg12[%add3A_64, %dma_start3A_71] : memref<10240x80xf32, #tpu.memory_space<vmem_shared>> -> memref<80x80xf32, #tpu.memory_space<vmem_shared>>
    %dma_start3A_73 = tpu.memref_slice %arg14[%dma_start3A_66] : memref<2x!tpu.dma_semaphore, #tpu.memory_space<semaphore_mem>> -> memref<1x!tpu.dma_semaphore, #tpu.memory_space<semaphore_mem>>
    %dma_start3A_74 = tpu.memref_squeeze %dma_start3A_73 : memref<1x!tpu.dma_semaphore, #tpu.memory_space<semaphore_mem>> -> memref<!tpu.dma_semaphore, #tpu.memory_space<semaphore_mem>>
    %dma_start3A_75 = arith.constant 0 : i32
    %dma_start3A_76 = tpu.memref_slice %arg12[%add3A_64, %dma_start3A_75] : memref<10240x80xf32, #tpu.memory_space<vmem_shared>> -> memref<80x80xf32, #tpu.memory_space<vmem_shared>>
    %dma_start3A_77 = arith.constant 0 : i32
    %dma_start3A_78 = arith.constant 0 : i32
    %dma_start3A_79 = tpu.memref_slice %arg11[%dma_start3A_65, %dma_start3A_77, %dma_start3A_78] : memref<2x80x80xf32, #tpu.memory_space<vmem>> -> memref<1x80x80xf32, #tpu.memory_space<vmem>>
    %dma_start3A_80 = tpu.memref_squeeze %dma_start3A_79 : memref<1x80x80xf32, #tpu.memory_space<vmem>> -> memref<80x80xf32, #tpu.memory_space<vmem>>
    tpu.enqueue_dma source(%dma_start3A_80 : memref<80x80xf32, #tpu.memory_space<vmem>>) target(%dma_start3A_76 : memref<80x80xf32, #tpu.memory_space<vmem_shared>>) target_semaphore(%dma_start3A_74 : memref<!tpu.dma_semaphore, #tpu.memory_space<semaphore_mem>>)
    %add3A_81 = arith.constant 320 : i32
    %add3A_82 = arith.addi %mul3A_9, %add3A_81 : i32
    %dma_start3A_83 = arith.constant 0 : i32
    %dma_start3A_84 = arith.constant 0 : i32
    %dma_start3A_85 = arith.constant 0 : i32
    %dma_start3A_86 = arith.constant 0 : i32
    %dma_start3A_87 = tpu.memref_slice %arg11[%dma_start3A_83, %dma_start3A_85, %dma_start3A_86] : memref<2x80x80xf32, #tpu.memory_space<vmem>> -> memref<1x80x80xf32, #tpu.memory_space<vmem>>
    %dma_start3A_88 = tpu.memref_squeeze %dma_start3A_87 : memref<1x80x80xf32, #tpu.memory_space<vmem>> -> memref<80x80xf32, #tpu.memory_space<vmem>>
    %dma_start3A_89 = arith.constant 0 : i32
    %dma_start3A_90 = tpu.memref_slice %arg12[%add3A_82, %dma_start3A_89] : memref<10240x80xf32, #tpu.memory_space<vmem_shared>> -> memref<80x80xf32, #tpu.memory_space<vmem_shared>>
    %dma_start3A_91 = tpu.memref_slice %arg14[%dma_start3A_84] : memref<2x!tpu.dma_semaphore, #tpu.memory_space<semaphore_mem>> -> memref<1x!tpu.dma_semaphore, #tpu.memory_space<semaphore_mem>>
    %dma_start3A_92 = tpu.memref_squeeze %dma_start3A_91 : memref<1x!tpu.dma_semaphore, #tpu.memory_space<semaphore_mem>> -> memref<!tpu.dma_semaphore, #tpu.memory_space<semaphore_mem>>
    %dma_start3A_93 = arith.constant 0 : i32
    %dma_start3A_94 = tpu.memref_slice %arg12[%add3A_82, %dma_start3A_93] : memref<10240x80xf32, #tpu.memory_space<vmem_shared>> -> memref<80x80xf32, #tpu.memory_space<vmem_shared>>
    %dma_start3A_95 = arith.constant 0 : i32
    %dma_start3A_96 = arith.constant 0 : i32
    %dma_start3A_97 = tpu.memref_slice %arg11[%dma_start3A_83, %dma_start3A_95, %dma_start3A_96] : memref<2x80x80xf32, #tpu.memory_space<vmem>> -> memref<1x80x80xf32, #tpu.memory_space<vmem>>
    %dma_start3A_98 = tpu.memref_squeeze %dma_start3A_97 : memref<1x80x80xf32, #tpu.memory_space<vmem>> -> memref<80x80xf32, #tpu.memory_space<vmem>>
    tpu.enqueue_dma source(%dma_start3A_98 : memref<80x80xf32, #tpu.memory_space<vmem>>) target(%dma_start3A_94 : memref<80x80xf32, #tpu.memory_space<vmem_shared>>) target_semaphore(%dma_start3A_92 : memref<!tpu.dma_semaphore, #tpu.memory_space<semaphore_mem>>)
    %add3A_99 = arith.constant 400 : i32
    %add3A_100 = arith.addi %mul3A_9, %add3A_99 : i32
    %dma_start3A_101 = arith.constant 0 : i32
    %dma_start3A_102 = arith.constant 0 : i32
    %dma_start3A_103 = arith.constant 0 : i32
    %dma_start3A_104 = arith.constant 0 : i32
    %dma_start3A_105 = tpu.memref_slice %arg11[%dma_start3A_101, %dma_start3A_103, %dma_start3A_104] : memref<2x80x80xf32, #tpu.memory_space<vmem>> -> memref<1x80x80xf32, #tpu.memory_space<vmem>>
    %dma_start3A_106 = tpu.memref_squeeze %dma_start3A_105 : memref<1x80x80xf32, #tpu.memory_space<vmem>> -> memref<80x80xf32, #tpu.memory_space<vmem>>
    %dma_start3A_107 = arith.constant 0 : i32
    %dma_start3A_108 = tpu.memref_slice %arg12[%add3A_100, %dma_start3A_107] : memref<10240x80xf32, #tpu.memory_space<vmem_shared>> -> memref<80x80xf32, #tpu.memory_space<vmem_shared>>
    %dma_start3A_109 = tpu.memref_slice %arg14[%dma_start3A_102] : memref<2x!tpu.dma_semaphore, #tpu.memory_space<semaphore_mem>> -> memref<1x!tpu.dma_semaphore, #tpu.memory_space<semaphore_mem>>
    %dma_start3A_110 = tpu.memref_squeeze %dma_start3A_109 : memref<1x!tpu.dma_semaphore, #tpu.memory_space<semaphore_mem>> -> memref<!tpu.dma_semaphore, #tpu.memory_space<semaphore_mem>>
    %dma_start3A_111 = arith.constant 0 : i32
    %dma_start3A_112 = tpu.memref_slice %arg12[%add3A_100, %dma_start3A_111] : memref<10240x80xf32, #tpu.memory_space<vmem_shared>> -> memref<80x80xf32, #tpu.memory_space<vmem_shared>>
    %dma_start3A_113 = arith.constant 0 : i32
    %dma_start3A_114 = arith.constant 0 : i32
    %dma_start3A_115 = tpu.memref_slice %arg11[%dma_start3A_101, %dma_start3A_113, %dma_start3A_114] : memref<2x80x80xf32, #tpu.memory_space<vmem>> -> memref<1x80x80xf32, #tpu.memory_space<vmem>>
    %dma_start3A_116 = tpu.memref_squeeze %dma_start3A_115 : memref<1x80x80xf32, #tpu.memory_space<vmem>> -> memref<80x80xf32, #tpu.memory_space<vmem>>
    tpu.enqueue_dma source(%dma_start3A_116 : memref<80x80xf32, #tpu.memory_space<vmem>>) target(%dma_start3A_112 : memref<80x80xf32, #tpu.memory_space<vmem_shared>>) target_semaphore(%dma_start3A_110 : memref<!tpu.dma_semaphore, #tpu.memory_space<semaphore_mem>>)
    %add3A_117 = arith.constant 480 : i32
    %add3A_118 = arith.addi %mul3A_9, %add3A_117 : i32
    %dma_start3A_119 = arith.constant 0 : i32
    %dma_start3A_120 = arith.constant 0 : i32
    %dma_start3A_121 = arith.constant 0 : i32
    %dma_start3A_122 = arith.constant 0 : i32
    %dma_start3A_123 = tpu.memref_slice %arg11[%dma_start3A_119, %dma_start3A_121, %dma_start3A_122] : memref<2x80x80xf32, #tpu.memory_space<vmem>> -> memref<1x80x80xf32, #tpu.memory_space<vmem>>
    %dma_start3A_124 = tpu.memref_squeeze %dma_start3A_123 : memref<1x80x80xf32, #tpu.memory_space<vmem>> -> memref<80x80xf32, #tpu.memory_space<vmem>>
    %dma_start3A_125 = arith.constant 0 : i32
    %dma_start3A_126 = tpu.memref_slice %arg12[%add3A_118, %dma_start3A_125] : memref<10240x80xf32, #tpu.memory_space<vmem_shared>> -> memref<80x80xf32, #tpu.memory_space<vmem_shared>>
    %dma_start3A_127 = tpu.memref_slice %arg14[%dma_start3A_120] : memref<2x!tpu.dma_semaphore, #tpu.memory_space<semaphore_mem>> -> memref<1x!tpu.dma_semaphore, #tpu.memory_space<semaphore_mem>>
    %dma_start3A_128 = tpu.memref_squeeze %dma_start3A_127 : memref<1x!tpu.dma_semaphore, #tpu.memory_space<semaphore_mem>> -> memref<!tpu.dma_semaphore, #tpu.memory_space<semaphore_mem>>
    %dma_start3A_129 = arith.constant 0 : i32
    %dma_start3A_130 = tpu.memref_slice %arg12[%add3A_118, %dma_start3A_129] : memref<10240x80xf32, #tpu.memory_space<vmem_shared>> -> memref<80x80xf32, #tpu.memory_space<vmem_shared>>
    %dma_start3A_131 = arith.constant 0 : i32
    %dma_start3A_132 = arith.constant 0 : i32
    %dma_start3A_133 = tpu.memref_slice %arg11[%dma_start3A_119, %dma_start3A_131, %dma_start3A_132] : memref<2x80x80xf32, #tpu.memory_space<vmem>> -> memref<1x80x80xf32, #tpu.memory_space<vmem>>
    %dma_start3A_134 = tpu.memref_squeeze %dma_start3A_133 : memref<1x80x80xf32, #tpu.memory_space<vmem>> -> memref<80x80xf32, #tpu.memory_space<vmem>>
    tpu.enqueue_dma source(%dma_start3A_134 : memref<80x80xf32, #tpu.memory_space<vmem>>) target(%dma_start3A_130 : memref<80x80xf32, #tpu.memory_space<vmem_shared>>) target_semaphore(%dma_start3A_128 : memref<!tpu.dma_semaphore, #tpu.memory_space<semaphore_mem>>)
    %add3A_135 = arith.constant 560 : i32
    %add3A_136 = arith.addi %mul3A_9, %add3A_135 : i32
    %dma_start3A_137 = arith.constant 0 : i32
    %dma_start3A_138 = arith.constant 0 : i32
    %dma_start3A_139 = arith.constant 0 : i32
    %dma_start3A_140 = arith.constant 0 : i32
    %dma_start3A_141 = tpu.memref_slice %arg11[%dma_start3A_137, %dma_start3A_139, %dma_start3A_140] : memref<2x80x80xf32, #tpu.memory_space<vmem>> -> memref<1x80x80xf32, #tpu.memory_space<vmem>>
    %dma_start3A_142 = tpu.memref_squeeze %dma_start3A_141 : memref<1x80x80xf32, #tpu.memory_space<vmem>> -> memref<80x80xf32, #tpu.memory_space<vmem>>
    %dma_start3A_143 = arith.constant 0 : i32
    %dma_start3A_144 = tpu.memref_slice %arg12[%add3A_136, %dma_start3A_143] : memref<10240x80xf32, #tpu.memory_space<vmem_shared>> -> memref<80x80xf32, #tpu.memory_space<vmem_shared>>
    %dma_start3A_145 = tpu.memref_slice %arg14[%dma_start3A_138] : memref<2x!tpu.dma_semaphore, #tpu.memory_space<semaphore_mem>> -> memref<1x!tpu.dma_semaphore, #tpu.memory_space<semaphore_mem>>
    %dma_start3A_146 = tpu.memref_squeeze %dma_start3A_145 : memref<1x!tpu.dma_semaphore, #tpu.memory_space<semaphore_mem>> -> memref<!tpu.dma_semaphore, #tpu.memory_space<semaphore_mem>>
    %dma_start3A_147 = arith.constant 0 : i32
    %dma_start3A_148 = tpu.memref_slice %arg12[%add3A_136, %dma_start3A_147] : memref<10240x80xf32, #tpu.memory_space<vmem_shared>> -> memref<80x80xf32, #tpu.memory_space<vmem_shared>>
    %dma_start3A_149 = arith.constant 0 : i32
    %dma_start3A_150 = arith.constant 0 : i32
    %dma_start3A_151 = tpu.memref_slice %arg11[%dma_start3A_137, %dma_start3A_149, %dma_start3A_150] : memref<2x80x80xf32, #tpu.memory_space<vmem>> -> memref<1x80x80xf32, #tpu.memory_space<vmem>>
    %dma_start3A_152 = tpu.memref_squeeze %dma_start3A_151 : memref<1x80x80xf32, #tpu.memory_space<vmem>> -> memref<80x80xf32, #tpu.memory_space<vmem>>
    tpu.enqueue_dma source(%dma_start3A_152 : memref<80x80xf32, #tpu.memory_space<vmem>>) target(%dma_start3A_148 : memref<80x80xf32, #tpu.memory_space<vmem_shared>>) target_semaphore(%dma_start3A_146 : memref<!tpu.dma_semaphore, #tpu.memory_space<semaphore_mem>>)
    %add3A_153 = arith.constant 0 : i32
    %add3A_154 = arith.addi %mul3A_9, %add3A_153 : i32
    %dma_wait3A = arith.constant 0 : i32
    %dma_wait3A_155 = arith.constant 0 : i32
    %dma_wait3A_156 = arith.constant 0 : i32
    %dma_wait3A_157 = arith.constant 0 : i32
    %dma_wait3A_158 = tpu.memref_slice %arg11[%dma_wait3A, %dma_wait3A_156, %dma_wait3A_157] : memref<2x80x80xf32, #tpu.memory_space<vmem>> -> memref<1x80x80xf32, #tpu.memory_space<vmem>>
    %dma_wait3A_159 = tpu.memref_squeeze %dma_wait3A_158 : memref<1x80x80xf32, #tpu.memory_space<vmem>> -> memref<80x80xf32, #tpu.memory_space<vmem>>
    %dma_wait3A_160 = arith.constant 0 : i32
    %dma_wait3A_161 = tpu.memref_slice %arg12[%add3A_154, %dma_wait3A_160] : memref<10240x80xf32, #tpu.memory_space<vmem_shared>> -> memref<80x80xf32, #tpu.memory_space<vmem_shared>>
    %dma_wait3A_162 = tpu.memref_slice %arg14[%dma_wait3A_155] : memref<2x!tpu.dma_semaphore, #tpu.memory_space<semaphore_mem>> -> memref<1x!tpu.dma_semaphore, #tpu.memory_space<semaphore_mem>>
    %dma_wait3A_163 = tpu.memref_squeeze %dma_wait3A_162 : memref<1x!tpu.dma_semaphore, #tpu.memory_space<semaphore_mem>> -> memref<!tpu.dma_semaphore, #tpu.memory_space<semaphore_mem>>
    %dma_wait3A_164 = arith.constant 0 : i32
    %dma_wait3A_165 = tpu.memref_slice %arg12[%add3A_154, %dma_wait3A_164] : memref<10240x80xf32, #tpu.memory_space<vmem_shared>> -> memref<80x80xf32, #tpu.memory_space<vmem_shared>>
    %dma_wait3A_166 = arith.constant 0 : i32
    %dma_wait3A_167 = arith.constant 0 : i32
    %dma_wait3A_168 = tpu.memref_slice %arg11[%dma_wait3A, %dma_wait3A_166, %dma_wait3A_167] : memref<2x80x80xf32, #tpu.memory_space<vmem>> -> memref<1x80x80xf32, #tpu.memory_space<vmem>>
    %dma_wait3A_169 = tpu.memref_squeeze %dma_wait3A_168 : memref<1x80x80xf32, #tpu.memory_space<vmem>> -> memref<80x80xf32, #tpu.memory_space<vmem>>
    tpu.wait_dma2 semaphore(%dma_wait3A_163 : memref<!tpu.dma_semaphore, #tpu.memory_space<semaphore_mem>>) src(%dma_wait3A_169 : memref<80x80xf32, #tpu.memory_space<vmem>>) dst(%dma_wait3A_165 : memref<80x80xf32, #tpu.memory_space<vmem_shared>>)
    %add3A_170 = arith.constant 80 : i32
    %add3A_171 = arith.addi %mul3A_9, %add3A_170 : i32
    %dma_wait3A_172 = arith.constant 0 : i32
    %dma_wait3A_173 = arith.constant 0 : i32
    %dma_wait3A_174 = arith.constant 0 : i32
    %dma_wait3A_175 = arith.constant 0 : i32
    %dma_wait3A_176 = tpu.memref_slice %arg11[%dma_wait3A_172, %dma_wait3A_174, %dma_wait3A_175] : memref<2x80x80xf32, #tpu.memory_space<vmem>> -> memref<1x80x80xf32, #tpu.memory_space<vmem>>
    %dma_wait3A_177 = tpu.memref_squeeze %dma_wait3A_176 : memref<1x80x80xf32, #tpu.memory_space<vmem>> -> memref<80x80xf32, #tpu.memory_space<vmem>>
    %dma_wait3A_178 = arith.constant 0 : i32
    %dma_wait3A_179 = tpu.memref_slice %arg12[%add3A_171, %dma_wait3A_178] : memref<10240x80xf32, #tpu.memory_space<vmem_shared>> -> memref<80x80xf32, #tpu.memory_space<vmem_shared>>
    %dma_wait3A_180 = tpu.memref_slice %arg14[%dma_wait3A_173] : memref<2x!tpu.dma_semaphore, #tpu.memory_space<semaphore_mem>> -> memref<1x!tpu.dma_semaphore, #tpu.memory_space<semaphore_mem>>
    %dma_wait3A_181 = tpu.memref_squeeze %dma_wait3A_180 : memref<1x!tpu.dma_semaphore, #tpu.memory_space<semaphore_mem>> -> memref<!tpu.dma_semaphore, #tpu.memory_space<semaphore_mem>>
    %dma_wait3A_182 = arith.constant 0 : i32
    %dma_wait3A_183 = tpu.memref_slice %arg12[%add3A_171, %dma_wait3A_182] : memref<10240x80xf32, #tpu.memory_space<vmem_shared>> -> memref<80x80xf32, #tpu.memory_space<vmem_shared>>
    %dma_wait3A_184 = arith.constant 0 : i32
    %dma_wait3A_185 = arith.constant 0 : i32
    %dma_wait3A_186 = tpu.memref_slice %arg11[%dma_wait3A_172, %dma_wait3A_184, %dma_wait3A_185] : memref<2x80x80xf32, #tpu.memory_space<vmem>> -> memref<1x80x80xf32, #tpu.memory_space<vmem>>
    %dma_wait3A_187 = tpu.memref_squeeze %dma_wait3A_186 : memref<1x80x80xf32, #tpu.memory_space<vmem>> -> memref<80x80xf32, #tpu.memory_space<vmem>>
    tpu.wait_dma2 semaphore(%dma_wait3A_181 : memref<!tpu.dma_semaphore, #tpu.memory_space<semaphore_mem>>) src(%dma_wait3A_187 : memref<80x80xf32, #tpu.memory_space<vmem>>) dst(%dma_wait3A_183 : memref<80x80xf32, #tpu.memory_space<vmem_shared>>)
    %add3A_188 = arith.constant 160 : i32
    %add3A_189 = arith.addi %mul3A_9, %add3A_188 : i32
    %dma_wait3A_190 = arith.constant 0 : i32
    %dma_wait3A_191 = arith.constant 0 : i32
    %dma_wait3A_192 = arith.constant 0 : i32
    %dma_wait3A_193 = arith.constant 0 : i32
    %dma_wait3A_194 = tpu.memref_slice %arg11[%dma_wait3A_190, %dma_wait3A_192, %dma_wait3A_193] : memref<2x80x80xf32, #tpu.memory_space<vmem>> -> memref<1x80x80xf32, #tpu.memory_space<vmem>>
    %dma_wait3A_195 = tpu.memref_squeeze %dma_wait3A_194 : memref<1x80x80xf32, #tpu.memory_space<vmem>> -> memref<80x80xf32, #tpu.memory_space<vmem>>
    %dma_wait3A_196 = arith.constant 0 : i32
    %dma_wait3A_197 = tpu.memref_slice %arg12[%add3A_189, %dma_wait3A_196] : memref<10240x80xf32, #tpu.memory_space<vmem_shared>> -> memref<80x80xf32, #tpu.memory_space<vmem_shared>>
    %dma_wait3A_198 = tpu.memref_slice %arg14[%dma_wait3A_191] : memref<2x!tpu.dma_semaphore, #tpu.memory_space<semaphore_mem>> -> memref<1x!tpu.dma_semaphore, #tpu.memory_space<semaphore_mem>>
    %dma_wait3A_199 = tpu.memref_squeeze %dma_wait3A_198 : memref<1x!tpu.dma_semaphore, #tpu.memory_space<semaphore_mem>> -> memref<!tpu.dma_semaphore, #tpu.memory_space<semaphore_mem>>
    %dma_wait3A_200 = arith.constant 0 : i32
    %dma_wait3A_201 = tpu.memref_slice %arg12[%add3A_189, %dma_wait3A_200] : memref<10240x80xf32, #tpu.memory_space<vmem_shared>> -> memref<80x80xf32, #tpu.memory_space<vmem_shared>>
    %dma_wait3A_202 = arith.constant 0 : i32
    %dma_wait3A_203 = arith.constant 0 : i32
    %dma_wait3A_204 = tpu.memref_slice %arg11[%dma_wait3A_190, %dma_wait3A_202, %dma_wait3A_203] : memref<2x80x80xf32, #tpu.memory_space<vmem>> -> memref<1x80x80xf32, #tpu.memory_space<vmem>>
    %dma_wait3A_205 = tpu.memref_squeeze %dma_wait3A_204 : memref<1x80x80xf32, #tpu.memory_space<vmem>> -> memref<80x80xf32, #tpu.memory_space<vmem>>
    tpu.wait_dma2 semaphore(%dma_wait3A_199 : memref<!tpu.dma_semaphore, #tpu.memory_space<semaphore_mem>>) src(%dma_wait3A_205 : memref<80x80xf32, #tpu.memory_space<vmem>>) dst(%dma_wait3A_201 : memref<80x80xf32, #tpu.memory_space<vmem_shared>>)
    %add3A_206 = arith.constant 240 : i32
    %add3A_207 = arith.addi %mul3A_9, %add3A_206 : i32
    %dma_wait3A_208 = arith.constant 0 : i32
    %dma_wait3A_209 = arith.constant 0 : i32
    %dma_wait3A_210 = arith.constant 0 : i32
    %dma_wait3A_211 = arith.constant 0 : i32
    %dma_wait3A_212 = tpu.memref_slice %arg11[%dma_wait3A_208, %dma_wait3A_210, %dma_wait3A_211] : memref<2x80x80xf32, #tpu.memory_space<vmem>> -> memref<1x80x80xf32, #tpu.memory_space<vmem>>
    %dma_wait3A_213 = tpu.memref_squeeze %dma_wait3A_212 : memref<1x80x80xf32, #tpu.memory_space<vmem>> -> memref<80x80xf32, #tpu.memory_space<vmem>>
    %dma_wait3A_214 = arith.constant 0 : i32
    %dma_wait3A_215 = tpu.memref_slice %arg12[%add3A_207, %dma_wait3A_214] : memref<10240x80xf32, #tpu.memory_space<vmem_shared>> -> memref<80x80xf32, #tpu.memory_space<vmem_shared>>
    %dma_wait3A_216 = tpu.memref_slice %arg14[%dma_wait3A_209] : memref<2x!tpu.dma_semaphore, #tpu.memory_space<semaphore_mem>> -> memref<1x!tpu.dma_semaphore, #tpu.memory_space<semaphore_mem>>
    %dma_wait3A_217 = tpu.memref_squeeze %dma_wait3A_216 : memref<1x!tpu.dma_semaphore, #tpu.memory_space<semaphore_mem>> -> memref<!tpu.dma_semaphore, #tpu.memory_space<semaphore_mem>>
    %dma_wait3A_218 = arith.constant 0 : i32
    %dma_wait3A_219 = tpu.memref_slice %arg12[%add3A_207, %dma_wait3A_218] : memref<10240x80xf32, #tpu.memory_space<vmem_shared>> -> memref<80x80xf32, #tpu.memory_space<vmem_shared>>
    %dma_wait3A_220 = arith.constant 0 : i32
    %dma_wait3A_221 = arith.constant 0 : i32
    %dma_wait3A_222 = tpu.memref_slice %arg11[%dma_wait3A_208, %dma_wait3A_220, %dma_wait3A_221] : memref<2x80x80xf32, #tpu.memory_space<vmem>> -> memref<1x80x80xf32, #tpu.memory_space<vmem>>
    %dma_wait3A_223 = tpu.memref_squeeze %dma_wait3A_222 : memref<1x80x80xf32, #tpu.memory_space<vmem>> -> memref<80x80xf32, #tpu.memory_space<vmem>>
    tpu.wait_dma2 semaphore(%dma_wait3A_217 : memref<!tpu.dma_semaphore, #tpu.memory_space<semaphore_mem>>) src(%dma_wait3A_223 : memref<80x80xf32, #tpu.memory_space<vmem>>) dst(%dma_wait3A_219 : memref<80x80xf32, #tpu.memory_space<vmem_shared>>)
    %add3A_224 = arith.constant 320 : i32
    %add3A_225 = arith.addi %mul3A_9, %add3A_224 : i32
    %dma_wait3A_226 = arith.constant 0 : i32
    %dma_wait3A_227 = arith.constant 0 : i32
    %dma_wait3A_228 = arith.constant 0 : i32
    %dma_wait3A_229 = arith.constant 0 : i32
    %dma_wait3A_230 = tpu.memref_slice %arg11[%dma_wait3A_226, %dma_wait3A_228, %dma_wait3A_229] : memref<2x80x80xf32, #tpu.memory_space<vmem>> -> memref<1x80x80xf32, #tpu.memory_space<vmem>>
    %dma_wait3A_231 = tpu.memref_squeeze %dma_wait3A_230 : memref<1x80x80xf32, #tpu.memory_space<vmem>> -> memref<80x80xf32, #tpu.memory_space<vmem>>
    %dma_wait3A_232 = arith.constant 0 : i32
    %dma_wait3A_233 = tpu.memref_slice %arg12[%add3A_225, %dma_wait3A_232] : memref<10240x80xf32, #tpu.memory_space<vmem_shared>> -> memref<80x80xf32, #tpu.memory_space<vmem_shared>>
    %dma_wait3A_234 = tpu.memref_slice %arg14[%dma_wait3A_227] : memref<2x!tpu.dma_semaphore, #tpu.memory_space<semaphore_mem>> -> memref<1x!tpu.dma_semaphore, #tpu.memory_space<semaphore_mem>>
    %dma_wait3A_235 = tpu.memref_squeeze %dma_wait3A_234 : memref<1x!tpu.dma_semaphore, #tpu.memory_space<semaphore_mem>> -> memref<!tpu.dma_semaphore, #tpu.memory_space<semaphore_mem>>
    %dma_wait3A_236 = arith.constant 0 : i32
    %dma_wait3A_237 = tpu.memref_slice %arg12[%add3A_225, %dma_wait3A_236] : memref<10240x80xf32, #tpu.memory_space<vmem_shared>> -> memref<80x80xf32, #tpu.memory_space<vmem_shared>>
    %dma_wait3A_238 = arith.constant 0 : i32
    %dma_wait3A_239 = arith.constant 0 : i32
    %dma_wait3A_240 = tpu.memref_slice %arg11[%dma_wait3A_226, %dma_wait3A_238, %dma_wait3A_239] : memref<2x80x80xf32, #tpu.memory_space<vmem>> -> memref<1x80x80xf32, #tpu.memory_space<vmem>>
    %dma_wait3A_241 = tpu.memref_squeeze %dma_wait3A_240 : memref<1x80x80xf32, #tpu.memory_space<vmem>> -> memref<80x80xf32, #tpu.memory_space<vmem>>
    tpu.wait_dma2 semaphore(%dma_wait3A_235 : memref<!tpu.dma_semaphore, #tpu.memory_space<semaphore_mem>>) src(%dma_wait3A_241 : memref<80x80xf32, #tpu.memory_space<vmem>>) dst(%dma_wait3A_237 : memref<80x80xf32, #tpu.memory_space<vmem_shared>>)
    %add3A_242 = arith.constant 400 : i32
    %add3A_243 = arith.addi %mul3A_9, %add3A_242 : i32
    %dma_wait3A_244 = arith.constant 0 : i32
    %dma_wait3A_245 = arith.constant 0 : i32
    %dma_wait3A_246 = arith.constant 0 : i32
    %dma_wait3A_247 = arith.constant 0 : i32
    %dma_wait3A_248 = tpu.memref_slice %arg11[%dma_wait3A_244, %dma_wait3A_246, %dma_wait3A_247] : memref<2x80x80xf32, #tpu.memory_space<vmem>> -> memref<1x80x80xf32, #tpu.memory_space<vmem>>
    %dma_wait3A_249 = tpu.memref_squeeze %dma_wait3A_248 : memref<1x80x80xf32, #tpu.memory_space<vmem>> -> memref<80x80xf32, #tpu.memory_space<vmem>>
    %dma_wait3A_250 = arith.constant 0 : i32
    %dma_wait3A_251 = tpu.memref_slice %arg12[%add3A_243, %dma_wait3A_250] : memref<10240x80xf32, #tpu.memory_space<vmem_shared>> -> memref<80x80xf32, #tpu.memory_space<vmem_shared>>
    %dma_wait3A_252 = tpu.memref_slice %arg14[%dma_wait3A_245] : memref<2x!tpu.dma_semaphore, #tpu.memory_space<semaphore_mem>> -> memref<1x!tpu.dma_semaphore, #tpu.memory_space<semaphore_mem>>
    %dma_wait3A_253 = tpu.memref_squeeze %dma_wait3A_252 : memref<1x!tpu.dma_semaphore, #tpu.memory_space<semaphore_mem>> -> memref<!tpu.dma_semaphore, #tpu.memory_space<semaphore_mem>>
    %dma_wait3A_254 = arith.constant 0 : i32
    %dma_wait3A_255 = tpu.memref_slice %arg12[%add3A_243, %dma_wait3A_254] : memref<10240x80xf32, #tpu.memory_space<vmem_shared>> -> memref<80x80xf32, #tpu.memory_space<vmem_shared>>
    %dma_wait3A_256 = arith.constant 0 : i32
    %dma_wait3A_257 = arith.constant 0 : i32
    %dma_wait3A_258 = tpu.memref_slice %arg11[%dma_wait3A_244, %dma_wait3A_256, %dma_wait3A_257] : memref<2x80x80xf32, #tpu.memory_space<vmem>> -> memref<1x80x80xf32, #tpu.memory_space<vmem>>
    %dma_wait3A_259 = tpu.memref_squeeze %dma_wait3A_258 : memref<1x80x80xf32, #tpu.memory_space<vmem>> -> memref<80x80xf32, #tpu.memory_space<vmem>>
    tpu.wait_dma2 semaphore(%dma_wait3A_253 : memref<!tpu.dma_semaphore, #tpu.memory_space<semaphore_mem>>) src(%dma_wait3A_259 : memref<80x80xf32, #tpu.memory_space<vmem>>) dst(%dma_wait3A_255 : memref<80x80xf32, #tpu.memory_space<vmem_shared>>)
    %add3A_260 = arith.constant 480 : i32
    %add3A_261 = arith.addi %mul3A_9, %add3A_260 : i32
    %dma_wait3A_262 = arith.constant 0 : i32
    %dma_wait3A_263 = arith.constant 0 : i32
    %dma_wait3A_264 = arith.constant 0 : i32
    %dma_wait3A_265 = arith.constant 0 : i32
    %dma_wait3A_266 = tpu.memref_slice %arg11[%dma_wait3A_262, %dma_wait3A_264, %dma_wait3A_265] : memref<2x80x80xf32, #tpu.memory_space<vmem>> -> memref<1x80x80xf32, #tpu.memory_space<vmem>>
    %dma_wait3A_267 = tpu.memref_squeeze %dma_wait3A_266 : memref<1x80x80xf32, #tpu.memory_space<vmem>> -> memref<80x80xf32, #tpu.memory_space<vmem>>
    %dma_wait3A_268 = arith.constant 0 : i32
    %dma_wait3A_269 = tpu.memref_slice %arg12[%add3A_261, %dma_wait3A_268] : memref<10240x80xf32, #tpu.memory_space<vmem_shared>> -> memref<80x80xf32, #tpu.memory_space<vmem_shared>>
    %dma_wait3A_270 = tpu.memref_slice %arg14[%dma_wait3A_263] : memref<2x!tpu.dma_semaphore, #tpu.memory_space<semaphore_mem>> -> memref<1x!tpu.dma_semaphore, #tpu.memory_space<semaphore_mem>>
    %dma_wait3A_271 = tpu.memref_squeeze %dma_wait3A_270 : memref<1x!tpu.dma_semaphore, #tpu.memory_space<semaphore_mem>> -> memref<!tpu.dma_semaphore, #tpu.memory_space<semaphore_mem>>
    %dma_wait3A_272 = arith.constant 0 : i32
    %dma_wait3A_273 = tpu.memref_slice %arg12[%add3A_261, %dma_wait3A_272] : memref<10240x80xf32, #tpu.memory_space<vmem_shared>> -> memref<80x80xf32, #tpu.memory_space<vmem_shared>>
    %dma_wait3A_274 = arith.constant 0 : i32
    %dma_wait3A_275 = arith.constant 0 : i32
    %dma_wait3A_276 = tpu.memref_slice %arg11[%dma_wait3A_262, %dma_wait3A_274, %dma_wait3A_275] : memref<2x80x80xf32, #tpu.memory_space<vmem>> -> memref<1x80x80xf32, #tpu.memory_space<vmem>>
    %dma_wait3A_277 = tpu.memref_squeeze %dma_wait3A_276 : memref<1x80x80xf32, #tpu.memory_space<vmem>> -> memref<80x80xf32, #tpu.memory_space<vmem>>
    tpu.wait_dma2 semaphore(%dma_wait3A_271 : memref<!tpu.dma_semaphore, #tpu.memory_space<semaphore_mem>>) src(%dma_wait3A_277 : memref<80x80xf32, #tpu.memory_space<vmem>>) dst(%dma_wait3A_273 : memref<80x80xf32, #tpu.memory_space<vmem_shared>>)
    %add3A_278 = arith.constant 560 : i32
    %add3A_279 = arith.addi %mul3A_9, %add3A_278 : i32
    %dma_wait3A_280 = arith.constant 0 : i32
    %dma_wait3A_281 = arith.constant 0 : i32
    %dma_wait3A_282 = arith.constant 0 : i32
    %dma_wait3A_283 = arith.constant 0 : i32
    %dma_wait3A_284 = tpu.memref_slice %arg11[%dma_wait3A_280, %dma_wait3A_282, %dma_wait3A_283] : memref<2x80x80xf32, #tpu.memory_space<vmem>> -> memref<1x80x80xf32, #tpu.memory_space<vmem>>
    %dma_wait3A_285 = tpu.memref_squeeze %dma_wait3A_284 : memref<1x80x80xf32, #tpu.memory_space<vmem>> -> memref<80x80xf32, #tpu.memory_space<vmem>>
    %dma_wait3A_286 = arith.constant 0 : i32
    %dma_wait3A_287 = tpu.memref_slice %arg12[%add3A_279, %dma_wait3A_286] : memref<10240x80xf32, #tpu.memory_space<vmem_shared>> -> memref<80x80xf32, #tpu.memory_space<vmem_shared>>
    %dma_wait3A_288 = tpu.memref_slice %arg14[%dma_wait3A_281] : memref<2x!tpu.dma_semaphore, #tpu.memory_space<semaphore_mem>> -> memref<1x!tpu.dma_semaphore, #tpu.memory_space<semaphore_mem>>
    %dma_wait3A_289 = tpu.memref_squeeze %dma_wait3A_288 : memref<1x!tpu.dma_semaphore, #tpu.memory_space<semaphore_mem>> -> memref<!tpu.dma_semaphore, #tpu.memory_space<semaphore_mem>>
    %dma_wait3A_290 = arith.constant 0 : i32
    %dma_wait3A_291 = tpu.memref_slice %arg12[%add3A_279, %dma_wait3A_290] : memref<10240x80xf32, #tpu.memory_space<vmem_shared>> -> memref<80x80xf32, #tpu.memory_space<vmem_shared>>
    %dma_wait3A_292 = arith.constant 0 : i32
    %dma_wait3A_293 = arith.constant 0 : i32
    %dma_wait3A_294 = tpu.memref_slice %arg11[%dma_wait3A_280, %dma_wait3A_292, %dma_wait3A_293] : memref<2x80x80xf32, #tpu.memory_space<vmem>> -> memref<1x80x80xf32, #tpu.memory_space<vmem>>
    %dma_wait3A_295 = tpu.memref_squeeze %dma_wait3A_294 : memref<1x80x80xf32, #tpu.memory_space<vmem>> -> memref<80x80xf32, #tpu.memory_space<vmem>>
    tpu.wait_dma2 semaphore(%dma_wait3A_289 : memref<!tpu.dma_semaphore, #tpu.memory_space<semaphore_mem>>) src(%dma_wait3A_295 : memref<80x80xf32, #tpu.memory_space<vmem>>) dst(%dma_wait3A_291 : memref<80x80xf32, #tpu.memory_space<vmem_shared>>)
    %barrier3A = arith.constant 0 : index
    tpu.barrier barrier_id(%barrier3A)
    %mul3A_296 = arith.constant 10000 : i32
    %mul3A_297 = arith.muli %add3A, %mul3A_296 : i32
    %add3A_298 = arith.constant 0 : i32
    %add3A_299 = arith.addi %mul3A_297, %add3A_298 : i32
    %dma_start3A_300 = arith.constant 0 : i32
    %dma_start3A_301 = arith.constant 0 : i32
    %dma_start3A_302 = arith.constant 0 : i32
    %dma_start3A_303 = tpu.memref_slice %arg7[%dma_start3A_300, %dma_start3A_302] : memref<4x80xi32, #tpu.memory_space<vmem>> -> memref<1x80xi32, #tpu.memory_space<vmem>>
    %dma_start3A_304 = tpu.memref_squeeze %dma_start3A_303 : memref<1x80xi32, #tpu.memory_space<vmem>> -> memref<80xi32, #tpu.memory_space<vmem>>
    %dma_start3A_305 = tpu.memref_slice %arg2[%add3A_299] : memref<320000xi32, #tpu.memory_space<hbm>> -> memref<80xi32, #tpu.memory_space<hbm>>
    %dma_start3A_306 = tpu.memref_slice %arg13[%dma_start3A_301] : memref<4x!tpu.dma_semaphore, #tpu.memory_space<semaphore_mem>> -> memref<1x!tpu.dma_semaphore, #tpu.memory_space<semaphore_mem>>
    %dma_start3A_307 = tpu.memref_squeeze %dma_start3A_306 : memref<1x!tpu.dma_semaphore, #tpu.memory_space<semaphore_mem>> -> memref<!tpu.dma_semaphore, #tpu.memory_space<semaphore_mem>>
    %dma_start3A_308 = arith.constant 0 : i32
    %dma_start3A_309 = tpu.memref_slice %arg7[%dma_start3A_300, %dma_start3A_308] : memref<4x80xi32, #tpu.memory_space<vmem>> -> memref<1x80xi32, #tpu.memory_space<vmem>>
    %dma_start3A_310 = tpu.memref_squeeze %dma_start3A_309 : memref<1x80xi32, #tpu.memory_space<vmem>> -> memref<80xi32, #tpu.memory_space<vmem>>
    %dma_start3A_311 = tpu.memref_slice %arg2[%add3A_299] : memref<320000xi32, #tpu.memory_space<hbm>> -> memref<80xi32, #tpu.memory_space<hbm>>
    tpu.enqueue_dma source(%dma_start3A_311 : memref<80xi32, #tpu.memory_space<hbm>>) target(%dma_start3A_310 : memref<80xi32, #tpu.memory_space<vmem>>) target_semaphore(%dma_start3A_307 : memref<!tpu.dma_semaphore, #tpu.memory_space<semaphore_mem>>)
    %dma_start3A_312 = arith.constant 0 : i32
    %dma_start3A_313 = arith.constant 0 : i32
    %dma_start3A_314 = arith.constant 0 : i32
    %dma_start3A_315 = tpu.memref_slice %arg8[%dma_start3A_312, %dma_start3A_314] : memref<4x80xi32, #tpu.memory_space<vmem>> -> memref<1x80xi32, #tpu.memory_space<vmem>>
    %dma_start3A_316 = tpu.memref_squeeze %dma_start3A_315 : memref<1x80xi32, #tpu.memory_space<vmem>> -> memref<80xi32, #tpu.memory_space<vmem>>
    %dma_start3A_317 = tpu.memref_slice %arg3[%add3A_299] : memref<320000xi32, #tpu.memory_space<hbm>> -> memref<80xi32, #tpu.memory_space<hbm>>
    %dma_start3A_318 = tpu.memref_slice %arg13[%dma_start3A_313] : memref<4x!tpu.dma_semaphore, #tpu.memory_space<semaphore_mem>> -> memref<1x!tpu.dma_semaphore, #tpu.memory_space<semaphore_mem>>
    %dma_start3A_319 = tpu.memref_squeeze %dma_start3A_318 : memref<1x!tpu.dma_semaphore, #tpu.memory_space<semaphore_mem>> -> memref<!tpu.dma_semaphore, #tpu.memory_space<semaphore_mem>>
    %dma_start3A_320 = arith.constant 0 : i32
    %dma_start3A_321 = tpu.memref_slice %arg8[%dma_start3A_312, %dma_start3A_320] : memref<4x80xi32, #tpu.memory_space<vmem>> -> memref<1x80xi32, #tpu.memory_space<vmem>>
    %dma_start3A_322 = tpu.memref_squeeze %dma_start3A_321 : memref<1x80xi32, #tpu.memory_space<vmem>> -> memref<80xi32, #tpu.memory_space<vmem>>
    %dma_start3A_323 = tpu.memref_slice %arg3[%add3A_299] : memref<320000xi32, #tpu.memory_space<hbm>> -> memref<80xi32, #tpu.memory_space<hbm>>
    tpu.enqueue_dma source(%dma_start3A_323 : memref<80xi32, #tpu.memory_space<hbm>>) target(%dma_start3A_322 : memref<80xi32, #tpu.memory_space<vmem>>) target_semaphore(%dma_start3A_319 : memref<!tpu.dma_semaphore, #tpu.memory_space<semaphore_mem>>)
    %add3A_324 = arith.constant 80 : i32
    %add3A_325 = arith.addi %mul3A_297, %add3A_324 : i32
    %dma_start3A_326 = arith.constant 1 : i32
    %dma_start3A_327 = arith.constant 1 : i32
    %dma_start3A_328 = arith.constant 0 : i32
    %dma_start3A_329 = tpu.memref_slice %arg7[%dma_start3A_326, %dma_start3A_328] : memref<4x80xi32, #tpu.memory_space<vmem>> -> memref<1x80xi32, #tpu.memory_space<vmem>>
    %dma_start3A_330 = tpu.memref_squeeze %dma_start3A_329 : memref<1x80xi32, #tpu.memory_space<vmem>> -> memref<80xi32, #tpu.memory_space<vmem>>
    %dma_start3A_331 = tpu.memref_slice %arg2[%add3A_325] : memref<320000xi32, #tpu.memory_space<hbm>> -> memref<80xi32, #tpu.memory_space<hbm>>
    %dma_start3A_332 = tpu.memref_slice %arg13[%dma_start3A_327] : memref<4x!tpu.dma_semaphore, #tpu.memory_space<semaphore_mem>> -> memref<1x!tpu.dma_semaphore, #tpu.memory_space<semaphore_mem>>
    %dma_start3A_333 = tpu.memref_squeeze %dma_start3A_332 : memref<1x!tpu.dma_semaphore, #tpu.memory_space<semaphore_mem>> -> memref<!tpu.dma_semaphore, #tpu.memory_space<semaphore_mem>>
    %dma_start3A_334 = arith.constant 0 : i32
    %dma_start3A_335 = tpu.memref_slice %arg7[%dma_start3A_326, %dma_start3A_334] : memref<4x80xi32, #tpu.memory_space<vmem>> -> memref<1x80xi32, #tpu.memory_space<vmem>>
    %dma_start3A_336 = tpu.memref_squeeze %dma_start3A_335 : memref<1x80xi32, #tpu.memory_space<vmem>> -> memref<80xi32, #tpu.memory_space<vmem>>
    %dma_start3A_337 = tpu.memref_slice %arg2[%add3A_325] : memref<320000xi32, #tpu.memory_space<hbm>> -> memref<80xi32, #tpu.memory_space<hbm>>
    tpu.enqueue_dma source(%dma_start3A_337 : memref<80xi32, #tpu.memory_space<hbm>>) target(%dma_start3A_336 : memref<80xi32, #tpu.memory_space<vmem>>) target_semaphore(%dma_start3A_333 : memref<!tpu.dma_semaphore, #tpu.memory_space<semaphore_mem>>)
    %dma_start3A_338 = arith.constant 1 : i32
    %dma_start3A_339 = arith.constant 1 : i32
    %dma_start3A_340 = arith.constant 0 : i32
    %dma_start3A_341 = tpu.memref_slice %arg8[%dma_start3A_338, %dma_start3A_340] : memref<4x80xi32, #tpu.memory_space<vmem>> -> memref<1x80xi32, #tpu.memory_space<vmem>>
    %dma_start3A_342 = tpu.memref_squeeze %dma_start3A_341 : memref<1x80xi32, #tpu.memory_space<vmem>> -> memref<80xi32, #tpu.memory_space<vmem>>
    %dma_start3A_343 = tpu.memref_slice %arg3[%add3A_325] : memref<320000xi32, #tpu.memory_space<hbm>> -> memref<80xi32, #tpu.memory_space<hbm>>
    %dma_start3A_344 = tpu.memref_slice %arg13[%dma_start3A_339] : memref<4x!tpu.dma_semaphore, #tpu.memory_space<semaphore_mem>> -> memref<1x!tpu.dma_semaphore, #tpu.memory_space<semaphore_mem>>
    %dma_start3A_345 = tpu.memref_squeeze %dma_start3A_344 : memref<1x!tpu.dma_semaphore, #tpu.memory_space<semaphore_mem>> -> memref<!tpu.dma_semaphore, #tpu.memory_space<semaphore_mem>>
    %dma_start3A_346 = arith.constant 0 : i32
    %dma_start3A_347 = tpu.memref_slice %arg8[%dma_start3A_338, %dma_start3A_346] : memref<4x80xi32, #tpu.memory_space<vmem>> -> memref<1x80xi32, #tpu.memory_space<vmem>>
    %dma_start3A_348 = tpu.memref_squeeze %dma_start3A_347 : memref<1x80xi32, #tpu.memory_space<vmem>> -> memref<80xi32, #tpu.memory_space<vmem>>
    %dma_start3A_349 = tpu.memref_slice %arg3[%add3A_325] : memref<320000xi32, #tpu.memory_space<hbm>> -> memref<80xi32, #tpu.memory_space<hbm>>
    tpu.enqueue_dma source(%dma_start3A_349 : memref<80xi32, #tpu.memory_space<hbm>>) target(%dma_start3A_348 : memref<80xi32, #tpu.memory_space<vmem>>) target_semaphore(%dma_start3A_345 : memref<!tpu.dma_semaphore, #tpu.memory_space<semaphore_mem>>)
    %dma_wait3A_350 = arith.constant 0 : i32
    %dma_wait3A_351 = arith.constant 0 : i32
    %dma_wait3A_352 = arith.constant 0 : i32
    %dma_wait3A_353 = tpu.memref_slice %arg7[%dma_wait3A_350, %dma_wait3A_352] : memref<4x80xi32, #tpu.memory_space<vmem>> -> memref<1x80xi32, #tpu.memory_space<vmem>>
    %dma_wait3A_354 = tpu.memref_squeeze %dma_wait3A_353 : memref<1x80xi32, #tpu.memory_space<vmem>> -> memref<80xi32, #tpu.memory_space<vmem>>
    %dma_wait3A_355 = arith.constant 0 : i32
    %dma_wait3A_356 = tpu.memref_slice %arg2[%dma_wait3A_355] : memref<320000xi32, #tpu.memory_space<hbm>> -> memref<80xi32, #tpu.memory_space<hbm>>
    %dma_wait3A_357 = tpu.memref_slice %arg13[%dma_wait3A_351] : memref<4x!tpu.dma_semaphore, #tpu.memory_space<semaphore_mem>> -> memref<1x!tpu.dma_semaphore, #tpu.memory_space<semaphore_mem>>
    %dma_wait3A_358 = tpu.memref_squeeze %dma_wait3A_357 : memref<1x!tpu.dma_semaphore, #tpu.memory_space<semaphore_mem>> -> memref<!tpu.dma_semaphore, #tpu.memory_space<semaphore_mem>>
    %dma_wait3A_359 = arith.constant 0 : i32
    %dma_wait3A_360 = tpu.memref_slice %arg7[%dma_wait3A_350, %dma_wait3A_359] : memref<4x80xi32, #tpu.memory_space<vmem>> -> memref<1x80xi32, #tpu.memory_space<vmem>>
    %dma_wait3A_361 = tpu.memref_squeeze %dma_wait3A_360 : memref<1x80xi32, #tpu.memory_space<vmem>> -> memref<80xi32, #tpu.memory_space<vmem>>
    %dma_wait3A_362 = arith.constant 0 : i32
    %dma_wait3A_363 = tpu.memref_slice %arg2[%dma_wait3A_362] : memref<320000xi32, #tpu.memory_space<hbm>> -> memref<80xi32, #tpu.memory_space<hbm>>
    tpu.wait_dma2 semaphore(%dma_wait3A_358 : memref<!tpu.dma_semaphore, #tpu.memory_space<semaphore_mem>>) src(%dma_wait3A_363 : memref<80xi32, #tpu.memory_space<hbm>>) dst(%dma_wait3A_361 : memref<80xi32, #tpu.memory_space<vmem>>)
    %dma_wait3A_364 = arith.constant 0 : i32
    %dma_wait3A_365 = arith.constant 0 : i32
    %dma_wait3A_366 = arith.constant 0 : i32
    %dma_wait3A_367 = tpu.memref_slice %arg8[%dma_wait3A_364, %dma_wait3A_366] : memref<4x80xi32, #tpu.memory_space<vmem>> -> memref<1x80xi32, #tpu.memory_space<vmem>>
    %dma_wait3A_368 = tpu.memref_squeeze %dma_wait3A_367 : memref<1x80xi32, #tpu.memory_space<vmem>> -> memref<80xi32, #tpu.memory_space<vmem>>
    %dma_wait3A_369 = arith.constant 0 : i32
    %dma_wait3A_370 = tpu.memref_slice %arg3[%dma_wait3A_369] : memref<320000xi32, #tpu.memory_space<hbm>> -> memref<80xi32, #tpu.memory_space<hbm>>
    %dma_wait3A_371 = tpu.memref_slice %arg13[%dma_wait3A_365] : memref<4x!tpu.dma_semaphore, #tpu.memory_space<semaphore_mem>> -> memref<1x!tpu.dma_semaphore, #tpu.memory_space<semaphore_mem>>
    %dma_wait3A_372 = tpu.memref_squeeze %dma_wait3A_371 : memref<1x!tpu.dma_semaphore, #tpu.memory_space<semaphore_mem>> -> memref<!tpu.dma_semaphore, #tpu.memory_space<semaphore_mem>>
    %dma_wait3A_373 = arith.constant 0 : i32
    %dma_wait3A_374 = tpu.memref_slice %arg8[%dma_wait3A_364, %dma_wait3A_373] : memref<4x80xi32, #tpu.memory_space<vmem>> -> memref<1x80xi32, #tpu.memory_space<vmem>>
    %dma_wait3A_375 = tpu.memref_squeeze %dma_wait3A_374 : memref<1x80xi32, #tpu.memory_space<vmem>> -> memref<80xi32, #tpu.memory_space<vmem>>
    %dma_wait3A_376 = arith.constant 0 : i32
    %dma_wait3A_377 = tpu.memref_slice %arg3[%dma_wait3A_376] : memref<320000xi32, #tpu.memory_space<hbm>> -> memref<80xi32, #tpu.memory_space<hbm>>
    tpu.wait_dma2 semaphore(%dma_wait3A_372 : memref<!tpu.dma_semaphore, #tpu.memory_space<semaphore_mem>>) src(%dma_wait3A_377 : memref<80xi32, #tpu.memory_space<hbm>>) dst(%dma_wait3A_375 : memref<80xi32, #tpu.memory_space<vmem>>)
    %dma_start3A_378 = arith.constant 0 : i32
    %dma_start3A_379 = arith.constant 0 : i32
    %dma_start3A_380 = arith.constant 0 : i32
    %dma_start3A_381 = arith.constant 0 : i32
    %dma_start3A_382 = arith.constant 0 : i32
    %dma_start3A_383 = tpu.memref_slice %arg10[%dma_start3A_379, %dma_start3A_381, %dma_start3A_382] : memref<2x80x80xf32, #tpu.memory_space<vmem>> -> memref<1x80x80xf32, #tpu.memory_space<vmem>>
    %dma_start3A_384 = tpu.memref_squeeze %dma_start3A_383 : memref<1x80x80xf32, #tpu.memory_space<vmem>> -> memref<80x80xf32, #tpu.memory_space<vmem>>
    %dma_start3A_385 = arith.constant 0 : i32
    %dma_start3A_386 = tpu.memref_slice %arg7[%dma_start3A_378, %dma_start3A_385] : memref<4x80xi32, #tpu.memory_space<vmem>> -> memref<1x80xi32, #tpu.memory_space<vmem>>
    %dma_start3A_387 = tpu.memref_squeeze %dma_start3A_386 : memref<1x80xi32, #tpu.memory_space<vmem>> -> memref<80xi32, #tpu.memory_space<vmem>>
    %dma_start3A_388 = arith.constant 0 : i32
    %dma_start3A_389 = arith.constant 0 : i32
    %dma_start3A_390 = tpu.memref_slice %arg4[%dma_start3A_388, %dma_start3A_389] : memref<10240x80xf32, #tpu.memory_space<hbm>> -> memref<10240x80xf32, #tpu.memory_space<hbm>>
    %dma_start3A_391 = tpu.memref_slice %arg14[%dma_start3A_380] : memref<2x!tpu.dma_semaphore, #tpu.memory_space<semaphore_mem>> -> memref<1x!tpu.dma_semaphore, #tpu.memory_space<semaphore_mem>>
    %dma_start3A_392 = tpu.memref_squeeze %dma_start3A_391 : memref<1x!tpu.dma_semaphore, #tpu.memory_space<semaphore_mem>> -> memref<!tpu.dma_semaphore, #tpu.memory_space<semaphore_mem>>
    tpu.enqueue_indirect_dma source(%dma_start3A_390 : memref<10240x80xf32, #tpu.memory_space<hbm>>) target(%dma_start3A_384 : memref<80x80xf32, #tpu.memory_space<vmem>>) offsets(%dma_start3A_387 : memref<80xi32, #tpu.memory_space<vmem>>) semaphore(%dma_start3A_392 : memref<!tpu.dma_semaphore, #tpu.memory_space<semaphore_mem>>)
    %dma_start3A_393 = arith.constant 0 : i32
    %dma_start3A_394 = arith.constant 0 : i32
    %dma_start3A_395 = arith.constant 0 : i32
    %dma_start3A_396 = arith.constant 0 : i32
    %dma_start3A_397 = arith.constant 0 : i32
    %dma_start3A_398 = tpu.memref_slice %arg9[%dma_start3A_394, %dma_start3A_396, %dma_start3A_397] : memref<2x80x16xf32, #tpu.memory_space<vmem>> -> memref<1x80x16xf32, #tpu.memory_space<vmem>>
    %dma_start3A_399 = tpu.memref_squeeze %dma_start3A_398 : memref<1x80x16xf32, #tpu.memory_space<vmem>> -> memref<80x16xf32, #tpu.memory_space<vmem>>
    %dma_start3A_400 = arith.constant 0 : i32
    %dma_start3A_401 = tpu.memref_slice %arg8[%dma_start3A_393, %dma_start3A_400] : memref<4x80xi32, #tpu.memory_space<vmem>> -> memref<1x80xi32, #tpu.memory_space<vmem>>
    %dma_start3A_402 = tpu.memref_squeeze %dma_start3A_401 : memref<1x80xi32, #tpu.memory_space<vmem>> -> memref<80xi32, #tpu.memory_space<vmem>>
    %dma_start3A_403 = arith.constant 0 : i32
    %dma_start3A_404 = arith.constant 0 : i32
    %dma_start3A_405 = tpu.memref_slice %arg5[%dma_start3A_403, %dma_start3A_404] : memref<10240x16xf32, #tpu.memory_space<hbm>> -> memref<10240x16xf32, #tpu.memory_space<hbm>>
    %dma_start3A_406 = tpu.memref_slice %arg14[%dma_start3A_395] : memref<2x!tpu.dma_semaphore, #tpu.memory_space<semaphore_mem>> -> memref<1x!tpu.dma_semaphore, #tpu.memory_space<semaphore_mem>>
    %dma_start3A_407 = tpu.memref_squeeze %dma_start3A_406 : memref<1x!tpu.dma_semaphore, #tpu.memory_space<semaphore_mem>> -> memref<!tpu.dma_semaphore, #tpu.memory_space<semaphore_mem>>
    tpu.enqueue_indirect_dma source(%dma_start3A_405 : memref<10240x16xf32, #tpu.memory_space<hbm>>) target(%dma_start3A_399 : memref<80x16xf32, #tpu.memory_space<vmem>>) offsets(%dma_start3A_402 : memref<80xi32, #tpu.memory_space<vmem>>) semaphore(%dma_start3A_407 : memref<!tpu.dma_semaphore, #tpu.memory_space<semaphore_mem>>)
    %scan3A_408 = arith.constant 0 : i32
    %scan3A_409 = arith.constant 0 : i32
    %scan3A_410 = arith.constant 125 : i32
    %scan3A_411 = arith.addi %scan3A_409, %scan3A_410 : i32
    %scan3A_412 = arith.constant 1 : i32
    %scan3A_413 = scf.for %scan3A_1025 = %scan3A_409 to %scan3A_411 step %scan3A_412 iter_args(%scan3A_1026 = %scan3A_408) -> (i32)  : i32 {
      %rem3A = arith.constant 2 : i32
      %rem3A_1027 = arith.remsi %scan3A_1025, %rem3A : i32
      %add3A_1028 = arith.constant 1 : i32
      %add3A_1029 = arith.addi %scan3A_1025, %add3A_1028 : i32
      %rem3A_1030 = arith.constant 2 : i32
      %rem3A_1031 = arith.remsi %add3A_1029, %rem3A_1030 : i32
      %ge3A = arith.constant 2 : i32
      %ge3A_1032 = arith.cmpi sge, %scan3A_1025, %ge3A : i32
      %convert_element_type3A = arith.extui %ge3A_1032 : i1 to i32
      %cond3A = arith.constant 0 : i32
      %cond3A_1033 = arith.cmpi ne, %convert_element_type3A, %cond3A : i32
      scf.if %cond3A_1033 {
        %dma_wait3A_1090 = arith.constant 0 : i32
        %dma_wait3A_1091 = arith.constant 0 : i32
        %dma_wait3A_1092 = arith.constant 0 : i32
        %dma_wait3A_1093 = tpu.memref_slice %arg11[%rem3A_1027, %dma_wait3A_1091, %dma_wait3A_1092] : memref<2x80x80xf32, #tpu.memory_space<vmem>> -> memref<1x80x80xf32, #tpu.memory_space<vmem>>
        %dma_wait3A_1094 = tpu.memref_squeeze %dma_wait3A_1093 : memref<1x80x80xf32, #tpu.memory_space<vmem>> -> memref<80x80xf32, #tpu.memory_space<vmem>>
        %dma_wait3A_1095 = arith.constant 0 : i32
        %dma_wait3A_1096 = tpu.memref_slice %arg8[%dma_wait3A_1090, %dma_wait3A_1095] : memref<4x80xi32, #tpu.memory_space<vmem>> -> memref<1x80xi32, #tpu.memory_space<vmem>>
        %dma_wait3A_1097 = tpu.memref_squeeze %dma_wait3A_1096 : memref<1x80xi32, #tpu.memory_space<vmem>> -> memref<80xi32, #tpu.memory_space<vmem>>
        %dma_wait3A_1098 = arith.constant 0 : i32
        %dma_wait3A_1099 = arith.constant 0 : i32
        %dma_wait3A_1100 = tpu.memref_slice %arg12[%dma_wait3A_1098, %dma_wait3A_1099] : memref<10240x80xf32, #tpu.memory_space<vmem_shared>> -> memref<10240x80xf32, #tpu.memory_space<vmem_shared>>
        %dma_wait3A_1101 = tpu.memref_slice %arg15[%rem3A_1027] : memref<2x!tpu.dma_semaphore, #tpu.memory_space<semaphore_mem>> -> memref<1x!tpu.dma_semaphore, #tpu.memory_space<semaphore_mem>>
        %dma_wait3A_1102 = tpu.memref_squeeze %dma_wait3A_1101 : memref<1x!tpu.dma_semaphore, #tpu.memory_space<semaphore_mem>> -> memref<!tpu.dma_semaphore, #tpu.memory_space<semaphore_mem>>
        tpu.wait_indirect_dma semaphore(%dma_wait3A_1102 : memref<!tpu.dma_semaphore, #tpu.memory_space<semaphore_mem>>) src(%dma_wait3A_1094 : memref<80x80xf32, #tpu.memory_space<vmem>>) dst(%dma_wait3A_1100 : memref<10240x80xf32, #tpu.memory_space<vmem_shared>>)
      } else {
      }
      %add3A_1034 = arith.constant 2 : i32
      %add3A_1035 = arith.addi %scan3A_1025, %add3A_1034 : i32
      %lt3A = arith.constant 125 : i32
      %lt3A_1036 = arith.cmpi slt, %add3A_1035, %lt3A : i32
      %convert_element_type3A_1037 = arith.extui %lt3A_1036 : i1 to i32
      %cond3A_1038 = arith.constant 0 : i32
      %cond3A_1039 = arith.cmpi ne, %convert_element_type3A_1037, %cond3A_1038 : i32
      scf.if %cond3A_1039 {
        %add3A_1090 = arith.constant 2 : i32
        %add3A_1091 = arith.addi %scan3A_1025, %add3A_1090 : i32
        %add3A_1092 = arith.constant 2 : i32
        %add3A_1093 = arith.addi %scan3A_1025, %add3A_1092 : i32
        %rem3A_1094 = arith.constant 4 : i32
        %rem3A_1095 = arith.remsi %add3A_1093, %rem3A_1094 : i32
        %mul3A_1096 = arith.constant 80 : i32
        %mul3A_1097 = arith.muli %add3A_1091, %mul3A_1096 : i32
        %add3A_1098 = arith.addi %mul3A_297, %mul3A_1097 : i32
        %dma_start3A_1099 = arith.constant 0 : i32
        %dma_start3A_1100 = tpu.memref_slice %arg7[%rem3A_1095, %dma_start3A_1099] : memref<4x80xi32, #tpu.memory_space<vmem>> -> memref<1x80xi32, #tpu.memory_space<vmem>>
        %dma_start3A_1101 = tpu.memref_squeeze %dma_start3A_1100 : memref<1x80xi32, #tpu.memory_space<vmem>> -> memref<80xi32, #tpu.memory_space<vmem>>
        %dma_start3A_1102 = tpu.memref_slice %arg2[%add3A_1098] : memref<320000xi32, #tpu.memory_space<hbm>> -> memref<80xi32, #tpu.memory_space<hbm>>
        %dma_start3A_1103 = tpu.memref_slice %arg13[%rem3A_1095] : memref<4x!tpu.dma_semaphore, #tpu.memory_space<semaphore_mem>> -> memref<1x!tpu.dma_semaphore, #tpu.memory_space<semaphore_mem>>
        %dma_start3A_1104 = tpu.memref_squeeze %dma_start3A_1103 : memref<1x!tpu.dma_semaphore, #tpu.memory_space<semaphore_mem>> -> memref<!tpu.dma_semaphore, #tpu.memory_space<semaphore_mem>>
        %dma_start3A_1105 = arith.constant 0 : i32
        %dma_start3A_1106 = tpu.memref_slice %arg7[%rem3A_1095, %dma_start3A_1105] : memref<4x80xi32, #tpu.memory_space<vmem>> -> memref<1x80xi32, #tpu.memory_space<vmem>>
        %dma_start3A_1107 = tpu.memref_squeeze %dma_start3A_1106 : memref<1x80xi32, #tpu.memory_space<vmem>> -> memref<80xi32, #tpu.memory_space<vmem>>
        %dma_start3A_1108 = tpu.memref_slice %arg2[%add3A_1098] : memref<320000xi32, #tpu.memory_space<hbm>> -> memref<80xi32, #tpu.memory_space<hbm>>
        tpu.enqueue_dma source(%dma_start3A_1108 : memref<80xi32, #tpu.memory_space<hbm>>) target(%dma_start3A_1107 : memref<80xi32, #tpu.memory_space<vmem>>) target_semaphore(%dma_start3A_1104 : memref<!tpu.dma_semaphore, #tpu.memory_space<semaphore_mem>>)
        %dma_start3A_1109 = arith.constant 0 : i32
        %dma_start3A_1110 = tpu.memref_slice %arg8[%rem3A_1095, %dma_start3A_1109] : memref<4x80xi32, #tpu.memory_space<vmem>> -> memref<1x80xi32, #tpu.memory_space<vmem>>
        %dma_start3A_1111 = tpu.memref_squeeze %dma_start3A_1110 : memref<1x80xi32, #tpu.memory_space<vmem>> -> memref<80xi32, #tpu.memory_space<vmem>>
        %dma_start3A_1112 = tpu.memref_slice %arg3[%add3A_1098] : memref<320000xi32, #tpu.memory_space<hbm>> -> memref<80xi32, #tpu.memory_space<hbm>>
        %dma_start3A_1113 = tpu.memref_slice %arg13[%rem3A_1095] : memref<4x!tpu.dma_semaphore, #tpu.memory_space<semaphore_mem>> -> memref<1x!tpu.dma_semaphore, #tpu.memory_space<semaphore_mem>>
        %dma_start3A_1114 = tpu.memref_squeeze %dma_start3A_1113 : memref<1x!tpu.dma_semaphore, #tpu.memory_space<semaphore_mem>> -> memref<!tpu.dma_semaphore, #tpu.memory_space<semaphore_mem>>
        %dma_start3A_1115 = arith.constant 0 : i32
        %dma_start3A_1116 = tpu.memref_slice %arg8[%rem3A_1095, %dma_start3A_1115] : memref<4x80xi32, #tpu.memory_space<vmem>> -> memref<1x80xi32, #tpu.memory_space<vmem>>
        %dma_start3A_1117 = tpu.memref_squeeze %dma_start3A_1116 : memref<1x80xi32, #tpu.memory_space<vmem>> -> memref<80xi32, #tpu.memory_space<vmem>>
        %dma_start3A_1118 = tpu.memref_slice %arg3[%add3A_1098] : memref<320000xi32, #tpu.memory_space<hbm>> -> memref<80xi32, #tpu.memory_space<hbm>>
        tpu.enqueue_dma source(%dma_start3A_1118 : memref<80xi32, #tpu.memory_space<hbm>>) target(%dma_start3A_1117 : memref<80xi32, #tpu.memory_space<vmem>>) target_semaphore(%dma_start3A_1114 : memref<!tpu.dma_semaphore, #tpu.memory_space<semaphore_mem>>)
      } else {
      }
      %add3A_1040 = arith.constant 1 : i32
      %add3A_1041 = arith.addi %scan3A_1025, %add3A_1040 : i32
      %lt3A_1042 = arith.constant 125 : i32
      %lt3A_1043 = arith.cmpi slt, %add3A_1041, %lt3A_1042 : i32
      %convert_element_type3A_1044 = arith.extui %lt3A_1043 : i1 to i32
      %cond3A_1045 = arith.constant 0 : i32
      %cond3A_1046 = arith.cmpi ne, %convert_element_type3A_1044, %cond3A_1045 : i32
      scf.if %cond3A_1046 {
        %add3A_1090 = arith.constant 1 : i32
        %add3A_1091 = arith.addi %scan3A_1025, %add3A_1090 : i32
        %rem3A_1092 = arith.constant 4 : i32
        %rem3A_1093 = arith.remsi %add3A_1091, %rem3A_1092 : i32
        %dma_wait3A_1094 = arith.constant 0 : i32
        %dma_wait3A_1095 = tpu.memref_slice %arg7[%rem3A_1093, %dma_wait3A_1094] : memref<4x80xi32, #tpu.memory_space<vmem>> -> memref<1x80xi32, #tpu.memory_space<vmem>>
        %dma_wait3A_1096 = tpu.memref_squeeze %dma_wait3A_1095 : memref<1x80xi32, #tpu.memory_space<vmem>> -> memref<80xi32, #tpu.memory_space<vmem>>
        %dma_wait3A_1097 = arith.constant 0 : i32
        %dma_wait3A_1098 = tpu.memref_slice %arg2[%dma_wait3A_1097] : memref<320000xi32, #tpu.memory_space<hbm>> -> memref<80xi32, #tpu.memory_space<hbm>>
        %dma_wait3A_1099 = tpu.memref_slice %arg13[%rem3A_1093] : memref<4x!tpu.dma_semaphore, #tpu.memory_space<semaphore_mem>> -> memref<1x!tpu.dma_semaphore, #tpu.memory_space<semaphore_mem>>
        %dma_wait3A_1100 = tpu.memref_squeeze %dma_wait3A_1099 : memref<1x!tpu.dma_semaphore, #tpu.memory_space<semaphore_mem>> -> memref<!tpu.dma_semaphore, #tpu.memory_space<semaphore_mem>>
        %dma_wait3A_1101 = arith.constant 0 : i32
        %dma_wait3A_1102 = tpu.memref_slice %arg7[%rem3A_1093, %dma_wait3A_1101] : memref<4x80xi32, #tpu.memory_space<vmem>> -> memref<1x80xi32, #tpu.memory_space<vmem>>
        %dma_wait3A_1103 = tpu.memref_squeeze %dma_wait3A_1102 : memref<1x80xi32, #tpu.memory_space<vmem>> -> memref<80xi32, #tpu.memory_space<vmem>>
        %dma_wait3A_1104 = arith.constant 0 : i32
        %dma_wait3A_1105 = tpu.memref_slice %arg2[%dma_wait3A_1104] : memref<320000xi32, #tpu.memory_space<hbm>> -> memref<80xi32, #tpu.memory_space<hbm>>
        tpu.wait_dma2 semaphore(%dma_wait3A_1100 : memref<!tpu.dma_semaphore, #tpu.memory_space<semaphore_mem>>) src(%dma_wait3A_1105 : memref<80xi32, #tpu.memory_space<hbm>>) dst(%dma_wait3A_1103 : memref<80xi32, #tpu.memory_space<vmem>>)
        %dma_wait3A_1106 = arith.constant 0 : i32
        %dma_wait3A_1107 = tpu.memref_slice %arg8[%rem3A_1093, %dma_wait3A_1106] : memref<4x80xi32, #tpu.memory_space<vmem>> -> memref<1x80xi32, #tpu.memory_space<vmem>>
        %dma_wait3A_1108 = tpu.memref_squeeze %dma_wait3A_1107 : memref<1x80xi32, #tpu.memory_space<vmem>> -> memref<80xi32, #tpu.memory_space<vmem>>
        %dma_wait3A_1109 = arith.constant 0 : i32
        %dma_wait3A_1110 = tpu.memref_slice %arg3[%dma_wait3A_1109] : memref<320000xi32, #tpu.memory_space<hbm>> -> memref<80xi32, #tpu.memory_space<hbm>>
        %dma_wait3A_1111 = tpu.memref_slice %arg13[%rem3A_1093] : memref<4x!tpu.dma_semaphore, #tpu.memory_space<semaphore_mem>> -> memref<1x!tpu.dma_semaphore, #tpu.memory_space<semaphore_mem>>
        %dma_wait3A_1112 = tpu.memref_squeeze %dma_wait3A_1111 : memref<1x!tpu.dma_semaphore, #tpu.memory_space<semaphore_mem>> -> memref<!tpu.dma_semaphore, #tpu.memory_space<semaphore_mem>>
        %dma_wait3A_1113 = arith.constant 0 : i32
        %dma_wait3A_1114 = tpu.memref_slice %arg8[%rem3A_1093, %dma_wait3A_1113] : memref<4x80xi32, #tpu.memory_space<vmem>> -> memref<1x80xi32, #tpu.memory_space<vmem>>
        %dma_wait3A_1115 = tpu.memref_squeeze %dma_wait3A_1114 : memref<1x80xi32, #tpu.memory_space<vmem>> -> memref<80xi32, #tpu.memory_space<vmem>>
        %dma_wait3A_1116 = arith.constant 0 : i32
        %dma_wait3A_1117 = tpu.memref_slice %arg3[%dma_wait3A_1116] : memref<320000xi32, #tpu.memory_space<hbm>> -> memref<80xi32, #tpu.memory_space<hbm>>
        tpu.wait_dma2 semaphore(%dma_wait3A_1112 : memref<!tpu.dma_semaphore, #tpu.memory_space<semaphore_mem>>) src(%dma_wait3A_1117 : memref<80xi32, #tpu.memory_space<hbm>>) dst(%dma_wait3A_1115 : memref<80xi32, #tpu.memory_space<vmem>>)
        %dma_start3A_1118 = arith.constant 0 : i32
        %dma_start3A_1119 = arith.constant 0 : i32
        %dma_start3A_1120 = tpu.memref_slice %arg10[%rem3A_1031, %dma_start3A_1118, %dma_start3A_1119] : memref<2x80x80xf32, #tpu.memory_space<vmem>> -> memref<1x80x80xf32, #tpu.memory_space<vmem>>
        %dma_start3A_1121 = tpu.memref_squeeze %dma_start3A_1120 : memref<1x80x80xf32, #tpu.memory_space<vmem>> -> memref<80x80xf32, #tpu.memory_space<vmem>>
        %dma_start3A_1122 = arith.constant 0 : i32
        %dma_start3A_1123 = tpu.memref_slice %arg7[%rem3A_1093, %dma_start3A_1122] : memref<4x80xi32, #tpu.memory_space<vmem>> -> memref<1x80xi32, #tpu.memory_space<vmem>>
        %dma_start3A_1124 = tpu.memref_squeeze %dma_start3A_1123 : memref<1x80xi32, #tpu.memory_space<vmem>> -> memref<80xi32, #tpu.memory_space<vmem>>
        %dma_start3A_1125 = arith.constant 0 : i32
        %dma_start3A_1126 = arith.constant 0 : i32
        %dma_start3A_1127 = tpu.memref_slice %arg4[%dma_start3A_1125, %dma_start3A_1126] : memref<10240x80xf32, #tpu.memory_space<hbm>> -> memref<10240x80xf32, #tpu.memory_space<hbm>>
        %dma_start3A_1128 = tpu.memref_slice %arg14[%rem3A_1031] : memref<2x!tpu.dma_semaphore, #tpu.memory_space<semaphore_mem>> -> memref<1x!tpu.dma_semaphore, #tpu.memory_space<semaphore_mem>>
        %dma_start3A_1129 = tpu.memref_squeeze %dma_start3A_1128 : memref<1x!tpu.dma_semaphore, #tpu.memory_space<semaphore_mem>> -> memref<!tpu.dma_semaphore, #tpu.memory_space<semaphore_mem>>
        tpu.enqueue_indirect_dma source(%dma_start3A_1127 : memref<10240x80xf32, #tpu.memory_space<hbm>>) target(%dma_start3A_1121 : memref<80x80xf32, #tpu.memory_space<vmem>>) offsets(%dma_start3A_1124 : memref<80xi32, #tpu.memory_space<vmem>>) semaphore(%dma_start3A_1129 : memref<!tpu.dma_semaphore, #tpu.memory_space<semaphore_mem>>)
        %dma_start3A_1130 = arith.constant 0 : i32
        %dma_start3A_1131 = arith.constant 0 : i32
        %dma_start3A_1132 = tpu.memref_slice %arg9[%rem3A_1031, %dma_start3A_1130, %dma_start3A_1131] : memref<2x80x16xf32, #tpu.memory_space<vmem>> -> memref<1x80x16xf32, #tpu.memory_space<vmem>>
        %dma_start3A_1133 = tpu.memref_squeeze %dma_start3A_1132 : memref<1x80x16xf32, #tpu.memory_space<vmem>> -> memref<80x16xf32, #tpu.memory_space<vmem>>
        %dma_start3A_1134 = arith.constant 0 : i32
        %dma_start3A_1135 = tpu.memref_slice %arg8[%rem3A_1093, %dma_start3A_1134] : memref<4x80xi32, #tpu.memory_space<vmem>> -> memref<1x80xi32, #tpu.memory_space<vmem>>
        %dma_start3A_1136 = tpu.memref_squeeze %dma_start3A_1135 : memref<1x80xi32, #tpu.memory_space<vmem>> -> memref<80xi32, #tpu.memory_space<vmem>>
        %dma_start3A_1137 = arith.constant 0 : i32
        %dma_start3A_1138 = arith.constant 0 : i32
        %dma_start3A_1139 = tpu.memref_slice %arg5[%dma_start3A_1137, %dma_start3A_1138] : memref<10240x16xf32, #tpu.memory_space<hbm>> -> memref<10240x16xf32, #tpu.memory_space<hbm>>
        %dma_start3A_1140 = tpu.memref_slice %arg14[%rem3A_1031] : memref<2x!tpu.dma_semaphore, #tpu.memory_space<semaphore_mem>> -> memref<1x!tpu.dma_semaphore, #tpu.memory_space<semaphore_mem>>
        %dma_start3A_1141 = tpu.memref_squeeze %dma_start3A_1140 : memref<1x!tpu.dma_semaphore, #tpu.memory_space<semaphore_mem>> -> memref<!tpu.dma_semaphore, #tpu.memory_space<semaphore_mem>>
        tpu.enqueue_indirect_dma source(%dma_start3A_1139 : memref<10240x16xf32, #tpu.memory_space<hbm>>) target(%dma_start3A_1133 : memref<80x16xf32, #tpu.memory_space<vmem>>) offsets(%dma_start3A_1136 : memref<80xi32, #tpu.memory_space<vmem>>) semaphore(%dma_start3A_1141 : memref<!tpu.dma_semaphore, #tpu.memory_space<semaphore_mem>>)
      } else {
      }
      %rem3A_1047 = arith.constant 4 : i32
      %rem3A_1048 = arith.remsi %scan3A_1025, %rem3A_1047 : i32
      %dma_wait3A_1049 = arith.constant 0 : i32
      %dma_wait3A_1050 = arith.constant 0 : i32
      %dma_wait3A_1051 = tpu.memref_slice %arg10[%rem3A_1027, %dma_wait3A_1049, %dma_wait3A_1050] : memref<2x80x80xf32, #tpu.memory_space<vmem>> -> memref<1x80x80xf32, #tpu.memory_space<vmem>>
      %dma_wait3A_1052 = tpu.memref_squeeze %dma_wait3A_1051 : memref<1x80x80xf32, #tpu.memory_space<vmem>> -> memref<80x80xf32, #tpu.memory_space<vmem>>
      %dma_wait3A_1053 = arith.constant 0 : i32
      %dma_wait3A_1054 = tpu.memref_slice %arg7[%rem3A_1048, %dma_wait3A_1053] : memref<4x80xi32, #tpu.memory_space<vmem>> -> memref<1x80xi32, #tpu.memory_space<vmem>>
      %dma_wait3A_1055 = tpu.memref_squeeze %dma_wait3A_1054 : memref<1x80xi32, #tpu.memory_space<vmem>> -> memref<80xi32, #tpu.memory_space<vmem>>
      %dma_wait3A_1056 = arith.constant 0 : i32
      %dma_wait3A_1057 = arith.constant 0 : i32
      %dma_wait3A_1058 = tpu.memref_slice %arg4[%dma_wait3A_1056, %dma_wait3A_1057] : memref<10240x80xf32, #tpu.memory_space<hbm>> -> memref<10240x80xf32, #tpu.memory_space<hbm>>
      %dma_wait3A_1059 = tpu.memref_slice %arg14[%rem3A_1027] : memref<2x!tpu.dma_semaphore, #tpu.memory_space<semaphore_mem>> -> memref<1x!tpu.dma_semaphore, #tpu.memory_space<semaphore_mem>>
      %dma_wait3A_1060 = tpu.memref_squeeze %dma_wait3A_1059 : memref<1x!tpu.dma_semaphore, #tpu.memory_space<semaphore_mem>> -> memref<!tpu.dma_semaphore, #tpu.memory_space<semaphore_mem>>
      tpu.wait_indirect_dma semaphore(%dma_wait3A_1060 : memref<!tpu.dma_semaphore, #tpu.memory_space<semaphore_mem>>) src(%dma_wait3A_1058 : memref<10240x80xf32, #tpu.memory_space<hbm>>) dst(%dma_wait3A_1052 : memref<80x80xf32, #tpu.memory_space<vmem>>)
      %dma_wait3A_1061 = arith.constant 0 : i32
      %dma_wait3A_1062 = arith.constant 0 : i32
      %dma_wait3A_1063 = tpu.memref_slice %arg9[%rem3A_1027, %dma_wait3A_1061, %dma_wait3A_1062] : memref<2x80x16xf32, #tpu.memory_space<vmem>> -> memref<1x80x16xf32, #tpu.memory_space<vmem>>
      %dma_wait3A_1064 = tpu.memref_squeeze %dma_wait3A_1063 : memref<1x80x16xf32, #tpu.memory_space<vmem>> -> memref<80x16xf32, #tpu.memory_space<vmem>>
      %dma_wait3A_1065 = arith.constant 0 : i32
      %dma_wait3A_1066 = tpu.memref_slice %arg8[%rem3A_1048, %dma_wait3A_1065] : memref<4x80xi32, #tpu.memory_space<vmem>> -> memref<1x80xi32, #tpu.memory_space<vmem>>
      %dma_wait3A_1067 = tpu.memref_squeeze %dma_wait3A_1066 : memref<1x80xi32, #tpu.memory_space<vmem>> -> memref<80xi32, #tpu.memory_space<vmem>>
      %dma_wait3A_1068 = arith.constant 0 : i32
      %dma_wait3A_1069 = arith.constant 0 : i32
      %dma_wait3A_1070 = tpu.memref_slice %arg5[%dma_wait3A_1068, %dma_wait3A_1069] : memref<10240x16xf32, #tpu.memory_space<hbm>> -> memref<10240x16xf32, #tpu.memory_space<hbm>>
      %dma_wait3A_1071 = tpu.memref_slice %arg14[%rem3A_1027] : memref<2x!tpu.dma_semaphore, #tpu.memory_space<semaphore_mem>> -> memref<1x!tpu.dma_semaphore, #tpu.memory_space<semaphore_mem>>
      %dma_wait3A_1072 = tpu.memref_squeeze %dma_wait3A_1071 : memref<1x!tpu.dma_semaphore, #tpu.memory_space<semaphore_mem>> -> memref<!tpu.dma_semaphore, #tpu.memory_space<semaphore_mem>>
      tpu.wait_indirect_dma semaphore(%dma_wait3A_1072 : memref<!tpu.dma_semaphore, #tpu.memory_space<semaphore_mem>>) src(%dma_wait3A_1070 : memref<10240x16xf32, #tpu.memory_space<hbm>>) dst(%dma_wait3A_1064 : memref<80x16xf32, #tpu.memory_space<vmem>>)
      %parallel_loop3A = arith.constant 0 : i32
      %parallel_loop3A_1073 = arith.constant 80 : i32
      %parallel_loop3A_1074 = arith.constant 1 : i32
      scf.for %parallel_loop3A_1090 = %parallel_loop3A to %parallel_loop3A_1073 step %parallel_loop3A_1074  : i32 {
        %parallel_loop3A_1091 = arith.index_cast %rem3A_1027 : i32 to index
        %parallel_loop3A_1092 = arith.index_cast %parallel_loop3A_1090 : i32 to index
        %parallel_loop3A_1093 = arith.constant 64 : index
        %parallel_loop3A_1094 = tpu.vector_load %arg10[%parallel_loop3A_1091, %parallel_loop3A_1092, %parallel_loop3A_1093] {strides = array<i32>} : memref<2x80x80xf32, #tpu.memory_space<vmem>>, vector<1x1x16xf32>,
        %parallel_loop3A_1095 = vector.shape_cast %parallel_loop3A_1094 : vector<1x1x16xf32> to vector<16xf32>
        %parallel_loop3A_1096 = arith.index_cast %rem3A_1027 : i32 to index
        %parallel_loop3A_1097 = arith.index_cast %parallel_loop3A_1090 : i32 to index
        %parallel_loop3A_1098 = arith.constant 0 : index
        %parallel_loop3A_1099 = tpu.vector_load %arg9[%parallel_loop3A_1096, %parallel_loop3A_1097, %parallel_loop3A_1098] {strides = array<i32>} : memref<2x80x16xf32, #tpu.memory_space<vmem>>, vector<1x1x16xf32>,
        %parallel_loop3A_1100 = vector.shape_cast %parallel_loop3A_1099 : vector<1x1x16xf32> to vector<16xf32>
        %parallel_loop3A_1101 = arith.addf %parallel_loop3A_1095, %parallel_loop3A_1100 : vector<16xf32>
        %parallel_loop3A_1102 = arith.constant 0.000000e+00 : f32
        %parallel_loop3A_1103 = vector.broadcast %parallel_loop3A_1102 : f32 to vector<16xf32>
        %parallel_loop3A_1104 = arith.cmpf ogt, %parallel_loop3A_1101, %parallel_loop3A_1103 : vector<16xf32>
        %parallel_loop3A_1105 = arith.constant 2.000000e-01 : f32
        %parallel_loop3A_1106 = vector.broadcast %parallel_loop3A_1105 : f32 to vector<16xf32>
        %parallel_loop3A_1107 = arith.mulf %parallel_loop3A_1106, %parallel_loop3A_1101 : vector<16xf32>
        %parallel_loop3A_1108 = arith.select %parallel_loop3A_1104, %parallel_loop3A_1101, %parallel_loop3A_1107 : vector<16xi1>, vector<16xf32>
        %parallel_loop3A_1109 = math.exp %parallel_loop3A_1108 : vector<16xf32>
        %parallel_loop3A_1110 = arith.index_cast %rem3A_1027 : i32 to index
        %parallel_loop3A_1111 = arith.index_cast %parallel_loop3A_1090 : i32 to index
        %parallel_loop3A_1112 = arith.constant 64 : index
        %parallel_loop3A_1113 = tpu.vector_load %arg11[%parallel_loop3A_1110, %parallel_loop3A_1111, %parallel_loop3A_1112] {strides = array<i32>} : memref<2x80x80xf32, #tpu.memory_space<vmem>>, vector<1x1x16xf32>,
        %parallel_loop3A_1114 = vector.shape_cast %parallel_loop3A_1113 : vector<1x1x16xf32> to vector<16xf32>
        %parallel_loop3A_1115 = vector.shape_cast %parallel_loop3A_1109 : vector<16xf32> to vector<1x1x16xf32>
        tpu.vector_store %arg11[%parallel_loop3A_1110, %parallel_loop3A_1111, %parallel_loop3A_1112], %parallel_loop3A_1115 {strides = array<i32>} : memref<2x80x80xf32, #tpu.memory_space<vmem>>, vector<1x1x16xf32>,
        %parallel_loop3A_1116 = arith.index_cast %rem3A_1027 : i32 to index
        %parallel_loop3A_1117 = arith.index_cast %parallel_loop3A_1090 : i32 to index
        %parallel_loop3A_1118 = arith.constant 0 : index
        %parallel_loop3A_1119 = tpu.vector_load %arg10[%parallel_loop3A_1116, %parallel_loop3A_1117, %parallel_loop3A_1118] {strides = array<i32>} : memref<2x80x80xf32, #tpu.memory_space<vmem>>, vector<1x1x16xf32>,
        %parallel_loop3A_1120 = vector.shape_cast %parallel_loop3A_1119 : vector<1x1x16xf32> to vector<16xf32>
        %parallel_loop3A_1121 = vector.extract_strided_slice %parallel_loop3A_1109 {offsets = [0], sizes = [1], strides = [1]} : vector<16xf32> to vector<1xf32>
        %parallel_loop3A_1122 = vector.extract %parallel_loop3A_1121[0] : f32 from vector<1xf32>
        %parallel_loop3A_1123 = vector.broadcast %parallel_loop3A_1122 : f32 to vector<16xf32>
        %parallel_loop3A_1124 = arith.mulf %parallel_loop3A_1120, %parallel_loop3A_1123 : vector<16xf32>
        %parallel_loop3A_1125 = arith.index_cast %rem3A_1027 : i32 to index
        %parallel_loop3A_1126 = arith.index_cast %parallel_loop3A_1090 : i32 to index
        %parallel_loop3A_1127 = arith.constant 0 : index
        %parallel_loop3A_1128 = tpu.vector_load %arg11[%parallel_loop3A_1125, %parallel_loop3A_1126, %parallel_loop3A_1127] {strides = array<i32>} : memref<2x80x80xf32, #tpu.memory_space<vmem>>, vector<1x1x16xf32>,
        %parallel_loop3A_1129 = vector.shape_cast %parallel_loop3A_1128 : vector<1x1x16xf32> to vector<16xf32>
        %parallel_loop3A_1130 = vector.shape_cast %parallel_loop3A_1124 : vector<16xf32> to vector<1x1x16xf32>
        tpu.vector_store %arg11[%parallel_loop3A_1125, %parallel_loop3A_1126, %parallel_loop3A_1127], %parallel_loop3A_1130 {strides = array<i32>} : memref<2x80x80xf32, #tpu.memory_space<vmem>>, vector<1x1x16xf32>,
        %parallel_loop3A_1131 = arith.index_cast %rem3A_1027 : i32 to index
        %parallel_loop3A_1132 = arith.index_cast %parallel_loop3A_1090 : i32 to index
        %parallel_loop3A_1133 = arith.constant 16 : index
        %parallel_loop3A_1134 = tpu.vector_load %arg10[%parallel_loop3A_1131, %parallel_loop3A_1132, %parallel_loop3A_1133] {strides = array<i32>} : memref<2x80x80xf32, #tpu.memory_space<vmem>>, vector<1x1x16xf32>,
        %parallel_loop3A_1135 = vector.shape_cast %parallel_loop3A_1134 : vector<1x1x16xf32> to vector<16xf32>
        %parallel_loop3A_1136 = vector.extract_strided_slice %parallel_loop3A_1109 {offsets = [0], sizes = [1], strides = [1]} : vector<16xf32> to vector<1xf32>
        %parallel_loop3A_1137 = vector.extract %parallel_loop3A_1136[0] : f32 from vector<1xf32>
        %parallel_loop3A_1138 = vector.broadcast %parallel_loop3A_1137 : f32 to vector<16xf32>
        %parallel_loop3A_1139 = arith.mulf %parallel_loop3A_1135, %parallel_loop3A_1138 : vector<16xf32>
        %parallel_loop3A_1140 = arith.index_cast %rem3A_1027 : i32 to index
        %parallel_loop3A_1141 = arith.index_cast %parallel_loop3A_1090 : i32 to index
        %parallel_loop3A_1142 = arith.constant 16 : index
        %parallel_loop3A_1143 = tpu.vector_load %arg11[%parallel_loop3A_1140, %parallel_loop3A_1141, %parallel_loop3A_1142] {strides = array<i32>} : memref<2x80x80xf32, #tpu.memory_space<vmem>>, vector<1x1x16xf32>,
        %parallel_loop3A_1144 = vector.shape_cast %parallel_loop3A_1143 : vector<1x1x16xf32> to vector<16xf32>
        %parallel_loop3A_1145 = vector.shape_cast %parallel_loop3A_1139 : vector<16xf32> to vector<1x1x16xf32>
        tpu.vector_store %arg11[%parallel_loop3A_1140, %parallel_loop3A_1141, %parallel_loop3A_1142], %parallel_loop3A_1145 {strides = array<i32>} : memref<2x80x80xf32, #tpu.memory_space<vmem>>, vector<1x1x16xf32>,
        %parallel_loop3A_1146 = arith.index_cast %rem3A_1027 : i32 to index
        %parallel_loop3A_1147 = arith.index_cast %parallel_loop3A_1090 : i32 to index
        %parallel_loop3A_1148 = arith.constant 32 : index
        %parallel_loop3A_1149 = tpu.vector_load %arg10[%parallel_loop3A_1146, %parallel_loop3A_1147, %parallel_loop3A_1148] {strides = array<i32>} : memref<2x80x80xf32, #tpu.memory_space<vmem>>, vector<1x1x16xf32>,
        %parallel_loop3A_1150 = vector.shape_cast %parallel_loop3A_1149 : vector<1x1x16xf32> to vector<16xf32>
        %parallel_loop3A_1151 = vector.extract_strided_slice %parallel_loop3A_1109 {offsets = [0], sizes = [1], strides = [1]} : vector<16xf32> to vector<1xf32>
        %parallel_loop3A_1152 = vector.extract %parallel_loop3A_1151[0] : f32 from vector<1xf32>
        %parallel_loop3A_1153 = vector.broadcast %parallel_loop3A_1152 : f32 to vector<16xf32>
        %parallel_loop3A_1154 = arith.mulf %parallel_loop3A_1150, %parallel_loop3A_1153 : vector<16xf32>
        %parallel_loop3A_1155 = arith.index_cast %rem3A_1027 : i32 to index
        %parallel_loop3A_1156 = arith.index_cast %parallel_loop3A_1090 : i32 to index
        %parallel_loop3A_1157 = arith.constant 32 : index
        %parallel_loop3A_1158 = tpu.vector_load %arg11[%parallel_loop3A_1155, %parallel_loop3A_1156, %parallel_loop3A_1157] {strides = array<i32>} : memref<2x80x80xf32, #tpu.memory_space<vmem>>, vector<1x1x16xf32>,
        %parallel_loop3A_1159 = vector.shape_cast %parallel_loop3A_1158 : vector<1x1x16xf32> to vector<16xf32>
        %parallel_loop3A_1160 = vector.shape_cast %parallel_loop3A_1154 : vector<16xf32> to vector<1x1x16xf32>
        tpu.vector_store %arg11[%parallel_loop3A_1155, %parallel_loop3A_1156, %parallel_loop3A_1157], %parallel_loop3A_1160 {strides = array<i32>} : memref<2x80x80xf32, #tpu.memory_space<vmem>>, vector<1x1x16xf32>,
        %parallel_loop3A_1161 = arith.index_cast %rem3A_1027 : i32 to index
        %parallel_loop3A_1162 = arith.index_cast %parallel_loop3A_1090 : i32 to index
        %parallel_loop3A_1163 = arith.constant 48 : index
        %parallel_loop3A_1164 = tpu.vector_load %arg10[%parallel_loop3A_1161, %parallel_loop3A_1162, %parallel_loop3A_1163] {strides = array<i32>} : memref<2x80x80xf32, #tpu.memory_space<vmem>>, vector<1x1x16xf32>,
        %parallel_loop3A_1165 = vector.shape_cast %parallel_loop3A_1164 : vector<1x1x16xf32> to vector<16xf32>
        %parallel_loop3A_1166 = vector.extract_strided_slice %parallel_loop3A_1109 {offsets = [0], sizes = [1], strides = [1]} : vector<16xf32> to vector<1xf32>
        %parallel_loop3A_1167 = vector.extract %parallel_loop3A_1166[0] : f32 from vector<1xf32>
        %parallel_loop3A_1168 = vector.broadcast %parallel_loop3A_1167 : f32 to vector<16xf32>
        %parallel_loop3A_1169 = arith.mulf %parallel_loop3A_1165, %parallel_loop3A_1168 : vector<16xf32>
        %parallel_loop3A_1170 = arith.index_cast %rem3A_1027 : i32 to index
        %parallel_loop3A_1171 = arith.index_cast %parallel_loop3A_1090 : i32 to index
        %parallel_loop3A_1172 = arith.constant 48 : index
        %parallel_loop3A_1173 = tpu.vector_load %arg11[%parallel_loop3A_1170, %parallel_loop3A_1171, %parallel_loop3A_1172] {strides = array<i32>} : memref<2x80x80xf32, #tpu.memory_space<vmem>>, vector<1x1x16xf32>,
        %parallel_loop3A_1174 = vector.shape_cast %parallel_loop3A_1173 : vector<1x1x16xf32> to vector<16xf32>
        %parallel_loop3A_1175 = vector.shape_cast %parallel_loop3A_1169 : vector<16xf32> to vector<1x1x16xf32>
        tpu.vector_store %arg11[%parallel_loop3A_1170, %parallel_loop3A_1171, %parallel_loop3A_1172], %parallel_loop3A_1175 {strides = array<i32>} : memref<2x80x80xf32, #tpu.memory_space<vmem>>, vector<1x1x16xf32>,
      } {sc.loop_unroll_factor = 8 : i64, sc.parallel_access}
      %rem3A_1075 = arith.constant 4 : i32
      %rem3A_1076 = arith.remsi %scan3A_1025, %rem3A_1075 : i32
      %dma_start3A_1077 = arith.constant 0 : i32
      %dma_start3A_1078 = arith.constant 0 : i32
      %dma_start3A_1079 = tpu.memref_slice %arg11[%rem3A_1027, %dma_start3A_1077, %dma_start3A_1078] : memref<2x80x80xf32, #tpu.memory_space<vmem>> -> memref<1x80x80xf32, #tpu.memory_space<vmem>>
      %dma_start3A_1080 = tpu.memref_squeeze %dma_start3A_1079 : memref<1x80x80xf32, #tpu.memory_space<vmem>> -> memref<80x80xf32, #tpu.memory_space<vmem>>
      %dma_start3A_1081 = arith.constant 0 : i32
      %dma_start3A_1082 = tpu.memref_slice %arg8[%rem3A_1076, %dma_start3A_1081] : memref<4x80xi32, #tpu.memory_space<vmem>> -> memref<1x80xi32, #tpu.memory_space<vmem>>
      %dma_start3A_1083 = tpu.memref_squeeze %dma_start3A_1082 : memref<1x80xi32, #tpu.memory_space<vmem>> -> memref<80xi32, #tpu.memory_space<vmem>>
      %dma_start3A_1084 = arith.constant 0 : i32
      %dma_start3A_1085 = arith.constant 0 : i32
      %dma_start3A_1086 = tpu.memref_slice %arg12[%dma_start3A_1084, %dma_start3A_1085] : memref<10240x80xf32, #tpu.memory_space<vmem_shared>> -> memref<10240x80xf32, #tpu.memory_space<vmem_shared>>
      %dma_start3A_1087 = tpu.memref_slice %arg15[%rem3A_1027] : memref<2x!tpu.dma_semaphore, #tpu.memory_space<semaphore_mem>> -> memref<1x!tpu.dma_semaphore, #tpu.memory_space<semaphore_mem>>
      %dma_start3A_1088 = tpu.memref_squeeze %dma_start3A_1087 : memref<1x!tpu.dma_semaphore, #tpu.memory_space<semaphore_mem>> -> memref<!tpu.dma_semaphore, #tpu.memory_space<semaphore_mem>>
      tpu.enqueue_indirect_dma source(%dma_start3A_1080 : memref<80x80xf32, #tpu.memory_space<vmem>>) target(%dma_start3A_1086 : memref<10240x80xf32, #tpu.memory_space<vmem_shared>>) offsets(%dma_start3A_1083 : memref<80xi32, #tpu.memory_space<vmem>>) semaphore(%dma_start3A_1088 : memref<!tpu.dma_semaphore, #tpu.memory_space<semaphore_mem>>) {add = true}
      %scan3A_1089 = arith.constant 0 : i32
      scf.yield %scan3A_1089 : i32
    }
    %scan3A_414 = arith.constant 125 : i32
    %dma_wait3A_415 = arith.constant 0 : i32
    %dma_wait3A_416 = arith.constant 0 : i32
    %dma_wait3A_417 = arith.constant 0 : i32
    %dma_wait3A_418 = arith.constant 0 : i32
    %dma_wait3A_419 = arith.constant 0 : i32
    %dma_wait3A_420 = tpu.memref_slice %arg11[%dma_wait3A_415, %dma_wait3A_418, %dma_wait3A_419] : memref<2x80x80xf32, #tpu.memory_space<vmem>> -> memref<1x80x80xf32, #tpu.memory_space<vmem>>
    %dma_wait3A_421 = tpu.memref_squeeze %dma_wait3A_420 : memref<1x80x80xf32, #tpu.memory_space<vmem>> -> memref<80x80xf32, #tpu.memory_space<vmem>>
    %dma_wait3A_422 = arith.constant 0 : i32
    %dma_wait3A_423 = tpu.memref_slice %arg8[%dma_wait3A_416, %dma_wait3A_422] : memref<4x80xi32, #tpu.memory_space<vmem>> -> memref<1x80xi32, #tpu.memory_space<vmem>>
    %dma_wait3A_424 = tpu.memref_squeeze %dma_wait3A_423 : memref<1x80xi32, #tpu.memory_space<vmem>> -> memref<80xi32, #tpu.memory_space<vmem>>
    %dma_wait3A_425 = arith.constant 0 : i32
    %dma_wait3A_426 = arith.constant 0 : i32
    %dma_wait3A_427 = tpu.memref_slice %arg12[%dma_wait3A_425, %dma_wait3A_426] : memref<10240x80xf32, #tpu.memory_space<vmem_shared>> -> memref<10240x80xf32, #tpu.memory_space<vmem_shared>>
    %dma_wait3A_428 = tpu.memref_slice %arg15[%dma_wait3A_417] : memref<2x!tpu.dma_semaphore, #tpu.memory_space<semaphore_mem>> -> memref<1x!tpu.dma_semaphore, #tpu.memory_space<semaphore_mem>>
    %dma_wait3A_429 = tpu.memref_squeeze %dma_wait3A_428 : memref<1x!tpu.dma_semaphore, #tpu.memory_space<semaphore_mem>> -> memref<!tpu.dma_semaphore, #tpu.memory_space<semaphore_mem>>
    tpu.wait_indirect_dma semaphore(%dma_wait3A_429 : memref<!tpu.dma_semaphore, #tpu.memory_space<semaphore_mem>>) src(%dma_wait3A_421 : memref<80x80xf32, #tpu.memory_space<vmem>>) dst(%dma_wait3A_427 : memref<10240x80xf32, #tpu.memory_space<vmem_shared>>)
    %dma_wait3A_430 = arith.constant 1 : i32
    %dma_wait3A_431 = arith.constant 0 : i32
    %dma_wait3A_432 = arith.constant 1 : i32
    %dma_wait3A_433 = arith.constant 0 : i32
    %dma_wait3A_434 = arith.constant 0 : i32
    %dma_wait3A_435 = tpu.memref_slice %arg11[%dma_wait3A_430, %dma_wait3A_433, %dma_wait3A_434] : memref<2x80x80xf32, #tpu.memory_space<vmem>> -> memref<1x80x80xf32, #tpu.memory_space<vmem>>
    %dma_wait3A_436 = tpu.memref_squeeze %dma_wait3A_435 : memref<1x80x80xf32, #tpu.memory_space<vmem>> -> memref<80x80xf32, #tpu.memory_space<vmem>>
    %dma_wait3A_437 = arith.constant 0 : i32
    %dma_wait3A_438 = tpu.memref_slice %arg8[%dma_wait3A_431, %dma_wait3A_437] : memref<4x80xi32, #tpu.memory_space<vmem>> -> memref<1x80xi32, #tpu.memory_space<vmem>>
    %dma_wait3A_439 = tpu.memref_squeeze %dma_wait3A_438 : memref<1x80xi32, #tpu.memory_space<vmem>> -> memref<80xi32, #tpu.memory_space<vmem>>
    %dma_wait3A_440 = arith.constant 0 : i32
    %dma_wait3A_441 = arith.constant 0 : i32
    %dma_wait3A_442 = tpu.memref_slice %arg12[%dma_wait3A_440, %dma_wait3A_441] : memref<10240x80xf32, #tpu.memory_space<vmem_shared>> -> memref<10240x80xf32, #tpu.memory_space<vmem_shared>>
    %dma_wait3A_443 = tpu.memref_slice %arg15[%dma_wait3A_432] : memref<2x!tpu.dma_semaphore, #tpu.memory_space<semaphore_mem>> -> memref<1x!tpu.dma_semaphore, #tpu.memory_space<semaphore_mem>>
    %dma_wait3A_444 = tpu.memref_squeeze %dma_wait3A_443 : memref<1x!tpu.dma_semaphore, #tpu.memory_space<semaphore_mem>> -> memref<!tpu.dma_semaphore, #tpu.memory_space<semaphore_mem>>
    tpu.wait_indirect_dma semaphore(%dma_wait3A_444 : memref<!tpu.dma_semaphore, #tpu.memory_space<semaphore_mem>>) src(%dma_wait3A_436 : memref<80x80xf32, #tpu.memory_space<vmem>>) dst(%dma_wait3A_442 : memref<10240x80xf32, #tpu.memory_space<vmem_shared>>)
    %barrier3A_445 = arith.constant 0 : index
    tpu.barrier barrier_id(%barrier3A_445)
    %mul3A_446 = arith.constant 10240 : i32
    %mul3A_447 = arith.muli %arg0, %mul3A_446 : i32
    %mul3A_448 = arith.constant 640 : i32
    %mul3A_449 = arith.muli %arg1, %mul3A_448 : i32
    %add3A_450 = arith.addi %mul3A_447, %mul3A_449 : i32
    %dma_start3A_451 = arith.constant 0 : i32
    %dma_start3A_452 = arith.constant 0 : i32
    %dma_start3A_453 = arith.constant 0 : i32
    %dma_start3A_454 = arith.constant 0 : i32
    %dma_start3A_455 = tpu.memref_slice %arg11[%dma_start3A_451, %dma_start3A_453, %dma_start3A_454] : memref<2x80x80xf32, #tpu.memory_space<vmem>> -> memref<1x80x80xf32, #tpu.memory_space<vmem>>
    %dma_start3A_456 = tpu.memref_squeeze %dma_start3A_455 : memref<1x80x80xf32, #tpu.memory_space<vmem>> -> memref<80x80xf32, #tpu.memory_space<vmem>>
    %dma_start3A_457 = arith.constant 0 : i32
    %dma_start3A_458 = tpu.memref_slice %arg12[%mul3A_9, %dma_start3A_457] : memref<10240x80xf32, #tpu.memory_space<vmem_shared>> -> memref<80x80xf32, #tpu.memory_space<vmem_shared>>
    %dma_start3A_459 = tpu.memref_slice %arg14[%dma_start3A_452] : memref<2x!tpu.dma_semaphore, #tpu.memory_space<semaphore_mem>> -> memref<1x!tpu.dma_semaphore, #tpu.memory_space<semaphore_mem>>
    %dma_start3A_460 = tpu.memref_squeeze %dma_start3A_459 : memref<1x!tpu.dma_semaphore, #tpu.memory_space<semaphore_mem>> -> memref<!tpu.dma_semaphore, #tpu.memory_space<semaphore_mem>>
    %dma_start3A_461 = arith.constant 0 : i32
    %dma_start3A_462 = arith.constant 0 : i32
    %dma_start3A_463 = tpu.memref_slice %arg11[%dma_start3A_451, %dma_start3A_461, %dma_start3A_462] : memref<2x80x80xf32, #tpu.memory_space<vmem>> -> memref<1x80x80xf32, #tpu.memory_space<vmem>>
    %dma_start3A_464 = tpu.memref_squeeze %dma_start3A_463 : memref<1x80x80xf32, #tpu.memory_space<vmem>> -> memref<80x80xf32, #tpu.memory_space<vmem>>
    %dma_start3A_465 = arith.constant 0 : i32
    %dma_start3A_466 = tpu.memref_slice %arg12[%mul3A_9, %dma_start3A_465] : memref<10240x80xf32, #tpu.memory_space<vmem_shared>> -> memref<80x80xf32, #tpu.memory_space<vmem_shared>>
    tpu.enqueue_dma source(%dma_start3A_466 : memref<80x80xf32, #tpu.memory_space<vmem_shared>>) target(%dma_start3A_464 : memref<80x80xf32, #tpu.memory_space<vmem>>) target_semaphore(%dma_start3A_460 : memref<!tpu.dma_semaphore, #tpu.memory_space<semaphore_mem>>)
    %add3A_467 = arith.constant 80 : i32
    %add3A_468 = arith.addi %mul3A_9, %add3A_467 : i32
    %dma_start3A_469 = arith.constant 1 : i32
    %dma_start3A_470 = arith.constant 1 : i32
    %dma_start3A_471 = arith.constant 0 : i32
    %dma_start3A_472 = arith.constant 0 : i32
    %dma_start3A_473 = tpu.memref_slice %arg11[%dma_start3A_469, %dma_start3A_471, %dma_start3A_472] : memref<2x80x80xf32, #tpu.memory_space<vmem>> -> memref<1x80x80xf32, #tpu.memory_space<vmem>>
    %dma_start3A_474 = tpu.memref_squeeze %dma_start3A_473 : memref<1x80x80xf32, #tpu.memory_space<vmem>> -> memref<80x80xf32, #tpu.memory_space<vmem>>
    %dma_start3A_475 = arith.constant 0 : i32
    %dma_start3A_476 = tpu.memref_slice %arg12[%add3A_468, %dma_start3A_475] : memref<10240x80xf32, #tpu.memory_space<vmem_shared>> -> memref<80x80xf32, #tpu.memory_space<vmem_shared>>
    %dma_start3A_477 = tpu.memref_slice %arg14[%dma_start3A_470] : memref<2x!tpu.dma_semaphore, #tpu.memory_space<semaphore_mem>> -> memref<1x!tpu.dma_semaphore, #tpu.memory_space<semaphore_mem>>
    %dma_start3A_478 = tpu.memref_squeeze %dma_start3A_477 : memref<1x!tpu.dma_semaphore, #tpu.memory_space<semaphore_mem>> -> memref<!tpu.dma_semaphore, #tpu.memory_space<semaphore_mem>>
    %dma_start3A_479 = arith.constant 0 : i32
    %dma_start3A_480 = arith.constant 0 : i32
    %dma_start3A_481 = tpu.memref_slice %arg11[%dma_start3A_469, %dma_start3A_479, %dma_start3A_480] : memref<2x80x80xf32, #tpu.memory_space<vmem>> -> memref<1x80x80xf32, #tpu.memory_space<vmem>>
    %dma_start3A_482 = tpu.memref_squeeze %dma_start3A_481 : memref<1x80x80xf32, #tpu.memory_space<vmem>> -> memref<80x80xf32, #tpu.memory_space<vmem>>
    %dma_start3A_483 = arith.constant 0 : i32
    %dma_start3A_484 = tpu.memref_slice %arg12[%add3A_468, %dma_start3A_483] : memref<10240x80xf32, #tpu.memory_space<vmem_shared>> -> memref<80x80xf32, #tpu.memory_space<vmem_shared>>
    tpu.enqueue_dma source(%dma_start3A_484 : memref<80x80xf32, #tpu.memory_space<vmem_shared>>) target(%dma_start3A_482 : memref<80x80xf32, #tpu.memory_space<vmem>>) target_semaphore(%dma_start3A_478 : memref<!tpu.dma_semaphore, #tpu.memory_space<semaphore_mem>>)
    %add3A_485 = arith.constant 0 : i32
    %add3A_486 = arith.addi %mul3A_9, %add3A_485 : i32
    %dma_wait3A_487 = arith.constant 0 : i32
    %dma_wait3A_488 = arith.constant 0 : i32
    %dma_wait3A_489 = arith.constant 0 : i32
    %dma_wait3A_490 = arith.constant 0 : i32
    %dma_wait3A_491 = tpu.memref_slice %arg11[%dma_wait3A_487, %dma_wait3A_489, %dma_wait3A_490] : memref<2x80x80xf32, #tpu.memory_space<vmem>> -> memref<1x80x80xf32, #tpu.memory_space<vmem>>
    %dma_wait3A_492 = tpu.memref_squeeze %dma_wait3A_491 : memref<1x80x80xf32, #tpu.memory_space<vmem>> -> memref<80x80xf32, #tpu.memory_space<vmem>>
    %dma_wait3A_493 = arith.constant 0 : i32
    %dma_wait3A_494 = tpu.memref_slice %arg12[%add3A_486, %dma_wait3A_493] : memref<10240x80xf32, #tpu.memory_space<vmem_shared>> -> memref<80x80xf32, #tpu.memory_space<vmem_shared>>
    %dma_wait3A_495 = tpu.memref_slice %arg14[%dma_wait3A_488] : memref<2x!tpu.dma_semaphore, #tpu.memory_space<semaphore_mem>> -> memref<1x!tpu.dma_semaphore, #tpu.memory_space<semaphore_mem>>
    %dma_wait3A_496 = tpu.memref_squeeze %dma_wait3A_495 : memref<1x!tpu.dma_semaphore, #tpu.memory_space<semaphore_mem>> -> memref<!tpu.dma_semaphore, #tpu.memory_space<semaphore_mem>>
    %dma_wait3A_497 = arith.constant 0 : i32
    %dma_wait3A_498 = arith.constant 0 : i32
    %dma_wait3A_499 = tpu.memref_slice %arg11[%dma_wait3A_487, %dma_wait3A_497, %dma_wait3A_498] : memref<2x80x80xf32, #tpu.memory_space<vmem>> -> memref<1x80x80xf32, #tpu.memory_space<vmem>>
    %dma_wait3A_500 = tpu.memref_squeeze %dma_wait3A_499 : memref<1x80x80xf32, #tpu.memory_space<vmem>> -> memref<80x80xf32, #tpu.memory_space<vmem>>
    %dma_wait3A_501 = arith.constant 0 : i32
    %dma_wait3A_502 = tpu.memref_slice %arg12[%add3A_486, %dma_wait3A_501] : memref<10240x80xf32, #tpu.memory_space<vmem_shared>> -> memref<80x80xf32, #tpu.memory_space<vmem_shared>>
    tpu.wait_dma2 semaphore(%dma_wait3A_496 : memref<!tpu.dma_semaphore, #tpu.memory_space<semaphore_mem>>) src(%dma_wait3A_502 : memref<80x80xf32, #tpu.memory_space<vmem_shared>>) dst(%dma_wait3A_500 : memref<80x80xf32, #tpu.memory_space<vmem>>)
    %add3A_503 = arith.constant 0 : i32
    %add3A_504 = arith.addi %add3A_450, %add3A_503 : i32
    %dma_start3A_505 = arith.constant 0 : i32
    %dma_start3A_506 = arith.constant 0 : i32
    %dma_start3A_507 = arith.constant 0 : i32
    %dma_start3A_508 = arith.constant 0 : i32
    %dma_start3A_509 = tpu.memref_slice %arg11[%dma_start3A_505, %dma_start3A_507, %dma_start3A_508] : memref<2x80x80xf32, #tpu.memory_space<vmem>> -> memref<1x80x80xf32, #tpu.memory_space<vmem>>
    %dma_start3A_510 = tpu.memref_squeeze %dma_start3A_509 : memref<1x80x80xf32, #tpu.memory_space<vmem>> -> memref<80x80xf32, #tpu.memory_space<vmem>>
    %dma_start3A_511 = arith.constant 0 : i32
    %dma_start3A_512 = tpu.memref_slice %arg6[%add3A_504, %dma_start3A_511] : memref<20480x80xf32, #tpu.memory_space<hbm>> -> memref<80x80xf32, #tpu.memory_space<hbm>>
    %dma_start3A_513 = tpu.memref_slice %arg15[%dma_start3A_506] : memref<2x!tpu.dma_semaphore, #tpu.memory_space<semaphore_mem>> -> memref<1x!tpu.dma_semaphore, #tpu.memory_space<semaphore_mem>>
    %dma_start3A_514 = tpu.memref_squeeze %dma_start3A_513 : memref<1x!tpu.dma_semaphore, #tpu.memory_space<semaphore_mem>> -> memref<!tpu.dma_semaphore, #tpu.memory_space<semaphore_mem>>
    %dma_start3A_515 = arith.constant 0 : i32
    %dma_start3A_516 = tpu.memref_slice %arg6[%add3A_504, %dma_start3A_515] : memref<20480x80xf32, #tpu.memory_space<hbm>> -> memref<80x80xf32, #tpu.memory_space<hbm>>
    %dma_start3A_517 = arith.constant 0 : i32
    %dma_start3A_518 = arith.constant 0 : i32
    %dma_start3A_519 = tpu.memref_slice %arg11[%dma_start3A_505, %dma_start3A_517, %dma_start3A_518] : memref<2x80x80xf32, #tpu.memory_space<vmem>> -> memref<1x80x80xf32, #tpu.memory_space<vmem>>
    %dma_start3A_520 = tpu.memref_squeeze %dma_start3A_519 : memref<1x80x80xf32, #tpu.memory_space<vmem>> -> memref<80x80xf32, #tpu.memory_space<vmem>>
    tpu.enqueue_dma source(%dma_start3A_520 : memref<80x80xf32, #tpu.memory_space<vmem>>) target(%dma_start3A_516 : memref<80x80xf32, #tpu.memory_space<hbm>>) target_semaphore(%dma_start3A_514 : memref<!tpu.dma_semaphore, #tpu.memory_space<semaphore_mem>>)
    %add3A_521 = arith.constant 0 : i32
    %add3A_522 = arith.addi %add3A_450, %add3A_521 : i32
    %dma_wait3A_523 = arith.constant 0 : i32
    %dma_wait3A_524 = arith.constant 0 : i32
    %dma_wait3A_525 = arith.constant 0 : i32
    %dma_wait3A_526 = arith.constant 0 : i32
    %dma_wait3A_527 = tpu.memref_slice %arg11[%dma_wait3A_523, %dma_wait3A_525, %dma_wait3A_526] : memref<2x80x80xf32, #tpu.memory_space<vmem>> -> memref<1x80x80xf32, #tpu.memory_space<vmem>>
    %dma_wait3A_528 = tpu.memref_squeeze %dma_wait3A_527 : memref<1x80x80xf32, #tpu.memory_space<vmem>> -> memref<80x80xf32, #tpu.memory_space<vmem>>
    %dma_wait3A_529 = arith.constant 0 : i32
    %dma_wait3A_530 = tpu.memref_slice %arg6[%add3A_522, %dma_wait3A_529] : memref<20480x80xf32, #tpu.memory_space<hbm>> -> memref<80x80xf32, #tpu.memory_space<hbm>>
    %dma_wait3A_531 = tpu.memref_slice %arg15[%dma_wait3A_524] : memref<2x!tpu.dma_semaphore, #tpu.memory_space<semaphore_mem>> -> memref<1x!tpu.dma_semaphore, #tpu.memory_space<semaphore_mem>>
    %dma_wait3A_532 = tpu.memref_squeeze %dma_wait3A_531 : memref<1x!tpu.dma_semaphore, #tpu.memory_space<semaphore_mem>> -> memref<!tpu.dma_semaphore, #tpu.memory_space<semaphore_mem>>
    %dma_wait3A_533 = arith.constant 0 : i32
    %dma_wait3A_534 = tpu.memref_slice %arg6[%add3A_522, %dma_wait3A_533] : memref<20480x80xf32, #tpu.memory_space<hbm>> -> memref<80x80xf32, #tpu.memory_space<hbm>>
    %dma_wait3A_535 = arith.constant 0 : i32
    %dma_wait3A_536 = arith.constant 0 : i32
    %dma_wait3A_537 = tpu.memref_slice %arg11[%dma_wait3A_523, %dma_wait3A_535, %dma_wait3A_536] : memref<2x80x80xf32, #tpu.memory_space<vmem>> -> memref<1x80x80xf32, #tpu.memory_space<vmem>>
    %dma_wait3A_538 = tpu.memref_squeeze %dma_wait3A_537 : memref<1x80x80xf32, #tpu.memory_space<vmem>> -> memref<80x80xf32, #tpu.memory_space<vmem>>
    tpu.wait_dma2 semaphore(%dma_wait3A_532 : memref<!tpu.dma_semaphore, #tpu.memory_space<semaphore_mem>>) src(%dma_wait3A_538 : memref<80x80xf32, #tpu.memory_space<vmem>>) dst(%dma_wait3A_534 : memref<80x80xf32, #tpu.memory_space<hbm>>)
    %add3A_539 = arith.constant 160 : i32
    %add3A_540 = arith.addi %mul3A_9, %add3A_539 : i32
    %dma_start3A_541 = arith.constant 0 : i32
    %dma_start3A_542 = arith.constant 0 : i32
    %dma_start3A_543 = arith.constant 0 : i32
    %dma_start3A_544 = arith.constant 0 : i32
    %dma_start3A_545 = tpu.memref_slice %arg11[%dma_start3A_541, %dma_start3A_543, %dma_start3A_544] : memref<2x80x80xf32, #tpu.memory_space<vmem>> -> memref<1x80x80xf32, #tpu.memory_space<vmem>>
    %dma_start3A_546 = tpu.memref_squeeze %dma_start3A_545 : memref<1x80x80xf32, #tpu.memory_space<vmem>> -> memref<80x80xf32, #tpu.memory_space<vmem>>
    %dma_start3A_547 = arith.constant 0 : i32
    %dma_start3A_548 = tpu.memref_slice %arg12[%add3A_540, %dma_start3A_547] : memref<10240x80xf32, #tpu.memory_space<vmem_shared>> -> memref<80x80xf32, #tpu.memory_space<vmem_shared>>
    %dma_start3A_549 = tpu.memref_slice %arg14[%dma_start3A_542] : memref<2x!tpu.dma_semaphore, #tpu.memory_space<semaphore_mem>> -> memref<1x!tpu.dma_semaphore, #tpu.memory_space<semaphore_mem>>
    %dma_start3A_550 = tpu.memref_squeeze %dma_start3A_549 : memref<1x!tpu.dma_semaphore, #tpu.memory_space<semaphore_mem>> -> memref<!tpu.dma_semaphore, #tpu.memory_space<semaphore_mem>>
    %dma_start3A_551 = arith.constant 0 : i32
    %dma_start3A_552 = arith.constant 0 : i32
    %dma_start3A_553 = tpu.memref_slice %arg11[%dma_start3A_541, %dma_start3A_551, %dma_start3A_552] : memref<2x80x80xf32, #tpu.memory_space<vmem>> -> memref<1x80x80xf32, #tpu.memory_space<vmem>>
    %dma_start3A_554 = tpu.memref_squeeze %dma_start3A_553 : memref<1x80x80xf32, #tpu.memory_space<vmem>> -> memref<80x80xf32, #tpu.memory_space<vmem>>
    %dma_start3A_555 = arith.constant 0 : i32
    %dma_start3A_556 = tpu.memref_slice %arg12[%add3A_540, %dma_start3A_555] : memref<10240x80xf32, #tpu.memory_space<vmem_shared>> -> memref<80x80xf32, #tpu.memory_space<vmem_shared>>
    tpu.enqueue_dma source(%dma_start3A_556 : memref<80x80xf32, #tpu.memory_space<vmem_shared>>) target(%dma_start3A_554 : memref<80x80xf32, #tpu.memory_space<vmem>>) target_semaphore(%dma_start3A_550 : memref<!tpu.dma_semaphore, #tpu.memory_space<semaphore_mem>>)
    %add3A_557 = arith.constant 80 : i32
    %add3A_558 = arith.addi %mul3A_9, %add3A_557 : i32
    %dma_wait3A_559 = arith.constant 1 : i32
    %dma_wait3A_560 = arith.constant 1 : i32
    %dma_wait3A_561 = arith.constant 0 : i32
    %dma_wait3A_562 = arith.constant 0 : i32
    %dma_wait3A_563 = tpu.memref_slice %arg11[%dma_wait3A_559, %dma_wait3A_561, %dma_wait3A_562] : memref<2x80x80xf32, #tpu.memory_space<vmem>> -> memref<1x80x80xf32, #tpu.memory_space<vmem>>
    %dma_wait3A_564 = tpu.memref_squeeze %dma_wait3A_563 : memref<1x80x80xf32, #tpu.memory_space<vmem>> -> memref<80x80xf32, #tpu.memory_space<vmem>>
    %dma_wait3A_565 = arith.constant 0 : i32
    %dma_wait3A_566 = tpu.memref_slice %arg12[%add3A_558, %dma_wait3A_565] : memref<10240x80xf32, #tpu.memory_space<vmem_shared>> -> memref<80x80xf32, #tpu.memory_space<vmem_shared>>
    %dma_wait3A_567 = tpu.memref_slice %arg14[%dma_wait3A_560] : memref<2x!tpu.dma_semaphore, #tpu.memory_space<semaphore_mem>> -> memref<1x!tpu.dma_semaphore, #tpu.memory_space<semaphore_mem>>
    %dma_wait3A_568 = tpu.memref_squeeze %dma_wait3A_567 : memref<1x!tpu.dma_semaphore, #tpu.memory_space<semaphore_mem>> -> memref<!tpu.dma_semaphore, #tpu.memory_space<semaphore_mem>>
    %dma_wait3A_569 = arith.constant 0 : i32
    %dma_wait3A_570 = arith.constant 0 : i32
    %dma_wait3A_571 = tpu.memref_slice %arg11[%dma_wait3A_559, %dma_wait3A_569, %dma_wait3A_570] : memref<2x80x80xf32, #tpu.memory_space<vmem>> -> memref<1x80x80xf32, #tpu.memory_space<vmem>>
    %dma_wait3A_572 = tpu.memref_squeeze %dma_wait3A_571 : memref<1x80x80xf32, #tpu.memory_space<vmem>> -> memref<80x80xf32, #tpu.memory_space<vmem>>
    %dma_wait3A_573 = arith.constant 0 : i32
    %dma_wait3A_574 = tpu.memref_slice %arg12[%add3A_558, %dma_wait3A_573] : memref<10240x80xf32, #tpu.memory_space<vmem_shared>> -> memref<80x80xf32, #tpu.memory_space<vmem_shared>>
    tpu.wait_dma2 semaphore(%dma_wait3A_568 : memref<!tpu.dma_semaphore, #tpu.memory_space<semaphore_mem>>) src(%dma_wait3A_574 : memref<80x80xf32, #tpu.memory_space<vmem_shared>>) dst(%dma_wait3A_572 : memref<80x80xf32, #tpu.memory_space<vmem>>)
    %add3A_575 = arith.constant 80 : i32
    %add3A_576 = arith.addi %add3A_450, %add3A_575 : i32
    %dma_start3A_577 = arith.constant 1 : i32
    %dma_start3A_578 = arith.constant 1 : i32
    %dma_start3A_579 = arith.constant 0 : i32
    %dma_start3A_580 = arith.constant 0 : i32
    %dma_start3A_581 = tpu.memref_slice %arg11[%dma_start3A_577, %dma_start3A_579, %dma_start3A_580] : memref<2x80x80xf32, #tpu.memory_space<vmem>> -> memref<1x80x80xf32, #tpu.memory_space<vmem>>
    %dma_start3A_582 = tpu.memref_squeeze %dma_start3A_581 : memref<1x80x80xf32, #tpu.memory_space<vmem>> -> memref<80x80xf32, #tpu.memory_space<vmem>>
    %dma_start3A_583 = arith.constant 0 : i32
    %dma_start3A_584 = tpu.memref_slice %arg6[%add3A_576, %dma_start3A_583] : memref<20480x80xf32, #tpu.memory_space<hbm>> -> memref<80x80xf32, #tpu.memory_space<hbm>>
    %dma_start3A_585 = tpu.memref_slice %arg15[%dma_start3A_578] : memref<2x!tpu.dma_semaphore, #tpu.memory_space<semaphore_mem>> -> memref<1x!tpu.dma_semaphore, #tpu.memory_space<semaphore_mem>>
    %dma_start3A_586 = tpu.memref_squeeze %dma_start3A_585 : memref<1x!tpu.dma_semaphore, #tpu.memory_space<semaphore_mem>> -> memref<!tpu.dma_semaphore, #tpu.memory_space<semaphore_mem>>
    %dma_start3A_587 = arith.constant 0 : i32
    %dma_start3A_588 = tpu.memref_slice %arg6[%add3A_576, %dma_start3A_587] : memref<20480x80xf32, #tpu.memory_space<hbm>> -> memref<80x80xf32, #tpu.memory_space<hbm>>
    %dma_start3A_589 = arith.constant 0 : i32
    %dma_start3A_590 = arith.constant 0 : i32
    %dma_start3A_591 = tpu.memref_slice %arg11[%dma_start3A_577, %dma_start3A_589, %dma_start3A_590] : memref<2x80x80xf32, #tpu.memory_space<vmem>> -> memref<1x80x80xf32, #tpu.memory_space<vmem>>
    %dma_start3A_592 = tpu.memref_squeeze %dma_start3A_591 : memref<1x80x80xf32, #tpu.memory_space<vmem>> -> memref<80x80xf32, #tpu.memory_space<vmem>>
    tpu.enqueue_dma source(%dma_start3A_592 : memref<80x80xf32, #tpu.memory_space<vmem>>) target(%dma_start3A_588 : memref<80x80xf32, #tpu.memory_space<hbm>>) target_semaphore(%dma_start3A_586 : memref<!tpu.dma_semaphore, #tpu.memory_space<semaphore_mem>>)
    %add3A_593 = arith.constant 80 : i32
    %add3A_594 = arith.addi %add3A_450, %add3A_593 : i32
    %dma_wait3A_595 = arith.constant 1 : i32
    %dma_wait3A_596 = arith.constant 1 : i32
    %dma_wait3A_597 = arith.constant 0 : i32
    %dma_wait3A_598 = arith.constant 0 : i32
    %dma_wait3A_599 = tpu.memref_slice %arg11[%dma_wait3A_595, %dma_wait3A_597, %dma_wait3A_598] : memref<2x80x80xf32, #tpu.memory_space<vmem>> -> memref<1x80x80xf32, #tpu.memory_space<vmem>>
    %dma_wait3A_600 = tpu.memref_squeeze %dma_wait3A_599 : memref<1x80x80xf32, #tpu.memory_space<vmem>> -> memref<80x80xf32, #tpu.memory_space<vmem>>
    %dma_wait3A_601 = arith.constant 0 : i32
    %dma_wait3A_602 = tpu.memref_slice %arg6[%add3A_594, %dma_wait3A_601] : memref<20480x80xf32, #tpu.memory_space<hbm>> -> memref<80x80xf32, #tpu.memory_space<hbm>>
    %dma_wait3A_603 = tpu.memref_slice %arg15[%dma_wait3A_596] : memref<2x!tpu.dma_semaphore, #tpu.memory_space<semaphore_mem>> -> memref<1x!tpu.dma_semaphore, #tpu.memory_space<semaphore_mem>>
    %dma_wait3A_604 = tpu.memref_squeeze %dma_wait3A_603 : memref<1x!tpu.dma_semaphore, #tpu.memory_space<semaphore_mem>> -> memref<!tpu.dma_semaphore, #tpu.memory_space<semaphore_mem>>
    %dma_wait3A_605 = arith.constant 0 : i32
    %dma_wait3A_606 = tpu.memref_slice %arg6[%add3A_594, %dma_wait3A_605] : memref<20480x80xf32, #tpu.memory_space<hbm>> -> memref<80x80xf32, #tpu.memory_space<hbm>>
    %dma_wait3A_607 = arith.constant 0 : i32
    %dma_wait3A_608 = arith.constant 0 : i32
    %dma_wait3A_609 = tpu.memref_slice %arg11[%dma_wait3A_595, %dma_wait3A_607, %dma_wait3A_608] : memref<2x80x80xf32, #tpu.memory_space<vmem>> -> memref<1x80x80xf32, #tpu.memory_space<vmem>>
    %dma_wait3A_610 = tpu.memref_squeeze %dma_wait3A_609 : memref<1x80x80xf32, #tpu.memory_space<vmem>> -> memref<80x80xf32, #tpu.memory_space<vmem>>
    tpu.wait_dma2 semaphore(%dma_wait3A_604 : memref<!tpu.dma_semaphore, #tpu.memory_space<semaphore_mem>>) src(%dma_wait3A_610 : memref<80x80xf32, #tpu.memory_space<vmem>>) dst(%dma_wait3A_606 : memref<80x80xf32, #tpu.memory_space<hbm>>)
    %add3A_611 = arith.constant 240 : i32
    %add3A_612 = arith.addi %mul3A_9, %add3A_611 : i32
    %dma_start3A_613 = arith.constant 1 : i32
    %dma_start3A_614 = arith.constant 1 : i32
    %dma_start3A_615 = arith.constant 0 : i32
    %dma_start3A_616 = arith.constant 0 : i32
    %dma_start3A_617 = tpu.memref_slice %arg11[%dma_start3A_613, %dma_start3A_615, %dma_start3A_616] : memref<2x80x80xf32, #tpu.memory_space<vmem>> -> memref<1x80x80xf32, #tpu.memory_space<vmem>>
    %dma_start3A_618 = tpu.memref_squeeze %dma_start3A_617 : memref<1x80x80xf32, #tpu.memory_space<vmem>> -> memref<80x80xf32, #tpu.memory_space<vmem>>
    %dma_start3A_619 = arith.constant 0 : i32
    %dma_start3A_620 = tpu.memref_slice %arg12[%add3A_612, %dma_start3A_619] : memref<10240x80xf32, #tpu.memory_space<vmem_shared>> -> memref<80x80xf32, #tpu.memory_space<vmem_shared>>
    %dma_start3A_621 = tpu.memref_slice %arg14[%dma_start3A_614] : memref<2x!tpu.dma_semaphore, #tpu.memory_space<semaphore_mem>> -> memref<1x!tpu.dma_semaphore, #tpu.memory_space<semaphore_mem>>
    %dma_start3A_622 = tpu.memref_squeeze %dma_start3A_621 : memref<1x!tpu.dma_semaphore, #tpu.memory_space<semaphore_mem>> -> memref<!tpu.dma_semaphore, #tpu.memory_space<semaphore_mem>>
    %dma_start3A_623 = arith.constant 0 : i32
    %dma_start3A_624 = arith.constant 0 : i32
    %dma_start3A_625 = tpu.memref_slice %arg11[%dma_start3A_613, %dma_start3A_623, %dma_start3A_624] : memref<2x80x80xf32, #tpu.memory_space<vmem>> -> memref<1x80x80xf32, #tpu.memory_space<vmem>>
    %dma_start3A_626 = tpu.memref_squeeze %dma_start3A_625 : memref<1x80x80xf32, #tpu.memory_space<vmem>> -> memref<80x80xf32, #tpu.memory_space<vmem>>
    %dma_start3A_627 = arith.constant 0 : i32
    %dma_start3A_628 = tpu.memref_slice %arg12[%add3A_612, %dma_start3A_627] : memref<10240x80xf32, #tpu.memory_space<vmem_shared>> -> memref<80x80xf32, #tpu.memory_space<vmem_shared>>
    tpu.enqueue_dma source(%dma_start3A_628 : memref<80x80xf32, #tpu.memory_space<vmem_shared>>) target(%dma_start3A_626 : memref<80x80xf32, #tpu.memory_space<vmem>>) target_semaphore(%dma_start3A_622 : memref<!tpu.dma_semaphore, #tpu.memory_space<semaphore_mem>>)
    %add3A_629 = arith.constant 160 : i32
    %add3A_630 = arith.addi %mul3A_9, %add3A_629 : i32
    %dma_wait3A_631 = arith.constant 0 : i32
    %dma_wait3A_632 = arith.constant 0 : i32
    %dma_wait3A_633 = arith.constant 0 : i32
    %dma_wait3A_634 = arith.constant 0 : i32
    %dma_wait3A_635 = tpu.memref_slice %arg11[%dma_wait3A_631, %dma_wait3A_633, %dma_wait3A_634] : memref<2x80x80xf32, #tpu.memory_space<vmem>> -> memref<1x80x80xf32, #tpu.memory_space<vmem>>
    %dma_wait3A_636 = tpu.memref_squeeze %dma_wait3A_635 : memref<1x80x80xf32, #tpu.memory_space<vmem>> -> memref<80x80xf32, #tpu.memory_space<vmem>>
    %dma_wait3A_637 = arith.constant 0 : i32
    %dma_wait3A_638 = tpu.memref_slice %arg12[%add3A_630, %dma_wait3A_637] : memref<10240x80xf32, #tpu.memory_space<vmem_shared>> -> memref<80x80xf32, #tpu.memory_space<vmem_shared>>
    %dma_wait3A_639 = tpu.memref_slice %arg14[%dma_wait3A_632] : memref<2x!tpu.dma_semaphore, #tpu.memory_space<semaphore_mem>> -> memref<1x!tpu.dma_semaphore, #tpu.memory_space<semaphore_mem>>
    %dma_wait3A_640 = tpu.memref_squeeze %dma_wait3A_639 : memref<1x!tpu.dma_semaphore, #tpu.memory_space<semaphore_mem>> -> memref<!tpu.dma_semaphore, #tpu.memory_space<semaphore_mem>>
    %dma_wait3A_641 = arith.constant 0 : i32
    %dma_wait3A_642 = arith.constant 0 : i32
    %dma_wait3A_643 = tpu.memref_slice %arg11[%dma_wait3A_631, %dma_wait3A_641, %dma_wait3A_642] : memref<2x80x80xf32, #tpu.memory_space<vmem>> -> memref<1x80x80xf32, #tpu.memory_space<vmem>>
    %dma_wait3A_644 = tpu.memref_squeeze %dma_wait3A_643 : memref<1x80x80xf32, #tpu.memory_space<vmem>> -> memref<80x80xf32, #tpu.memory_space<vmem>>
    %dma_wait3A_645 = arith.constant 0 : i32
    %dma_wait3A_646 = tpu.memref_slice %arg12[%add3A_630, %dma_wait3A_645] : memref<10240x80xf32, #tpu.memory_space<vmem_shared>> -> memref<80x80xf32, #tpu.memory_space<vmem_shared>>
    tpu.wait_dma2 semaphore(%dma_wait3A_640 : memref<!tpu.dma_semaphore, #tpu.memory_space<semaphore_mem>>) src(%dma_wait3A_646 : memref<80x80xf32, #tpu.memory_space<vmem_shared>>) dst(%dma_wait3A_644 : memref<80x80xf32, #tpu.memory_space<vmem>>)
    %add3A_647 = arith.constant 160 : i32
    %add3A_648 = arith.addi %add3A_450, %add3A_647 : i32
    %dma_start3A_649 = arith.constant 0 : i32
    %dma_start3A_650 = arith.constant 0 : i32
    %dma_start3A_651 = arith.constant 0 : i32
    %dma_start3A_652 = arith.constant 0 : i32
    %dma_start3A_653 = tpu.memref_slice %arg11[%dma_start3A_649, %dma_start3A_651, %dma_start3A_652] : memref<2x80x80xf32, #tpu.memory_space<vmem>> -> memref<1x80x80xf32, #tpu.memory_space<vmem>>
    %dma_start3A_654 = tpu.memref_squeeze %dma_start3A_653 : memref<1x80x80xf32, #tpu.memory_space<vmem>> -> memref<80x80xf32, #tpu.memory_space<vmem>>
    %dma_start3A_655 = arith.constant 0 : i32
    %dma_start3A_656 = tpu.memref_slice %arg6[%add3A_648, %dma_start3A_655] : memref<20480x80xf32, #tpu.memory_space<hbm>> -> memref<80x80xf32, #tpu.memory_space<hbm>>
    %dma_start3A_657 = tpu.memref_slice %arg15[%dma_start3A_650] : memref<2x!tpu.dma_semaphore, #tpu.memory_space<semaphore_mem>> -> memref<1x!tpu.dma_semaphore, #tpu.memory_space<semaphore_mem>>
    %dma_start3A_658 = tpu.memref_squeeze %dma_start3A_657 : memref<1x!tpu.dma_semaphore, #tpu.memory_space<semaphore_mem>> -> memref<!tpu.dma_semaphore, #tpu.memory_space<semaphore_mem>>
    %dma_start3A_659 = arith.constant 0 : i32
    %dma_start3A_660 = tpu.memref_slice %arg6[%add3A_648, %dma_start3A_659] : memref<20480x80xf32, #tpu.memory_space<hbm>> -> memref<80x80xf32, #tpu.memory_space<hbm>>
    %dma_start3A_661 = arith.constant 0 : i32
    %dma_start3A_662 = arith.constant 0 : i32
    %dma_start3A_663 = tpu.memref_slice %arg11[%dma_start3A_649, %dma_start3A_661, %dma_start3A_662] : memref<2x80x80xf32, #tpu.memory_space<vmem>> -> memref<1x80x80xf32, #tpu.memory_space<vmem>>
    %dma_start3A_664 = tpu.memref_squeeze %dma_start3A_663 : memref<1x80x80xf32, #tpu.memory_space<vmem>> -> memref<80x80xf32, #tpu.memory_space<vmem>>
    tpu.enqueue_dma source(%dma_start3A_664 : memref<80x80xf32, #tpu.memory_space<vmem>>) target(%dma_start3A_660 : memref<80x80xf32, #tpu.memory_space<hbm>>) target_semaphore(%dma_start3A_658 : memref<!tpu.dma_semaphore, #tpu.memory_space<semaphore_mem>>)
    %add3A_665 = arith.constant 160 : i32
    %add3A_666 = arith.addi %add3A_450, %add3A_665 : i32
    %dma_wait3A_667 = arith.constant 0 : i32
    %dma_wait3A_668 = arith.constant 0 : i32
    %dma_wait3A_669 = arith.constant 0 : i32
    %dma_wait3A_670 = arith.constant 0 : i32
    %dma_wait3A_671 = tpu.memref_slice %arg11[%dma_wait3A_667, %dma_wait3A_669, %dma_wait3A_670] : memref<2x80x80xf32, #tpu.memory_space<vmem>> -> memref<1x80x80xf32, #tpu.memory_space<vmem>>
    %dma_wait3A_672 = tpu.memref_squeeze %dma_wait3A_671 : memref<1x80x80xf32, #tpu.memory_space<vmem>> -> memref<80x80xf32, #tpu.memory_space<vmem>>
    %dma_wait3A_673 = arith.constant 0 : i32
    %dma_wait3A_674 = tpu.memref_slice %arg6[%add3A_666, %dma_wait3A_673] : memref<20480x80xf32, #tpu.memory_space<hbm>> -> memref<80x80xf32, #tpu.memory_space<hbm>>
    %dma_wait3A_675 = tpu.memref_slice %arg15[%dma_wait3A_668] : memref<2x!tpu.dma_semaphore, #tpu.memory_space<semaphore_mem>> -> memref<1x!tpu.dma_semaphore, #tpu.memory_space<semaphore_mem>>
    %dma_wait3A_676 = tpu.memref_squeeze %dma_wait3A_675 : memref<1x!tpu.dma_semaphore, #tpu.memory_space<semaphore_mem>> -> memref<!tpu.dma_semaphore, #tpu.memory_space<semaphore_mem>>
    %dma_wait3A_677 = arith.constant 0 : i32
    %dma_wait3A_678 = tpu.memref_slice %arg6[%add3A_666, %dma_wait3A_677] : memref<20480x80xf32, #tpu.memory_space<hbm>> -> memref<80x80xf32, #tpu.memory_space<hbm>>
    %dma_wait3A_679 = arith.constant 0 : i32
    %dma_wait3A_680 = arith.constant 0 : i32
    %dma_wait3A_681 = tpu.memref_slice %arg11[%dma_wait3A_667, %dma_wait3A_679, %dma_wait3A_680] : memref<2x80x80xf32, #tpu.memory_space<vmem>> -> memref<1x80x80xf32, #tpu.memory_space<vmem>>
    %dma_wait3A_682 = tpu.memref_squeeze %dma_wait3A_681 : memref<1x80x80xf32, #tpu.memory_space<vmem>> -> memref<80x80xf32, #tpu.memory_space<vmem>>
    tpu.wait_dma2 semaphore(%dma_wait3A_676 : memref<!tpu.dma_semaphore, #tpu.memory_space<semaphore_mem>>) src(%dma_wait3A_682 : memref<80x80xf32, #tpu.memory_space<vmem>>) dst(%dma_wait3A_678 : memref<80x80xf32, #tpu.memory_space<hbm>>)
    %add3A_683 = arith.constant 320 : i32
    %add3A_684 = arith.addi %mul3A_9, %add3A_683 : i32
    %dma_start3A_685 = arith.constant 0 : i32
    %dma_start3A_686 = arith.constant 0 : i32
    %dma_start3A_687 = arith.constant 0 : i32
    %dma_start3A_688 = arith.constant 0 : i32
    %dma_start3A_689 = tpu.memref_slice %arg11[%dma_start3A_685, %dma_start3A_687, %dma_start3A_688] : memref<2x80x80xf32, #tpu.memory_space<vmem>> -> memref<1x80x80xf32, #tpu.memory_space<vmem>>
    %dma_start3A_690 = tpu.memref_squeeze %dma_start3A_689 : memref<1x80x80xf32, #tpu.memory_space<vmem>> -> memref<80x80xf32, #tpu.memory_space<vmem>>
    %dma_start3A_691 = arith.constant 0 : i32
    %dma_start3A_692 = tpu.memref_slice %arg12[%add3A_684, %dma_start3A_691] : memref<10240x80xf32, #tpu.memory_space<vmem_shared>> -> memref<80x80xf32, #tpu.memory_space<vmem_shared>>
    %dma_start3A_693 = tpu.memref_slice %arg14[%dma_start3A_686] : memref<2x!tpu.dma_semaphore, #tpu.memory_space<semaphore_mem>> -> memref<1x!tpu.dma_semaphore, #tpu.memory_space<semaphore_mem>>
    %dma_start3A_694 = tpu.memref_squeeze %dma_start3A_693 : memref<1x!tpu.dma_semaphore, #tpu.memory_space<semaphore_mem>> -> memref<!tpu.dma_semaphore, #tpu.memory_space<semaphore_mem>>
    %dma_start3A_695 = arith.constant 0 : i32
    %dma_start3A_696 = arith.constant 0 : i32
    %dma_start3A_697 = tpu.memref_slice %arg11[%dma_start3A_685, %dma_start3A_695, %dma_start3A_696] : memref<2x80x80xf32, #tpu.memory_space<vmem>> -> memref<1x80x80xf32, #tpu.memory_space<vmem>>
    %dma_start3A_698 = tpu.memref_squeeze %dma_start3A_697 : memref<1x80x80xf32, #tpu.memory_space<vmem>> -> memref<80x80xf32, #tpu.memory_space<vmem>>
    %dma_start3A_699 = arith.constant 0 : i32
    %dma_start3A_700 = tpu.memref_slice %arg12[%add3A_684, %dma_start3A_699] : memref<10240x80xf32, #tpu.memory_space<vmem_shared>> -> memref<80x80xf32, #tpu.memory_space<vmem_shared>>
    tpu.enqueue_dma source(%dma_start3A_700 : memref<80x80xf32, #tpu.memory_space<vmem_shared>>) target(%dma_start3A_698 : memref<80x80xf32, #tpu.memory_space<vmem>>) target_semaphore(%dma_start3A_694 : memref<!tpu.dma_semaphore, #tpu.memory_space<semaphore_mem>>)
    %add3A_701 = arith.constant 240 : i32
    %add3A_702 = arith.addi %mul3A_9, %add3A_701 : i32
    %dma_wait3A_703 = arith.constant 1 : i32
    %dma_wait3A_704 = arith.constant 1 : i32
    %dma_wait3A_705 = arith.constant 0 : i32
    %dma_wait3A_706 = arith.constant 0 : i32
    %dma_wait3A_707 = tpu.memref_slice %arg11[%dma_wait3A_703, %dma_wait3A_705, %dma_wait3A_706] : memref<2x80x80xf32, #tpu.memory_space<vmem>> -> memref<1x80x80xf32, #tpu.memory_space<vmem>>
    %dma_wait3A_708 = tpu.memref_squeeze %dma_wait3A_707 : memref<1x80x80xf32, #tpu.memory_space<vmem>> -> memref<80x80xf32, #tpu.memory_space<vmem>>
    %dma_wait3A_709 = arith.constant 0 : i32
    %dma_wait3A_710 = tpu.memref_slice %arg12[%add3A_702, %dma_wait3A_709] : memref<10240x80xf32, #tpu.memory_space<vmem_shared>> -> memref<80x80xf32, #tpu.memory_space<vmem_shared>>
    %dma_wait3A_711 = tpu.memref_slice %arg14[%dma_wait3A_704] : memref<2x!tpu.dma_semaphore, #tpu.memory_space<semaphore_mem>> -> memref<1x!tpu.dma_semaphore, #tpu.memory_space<semaphore_mem>>
    %dma_wait3A_712 = tpu.memref_squeeze %dma_wait3A_711 : memref<1x!tpu.dma_semaphore, #tpu.memory_space<semaphore_mem>> -> memref<!tpu.dma_semaphore, #tpu.memory_space<semaphore_mem>>
    %dma_wait3A_713 = arith.constant 0 : i32
    %dma_wait3A_714 = arith.constant 0 : i32
    %dma_wait3A_715 = tpu.memref_slice %arg11[%dma_wait3A_703, %dma_wait3A_713, %dma_wait3A_714] : memref<2x80x80xf32, #tpu.memory_space<vmem>> -> memref<1x80x80xf32, #tpu.memory_space<vmem>>
    %dma_wait3A_716 = tpu.memref_squeeze %dma_wait3A_715 : memref<1x80x80xf32, #tpu.memory_space<vmem>> -> memref<80x80xf32, #tpu.memory_space<vmem>>
    %dma_wait3A_717 = arith.constant 0 : i32
    %dma_wait3A_718 = tpu.memref_slice %arg12[%add3A_702, %dma_wait3A_717] : memref<10240x80xf32, #tpu.memory_space<vmem_shared>> -> memref<80x80xf32, #tpu.memory_space<vmem_shared>>
    tpu.wait_dma2 semaphore(%dma_wait3A_712 : memref<!tpu.dma_semaphore, #tpu.memory_space<semaphore_mem>>) src(%dma_wait3A_718 : memref<80x80xf32, #tpu.memory_space<vmem_shared>>) dst(%dma_wait3A_716 : memref<80x80xf32, #tpu.memory_space<vmem>>)
    %add3A_719 = arith.constant 240 : i32
    %add3A_720 = arith.addi %add3A_450, %add3A_719 : i32
    %dma_start3A_721 = arith.constant 1 : i32
    %dma_start3A_722 = arith.constant 1 : i32
    %dma_start3A_723 = arith.constant 0 : i32
    %dma_start3A_724 = arith.constant 0 : i32
    %dma_start3A_725 = tpu.memref_slice %arg11[%dma_start3A_721, %dma_start3A_723, %dma_start3A_724] : memref<2x80x80xf32, #tpu.memory_space<vmem>> -> memref<1x80x80xf32, #tpu.memory_space<vmem>>
    %dma_start3A_726 = tpu.memref_squeeze %dma_start3A_725 : memref<1x80x80xf32, #tpu.memory_space<vmem>> -> memref<80x80xf32, #tpu.memory_space<vmem>>
    %dma_start3A_727 = arith.constant 0 : i32
    %dma_start3A_728 = tpu.memref_slice %arg6[%add3A_720, %dma_start3A_727] : memref<20480x80xf32, #tpu.memory_space<hbm>> -> memref<80x80xf32, #tpu.memory_space<hbm>>
    %dma_start3A_729 = tpu.memref_slice %arg15[%dma_start3A_722] : memref<2x!tpu.dma_semaphore, #tpu.memory_space<semaphore_mem>> -> memref<1x!tpu.dma_semaphore, #tpu.memory_space<semaphore_mem>>
    %dma_start3A_730 = tpu.memref_squeeze %dma_start3A_729 : memref<1x!tpu.dma_semaphore, #tpu.memory_space<semaphore_mem>> -> memref<!tpu.dma_semaphore, #tpu.memory_space<semaphore_mem>>
    %dma_start3A_731 = arith.constant 0 : i32
    %dma_start3A_732 = tpu.memref_slice %arg6[%add3A_720, %dma_start3A_731] : memref<20480x80xf32, #tpu.memory_space<hbm>> -> memref<80x80xf32, #tpu.memory_space<hbm>>
    %dma_start3A_733 = arith.constant 0 : i32
    %dma_start3A_734 = arith.constant 0 : i32
    %dma_start3A_735 = tpu.memref_slice %arg11[%dma_start3A_721, %dma_start3A_733, %dma_start3A_734] : memref<2x80x80xf32, #tpu.memory_space<vmem>> -> memref<1x80x80xf32, #tpu.memory_space<vmem>>
    %dma_start3A_736 = tpu.memref_squeeze %dma_start3A_735 : memref<1x80x80xf32, #tpu.memory_space<vmem>> -> memref<80x80xf32, #tpu.memory_space<vmem>>
    tpu.enqueue_dma source(%dma_start3A_736 : memref<80x80xf32, #tpu.memory_space<vmem>>) target(%dma_start3A_732 : memref<80x80xf32, #tpu.memory_space<hbm>>) target_semaphore(%dma_start3A_730 : memref<!tpu.dma_semaphore, #tpu.memory_space<semaphore_mem>>)
    %add3A_737 = arith.constant 240 : i32
    %add3A_738 = arith.addi %add3A_450, %add3A_737 : i32
    %dma_wait3A_739 = arith.constant 1 : i32
    %dma_wait3A_740 = arith.constant 1 : i32
    %dma_wait3A_741 = arith.constant 0 : i32
    %dma_wait3A_742 = arith.constant 0 : i32
    %dma_wait3A_743 = tpu.memref_slice %arg11[%dma_wait3A_739, %dma_wait3A_741, %dma_wait3A_742] : memref<2x80x80xf32, #tpu.memory_space<vmem>> -> memref<1x80x80xf32, #tpu.memory_space<vmem>>
    %dma_wait3A_744 = tpu.memref_squeeze %dma_wait3A_743 : memref<1x80x80xf32, #tpu.memory_space<vmem>> -> memref<80x80xf32, #tpu.memory_space<vmem>>
    %dma_wait3A_745 = arith.constant 0 : i32
    %dma_wait3A_746 = tpu.memref_slice %arg6[%add3A_738, %dma_wait3A_745] : memref<20480x80xf32, #tpu.memory_space<hbm>> -> memref<80x80xf32, #tpu.memory_space<hbm>>
    %dma_wait3A_747 = tpu.memref_slice %arg15[%dma_wait3A_740] : memref<2x!tpu.dma_semaphore, #tpu.memory_space<semaphore_mem>> -> memref<1x!tpu.dma_semaphore, #tpu.memory_space<semaphore_mem>>
    %dma_wait3A_748 = tpu.memref_squeeze %dma_wait3A_747 : memref<1x!tpu.dma_semaphore, #tpu.memory_space<semaphore_mem>> -> memref<!tpu.dma_semaphore, #tpu.memory_space<semaphore_mem>>
    %dma_wait3A_749 = arith.constant 0 : i32
    %dma_wait3A_750 = tpu.memref_slice %arg6[%add3A_738, %dma_wait3A_749] : memref<20480x80xf32, #tpu.memory_space<hbm>> -> memref<80x80xf32, #tpu.memory_space<hbm>>
    %dma_wait3A_751 = arith.constant 0 : i32
    %dma_wait3A_752 = arith.constant 0 : i32
    %dma_wait3A_753 = tpu.memref_slice %arg11[%dma_wait3A_739, %dma_wait3A_751, %dma_wait3A_752] : memref<2x80x80xf32, #tpu.memory_space<vmem>> -> memref<1x80x80xf32, #tpu.memory_space<vmem>>
    %dma_wait3A_754 = tpu.memref_squeeze %dma_wait3A_753 : memref<1x80x80xf32, #tpu.memory_space<vmem>> -> memref<80x80xf32, #tpu.memory_space<vmem>>
    tpu.wait_dma2 semaphore(%dma_wait3A_748 : memref<!tpu.dma_semaphore, #tpu.memory_space<semaphore_mem>>) src(%dma_wait3A_754 : memref<80x80xf32, #tpu.memory_space<vmem>>) dst(%dma_wait3A_750 : memref<80x80xf32, #tpu.memory_space<hbm>>)
    %add3A_755 = arith.constant 400 : i32
    %add3A_756 = arith.addi %mul3A_9, %add3A_755 : i32
    %dma_start3A_757 = arith.constant 1 : i32
    %dma_start3A_758 = arith.constant 1 : i32
    %dma_start3A_759 = arith.constant 0 : i32
    %dma_start3A_760 = arith.constant 0 : i32
    %dma_start3A_761 = tpu.memref_slice %arg11[%dma_start3A_757, %dma_start3A_759, %dma_start3A_760] : memref<2x80x80xf32, #tpu.memory_space<vmem>> -> memref<1x80x80xf32, #tpu.memory_space<vmem>>
    %dma_start3A_762 = tpu.memref_squeeze %dma_start3A_761 : memref<1x80x80xf32, #tpu.memory_space<vmem>> -> memref<80x80xf32, #tpu.memory_space<vmem>>
    %dma_start3A_763 = arith.constant 0 : i32
    %dma_start3A_764 = tpu.memref_slice %arg12[%add3A_756, %dma_start3A_763] : memref<10240x80xf32, #tpu.memory_space<vmem_shared>> -> memref<80x80xf32, #tpu.memory_space<vmem_shared>>
    %dma_start3A_765 = tpu.memref_slice %arg14[%dma_start3A_758] : memref<2x!tpu.dma_semaphore, #tpu.memory_space<semaphore_mem>> -> memref<1x!tpu.dma_semaphore, #tpu.memory_space<semaphore_mem>>
    %dma_start3A_766 = tpu.memref_squeeze %dma_start3A_765 : memref<1x!tpu.dma_semaphore, #tpu.memory_space<semaphore_mem>> -> memref<!tpu.dma_semaphore, #tpu.memory_space<semaphore_mem>>
    %dma_start3A_767 = arith.constant 0 : i32
    %dma_start3A_768 = arith.constant 0 : i32
    %dma_start3A_769 = tpu.memref_slice %arg11[%dma_start3A_757, %dma_start3A_767, %dma_start3A_768] : memref<2x80x80xf32, #tpu.memory_space<vmem>> -> memref<1x80x80xf32, #tpu.memory_space<vmem>>
    %dma_start3A_770 = tpu.memref_squeeze %dma_start3A_769 : memref<1x80x80xf32, #tpu.memory_space<vmem>> -> memref<80x80xf32, #tpu.memory_space<vmem>>
    %dma_start3A_771 = arith.constant 0 : i32
    %dma_start3A_772 = tpu.memref_slice %arg12[%add3A_756, %dma_start3A_771] : memref<10240x80xf32, #tpu.memory_space<vmem_shared>> -> memref<80x80xf32, #tpu.memory_space<vmem_shared>>
    tpu.enqueue_dma source(%dma_start3A_772 : memref<80x80xf32, #tpu.memory_space<vmem_shared>>) target(%dma_start3A_770 : memref<80x80xf32, #tpu.memory_space<vmem>>) target_semaphore(%dma_start3A_766 : memref<!tpu.dma_semaphore, #tpu.memory_space<semaphore_mem>>)
    %add3A_773 = arith.constant 320 : i32
    %add3A_774 = arith.addi %mul3A_9, %add3A_773 : i32
    %dma_wait3A_775 = arith.constant 0 : i32
    %dma_wait3A_776 = arith.constant 0 : i32
    %dma_wait3A_777 = arith.constant 0 : i32
    %dma_wait3A_778 = arith.constant 0 : i32
    %dma_wait3A_779 = tpu.memref_slice %arg11[%dma_wait3A_775, %dma_wait3A_777, %dma_wait3A_778] : memref<2x80x80xf32, #tpu.memory_space<vmem>> -> memref<1x80x80xf32, #tpu.memory_space<vmem>>
    %dma_wait3A_780 = tpu.memref_squeeze %dma_wait3A_779 : memref<1x80x80xf32, #tpu.memory_space<vmem>> -> memref<80x80xf32, #tpu.memory_space<vmem>>
    %dma_wait3A_781 = arith.constant 0 : i32
    %dma_wait3A_782 = tpu.memref_slice %arg12[%add3A_774, %dma_wait3A_781] : memref<10240x80xf32, #tpu.memory_space<vmem_shared>> -> memref<80x80xf32, #tpu.memory_space<vmem_shared>>
    %dma_wait3A_783 = tpu.memref_slice %arg14[%dma_wait3A_776] : memref<2x!tpu.dma_semaphore, #tpu.memory_space<semaphore_mem>> -> memref<1x!tpu.dma_semaphore, #tpu.memory_space<semaphore_mem>>
    %dma_wait3A_784 = tpu.memref_squeeze %dma_wait3A_783 : memref<1x!tpu.dma_semaphore, #tpu.memory_space<semaphore_mem>> -> memref<!tpu.dma_semaphore, #tpu.memory_space<semaphore_mem>>
    %dma_wait3A_785 = arith.constant 0 : i32
    %dma_wait3A_786 = arith.constant 0 : i32
    %dma_wait3A_787 = tpu.memref_slice %arg11[%dma_wait3A_775, %dma_wait3A_785, %dma_wait3A_786] : memref<2x80x80xf32, #tpu.memory_space<vmem>> -> memref<1x80x80xf32, #tpu.memory_space<vmem>>
    %dma_wait3A_788 = tpu.memref_squeeze %dma_wait3A_787 : memref<1x80x80xf32, #tpu.memory_space<vmem>> -> memref<80x80xf32, #tpu.memory_space<vmem>>
    %dma_wait3A_789 = arith.constant 0 : i32
    %dma_wait3A_790 = tpu.memref_slice %arg12[%add3A_774, %dma_wait3A_789] : memref<10240x80xf32, #tpu.memory_space<vmem_shared>> -> memref<80x80xf32, #tpu.memory_space<vmem_shared>>
    tpu.wait_dma2 semaphore(%dma_wait3A_784 : memref<!tpu.dma_semaphore, #tpu.memory_space<semaphore_mem>>) src(%dma_wait3A_790 : memref<80x80xf32, #tpu.memory_space<vmem_shared>>) dst(%dma_wait3A_788 : memref<80x80xf32, #tpu.memory_space<vmem>>)
    %add3A_791 = arith.constant 320 : i32
    %add3A_792 = arith.addi %add3A_450, %add3A_791 : i32
    %dma_start3A_793 = arith.constant 0 : i32
    %dma_start3A_794 = arith.constant 0 : i32
    %dma_start3A_795 = arith.constant 0 : i32
    %dma_start3A_796 = arith.constant 0 : i32
    %dma_start3A_797 = tpu.memref_slice %arg11[%dma_start3A_793, %dma_start3A_795, %dma_start3A_796] : memref<2x80x80xf32, #tpu.memory_space<vmem>> -> memref<1x80x80xf32, #tpu.memory_space<vmem>>
    %dma_start3A_798 = tpu.memref_squeeze %dma_start3A_797 : memref<1x80x80xf32, #tpu.memory_space<vmem>> -> memref<80x80xf32, #tpu.memory_space<vmem>>
    %dma_start3A_799 = arith.constant 0 : i32
    %dma_start3A_800 = tpu.memref_slice %arg6[%add3A_792, %dma_start3A_799] : memref<20480x80xf32, #tpu.memory_space<hbm>> -> memref<80x80xf32, #tpu.memory_space<hbm>>
    %dma_start3A_801 = tpu.memref_slice %arg15[%dma_start3A_794] : memref<2x!tpu.dma_semaphore, #tpu.memory_space<semaphore_mem>> -> memref<1x!tpu.dma_semaphore, #tpu.memory_space<semaphore_mem>>
    %dma_start3A_802 = tpu.memref_squeeze %dma_start3A_801 : memref<1x!tpu.dma_semaphore, #tpu.memory_space<semaphore_mem>> -> memref<!tpu.dma_semaphore, #tpu.memory_space<semaphore_mem>>
    %dma_start3A_803 = arith.constant 0 : i32
    %dma_start3A_804 = tpu.memref_slice %arg6[%add3A_792, %dma_start3A_803] : memref<20480x80xf32, #tpu.memory_space<hbm>> -> memref<80x80xf32, #tpu.memory_space<hbm>>
    %dma_start3A_805 = arith.constant 0 : i32
    %dma_start3A_806 = arith.constant 0 : i32
    %dma_start3A_807 = tpu.memref_slice %arg11[%dma_start3A_793, %dma_start3A_805, %dma_start3A_806] : memref<2x80x80xf32, #tpu.memory_space<vmem>> -> memref<1x80x80xf32, #tpu.memory_space<vmem>>
    %dma_start3A_808 = tpu.memref_squeeze %dma_start3A_807 : memref<1x80x80xf32, #tpu.memory_space<vmem>> -> memref<80x80xf32, #tpu.memory_space<vmem>>
    tpu.enqueue_dma source(%dma_start3A_808 : memref<80x80xf32, #tpu.memory_space<vmem>>) target(%dma_start3A_804 : memref<80x80xf32, #tpu.memory_space<hbm>>) target_semaphore(%dma_start3A_802 : memref<!tpu.dma_semaphore, #tpu.memory_space<semaphore_mem>>)
    %add3A_809 = arith.constant 320 : i32
    %add3A_810 = arith.addi %add3A_450, %add3A_809 : i32
    %dma_wait3A_811 = arith.constant 0 : i32
    %dma_wait3A_812 = arith.constant 0 : i32
    %dma_wait3A_813 = arith.constant 0 : i32
    %dma_wait3A_814 = arith.constant 0 : i32
    %dma_wait3A_815 = tpu.memref_slice %arg11[%dma_wait3A_811, %dma_wait3A_813, %dma_wait3A_814] : memref<2x80x80xf32, #tpu.memory_space<vmem>> -> memref<1x80x80xf32, #tpu.memory_space<vmem>>
    %dma_wait3A_816 = tpu.memref_squeeze %dma_wait3A_815 : memref<1x80x80xf32, #tpu.memory_space<vmem>> -> memref<80x80xf32, #tpu.memory_space<vmem>>
    %dma_wait3A_817 = arith.constant 0 : i32
    %dma_wait3A_818 = tpu.memref_slice %arg6[%add3A_810, %dma_wait3A_817] : memref<20480x80xf32, #tpu.memory_space<hbm>> -> memref<80x80xf32, #tpu.memory_space<hbm>>
    %dma_wait3A_819 = tpu.memref_slice %arg15[%dma_wait3A_812] : memref<2x!tpu.dma_semaphore, #tpu.memory_space<semaphore_mem>> -> memref<1x!tpu.dma_semaphore, #tpu.memory_space<semaphore_mem>>
    %dma_wait3A_820 = tpu.memref_squeeze %dma_wait3A_819 : memref<1x!tpu.dma_semaphore, #tpu.memory_space<semaphore_mem>> -> memref<!tpu.dma_semaphore, #tpu.memory_space<semaphore_mem>>
    %dma_wait3A_821 = arith.constant 0 : i32
    %dma_wait3A_822 = tpu.memref_slice %arg6[%add3A_810, %dma_wait3A_821] : memref<20480x80xf32, #tpu.memory_space<hbm>> -> memref<80x80xf32, #tpu.memory_space<hbm>>
    %dma_wait3A_823 = arith.constant 0 : i32
    %dma_wait3A_824 = arith.constant 0 : i32
    %dma_wait3A_825 = tpu.memref_slice %arg11[%dma_wait3A_811, %dma_wait3A_823, %dma_wait3A_824] : memref<2x80x80xf32, #tpu.memory_space<vmem>> -> memref<1x80x80xf32, #tpu.memory_space<vmem>>
    %dma_wait3A_826 = tpu.memref_squeeze %dma_wait3A_825 : memref<1x80x80xf32, #tpu.memory_space<vmem>> -> memref<80x80xf32, #tpu.memory_space<vmem>>
    tpu.wait_dma2 semaphore(%dma_wait3A_820 : memref<!tpu.dma_semaphore, #tpu.memory_space<semaphore_mem>>) src(%dma_wait3A_826 : memref<80x80xf32, #tpu.memory_space<vmem>>) dst(%dma_wait3A_822 : memref<80x80xf32, #tpu.memory_space<hbm>>)
    %add3A_827 = arith.constant 480 : i32
    %add3A_828 = arith.addi %mul3A_9, %add3A_827 : i32
    %dma_start3A_829 = arith.constant 0 : i32
    %dma_start3A_830 = arith.constant 0 : i32
    %dma_start3A_831 = arith.constant 0 : i32
    %dma_start3A_832 = arith.constant 0 : i32
    %dma_start3A_833 = tpu.memref_slice %arg11[%dma_start3A_829, %dma_start3A_831, %dma_start3A_832] : memref<2x80x80xf32, #tpu.memory_space<vmem>> -> memref<1x80x80xf32, #tpu.memory_space<vmem>>
    %dma_start3A_834 = tpu.memref_squeeze %dma_start3A_833 : memref<1x80x80xf32, #tpu.memory_space<vmem>> -> memref<80x80xf32, #tpu.memory_space<vmem>>
    %dma_start3A_835 = arith.constant 0 : i32
    %dma_start3A_836 = tpu.memref_slice %arg12[%add3A_828, %dma_start3A_835] : memref<10240x80xf32, #tpu.memory_space<vmem_shared>> -> memref<80x80xf32, #tpu.memory_space<vmem_shared>>
    %dma_start3A_837 = tpu.memref_slice %arg14[%dma_start3A_830] : memref<2x!tpu.dma_semaphore, #tpu.memory_space<semaphore_mem>> -> memref<1x!tpu.dma_semaphore, #tpu.memory_space<semaphore_mem>>
    %dma_start3A_838 = tpu.memref_squeeze %dma_start3A_837 : memref<1x!tpu.dma_semaphore, #tpu.memory_space<semaphore_mem>> -> memref<!tpu.dma_semaphore, #tpu.memory_space<semaphore_mem>>
    %dma_start3A_839 = arith.constant 0 : i32
    %dma_start3A_840 = arith.constant 0 : i32
    %dma_start3A_841 = tpu.memref_slice %arg11[%dma_start3A_829, %dma_start3A_839, %dma_start3A_840] : memref<2x80x80xf32, #tpu.memory_space<vmem>> -> memref<1x80x80xf32, #tpu.memory_space<vmem>>
    %dma_start3A_842 = tpu.memref_squeeze %dma_start3A_841 : memref<1x80x80xf32, #tpu.memory_space<vmem>> -> memref<80x80xf32, #tpu.memory_space<vmem>>
    %dma_start3A_843 = arith.constant 0 : i32
    %dma_start3A_844 = tpu.memref_slice %arg12[%add3A_828, %dma_start3A_843] : memref<10240x80xf32, #tpu.memory_space<vmem_shared>> -> memref<80x80xf32, #tpu.memory_space<vmem_shared>>
    tpu.enqueue_dma source(%dma_start3A_844 : memref<80x80xf32, #tpu.memory_space<vmem_shared>>) target(%dma_start3A_842 : memref<80x80xf32, #tpu.memory_space<vmem>>) target_semaphore(%dma_start3A_838 : memref<!tpu.dma_semaphore, #tpu.memory_space<semaphore_mem>>)
    %add3A_845 = arith.constant 400 : i32
    %add3A_846 = arith.addi %mul3A_9, %add3A_845 : i32
    %dma_wait3A_847 = arith.constant 1 : i32
    %dma_wait3A_848 = arith.constant 1 : i32
    %dma_wait3A_849 = arith.constant 0 : i32
    %dma_wait3A_850 = arith.constant 0 : i32
    %dma_wait3A_851 = tpu.memref_slice %arg11[%dma_wait3A_847, %dma_wait3A_849, %dma_wait3A_850] : memref<2x80x80xf32, #tpu.memory_space<vmem>> -> memref<1x80x80xf32, #tpu.memory_space<vmem>>
    %dma_wait3A_852 = tpu.memref_squeeze %dma_wait3A_851 : memref<1x80x80xf32, #tpu.memory_space<vmem>> -> memref<80x80xf32, #tpu.memory_space<vmem>>
    %dma_wait3A_853 = arith.constant 0 : i32
    %dma_wait3A_854 = tpu.memref_slice %arg12[%add3A_846, %dma_wait3A_853] : memref<10240x80xf32, #tpu.memory_space<vmem_shared>> -> memref<80x80xf32, #tpu.memory_space<vmem_shared>>
    %dma_wait3A_855 = tpu.memref_slice %arg14[%dma_wait3A_848] : memref<2x!tpu.dma_semaphore, #tpu.memory_space<semaphore_mem>> -> memref<1x!tpu.dma_semaphore, #tpu.memory_space<semaphore_mem>>
    %dma_wait3A_856 = tpu.memref_squeeze %dma_wait3A_855 : memref<1x!tpu.dma_semaphore, #tpu.memory_space<semaphore_mem>> -> memref<!tpu.dma_semaphore, #tpu.memory_space<semaphore_mem>>
    %dma_wait3A_857 = arith.constant 0 : i32
    %dma_wait3A_858 = arith.constant 0 : i32
    %dma_wait3A_859 = tpu.memref_slice %arg11[%dma_wait3A_847, %dma_wait3A_857, %dma_wait3A_858] : memref<2x80x80xf32, #tpu.memory_space<vmem>> -> memref<1x80x80xf32, #tpu.memory_space<vmem>>
    %dma_wait3A_860 = tpu.memref_squeeze %dma_wait3A_859 : memref<1x80x80xf32, #tpu.memory_space<vmem>> -> memref<80x80xf32, #tpu.memory_space<vmem>>
    %dma_wait3A_861 = arith.constant 0 : i32
    %dma_wait3A_862 = tpu.memref_slice %arg12[%add3A_846, %dma_wait3A_861] : memref<10240x80xf32, #tpu.memory_space<vmem_shared>> -> memref<80x80xf32, #tpu.memory_space<vmem_shared>>
    tpu.wait_dma2 semaphore(%dma_wait3A_856 : memref<!tpu.dma_semaphore, #tpu.memory_space<semaphore_mem>>) src(%dma_wait3A_862 : memref<80x80xf32, #tpu.memory_space<vmem_shared>>) dst(%dma_wait3A_860 : memref<80x80xf32, #tpu.memory_space<vmem>>)
    %add3A_863 = arith.constant 400 : i32
    %add3A_864 = arith.addi %add3A_450, %add3A_863 : i32
    %dma_start3A_865 = arith.constant 1 : i32
    %dma_start3A_866 = arith.constant 1 : i32
    %dma_start3A_867 = arith.constant 0 : i32
    %dma_start3A_868 = arith.constant 0 : i32
    %dma_start3A_869 = tpu.memref_slice %arg11[%dma_start3A_865, %dma_start3A_867, %dma_start3A_868] : memref<2x80x80xf32, #tpu.memory_space<vmem>> -> memref<1x80x80xf32, #tpu.memory_space<vmem>>
    %dma_start3A_870 = tpu.memref_squeeze %dma_start3A_869 : memref<1x80x80xf32, #tpu.memory_space<vmem>> -> memref<80x80xf32, #tpu.memory_space<vmem>>
    %dma_start3A_871 = arith.constant 0 : i32
    %dma_start3A_872 = tpu.memref_slice %arg6[%add3A_864, %dma_start3A_871] : memref<20480x80xf32, #tpu.memory_space<hbm>> -> memref<80x80xf32, #tpu.memory_space<hbm>>
    %dma_start3A_873 = tpu.memref_slice %arg15[%dma_start3A_866] : memref<2x!tpu.dma_semaphore, #tpu.memory_space<semaphore_mem>> -> memref<1x!tpu.dma_semaphore, #tpu.memory_space<semaphore_mem>>
    %dma_start3A_874 = tpu.memref_squeeze %dma_start3A_873 : memref<1x!tpu.dma_semaphore, #tpu.memory_space<semaphore_mem>> -> memref<!tpu.dma_semaphore, #tpu.memory_space<semaphore_mem>>
    %dma_start3A_875 = arith.constant 0 : i32
    %dma_start3A_876 = tpu.memref_slice %arg6[%add3A_864, %dma_start3A_875] : memref<20480x80xf32, #tpu.memory_space<hbm>> -> memref<80x80xf32, #tpu.memory_space<hbm>>
    %dma_start3A_877 = arith.constant 0 : i32
    %dma_start3A_878 = arith.constant 0 : i32
    %dma_start3A_879 = tpu.memref_slice %arg11[%dma_start3A_865, %dma_start3A_877, %dma_start3A_878] : memref<2x80x80xf32, #tpu.memory_space<vmem>> -> memref<1x80x80xf32, #tpu.memory_space<vmem>>
    %dma_start3A_880 = tpu.memref_squeeze %dma_start3A_879 : memref<1x80x80xf32, #tpu.memory_space<vmem>> -> memref<80x80xf32, #tpu.memory_space<vmem>>
    tpu.enqueue_dma source(%dma_start3A_880 : memref<80x80xf32, #tpu.memory_space<vmem>>) target(%dma_start3A_876 : memref<80x80xf32, #tpu.memory_space<hbm>>) target_semaphore(%dma_start3A_874 : memref<!tpu.dma_semaphore, #tpu.memory_space<semaphore_mem>>)
    %add3A_881 = arith.constant 400 : i32
    %add3A_882 = arith.addi %add3A_450, %add3A_881 : i32
    %dma_wait3A_883 = arith.constant 1 : i32
    %dma_wait3A_884 = arith.constant 1 : i32
    %dma_wait3A_885 = arith.constant 0 : i32
    %dma_wait3A_886 = arith.constant 0 : i32
    %dma_wait3A_887 = tpu.memref_slice %arg11[%dma_wait3A_883, %dma_wait3A_885, %dma_wait3A_886] : memref<2x80x80xf32, #tpu.memory_space<vmem>> -> memref<1x80x80xf32, #tpu.memory_space<vmem>>
    %dma_wait3A_888 = tpu.memref_squeeze %dma_wait3A_887 : memref<1x80x80xf32, #tpu.memory_space<vmem>> -> memref<80x80xf32, #tpu.memory_space<vmem>>
    %dma_wait3A_889 = arith.constant 0 : i32
    %dma_wait3A_890 = tpu.memref_slice %arg6[%add3A_882, %dma_wait3A_889] : memref<20480x80xf32, #tpu.memory_space<hbm>> -> memref<80x80xf32, #tpu.memory_space<hbm>>
    %dma_wait3A_891 = tpu.memref_slice %arg15[%dma_wait3A_884] : memref<2x!tpu.dma_semaphore, #tpu.memory_space<semaphore_mem>> -> memref<1x!tpu.dma_semaphore, #tpu.memory_space<semaphore_mem>>
    %dma_wait3A_892 = tpu.memref_squeeze %dma_wait3A_891 : memref<1x!tpu.dma_semaphore, #tpu.memory_space<semaphore_mem>> -> memref<!tpu.dma_semaphore, #tpu.memory_space<semaphore_mem>>
    %dma_wait3A_893 = arith.constant 0 : i32
    %dma_wait3A_894 = tpu.memref_slice %arg6[%add3A_882, %dma_wait3A_893] : memref<20480x80xf32, #tpu.memory_space<hbm>> -> memref<80x80xf32, #tpu.memory_space<hbm>>
    %dma_wait3A_895 = arith.constant 0 : i32
    %dma_wait3A_896 = arith.constant 0 : i32
    %dma_wait3A_897 = tpu.memref_slice %arg11[%dma_wait3A_883, %dma_wait3A_895, %dma_wait3A_896] : memref<2x80x80xf32, #tpu.memory_space<vmem>> -> memref<1x80x80xf32, #tpu.memory_space<vmem>>
    %dma_wait3A_898 = tpu.memref_squeeze %dma_wait3A_897 : memref<1x80x80xf32, #tpu.memory_space<vmem>> -> memref<80x80xf32, #tpu.memory_space<vmem>>
    tpu.wait_dma2 semaphore(%dma_wait3A_892 : memref<!tpu.dma_semaphore, #tpu.memory_space<semaphore_mem>>) src(%dma_wait3A_898 : memref<80x80xf32, #tpu.memory_space<vmem>>) dst(%dma_wait3A_894 : memref<80x80xf32, #tpu.memory_space<hbm>>)
    %add3A_899 = arith.constant 560 : i32
    %add3A_900 = arith.addi %mul3A_9, %add3A_899 : i32
    %dma_start3A_901 = arith.constant 1 : i32
    %dma_start3A_902 = arith.constant 1 : i32
    %dma_start3A_903 = arith.constant 0 : i32
    %dma_start3A_904 = arith.constant 0 : i32
    %dma_start3A_905 = tpu.memref_slice %arg11[%dma_start3A_901, %dma_start3A_903, %dma_start3A_904] : memref<2x80x80xf32, #tpu.memory_space<vmem>> -> memref<1x80x80xf32, #tpu.memory_space<vmem>>
    %dma_start3A_906 = tpu.memref_squeeze %dma_start3A_905 : memref<1x80x80xf32, #tpu.memory_space<vmem>> -> memref<80x80xf32, #tpu.memory_space<vmem>>
    %dma_start3A_907 = arith.constant 0 : i32
    %dma_start3A_908 = tpu.memref_slice %arg12[%add3A_900, %dma_start3A_907] : memref<10240x80xf32, #tpu.memory_space<vmem_shared>> -> memref<80x80xf32, #tpu.memory_space<vmem_shared>>
    %dma_start3A_909 = tpu.memref_slice %arg14[%dma_start3A_902] : memref<2x!tpu.dma_semaphore, #tpu.memory_space<semaphore_mem>> -> memref<1x!tpu.dma_semaphore, #tpu.memory_space<semaphore_mem>>
    %dma_start3A_910 = tpu.memref_squeeze %dma_start3A_909 : memref<1x!tpu.dma_semaphore, #tpu.memory_space<semaphore_mem>> -> memref<!tpu.dma_semaphore, #tpu.memory_space<semaphore_mem>>
    %dma_start3A_911 = arith.constant 0 : i32
    %dma_start3A_912 = arith.constant 0 : i32
    %dma_start3A_913 = tpu.memref_slice %arg11[%dma_start3A_901, %dma_start3A_911, %dma_start3A_912] : memref<2x80x80xf32, #tpu.memory_space<vmem>> -> memref<1x80x80xf32, #tpu.memory_space<vmem>>
    %dma_start3A_914 = tpu.memref_squeeze %dma_start3A_913 : memref<1x80x80xf32, #tpu.memory_space<vmem>> -> memref<80x80xf32, #tpu.memory_space<vmem>>
    %dma_start3A_915 = arith.constant 0 : i32
    %dma_start3A_916 = tpu.memref_slice %arg12[%add3A_900, %dma_start3A_915] : memref<10240x80xf32, #tpu.memory_space<vmem_shared>> -> memref<80x80xf32, #tpu.memory_space<vmem_shared>>
    tpu.enqueue_dma source(%dma_start3A_916 : memref<80x80xf32, #tpu.memory_space<vmem_shared>>) target(%dma_start3A_914 : memref<80x80xf32, #tpu.memory_space<vmem>>) target_semaphore(%dma_start3A_910 : memref<!tpu.dma_semaphore, #tpu.memory_space<semaphore_mem>>)
    %add3A_917 = arith.constant 480 : i32
    %add3A_918 = arith.addi %mul3A_9, %add3A_917 : i32
    %dma_wait3A_919 = arith.constant 0 : i32
    %dma_wait3A_920 = arith.constant 0 : i32
    %dma_wait3A_921 = arith.constant 0 : i32
    %dma_wait3A_922 = arith.constant 0 : i32
    %dma_wait3A_923 = tpu.memref_slice %arg11[%dma_wait3A_919, %dma_wait3A_921, %dma_wait3A_922] : memref<2x80x80xf32, #tpu.memory_space<vmem>> -> memref<1x80x80xf32, #tpu.memory_space<vmem>>
    %dma_wait3A_924 = tpu.memref_squeeze %dma_wait3A_923 : memref<1x80x80xf32, #tpu.memory_space<vmem>> -> memref<80x80xf32, #tpu.memory_space<vmem>>
    %dma_wait3A_925 = arith.constant 0 : i32
    %dma_wait3A_926 = tpu.memref_slice %arg12[%add3A_918, %dma_wait3A_925] : memref<10240x80xf32, #tpu.memory_space<vmem_shared>> -> memref<80x80xf32, #tpu.memory_space<vmem_shared>>
    %dma_wait3A_927 = tpu.memref_slice %arg14[%dma_wait3A_920] : memref<2x!tpu.dma_semaphore, #tpu.memory_space<semaphore_mem>> -> memref<1x!tpu.dma_semaphore, #tpu.memory_space<semaphore_mem>>
    %dma_wait3A_928 = tpu.memref_squeeze %dma_wait3A_927 : memref<1x!tpu.dma_semaphore, #tpu.memory_space<semaphore_mem>> -> memref<!tpu.dma_semaphore, #tpu.memory_space<semaphore_mem>>
    %dma_wait3A_929 = arith.constant 0 : i32
    %dma_wait3A_930 = arith.constant 0 : i32
    %dma_wait3A_931 = tpu.memref_slice %arg11[%dma_wait3A_919, %dma_wait3A_929, %dma_wait3A_930] : memref<2x80x80xf32, #tpu.memory_space<vmem>> -> memref<1x80x80xf32, #tpu.memory_space<vmem>>
    %dma_wait3A_932 = tpu.memref_squeeze %dma_wait3A_931 : memref<1x80x80xf32, #tpu.memory_space<vmem>> -> memref<80x80xf32, #tpu.memory_space<vmem>>
    %dma_wait3A_933 = arith.constant 0 : i32
    %dma_wait3A_934 = tpu.memref_slice %arg12[%add3A_918, %dma_wait3A_933] : memref<10240x80xf32, #tpu.memory_space<vmem_shared>> -> memref<80x80xf32, #tpu.memory_space<vmem_shared>>
    tpu.wait_dma2 semaphore(%dma_wait3A_928 : memref<!tpu.dma_semaphore, #tpu.memory_space<semaphore_mem>>) src(%dma_wait3A_934 : memref<80x80xf32, #tpu.memory_space<vmem_shared>>) dst(%dma_wait3A_932 : memref<80x80xf32, #tpu.memory_space<vmem>>)
    %add3A_935 = arith.constant 480 : i32
    %add3A_936 = arith.addi %add3A_450, %add3A_935 : i32
    %dma_start3A_937 = arith.constant 0 : i32
    %dma_start3A_938 = arith.constant 0 : i32
    %dma_start3A_939 = arith.constant 0 : i32
    %dma_start3A_940 = arith.constant 0 : i32
    %dma_start3A_941 = tpu.memref_slice %arg11[%dma_start3A_937, %dma_start3A_939, %dma_start3A_940] : memref<2x80x80xf32, #tpu.memory_space<vmem>> -> memref<1x80x80xf32, #tpu.memory_space<vmem>>
    %dma_start3A_942 = tpu.memref_squeeze %dma_start3A_941 : memref<1x80x80xf32, #tpu.memory_space<vmem>> -> memref<80x80xf32, #tpu.memory_space<vmem>>
    %dma_start3A_943 = arith.constant 0 : i32
    %dma_start3A_944 = tpu.memref_slice %arg6[%add3A_936, %dma_start3A_943] : memref<20480x80xf32, #tpu.memory_space<hbm>> -> memref<80x80xf32, #tpu.memory_space<hbm>>
    %dma_start3A_945 = tpu.memref_slice %arg15[%dma_start3A_938] : memref<2x!tpu.dma_semaphore, #tpu.memory_space<semaphore_mem>> -> memref<1x!tpu.dma_semaphore, #tpu.memory_space<semaphore_mem>>
    %dma_start3A_946 = tpu.memref_squeeze %dma_start3A_945 : memref<1x!tpu.dma_semaphore, #tpu.memory_space<semaphore_mem>> -> memref<!tpu.dma_semaphore, #tpu.memory_space<semaphore_mem>>
    %dma_start3A_947 = arith.constant 0 : i32
    %dma_start3A_948 = tpu.memref_slice %arg6[%add3A_936, %dma_start3A_947] : memref<20480x80xf32, #tpu.memory_space<hbm>> -> memref<80x80xf32, #tpu.memory_space<hbm>>
    %dma_start3A_949 = arith.constant 0 : i32
    %dma_start3A_950 = arith.constant 0 : i32
    %dma_start3A_951 = tpu.memref_slice %arg11[%dma_start3A_937, %dma_start3A_949, %dma_start3A_950] : memref<2x80x80xf32, #tpu.memory_space<vmem>> -> memref<1x80x80xf32, #tpu.memory_space<vmem>>
    %dma_start3A_952 = tpu.memref_squeeze %dma_start3A_951 : memref<1x80x80xf32, #tpu.memory_space<vmem>> -> memref<80x80xf32, #tpu.memory_space<vmem>>
    tpu.enqueue_dma source(%dma_start3A_952 : memref<80x80xf32, #tpu.memory_space<vmem>>) target(%dma_start3A_948 : memref<80x80xf32, #tpu.memory_space<hbm>>) target_semaphore(%dma_start3A_946 : memref<!tpu.dma_semaphore, #tpu.memory_space<semaphore_mem>>)
    %add3A_953 = arith.constant 560 : i32
    %add3A_954 = arith.addi %mul3A_9, %add3A_953 : i32
    %dma_wait3A_955 = arith.constant 1 : i32
    %dma_wait3A_956 = arith.constant 1 : i32
    %dma_wait3A_957 = arith.constant 0 : i32
    %dma_wait3A_958 = arith.constant 0 : i32
    %dma_wait3A_959 = tpu.memref_slice %arg11[%dma_wait3A_955, %dma_wait3A_957, %dma_wait3A_958] : memref<2x80x80xf32, #tpu.memory_space<vmem>> -> memref<1x80x80xf32, #tpu.memory_space<vmem>>
    %dma_wait3A_960 = tpu.memref_squeeze %dma_wait3A_959 : memref<1x80x80xf32, #tpu.memory_space<vmem>> -> memref<80x80xf32, #tpu.memory_space<vmem>>
    %dma_wait3A_961 = arith.constant 0 : i32
    %dma_wait3A_962 = tpu.memref_slice %arg12[%add3A_954, %dma_wait3A_961] : memref<10240x80xf32, #tpu.memory_space<vmem_shared>> -> memref<80x80xf32, #tpu.memory_space<vmem_shared>>
    %dma_wait3A_963 = tpu.memref_slice %arg14[%dma_wait3A_956] : memref<2x!tpu.dma_semaphore, #tpu.memory_space<semaphore_mem>> -> memref<1x!tpu.dma_semaphore, #tpu.memory_space<semaphore_mem>>
    %dma_wait3A_964 = tpu.memref_squeeze %dma_wait3A_963 : memref<1x!tpu.dma_semaphore, #tpu.memory_space<semaphore_mem>> -> memref<!tpu.dma_semaphore, #tpu.memory_space<semaphore_mem>>
    %dma_wait3A_965 = arith.constant 0 : i32
    %dma_wait3A_966 = arith.constant 0 : i32
    %dma_wait3A_967 = tpu.memref_slice %arg11[%dma_wait3A_955, %dma_wait3A_965, %dma_wait3A_966] : memref<2x80x80xf32, #tpu.memory_space<vmem>> -> memref<1x80x80xf32, #tpu.memory_space<vmem>>
    %dma_wait3A_968 = tpu.memref_squeeze %dma_wait3A_967 : memref<1x80x80xf32, #tpu.memory_space<vmem>> -> memref<80x80xf32, #tpu.memory_space<vmem>>
    %dma_wait3A_969 = arith.constant 0 : i32
    %dma_wait3A_970 = tpu.memref_slice %arg12[%add3A_954, %dma_wait3A_969] : memref<10240x80xf32, #tpu.memory_space<vmem_shared>> -> memref<80x80xf32, #tpu.memory_space<vmem_shared>>
    tpu.wait_dma2 semaphore(%dma_wait3A_964 : memref<!tpu.dma_semaphore, #tpu.memory_space<semaphore_mem>>) src(%dma_wait3A_970 : memref<80x80xf32, #tpu.memory_space<vmem_shared>>) dst(%dma_wait3A_968 : memref<80x80xf32, #tpu.memory_space<vmem>>)
    %add3A_971 = arith.constant 560 : i32
    %add3A_972 = arith.addi %add3A_450, %add3A_971 : i32
    %dma_start3A_973 = arith.constant 1 : i32
    %dma_start3A_974 = arith.constant 1 : i32
    %dma_start3A_975 = arith.constant 0 : i32
    %dma_start3A_976 = arith.constant 0 : i32
    %dma_start3A_977 = tpu.memref_slice %arg11[%dma_start3A_973, %dma_start3A_975, %dma_start3A_976] : memref<2x80x80xf32, #tpu.memory_space<vmem>> -> memref<1x80x80xf32, #tpu.memory_space<vmem>>
    %dma_start3A_978 = tpu.memref_squeeze %dma_start3A_977 : memref<1x80x80xf32, #tpu.memory_space<vmem>> -> memref<80x80xf32, #tpu.memory_space<vmem>>
    %dma_start3A_979 = arith.constant 0 : i32
    %dma_start3A_980 = tpu.memref_slice %arg6[%add3A_972, %dma_start3A_979] : memref<20480x80xf32, #tpu.memory_space<hbm>> -> memref<80x80xf32, #tpu.memory_space<hbm>>
    %dma_start3A_981 = tpu.memref_slice %arg15[%dma_start3A_974] : memref<2x!tpu.dma_semaphore, #tpu.memory_space<semaphore_mem>> -> memref<1x!tpu.dma_semaphore, #tpu.memory_space<semaphore_mem>>
    %dma_start3A_982 = tpu.memref_squeeze %dma_start3A_981 : memref<1x!tpu.dma_semaphore, #tpu.memory_space<semaphore_mem>> -> memref<!tpu.dma_semaphore, #tpu.memory_space<semaphore_mem>>
    %dma_start3A_983 = arith.constant 0 : i32
    %dma_start3A_984 = tpu.memref_slice %arg6[%add3A_972, %dma_start3A_983] : memref<20480x80xf32, #tpu.memory_space<hbm>> -> memref<80x80xf32, #tpu.memory_space<hbm>>
    %dma_start3A_985 = arith.constant 0 : i32
    %dma_start3A_986 = arith.constant 0 : i32
    %dma_start3A_987 = tpu.memref_slice %arg11[%dma_start3A_973, %dma_start3A_985, %dma_start3A_986] : memref<2x80x80xf32, #tpu.memory_space<vmem>> -> memref<1x80x80xf32, #tpu.memory_space<vmem>>
    %dma_start3A_988 = tpu.memref_squeeze %dma_start3A_987 : memref<1x80x80xf32, #tpu.memory_space<vmem>> -> memref<80x80xf32, #tpu.memory_space<vmem>>
    tpu.enqueue_dma source(%dma_start3A_988 : memref<80x80xf32, #tpu.memory_space<vmem>>) target(%dma_start3A_984 : memref<80x80xf32, #tpu.memory_space<hbm>>) target_semaphore(%dma_start3A_982 : memref<!tpu.dma_semaphore, #tpu.memory_space<semaphore_mem>>)
    %add3A_989 = arith.constant 480 : i32
    %add3A_990 = arith.addi %add3A_450, %add3A_989 : i32
    %dma_wait3A_991 = arith.constant 0 : i32
    %dma_wait3A_992 = arith.constant 0 : i32
    %dma_wait3A_993 = arith.constant 0 : i32
    %dma_wait3A_994 = arith.constant 0 : i32
    %dma_wait3A_995 = tpu.memref_slice %arg11[%dma_wait3A_991, %dma_wait3A_993, %dma_wait3A_994] : memref<2x80x80xf32, #tpu.memory_space<vmem>> -> memref<1x80x80xf32, #tpu.memory_space<vmem>>
    %dma_wait3A_996 = tpu.memref_squeeze %dma_wait3A_995 : memref<1x80x80xf32, #tpu.memory_space<vmem>> -> memref<80x80xf32, #tpu.memory_space<vmem>>
    %dma_wait3A_997 = arith.constant 0 : i32
    %dma_wait3A_998 = tpu.memref_slice %arg6[%add3A_990, %dma_wait3A_997] : memref<20480x80xf32, #tpu.memory_space<hbm>> -> memref<80x80xf32, #tpu.memory_space<hbm>>
    %dma_wait3A_999 = tpu.memref_slice %arg15[%dma_wait3A_992] : memref<2x!tpu.dma_semaphore, #tpu.memory_space<semaphore_mem>> -> memref<1x!tpu.dma_semaphore, #tpu.memory_space<semaphore_mem>>
    %dma_wait3A_1000 = tpu.memref_squeeze %dma_wait3A_999 : memref<1x!tpu.dma_semaphore, #tpu.memory_space<semaphore_mem>> -> memref<!tpu.dma_semaphore, #tpu.memory_space<semaphore_mem>>
    %dma_wait3A_1001 = arith.constant 0 : i32
    %dma_wait3A_1002 = tpu.memref_slice %arg6[%add3A_990, %dma_wait3A_1001] : memref<20480x80xf32, #tpu.memory_space<hbm>> -> memref<80x80xf32, #tpu.memory_space<hbm>>
    %dma_wait3A_1003 = arith.constant 0 : i32
    %dma_wait3A_1004 = arith.constant 0 : i32
    %dma_wait3A_1005 = tpu.memref_slice %arg11[%dma_wait3A_991, %dma_wait3A_1003, %dma_wait3A_1004] : memref<2x80x80xf32, #tpu.memory_space<vmem>> -> memref<1x80x80xf32, #tpu.memory_space<vmem>>
    %dma_wait3A_1006 = tpu.memref_squeeze %dma_wait3A_1005 : memref<1x80x80xf32, #tpu.memory_space<vmem>> -> memref<80x80xf32, #tpu.memory_space<vmem>>
    tpu.wait_dma2 semaphore(%dma_wait3A_1000 : memref<!tpu.dma_semaphore, #tpu.memory_space<semaphore_mem>>) src(%dma_wait3A_1006 : memref<80x80xf32, #tpu.memory_space<vmem>>) dst(%dma_wait3A_1002 : memref<80x80xf32, #tpu.memory_space<hbm>>)
    %add3A_1007 = arith.constant 560 : i32
    %add3A_1008 = arith.addi %add3A_450, %add3A_1007 : i32
    %dma_wait3A_1009 = arith.constant 1 : i32
    %dma_wait3A_1010 = arith.constant 1 : i32
    %dma_wait3A_1011 = arith.constant 0 : i32
    %dma_wait3A_1012 = arith.constant 0 : i32
    %dma_wait3A_1013 = tpu.memref_slice %arg11[%dma_wait3A_1009, %dma_wait3A_1011, %dma_wait3A_1012] : memref<2x80x80xf32, #tpu.memory_space<vmem>> -> memref<1x80x80xf32, #tpu.memory_space<vmem>>
    %dma_wait3A_1014 = tpu.memref_squeeze %dma_wait3A_1013 : memref<1x80x80xf32, #tpu.memory_space<vmem>> -> memref<80x80xf32, #tpu.memory_space<vmem>>
    %dma_wait3A_1015 = arith.constant 0 : i32
    %dma_wait3A_1016 = tpu.memref_slice %arg6[%add3A_1008, %dma_wait3A_1015] : memref<20480x80xf32, #tpu.memory_space<hbm>> -> memref<80x80xf32, #tpu.memory_space<hbm>>
    %dma_wait3A_1017 = tpu.memref_slice %arg15[%dma_wait3A_1010] : memref<2x!tpu.dma_semaphore, #tpu.memory_space<semaphore_mem>> -> memref<1x!tpu.dma_semaphore, #tpu.memory_space<semaphore_mem>>
    %dma_wait3A_1018 = tpu.memref_squeeze %dma_wait3A_1017 : memref<1x!tpu.dma_semaphore, #tpu.memory_space<semaphore_mem>> -> memref<!tpu.dma_semaphore, #tpu.memory_space<semaphore_mem>>
    %dma_wait3A_1019 = arith.constant 0 : i32
    %dma_wait3A_1020 = tpu.memref_slice %arg6[%add3A_1008, %dma_wait3A_1019] : memref<20480x80xf32, #tpu.memory_space<hbm>> -> memref<80x80xf32, #tpu.memory_space<hbm>>
    %dma_wait3A_1021 = arith.constant 0 : i32
    %dma_wait3A_1022 = arith.constant 0 : i32
    %dma_wait3A_1023 = tpu.memref_slice %arg11[%dma_wait3A_1009, %dma_wait3A_1021, %dma_wait3A_1022] : memref<2x80x80xf32, #tpu.memory_space<vmem>> -> memref<1x80x80xf32, #tpu.memory_space<vmem>>
    %dma_wait3A_1024 = tpu.memref_squeeze %dma_wait3A_1023 : memref<1x80x80xf32, #tpu.memory_space<vmem>> -> memref<80x80xf32, #tpu.memory_space<vmem>>
    tpu.wait_dma2 semaphore(%dma_wait3A_1018 : memref<!tpu.dma_semaphore, #tpu.memory_space<semaphore_mem>>) src(%dma_wait3A_1024 : memref<80x80xf32, #tpu.memory_space<vmem>>) dst(%dma_wait3A_1020 : memref<80x80xf32, #tpu.memory_space<hbm>>)
    return
  }
}

module attributes {stable_mosaic.version = 14 : i64} {
  func.func @_tc1_body(%arg0: memref<10240x128xf32, #tpu.memory_space<vmem>>, %arg1: memref<128x128xf32, #tpu.memory_space<vmem>>, %arg2: memref<1x128xf32, #tpu.memory_space<vmem>>, %arg3: memref<1x128xf32, #tpu.memory_space<vmem>>, %arg4: memref<10240x144xf32, #tpu.memory_space<vmem>>, %arg5: memref<10240x16xf32, #tpu.memory_space<vmem>>) attributes {dimension_semantics = [], scalar_prefetch = 0 : i64, scratch_operands = 0 : i64, tpu.core_type = #tpu.core_type<tc>} {
    %get3A = arith.constant 0 : index
    %get3A_0 = arith.constant 0 : index
    %get3A_1 = vector.load %arg0[%get3A, %get3A_0] : memref<10240x128xf32, #tpu.memory_space<vmem>>, vector<10240x128xf32>
    %get3A_2 = arith.constant 0 : index
    %get3A_3 = arith.constant 0 : index
    %get3A_4 = vector.load %arg1[%get3A_2, %get3A_3] : memref<128x128xf32, #tpu.memory_space<vmem>>, vector<128x128xf32>
    %dot_general3A = arith.constant dense<0.000000e+00> : vector<10240x128xf32>
    %dot_general3A_5 = tpu.matmul %get3A_1, %get3A_4, %dot_general3A {dimension_numbers = #tpu.dot_dimension_numbers<[1], [0], [0], [1], [0, 0, 1, 1], [], []>, transpose_lhs_hint = false} : vector<10240x128xf32>, vector<128x128xf32>, vector<10240x128xf32> -> vector<10240x128xf32>
    %iota3A = tpu.iota {dimensions = array<i32: 0>} : vector<128x16xi32>
    %iota3A_6 = tpu.iota {dimensions = array<i32: 1>} : vector<128x16xi32>
    %jit3A = arith.constant 16 : i32
    %div3A = vector.broadcast %jit3A : i32 to vector<128x16xi32>
    %div3A_7 = arith.divsi %iota3A, %div3A : vector<128x16xi32>
    %sign3A = arith.constant 0 : i32
    %sign3A_8 = vector.broadcast %sign3A : i32 to vector<128x16xi32>
    %sign3A_9 = arith.cmpi sgt, %iota3A, %sign3A_8 : vector<128x16xi32>
    %sign3A_10 = arith.extui %sign3A_9 : vector<128x16xi1> to vector<128x16xi32>
    %sign3A_11 = arith.constant 0 : i32
    %sign3A_12 = vector.broadcast %sign3A_11 : i32 to vector<128x16xi32>
    %sign3A_13 = arith.cmpi slt, %iota3A, %sign3A_12 : vector<128x16xi32>
    %sign3A_14 = arith.extui %sign3A_13 : vector<128x16xi1> to vector<128x16xi32>
    %sign3A_15 = arith.subi %sign3A_10, %sign3A_14 : vector<128x16xi32>
    %sign3A_16 = arith.constant 0 : i32
    %sign3A_17 = arith.cmpi sgt, %jit3A, %sign3A_16 : i32
    %sign3A_18 = arith.extui %sign3A_17 : i1 to i32
    %sign3A_19 = arith.constant 0 : i32
    %sign3A_20 = arith.cmpi slt, %jit3A, %sign3A_19 : i32
    %sign3A_21 = arith.extui %sign3A_20 : i1 to i32
    %sign3A_22 = arith.subi %sign3A_18, %sign3A_21 : i32
    %ne3A = vector.broadcast %sign3A_22 : i32 to vector<128x16xi32>
    %ne3A_23 = arith.cmpi ne, %sign3A_15, %ne3A : vector<128x16xi32>
    %rem3A = vector.broadcast %jit3A : i32 to vector<128x16xi32>
    %rem3A_24 = arith.remsi %iota3A, %rem3A : vector<128x16xi32>
    %ne3A_25 = arith.constant 0 : i32
    %ne3A_26 = vector.broadcast %ne3A_25 : i32 to vector<128x16xi32>
    %ne3A_27 = arith.cmpi ne, %rem3A_24, %ne3A_26 : vector<128x16xi32>
    %and3A = arith.andi %ne3A_23, %ne3A_27 : vector<128x16xi1>
    %sub3A = arith.constant 1 : i32
    %sub3A_28 = vector.broadcast %sub3A : i32 to vector<128x16xi32>
    %sub3A_29 = arith.subi %div3A_7, %sub3A_28 : vector<128x16xi32>
    %select_n3A = arith.select %and3A, %sub3A_29, %div3A_7 : vector<128x16xi1>, vector<128x16xi32>
    %eq3A = arith.cmpi eq, %select_n3A, %iota3A_6 : vector<128x16xi32>
    %jit3A_30 = arith.constant 1.000000e+00 : f32
    %jit3A_31 = arith.constant 0.000000e+00 : f32
    %broadcast_in_dim3A = vector.broadcast %jit3A_30 : f32 to vector<128x16xf32>
    %broadcast_in_dim3A_32 = vector.broadcast %jit3A_31 : f32 to vector<128x16xf32>
    %select_n3A_33 = arith.select %eq3A, %broadcast_in_dim3A, %broadcast_in_dim3A_32 : vector<128x16xi1>, vector<128x16xf32>
    %swap3A = arith.constant 0 : index
    %swap3A_34 = arith.constant 0 : index
    %swap3A_35 = vector.load %arg4[%swap3A, %swap3A_34] : memref<10240x144xf32, #tpu.memory_space<vmem>>, vector<10240x128xf32>
    tpu.vector_store %arg4[%swap3A, %swap3A_34], %dot_general3A_5 {strides = array<i32>} : memref<10240x144xf32, #tpu.memory_space<vmem>>, vector<10240x128xf32>,
    %get3A_36 = arith.constant 0 : index
    %get3A_37 = arith.constant 0 : index
    %get3A_38 = vector.load %arg2[%get3A_36, %get3A_37] : memref<1x128xf32, #tpu.memory_space<vmem>>, vector<1x128xf32>
    %mul3A = vector.broadcast %get3A_38 : vector<1x128xf32> to vector<10240x128xf32>
    %mul3A_39 = arith.mulf %dot_general3A_5, %mul3A : vector<10240x128xf32>
    %dot_general3A_40 = arith.constant dense<0.000000e+00> : vector<10240x16xf32>
    %dot_general3A_41 = tpu.matmul %mul3A_39, %select_n3A_33, %dot_general3A_40 {dimension_numbers = #tpu.dot_dimension_numbers<[1], [0], [0], [1], [0, 0, 1, 1], [], []>, transpose_lhs_hint = false} : vector<10240x128xf32>, vector<128x16xf32>, vector<10240x16xf32> -> vector<10240x16xf32>
    %swap3A_42 = arith.constant 0 : index
    %swap3A_43 = arith.constant 128 : index
    %swap3A_44 = vector.load %arg4[%swap3A_42, %swap3A_43] : memref<10240x144xf32, #tpu.memory_space<vmem>>, vector<10240x16xf32>
    tpu.vector_store %arg4[%swap3A_42, %swap3A_43], %dot_general3A_41 {strides = array<i32>} : memref<10240x144xf32, #tpu.memory_space<vmem>>, vector<10240x16xf32>,
    %get3A_45 = arith.constant 0 : index
    %get3A_46 = arith.constant 0 : index
    %get3A_47 = vector.load %arg3[%get3A_45, %get3A_46] : memref<1x128xf32, #tpu.memory_space<vmem>>, vector<1x128xf32>
    %mul3A_48 = vector.broadcast %get3A_47 : vector<1x128xf32> to vector<10240x128xf32>
    %mul3A_49 = arith.mulf %dot_general3A_5, %mul3A_48 : vector<10240x128xf32>
    %dot_general3A_50 = arith.constant dense<0.000000e+00> : vector<10240x16xf32>
    %dot_general3A_51 = tpu.matmul %mul3A_49, %select_n3A_33, %dot_general3A_50 {dimension_numbers = #tpu.dot_dimension_numbers<[1], [0], [0], [1], [0, 0, 1, 1], [], []>, transpose_lhs_hint = false} : vector<10240x128xf32>, vector<128x16xf32>, vector<10240x16xf32> -> vector<10240x16xf32>
    %swap3A_52 = arith.constant 0 : index
    %swap3A_53 = arith.constant 0 : index
    %swap3A_54 = vector.load %arg5[%swap3A_52, %swap3A_53] : memref<10240x16xf32, #tpu.memory_space<vmem>>, vector<10240x16xf32>
    tpu.vector_store %arg5[%swap3A_52, %swap3A_53], %dot_general3A_51 {strides = array<i32>} : memref<10240x16xf32, #tpu.memory_space<vmem>>, vector<10240x16xf32>,
    return
  }
}

module attributes {stable_mosaic.version = 14 : i64} {
  func.func @_tc2_body(%arg0: memref<20480x144xf32, #tpu.memory_space<vmem>>, %arg1: memref<1x128xf32, #tpu.memory_space<vmem>>, %arg2: memref<128x64xf32, #tpu.memory_space<vmem>>, %arg3: memref<1x64xf32, #tpu.memory_space<vmem>>, %arg4: memref<1x64xf32, #tpu.memory_space<vmem>>, %arg5: memref<10240x80xf32, #tpu.memory_space<vmem>>, %arg6: memref<10240x16xf32, #tpu.memory_space<vmem>>) attributes {dimension_semantics = [], scalar_prefetch = 0 : i64, scratch_operands = 0 : i64, tpu.core_type = #tpu.core_type<tc>} {
    %get3A = arith.constant 0 : index
    %get3A_0 = arith.constant 0 : index
    %get3A_1 = vector.load %arg0[%get3A, %get3A_0] : memref<20480x144xf32, #tpu.memory_space<vmem>>, vector<10240x128xf32>
    %get3A_2 = arith.constant 10240 : index
    %get3A_3 = arith.constant 0 : index
    %get3A_4 = vector.load %arg0[%get3A_2, %get3A_3] : memref<20480x144xf32, #tpu.memory_space<vmem>>, vector<10240x128xf32>
    %add3A = arith.addf %get3A_1, %get3A_4 : vector<10240x128xf32>
    %get3A_5 = arith.constant 0 : index
    %get3A_6 = arith.constant 128 : index
    %get3A_7 = vector.load %arg0[%get3A_5, %get3A_6] : memref<20480x144xf32, #tpu.memory_space<vmem>>, vector<10240x16xf32>
    %get3A_8 = arith.constant 10240 : index
    %get3A_9 = arith.constant 128 : index
    %get3A_10 = vector.load %arg0[%get3A_8, %get3A_9] : memref<20480x144xf32, #tpu.memory_space<vmem>>, vector<10240x16xf32>
    %add3A_11 = arith.addf %get3A_7, %get3A_10 : vector<10240x16xf32>
    %add3A_12 = arith.constant 1.000000e-16 : f32
    %add3A_13 = vector.broadcast %add3A_12 : f32 to vector<10240x16xf32>
    %add3A_14 = arith.addf %add3A_11, %add3A_13 : vector<10240x16xf32>
    %div3A = arith.constant 1.000000e+00 : f32
    %div3A_15 = vector.broadcast %div3A : f32 to vector<10240x16xf32>
    %div3A_16 = arith.divf %div3A_15, %add3A_14 : vector<10240x16xf32>
    %iota3A = tpu.iota {dimensions = array<i32: 0>} : vector<16x128xi32>
    %iota3A_17 = tpu.iota {dimensions = array<i32: 1>} : vector<16x128xi32>
    %jit3A = arith.constant 16 : i32
    %div3A_18 = vector.broadcast %jit3A : i32 to vector<16x128xi32>
    %div3A_19 = arith.divsi %iota3A_17, %div3A_18 : vector<16x128xi32>
    %sign3A = arith.constant 0 : i32
    %sign3A_20 = vector.broadcast %sign3A : i32 to vector<16x128xi32>
    %sign3A_21 = arith.cmpi sgt, %iota3A_17, %sign3A_20 : vector<16x128xi32>
    %sign3A_22 = arith.extui %sign3A_21 : vector<16x128xi1> to vector<16x128xi32>
    %sign3A_23 = arith.constant 0 : i32
    %sign3A_24 = vector.broadcast %sign3A_23 : i32 to vector<16x128xi32>
    %sign3A_25 = arith.cmpi slt, %iota3A_17, %sign3A_24 : vector<16x128xi32>
    %sign3A_26 = arith.extui %sign3A_25 : vector<16x128xi1> to vector<16x128xi32>
    %sign3A_27 = arith.subi %sign3A_22, %sign3A_26 : vector<16x128xi32>
    %sign3A_28 = arith.constant 0 : i32
    %sign3A_29 = arith.cmpi sgt, %jit3A, %sign3A_28 : i32
    %sign3A_30 = arith.extui %sign3A_29 : i1 to i32
    %sign3A_31 = arith.constant 0 : i32
    %sign3A_32 = arith.cmpi slt, %jit3A, %sign3A_31 : i32
    %sign3A_33 = arith.extui %sign3A_32 : i1 to i32
    %sign3A_34 = arith.subi %sign3A_30, %sign3A_33 : i32
    %ne3A = vector.broadcast %sign3A_34 : i32 to vector<16x128xi32>
    %ne3A_35 = arith.cmpi ne, %sign3A_27, %ne3A : vector<16x128xi32>
    %rem3A = vector.broadcast %jit3A : i32 to vector<16x128xi32>
    %rem3A_36 = arith.remsi %iota3A_17, %rem3A : vector<16x128xi32>
    %ne3A_37 = arith.constant 0 : i32
    %ne3A_38 = vector.broadcast %ne3A_37 : i32 to vector<16x128xi32>
    %ne3A_39 = arith.cmpi ne, %rem3A_36, %ne3A_38 : vector<16x128xi32>
    %and3A = arith.andi %ne3A_35, %ne3A_39 : vector<16x128xi1>
    %sub3A = arith.constant 1 : i32
    %sub3A_40 = vector.broadcast %sub3A : i32 to vector<16x128xi32>
    %sub3A_41 = arith.subi %div3A_19, %sub3A_40 : vector<16x128xi32>
    %select_n3A = arith.select %and3A, %sub3A_41, %div3A_19 : vector<16x128xi1>, vector<16x128xi32>
    %eq3A = arith.cmpi eq, %select_n3A, %iota3A : vector<16x128xi32>
    %jit3A_42 = arith.constant 1.000000e+00 : f32
    %jit3A_43 = arith.constant 0.000000e+00 : f32
    %broadcast_in_dim3A = vector.broadcast %jit3A_42 : f32 to vector<16x128xf32>
    %broadcast_in_dim3A_44 = vector.broadcast %jit3A_43 : f32 to vector<16x128xf32>
    %select_n3A_45 = arith.select %eq3A, %broadcast_in_dim3A, %broadcast_in_dim3A_44 : vector<16x128xi1>, vector<16x128xf32>
    %dot_general3A = arith.constant dense<0.000000e+00> : vector<10240x128xf32>
    %dot_general3A_46 = tpu.matmul %div3A_16, %select_n3A_45, %dot_general3A {dimension_numbers = #tpu.dot_dimension_numbers<[1], [0], [0], [1], [0, 0, 1, 1], [], []>, transpose_lhs_hint = false} : vector<10240x16xf32>, vector<16x128xf32>, vector<10240x128xf32> -> vector<10240x128xf32>
    %mul3A = arith.mulf %add3A, %dot_general3A_46 : vector<10240x128xf32>
    %get3A_47 = arith.constant 0 : index
    %get3A_48 = arith.constant 0 : index
    %get3A_49 = vector.load %arg1[%get3A_47, %get3A_48] : memref<1x128xf32, #tpu.memory_space<vmem>>, vector<1x128xf32>
    %add3A_50 = vector.broadcast %get3A_49 : vector<1x128xf32> to vector<10240x128xf32>
    %add3A_51 = arith.addf %mul3A, %add3A_50 : vector<10240x128xf32>
    %gt3A = arith.constant 0.000000e+00 : f32
    %gt3A_52 = vector.broadcast %gt3A : f32 to vector<10240x128xf32>
    %gt3A_53 = arith.cmpf ogt, %add3A_51, %gt3A_52 : vector<10240x128xf32>
    %exp3A = math.exp %add3A_51 : vector<10240x128xf32>
    %sub3A_54 = arith.constant 1.000000e+00 : f32
    %sub3A_55 = vector.broadcast %sub3A_54 : f32 to vector<10240x128xf32>
    %sub3A_56 = arith.subf %exp3A, %sub3A_55 : vector<10240x128xf32>
    %select_n3A_57 = arith.select %gt3A_53, %add3A_51, %sub3A_56 : vector<10240x128xi1>, vector<10240x128xf32>
    %get3A_58 = arith.constant 0 : index
    %get3A_59 = arith.constant 0 : index
    %get3A_60 = vector.load %arg2[%get3A_58, %get3A_59] : memref<128x64xf32, #tpu.memory_space<vmem>>, vector<128x64xf32>
    %dot_general3A_61 = arith.constant dense<0.000000e+00> : vector<10240x64xf32>
    %dot_general3A_62 = tpu.matmul %select_n3A_57, %get3A_60, %dot_general3A_61 {dimension_numbers = #tpu.dot_dimension_numbers<[1], [0], [0], [1], [0, 0, 1, 1], [], []>, transpose_lhs_hint = false} : vector<10240x128xf32>, vector<128x64xf32>, vector<10240x64xf32> -> vector<10240x64xf32>
    %iota3A_63 = tpu.iota {dimensions = array<i32: 0>} : vector<64x16xi32>
    %iota3A_64 = tpu.iota {dimensions = array<i32: 1>} : vector<64x16xi32>
    %jit3A_65 = arith.constant 64 : i32
    %div3A_66 = vector.broadcast %jit3A_65 : i32 to vector<64x16xi32>
    %div3A_67 = arith.divsi %iota3A_63, %div3A_66 : vector<64x16xi32>
    %sign3A_68 = arith.constant 0 : i32
    %sign3A_69 = vector.broadcast %sign3A_68 : i32 to vector<64x16xi32>
    %sign3A_70 = arith.cmpi sgt, %iota3A_63, %sign3A_69 : vector<64x16xi32>
    %sign3A_71 = arith.extui %sign3A_70 : vector<64x16xi1> to vector<64x16xi32>
    %sign3A_72 = arith.constant 0 : i32
    %sign3A_73 = vector.broadcast %sign3A_72 : i32 to vector<64x16xi32>
    %sign3A_74 = arith.cmpi slt, %iota3A_63, %sign3A_73 : vector<64x16xi32>
    %sign3A_75 = arith.extui %sign3A_74 : vector<64x16xi1> to vector<64x16xi32>
    %sign3A_76 = arith.subi %sign3A_71, %sign3A_75 : vector<64x16xi32>
    %sign3A_77 = arith.constant 0 : i32
    %sign3A_78 = arith.cmpi sgt, %jit3A_65, %sign3A_77 : i32
    %sign3A_79 = arith.extui %sign3A_78 : i1 to i32
    %sign3A_80 = arith.constant 0 : i32
    %sign3A_81 = arith.cmpi slt, %jit3A_65, %sign3A_80 : i32
    %sign3A_82 = arith.extui %sign3A_81 : i1 to i32
    %sign3A_83 = arith.subi %sign3A_79, %sign3A_82 : i32
    %ne3A_84 = vector.broadcast %sign3A_83 : i32 to vector<64x16xi32>
    %ne3A_85 = arith.cmpi ne, %sign3A_76, %ne3A_84 : vector<64x16xi32>
    %rem3A_86 = vector.broadcast %jit3A_65 : i32 to vector<64x16xi32>
    %rem3A_87 = arith.remsi %iota3A_63, %rem3A_86 : vector<64x16xi32>
    %ne3A_88 = arith.constant 0 : i32
    %ne3A_89 = vector.broadcast %ne3A_88 : i32 to vector<64x16xi32>
    %ne3A_90 = arith.cmpi ne, %rem3A_87, %ne3A_89 : vector<64x16xi32>
    %and3A_91 = arith.andi %ne3A_85, %ne3A_90 : vector<64x16xi1>
    %sub3A_92 = arith.constant 1 : i32
    %sub3A_93 = vector.broadcast %sub3A_92 : i32 to vector<64x16xi32>
    %sub3A_94 = arith.subi %div3A_67, %sub3A_93 : vector<64x16xi32>
    %select_n3A_95 = arith.select %and3A_91, %sub3A_94, %div3A_67 : vector<64x16xi1>, vector<64x16xi32>
    %eq3A_96 = arith.cmpi eq, %select_n3A_95, %iota3A_64 : vector<64x16xi32>
    %jit3A_97 = arith.constant 1.000000e+00 : f32
    %jit3A_98 = arith.constant 0.000000e+00 : f32
    %broadcast_in_dim3A_99 = vector.broadcast %jit3A_97 : f32 to vector<64x16xf32>
    %broadcast_in_dim3A_100 = vector.broadcast %jit3A_98 : f32 to vector<64x16xf32>
    %select_n3A_101 = arith.select %eq3A_96, %broadcast_in_dim3A_99, %broadcast_in_dim3A_100 : vector<64x16xi1>, vector<64x16xf32>
    %swap3A = arith.constant 0 : index
    %swap3A_102 = arith.constant 0 : index
    %swap3A_103 = vector.load %arg5[%swap3A, %swap3A_102] : memref<10240x80xf32, #tpu.memory_space<vmem>>, vector<10240x64xf32>
    tpu.vector_store %arg5[%swap3A, %swap3A_102], %dot_general3A_62 {strides = array<i32>} : memref<10240x80xf32, #tpu.memory_space<vmem>>, vector<10240x64xf32>,
    %get3A_104 = arith.constant 0 : index
    %get3A_105 = arith.constant 0 : index
    %get3A_106 = vector.load %arg3[%get3A_104, %get3A_105] : memref<1x64xf32, #tpu.memory_space<vmem>>, vector<1x64xf32>
    %mul3A_107 = vector.broadcast %get3A_106 : vector<1x64xf32> to vector<10240x64xf32>
    %mul3A_108 = arith.mulf %dot_general3A_62, %mul3A_107 : vector<10240x64xf32>
    %dot_general3A_109 = arith.constant dense<0.000000e+00> : vector<10240x16xf32>
    %dot_general3A_110 = tpu.matmul %mul3A_108, %select_n3A_101, %dot_general3A_109 {dimension_numbers = #tpu.dot_dimension_numbers<[1], [0], [0], [1], [0, 0, 1, 1], [], []>, transpose_lhs_hint = false} : vector<10240x64xf32>, vector<64x16xf32>, vector<10240x16xf32> -> vector<10240x16xf32>
    %swap3A_111 = arith.constant 0 : index
    %swap3A_112 = arith.constant 64 : index
    %swap3A_113 = vector.load %arg5[%swap3A_111, %swap3A_112] : memref<10240x80xf32, #tpu.memory_space<vmem>>, vector<10240x16xf32>
    tpu.vector_store %arg5[%swap3A_111, %swap3A_112], %dot_general3A_110 {strides = array<i32>} : memref<10240x80xf32, #tpu.memory_space<vmem>>, vector<10240x16xf32>,
    %get3A_114 = arith.constant 0 : index
    %get3A_115 = arith.constant 0 : index
    %get3A_116 = vector.load %arg4[%get3A_114, %get3A_115] : memref<1x64xf32, #tpu.memory_space<vmem>>, vector<1x64xf32>
    %mul3A_117 = vector.broadcast %get3A_116 : vector<1x64xf32> to vector<10240x64xf32>
    %mul3A_118 = arith.mulf %dot_general3A_62, %mul3A_117 : vector<10240x64xf32>
    %dot_general3A_119 = arith.constant dense<0.000000e+00> : vector<10240x16xf32>
    %dot_general3A_120 = tpu.matmul %mul3A_118, %select_n3A_101, %dot_general3A_119 {dimension_numbers = #tpu.dot_dimension_numbers<[1], [0], [0], [1], [0, 0, 1, 1], [], []>, transpose_lhs_hint = false} : vector<10240x64xf32>, vector<64x16xf32>, vector<10240x16xf32> -> vector<10240x16xf32>
    %swap3A_121 = arith.constant 0 : index
    %swap3A_122 = arith.constant 0 : index
    %swap3A_123 = vector.load %arg6[%swap3A_121, %swap3A_122] : memref<10240x16xf32, #tpu.memory_space<vmem>>, vector<10240x16xf32>
    tpu.vector_store %arg6[%swap3A_121, %swap3A_122], %dot_general3A_120 {strides = array<i32>} : memref<10240x16xf32, #tpu.memory_space<vmem>>, vector<10240x16xf32>,
    return
  }
}

module attributes {stable_mosaic.version = 14 : i64} {
  func.func @_tc3_body(%arg0: memref<20480x80xf32, #tpu.memory_space<vmem>>, %arg1: memref<1x64xf32, #tpu.memory_space<vmem>>, %arg2: memref<10240x64xf32, #tpu.memory_space<vmem>>) attributes {dimension_semantics = [], scalar_prefetch = 0 : i64, scratch_operands = 0 : i64, tpu.core_type = #tpu.core_type<tc>} {
    %get3A = arith.constant 0 : index
    %get3A_0 = arith.constant 0 : index
    %get3A_1 = vector.load %arg0[%get3A, %get3A_0] : memref<20480x80xf32, #tpu.memory_space<vmem>>, vector<10240x64xf32>
    %get3A_2 = arith.constant 10240 : index
    %get3A_3 = arith.constant 0 : index
    %get3A_4 = vector.load %arg0[%get3A_2, %get3A_3] : memref<20480x80xf32, #tpu.memory_space<vmem>>, vector<10240x64xf32>
    %add3A = arith.addf %get3A_1, %get3A_4 : vector<10240x64xf32>
    %get3A_5 = arith.constant 0 : index
    %get3A_6 = arith.constant 64 : index
    %get3A_7 = vector.load %arg0[%get3A_5, %get3A_6] : memref<20480x80xf32, #tpu.memory_space<vmem>>, vector<10240x16xf32>
    %get3A_8 = arith.constant 10240 : index
    %get3A_9 = arith.constant 64 : index
    %get3A_10 = vector.load %arg0[%get3A_8, %get3A_9] : memref<20480x80xf32, #tpu.memory_space<vmem>>, vector<10240x16xf32>
    %add3A_11 = arith.addf %get3A_7, %get3A_10 : vector<10240x16xf32>
    %slice3A = vector.extract_strided_slice %add3A_11 {offsets = [0, 0], sizes = [10240, 1], strides = [1, 1]} : vector<10240x16xf32> to vector<10240x1xf32>
    %add3A_12 = arith.constant 1.000000e-16 : f32
    %add3A_13 = vector.broadcast %add3A_12 : f32 to vector<10240x1xf32>
    %add3A_14 = arith.addf %slice3A, %add3A_13 : vector<10240x1xf32>
    %div3A = arith.constant 1.000000e+00 : f32
    %div3A_15 = vector.broadcast %div3A : f32 to vector<10240x1xf32>
    %div3A_16 = arith.divf %div3A_15, %add3A_14 : vector<10240x1xf32>
    %mul3A = vector.broadcast %div3A_16 : vector<10240x1xf32> to vector<10240x64xf32>
    %mul3A_17 = arith.mulf %add3A, %mul3A : vector<10240x64xf32>
    %get3A_18 = arith.constant 0 : index
    %get3A_19 = arith.constant 0 : index
    %get3A_20 = vector.load %arg1[%get3A_18, %get3A_19] : memref<1x64xf32, #tpu.memory_space<vmem>>, vector<1x64xf32>
    %add3A_21 = vector.broadcast %get3A_20 : vector<1x64xf32> to vector<10240x64xf32>
    %add3A_22 = arith.addf %mul3A_17, %add3A_21 : vector<10240x64xf32>
    %reduce_max3A = arith.constant dense<0xFF800000> : vector<10240xf32>
    %reduce_max3A_23 = vector.multi_reduction <maximumf>, %add3A_22, %reduce_max3A [1] : vector<10240x64xf32> to vector<10240xf32>
    %broadcast_in_dim3A = vector.shape_cast %reduce_max3A_23 : vector<10240xf32> to vector<10240x1xf32>
    %sub3A = vector.broadcast %broadcast_in_dim3A : vector<10240x1xf32> to vector<10240x64xf32>
    %sub3A_24 = arith.subf %add3A_22, %sub3A : vector<10240x64xf32>
    %exp3A = math.exp %sub3A_24 : vector<10240x64xf32>
    %reduce_sum3A = arith.constant dense<0.000000e+00> : vector<10240xf32>
    %reduce_sum3A_25 = vector.multi_reduction <add>, %exp3A, %reduce_sum3A [1] : vector<10240x64xf32> to vector<10240xf32>
    %broadcast_in_dim3A_26 = vector.shape_cast %reduce_sum3A_25 : vector<10240xf32> to vector<10240x1xf32>
    %log3A = math.log %broadcast_in_dim3A_26 : vector<10240x1xf32>
    %sub3A_27 = vector.broadcast %log3A : vector<10240x1xf32> to vector<10240x64xf32>
    %sub3A_28 = arith.subf %sub3A_24, %sub3A_27 : vector<10240x64xf32>
    %swap3A = arith.constant 0 : index
    %swap3A_29 = arith.constant 0 : index
    %swap3A_30 = vector.load %arg2[%swap3A, %swap3A_29] : memref<10240x64xf32, #tpu.memory_space<vmem>>, vector<10240x64xf32>
    tpu.vector_store %arg2[%swap3A, %swap3A_29], %sub3A_28 {strides = array<i32>} : memref<10240x64xf32, #tpu.memory_space<vmem>>, vector<10240x64xf32>,
    return
  }
}

</mosaic_0001>

<sc_bundles>
// kernel: kernel.10.cloned.1.call-start
scs
__scs_entry_jumppad:
0x0: {  	(pc) =	sbr.rel $0x88, $3  }
0x1: {  	(tag) =	ssettag $0x0;
	lr =	simm.s32 $0x1  }
0x2: {  	[smem:$0x3F97] =	sst lr;
	_ =	strace $0xD0000000  }
0x3: {  	_ = 	snop  }
0x4: {  	_ = 	snop  }
0x5: {  	_ = 	snop  }
0x6: {  	_ = 	snop  }
0x7: {  	_ = 	snop  }
__scs_overlays_trampoline_lowered:
0x8: {  	[smem:$0x3FA6] =	sst s0  }
0x9: {  	[smem:$0x3FA7] =	sst s1  }
0xa: {  	[smem:$0x3FA8] =	sst s2  }
0xb: {  	[smem:$0x3FA9] =	sst s3  }
0xc: {  	[smem:$0x3FAA] =	sst s4  }
0xd: {  	[smem:$0x3FAB] =	sst s5  }
0xe: {  	[smem:$0x3FAC] =	sst s6  }
0xf: {  	[smem:$0x3FAD] =	sst s7  }
0x10: {  	[smem:$0x3FAE] =	sst s8  }
0x11: {  	[smem:$0x3FAF] =	sst s9;
	s0 =	simm.s32 @!p0 $0x0  }
0x12: {  	s1 =	sld [smem:$0x3F95];
	s0 =	simm.s32 @p0 $0x1  }
0x13: {  	[smem:$0x3FB0] =	sst s0;
	s0 =	simm.s32 @!p1 $0x0  }
0x14: {  	s2 =	sld [smem:$0x3F94];
	s0 =	simm.s32 @p1 $0x1  }
0x15: {  	[smem:$0x3FB1] =	sst s0;
	s0 =	simm.s32 @!p2 $0x0  }
0x16: {  	s3 =	sld [smem:$0x3FDB];
	s0 =	simm.s32 @p2 $0x1  }
0x17: {  	s4 =	simm.s32 $0x1BF5;
	[smem:$0x3FB3] =	sst s0  }
0x18: {  	s0 =	sld [smem:$0x3F96];
	_ =	swait.ge [sflag:s4], $0x0  }
0x19: {  	s7 =	sld [smem:$0x3F97]  }
0x1a: {  	s8 =	sadd.s32 $0xFFFFE003, lr  }
0x1b: {  	s9 =	sadd.s32 $0xFFFFFEF7, lr;
	s5 =	simm.s32 $0xFFFFFFFF;
	p2 =	slt.u32 s8, $0xFFFFF086  }
0x1c: {  	p1 =	slt.u32 s9, $0xF7A;
	s5 =	simm.s32 @!p2 $0x0  }
0x1d: {  	s5 =	simm.s32 @p1 $0x1;
	p0 =	seq.s32 s7, s2  }
0x1e: {  	s7 =	smul.u32 @!p0 $0xF7A, s2;
	p2 =	seq.s32 @!p0 s5, $0x0  }
0x1f: {  	s9 =	smul.u32 $0xF7A, s1;
	s8 =	simm.s32 @!p0 $0x1BF5;
	p2 =	por !p2, p0  }
0x20: {  	[sflag:s8] =	ssyncset.s32 @!p0 $0xFFFFF086;
	s6 =	sadd.s32 @!p0 s3, s7;
	s7 =	simm.s32 @!p0 $0x108  }
0x21: {  	s3 =	sadd.s32 s3, s9;
	s6 =	sadd.s32 @!p0 $0x88, s6;
	s7 =	simm.s32 @p2 $0x1082  }
0x22: {  	[simem:s7], [sflag:s8] =	dma.local @!p0 [hbm:s6], $0xF7A  }
0x23: {  	s9 =	sor.u32 $0xD0000000, s2;
	s6 =	simm.s32 $0x108;
	_ =	swait.ge @!p0 [sflag:s8], $0x0  }
0x24: {  	s3 =	sadd.s32 $0x88, s3;
	s6 =	simm.s32 @!p1 $0x1082;
	[sflag:s4] =	ssyncset.s32 $0xFFFFF086  }
0x25: {  	[simem:s6], [sflag:s4] =	dma.local [hbm:s3], $0xF7A  }
0x26: {  	[smem:$0x3F97] =	sst s1;
	(tag) =	ssettag s2;
	_ =	strace s9  }
0x27: {  	s1 =	sld [smem:$0x3FA7]  }
0x28: {  	s2 =	sld [smem:$0x3FA8]  }
0x29: {  	s4 =	sld [smem:$0x3FAA]  }
0x2a: {  	p0 =	seq.s32 s5, $0x0;
	s5 =	sld [smem:$0x3FAB]  }
0x2b: {  	s6 =	sld [smem:$0x3FAC]  }
0x2c: {  	s7 =	sld [smem:$0x3FAD]  }
0x2d: {  	s3 =	simm.s32 $0x108;
	s8 =	sld [smem:$0x3FAE]  }
0x2e: {  	s3 =	simm.s32 @!p0 $0x1082;
	s9 =	sld [smem:$0x3FAF]  }
0x2f: {  	lr =	sadd.s32 s0, s3;
	s0 =	sld [smem:$0x3FA6]  }
0x30: {  	s3 =	sld [smem:$0x3FA9]  }
0x31: {  	[smem:$0x3FB2] =	sst s10  }
0x32: {  	s10 =	sld [smem:$0x3FB0];
	_ =	sdelay $0x3  }
0x33: {  	p0 =	seq.s32 s10, $0x1;
	s10 =	sld [smem:$0x3FB2];
	_ =	sdelay $0x3  }
0x34: {  	[smem:$0x3FB2] =	sst s10  }
0x35: {  	s10 =	sld [smem:$0x3FB1];
	_ =	sdelay $0x3  }
0x36: {  	p1 =	seq.s32 s10, $0x1;
	s10 =	sld [smem:$0x3FB2];
	_ =	sdelay $0x3  }
0x37: {  	[smem:$0x3FB2] =	sst s10  }
0x38: {  	s10 =	sld [smem:$0x3FB3]  }
0x39: {  	_ = 	snop;
	(pc) =	sbr.ind lr, $3  }
0x3a: {  	_ = 	snop  }
0x3b: {  	_ = 	snop  }
0x3c: {  	p2 =	seq.s32 s10, $0x1;
	s10 =	sld [smem:$0x3FB2]  }
0x3d: {  	_ =	shalt  }
0x3e: {  	_ =	shalt  }
0x3f: {  	_ =	shalt  }
0x40: {  	_ =	shalt  }
0x41: {  	_ =	shalt  }
0x42: {  	_ =	shalt  }
0x43: {  	_ =	shalt  }
0x44: {  	_ =	shalt  }
0x45: {  	_ =	shalt  }
0x46: {  	_ =	shalt  }
0x47: {  	_ =	shalt  }
0x48: {  	_ =	shalt  }
0x49: {  	_ =	shalt  }
0x4a: {  	_ =	shalt  }
0x4b: {  	_ =	shalt  }
0x4c: {  	_ =	shalt  }
0x4d: {  	_ =	shalt  }
0x4e: {  	_ =	shalt  }
0x4f: {  	_ =	shalt  }
0x50: {  	_ =	shalt  }
0x51: {  	_ =	shalt  }
0x52: {  	_ =	shalt  }
0x53: {  	_ =	shalt  }
0x54: {  	_ =	shalt  }
0x55: {  	_ =	shalt  }
0x56: {  	_ =	shalt  }
0x57: {  	_ =	shalt  }
0x58: {  	_ =	shalt  }
0x59: {  	_ =	shalt  }
0x5a: {  	_ =	shalt  }
0x5b: {  	_ =	shalt  }
0x5c: {  	_ =	shalt  }
0x5d: {  	_ =	shalt  }
0x5e: {  	_ =	shalt  }
0x5f: {  	_ =	shalt  }
0x60: {  	_ =	shalt  }
0x61: {  	_ =	shalt  }
0x62: {  	_ =	shalt  }
0x63: {  	_ =	shalt  }
0x64: {  	_ =	shalt  }
0x65: {  	_ =	shalt  }
0x66: {  	_ =	shalt  }
0x67: {  	_ =	shalt  }
0x68: {  	_ =	shalt  }
0x69: {  	_ =	shalt  }
0x6a: {  	_ =	shalt  }
0x6b: {  	_ =	shalt  }
0x6c: {  	_ =	shalt  }
0x6d: {  	_ =	shalt  }
0x6e: {  	_ =	shalt  }
0x6f: {  	_ =	shalt  }
0x70: {  	_ =	shalt  }
0x71: {  	_ =	shalt  }
0x72: {  	_ =	shalt  }
0x73: {  	_ =	shalt  }
0x74: {  	_ =	shalt  }
0x75: {  	_ =	shalt  }
0x76: {  	_ =	shalt  }
0x77: {  	_ =	shalt  }
0x78: {  	_ =	shalt  }
0x79: {  	_ =	shalt  }
0x7a: {  	_ =	shalt  }
0x7b: {  	_ =	shalt  }
0x7c: {  	_ =	shalt  }
0x7d: {  	_ =	shalt  }
0x7e: {  	_ =	shalt  }
0x7f: {  	_ =	shalt  }
0x80: {  	_ =	shalt  }
0x81: {  	_ =	shalt  }
0x82: {  	_ =	shalt  }
0x83: {  	_ =	shalt  }
0x84: {  	_ =	shalt  }
0x85: {  	_ =	shalt  }
0x86: {  	_ =	shalt  }
0x87: {  	_ =	shalt  }
.Lfunc_end0:
.L_simem_size_0:
called_computation.1_lowered:
.L_overlay_start_0:
0x88: {  	s2 =	sld [smem:$0x3FD9]  }
0x89: {  	s3 =	sld [smem:$0x3FFE];
	_ =	sdelay $0x1  }
0x8a: {  	s1 =	srdreg.scid  }
0x8b: {  	s0 =	sand.u32 $0x1, s1  }
0x8c: {  	s17 =	sshll.u32 s0, $0xA;
	s2 =	sadd.s32 s3, s2  }
0x8d: {  	s2 =	sadd.s32 s2, s17  }
0x8e: {  	[smem:$0x3FBE] =	sst s2  }
0x8f: {  	_ = 	snop  }
0x90: {  	s2 =	sld [smem:$0x3FD0];
	(tm) =	ssettm $0x1  }
0x91: {  	s18 =	sld [smem:$0x3FFB];
	_ =	sdelay $0x3  }
0x92: {  	_ =	strace s18  }
0x93: {  	s3 =	sld [smem:$0x3FFC];
	_ =	sdelay $0x3  }
0x94: {  	_ =	strace s3  }
0x95: {  	s3 =	sld [smem:$0x3FFD];
	_ =	sdelay $0x3  }
0x96: {  	_ =	strace s3  }
0x97: {  	_ =	strace $0x8FFFFFFF  }
0x98: {  	s19 =	sld [smem:$0x3FDB];
	_ =	sdelay $0x1  }
0x99: {  	s4 =	simm.s32 $_scs_section_size  }
0x9a: {  	s5 =	simm.s32 $_size__tile_overlayer_lowered;
	s6 =	simm.s32 $_tile_overlayer_lowered  }
0x9b: {  	s22 =	simm.s32 $0x1BFF;
	s21 =	sshll.u32 s6, $0x1;
	s3 =	sadd.s32 s4, s19  }
0x9c: {  	s7 =	simm.s32 $0x0;
	s20 =	sshll.u32 s5, $0x1;
	s5 =	sadd.s32 s21, s3  }
0x9d: {  	[timem:s7], [sflag:s22] =	dma.local [hbm:s5], s20  }
0x9e: {  	_ =	swait.ge [sflag:s22], s20  }
0x9f: {  	s4 =	ssub.s32 $0x0, s20;
	[sflag:s22] =	ssyncset.done $0x0  }
0xa0: {  	[sflag:s22] =	ssyncadd.s32 s4;
	_ =	sdelay $0x1  }
0xa1: {  	s23 =	simm.s32 $0x1B8B  }
0xa2: {  	_ =	swait.ge [sflag:s23], $0x1  }
0xa3: {  	[sflag:s23] =	ssyncset.done $0x0  }
0xa4: {  	s25 =	simm.s32 $0x1B8E;
	s24 =	sld [smem:$0x3FFE];
	[sflag:s23] =	ssyncadd.s32 $0xFFFFFFFF  }
0xa5: {  	s26 =	simm.s32 $execute0_lowered;
	[smem:$0x3FD2] =	sst s25  }
0xa6: {  	s5 =	sshll.u32 s26, $0x1;
	_ =	strace $0x80000049;
	[dreg:$0x1] =	wrdreg $0xFFFFFFFF  }
0xa7: {  	s28 =	simm.s32 $_size_execute0_lowered;
	s3 =	sadd.s32 s3, s5;
	[dreg:$0x0] =	wrdreg $0x0  }
0xa8: {  	s5 =	sshll.u32 s28, $0x1;
	[dreg:$0x2] =	wrdreg s3  }
0xa9: {  	[dreg:$0x3] =	wrdreg s5  }
0xaa: {  	[dreg:$0x4] =	wrdreg $0xC0  }
0xab: {  	_ =	task [dreg:s7], $0x5FFFF  }
0xac: {  	[dreg:$0x1] =	wrdreg $0xFFFFFFFF  }
0xad: {  	[dreg:$0x0] =	wrdreg $0x60  }
0xae: {  	[dreg:$0x2] =	wrdreg s24  }
0xaf: {  	[dreg:$0x3] =	wrdreg s2  }
0xb0: {  	[dreg:$0x4] =	wrdreg $0x70800  }
0xb1: {  	[dreg:$0x5] =	wrdreg $0x9  }
0xb2: {  	_ =	task.clear_ibuf [dreg:s7], $0x6FFFF;
	_ =	strace $0x90000049  }
0xb3: {  	s29 =	simm.s32 $0x9;
	_ =	strace $0x8000004B  }
0xb4: {  	_ =	swait.ge [sflag:s29], $0x1  }
0xb5: {  	[sflag:s29] =	ssyncadd.s32 $0xFFFFFFFF  }
0xb6: {  	_ =	strace $0x9000004B  }
0xb7: {  	_ =	sfence  }
0xb8: {  	s30 =	sld [smem:$0x0];
	_ =	sdelay $0x2  }
0xb9: {  	s31 =	sshll.u32 s1, $0xD;
	s1 =	sshrl.u32 s1, $0x2  }
0xba: {  	s3 =	sand.u32 $0x4000, s31;
	s1 =	sadd.s32 s1, s30  }
0xbb: {  	s0 =	sor.u32 s3, s0;
	s1 =	sshll.u32 s1, $0x11  }
0xbc: {  	s0 =	sor.u32 s1, s0  }
0xbd: {  	s0 =	sadd.s32 $0x8F2B, s0  }
0xbe: {  	[sflag:s0] =	ssyncadd.remote.s32 $0x1  }
0xbf: {  	_ =	sfence.sel $0xFFFF  }
0xc0: {  	[dreg:$0x0] =	wrdreg $0xFFFFFFFF;
	(pc) =	sbr.abs _section_cstart, $3  }
0xc1: {  	[dreg:$0x1] =	wrdreg $0xFFFFFFFF  }
0xc2: {  	_ =	task.clear_ibuf [dreg:s7], $0x2FFFF;
	_ =	strace $0x9FFFFFFF  }
0xc3: {  	(tm) =	ssettm $0x7FFFFFFF  }
tec
execute0_lowered:
.L_overlay_start_1:
0x0: {  	(tag) =	ssettag $0x1  }
0x1: {  	s0 =	rddreg [dreg:$0x0]  }
0x2: {  	s1 =	rddreg [dreg:$0x1]  }
0x3: {  	s2 =	rddreg [dreg:$0x2];
	s3 =	simm.s32 $0x0;
	s4 =	srdreg.scid  }
0x4: {  	s12 =	stileid.u32;
	[smem:$0x7FF] =	sst s3;
	s4 =	sand.u32 $0x1, s4  }
0x5: {  	s5 =	sadd.s32 $0x1600, s0;
	s10 =	smul.u32 $0x280, s12;
	s8 =	sshll.u32 s4, $0x4  }
0x6: {  	s6 =	sadd.s32 $0xB400, s0;
	s9 =	smul.u32 $0x32000, s12;
	s8 =	sor.u32 s12, s8  }
0x7: {  	s7 =	sadd.s32 $0x24400, s0;
	s11 =	ssub.s32 $0x2, s4;
	s8 =	smul.u32 $0x2710, s8  }
0x8: {  	_ =	strace $0x8000004A;
	s4 =	smul.u32 $0x2800, s4;
	s24 =	sshrl.u32 s11, $0x1  }
0x9: {  	s9 =	sshrl.u32 s9, $0x2;
	s11 =	ssub.s32 s11, s24;
	s25 =	sshrl.u32 s8, $0x3  }
0xa: {  	s9 =	sadd.s32 s9, s2;
	s4 =	sadd.s32 s10, s4;
	s13 =	sadd.s32 s5, s25  }
0xb: {  	s26 =	smul.u32 $0x50, s4;
	s10 =	sadd.s32 s1, s25;
	[dreg:$0x4] =	wrdreg s13  }
0xc: {  	s28 =	sadd.s32 $0xA, s25;
	s25 =	smax.u32 s11, $0x1;
	[dreg:$0x5] =	wrdreg s10  }
0xd: {  	s12 =	sshrl.u32 s26, $0x3;
	s26 =	sadd.s32 $0x6400, s9;
	[dreg:$0x10] =	wrdreg s25  }
0xe: {  	s4 =	smul.u32 $0xA, s4;
	s29 =	sadd.s32 s5, s28;
	[dreg:$0x11] =	wrdreg s26  }
0xf: {  	s0 =	sadd.s32 $0x29400, s0;
	s14 =	sadd.s32 s1, s28;
	[dreg:$0x6] =	wrdreg s29  }
0x10: {  	s30 =	sadd.s32 s0, s12;
	s0 =	sadd.s32 s0, s4;
	[dreg:$0x7] =	wrdreg s14  }
0x11: {  	s28 =	sadd.s32 $0x7D00, s9;
	[dreg:$0x8] =	wrdreg s0  }
0x12: {  	s15 =	sadd.s32 $0x320, s30;
	[dreg:$0x12] =	wrdreg s28  }
0x13: {  	s16 =	sadd.s32 $0x640, s30;
	[dreg:$0x9] =	wrdreg s15  }
0x14: {  	s31 =	simm.s32 $0x3E80;
	s17 =	sadd.s32 $0x960, s30;
	[dreg:$0xa] =	wrdreg s16  }
0x15: {  	s19 =	sadd.s32 $0x1900, s9;
	s18 =	sadd.s32 $0xC80, s30;
	[dreg:$0xb] =	wrdreg s17  }
0x16: {  	s20 =	sadd.s32 $0x3200, s9;
	s22 =	sadd.s32 $0xFA0, s30;
	[dreg:$0xc] =	wrdreg s18  }
0x17: {  	s21 =	sadd.s32 $0x4B00, s9;
	s23 =	sadd.s32 $0x12C0, s30;
	[dreg:$0xd] =	wrdreg s22  }
0x18: {  	s13 =	simm.s32 $0x50;
	s24 =	sadd.s32 $0x15E0, s30;
	[dreg:$0xe] =	wrdreg s23  }
0x19: {  	s4 =	simm.s32 $0x8;
	s29 =	sadd.s32 $0x9600, s9;
	[dreg:$0xf] =	wrdreg s24  }
0x1a: {  	s30 =	sadd.s32 $0xAF00, s9;
	s0 =	simm.s32 $0x5;
	[dreg:$0x13] =	wrdreg s29  }
0x1b: {  	s14 =	simm.s32 $0x1;
	[dreg:$0x14] =	wrdreg s30;
	s15 =	simm.s32 $0x7  }
0x1c: {  	v0 =	vimm.f32 $0.0e+00;
	s16 =	simm.s32 $0x5780;
	s17 =	simm.s32 $0x6;
	s18 =	simm.s32 $0x0  }
.LBB2_1:
0x1d: {  	s11 =	simm.s32 $0x140;
	s10 =	simm.s32 $0x0  }
.LBB2_2:
0x1e: {  	p0 =	sne.s32 s11, $0x62C0;
	[tilespmem:s10+$0x3EC0] =	vst v0;
	s12 =	smov.u32 s11;
	s11 =	sadd.s32 $0x140, s11  }
.Ltmp0:
0x1f: {  	[tilespmem:s10+$0x3EB0] =	vst v0;
	(pc) =	sbr.rel @p0 .LBB2_2-.Ltmp0, $4  }
0x20: {  	[tilespmem:s10+$0x3EA0] =	vst v0  }
0x21: {  	[tilespmem:s10+$0x3E80] =	vst v0  }
0x22: {  	[tilespmem:s10+$0x3E90] =	vst v0  }
0x23: {  	s10 =	sshra.s32 s12, $0x2  }
0x24: {  	[tilespmem:s10+$0x3EC0] =	vst v0  }
0x25: {  	[tilespmem:s10+$0x3EB0] =	vst v0  }
0x26: {  	[tilespmem:s10+$0x3EA0] =	vst v0  }
0x27: {  	[tilespmem:s10+$0x3E80] =	vst v0  }
0x28: {  	[tilespmem:s10+$0x3E90] =	vst v0  }
0x29: {  	[spmem:s9] =	stream.linear.scatter [tilespmem:s31], [sflag:$0x5], $0x1900, $0x38;
	[tilespmem:$0x13880] =	vst v63  }
0x2a: {  	_ = 	snop  }
0x2b: {  	[spmem:s19] =	stream.linear.scatter [tilespmem:s31], [sflag:$0x5], $0x1900, $0x38;
	[tilespmem:$0x13880] =	vst v63  }
0x2c: {  	_ = 	snop  }
0x2d: {  	[spmem:s20] =	stream.linear.scatter [tilespmem:s31], [sflag:$0x5], $0x1900, $0x38;
	[tilespmem:$0x13880] =	vst v63  }
0x2e: {  	_ = 	snop  }
0x2f: {  	[spmem:s21] =	stream.linear.scatter [tilespmem:s31], [sflag:$0x5], $0x1900, $0x38;
	[tilespmem:$0x13880] =	vst v63  }
0x30: {  	s11 =	rddreg [dreg:$0x11]  }
0x31: {  	[spmem:s11] =	stream.linear.scatter [tilespmem:s31], [sflag:$0x5], $0x1900, $0x38;
	[tilespmem:$0x13880] =	vst v63  }
0x32: {  	s12 =	rddreg [dreg:$0x12]  }
0x33: {  	[spmem:s12] =	stream.linear.scatter [tilespmem:s31], [sflag:$0x5], $0x1900, $0x38;
	[tilespmem:$0x13880] =	vst v63  }
0x34: {  	s28 =	smov.u32 s19;
	s19 =	rddreg [dreg:$0x13]  }
0x35: {  	[spmem:s19] =	stream.linear.scatter [tilespmem:s31], [sflag:$0x5], $0x1900, $0x38;
	[tilespmem:$0x13880] =	vst v63  }
0x36: {  	s29 =	smov.u32 s20;
	s20 =	rddreg [dreg:$0x14]  }
0x37: {  	[spmem:s20] =	stream.linear.scatter [tilespmem:s31], [sflag:$0x5], $0x1900, $0x38;
	[tilespmem:$0x13880] =	vst v63  }
0x38: {  	_ =	swait.ge [sflag:s0], $0x1900  }
0x39: {  	[sflag:s0] =	ssyncset.done $0x0  }
0x3a: {  	[sflag:s0] =	ssyncadd.s32 $0xFFFFE700  }
0x3b: {  	_ =	swait.ge [sflag:s0], $0x1900  }
0x3c: {  	[sflag:s0] =	ssyncset.done $0x0  }
0x3d: {  	[sflag:s0] =	ssyncadd.s32 $0xFFFFE700  }
0x3e: {  	_ =	swait.ge [sflag:s0], $0x1900  }
0x3f: {  	[sflag:s0] =	ssyncset.done $0x0  }
0x40: {  	[sflag:s0] =	ssyncadd.s32 $0xFFFFE700  }
0x41: {  	_ =	swait.ge [sflag:s0], $0x1900  }
0x42: {  	[sflag:s0] =	ssyncset.done $0x0  }
0x43: {  	[sflag:s0] =	ssyncadd.s32 $0xFFFFE700  }
0x44: {  	_ =	swait.ge [sflag:s0], $0x1900  }
0x45: {  	[sflag:s0] =	ssyncset.done $0x0  }
0x46: {  	[sflag:s0] =	ssyncadd.s32 $0xFFFFE700  }
0x47: {  	_ =	swait.ge [sflag:s0], $0x1900  }
0x48: {  	[sflag:s0] =	ssyncset.done $0x0  }
0x49: {  	[sflag:s0] =	ssyncadd.s32 $0xFFFFE700  }
0x4a: {  	_ =	swait.ge [sflag:s0], $0x1900  }
0x4b: {  	[sflag:s0] =	ssyncset.done $0x0  }
0x4c: {  	[sflag:s0] =	ssyncadd.s32 $0xFFFFE700  }
0x4d: {  	_ =	swait.ge [sflag:s0], $0x1900  }
0x4e: {  	[sflag:s0] =	ssyncset.done $0x0  }
0x4f: {  	[sflag:s0] =	ssyncadd.s32 $0xFFFFE700  }
0x50: {  	[bflag:$0x0] =	sbarrier.arrive $0xFFFF  }
0x51: {  	s30 =	smov.u32 s21;
	s19 =	simm.s32 $0x0;
	s21 =	rddreg [dreg:$0x4]  }
0x52: {  	[tilespmem:s19], [sflag:$0x1] =	stream.linear.gather [hbm4b:s21+s19], $0x50, $0x38;
	[tilespmem:$0x13880] =	vst v63  }
0x53: {  	s11 =	simm.s32 $0x140;
	s22 =	rddreg [dreg:$0x5]  }
0x54: {  	[tilespmem:s11], [sflag:$0x1] =	stream.linear.gather [hbm4b:s22+s19], $0x50, $0x38;
	[tilespmem:$0x13880] =	vst v63  }
0x55: {  	s23 =	rddreg [dreg:$0x6]  }
0x56: {  	[tilespmem:s13], [sflag:$0x2] =	stream.linear.gather [hbm4b:s23+s19], $0x50, $0x38;
	[tilespmem:$0x13880] =	vst v63  }
0x57: {  	s12 =	simm.s32 $0x190;
	s24 =	rddreg [dreg:$0x7]  }
0x58: {  	[tilespmem:s12], [sflag:$0x2] =	stream.linear.gather [hbm4b:s24+s19], $0x50, $0x38;
	[tilespmem:$0x13880] =	vst v63  }
0x59: {  	_ =	swait.ge [sflag:s14], $0x50  }
0x5a: {  	[sflag:s14] =	ssyncset.done $0x0  }
0x5b: {  	[sflag:s14] =	ssyncadd.s32 $0xFFFFFFB0  }
0x5c: {  	_ =	swait.ge [sflag:s14], $0x50  }
0x5d: {  	[sflag:s14] =	ssyncset.done $0x0  }
0x5e: {  	s25 =	simm.s32 $0xC80;
	[sflag:s14] =	ssyncadd.s32 $0xFFFFFFB0  }
0x5f: {  	[tilespmem:s25], [sflag:$0x5] =	stream.indirect.gather [hbm4b:s6+s13], $0x50, s19, s13, $0xb8;
	[tilespmem:$0x13880] =	vst v63  }
0x60: {  	s26 =	simm.s32 $0x280;
	p0 =	por $0x0, $0x0  }
0x61: {  	[tilespmem:s26], [sflag:$0x5] =	stream.indirect.gather [hbm4b:s7+s13], $0x10, s11, s13, $0xb8;
	[tilespmem:$0x13880] =	vst v63  }
.LBB2_4:
0x62: {  	p1 =	slt.u32 s19, $0x2  }
0x63: {  	p2 =	sgt.u32 @!p1 s19, $0x7A  }
0x64: {  	p2 =	por p1, !p2  }
.Ltmp1:
0x65: {  	s20 =	sand.u32 $0x1, s19;
	(pc) =	sbr.rel @!p2 .LBB2_6-.Ltmp1, $4  }
0x66: {  	s10 =	sadd.s32 @!p1 $0x7, s20  }
0x67: {  	_ =	swait.ge @!p1 [sflag:s10], $0x1900  }
0x68: {  	[sflag:s10] =	ssyncset.done @!p1 $0x0  }
0x69: {  	s21 =	sadd.s32 $0x1, s19;
	[sflag:s10] =	ssyncadd.s32 @!p1 $0xFFFFE700  }
0x6a: {  	s10 =	sadd.s32 $0x2, s19  }
0x6b: {  	s11 =	smul.u32 $0x50, s10  }
0x6c: {  	s10 =	sand.u32 $0x3, s10  }
0x6d: {  	s12 =	smul.u32 $0x50, s10;
	s11 =	sadd.s32 s8, s11  }
.Ltmp2:
0x6e: {  	s11 =	sshrl.u32 s11, $0x3;
	(pc) =	sbr.rel .LBB2_7-.Ltmp2, $4  }
0x6f: {  	s10 =	sadd.s32 $0x1, s10;
	s22 =	sadd.s32 s5, s11  }
0x70: {  	[tilespmem:s12], [sflag:s10] =	stream.linear.gather [hbm4b:s22+s3], $0x50, $0x38;
	[tilespmem:$0x13880] =	vst v63  }
0x71: {  	s11 =	sadd.s32 s1, s11;
	s12 =	sadd.s32 $0x140, s12  }
0x72: {  	[tilespmem:s12], [sflag:s10] =	stream.linear.gather [hbm4b:s11+s3], $0x50, $0x38;
	[tilespmem:$0x13880] =	vst v63  }
.LBB2_6:
0x73: {  	p1 =	seq.s32 s19, $0x7C  }
.Ltmp3:
0x74: {  	_ = 	snop;
	(pc) =	sbr.rel @p1 .LBB2_8-.Ltmp3, $1  }
0x75: {  	_ =	sdelay $0x3  }
.LBB2_7:
0x76: {  	s10 =	sand.u32 $0x3, s21  }
0x77: {  	s11 =	sadd.s32 $0x1, s10  }
0x78: {  	_ =	swait.ge [sflag:s11], $0x50  }
0x79: {  	s12 =	sand.u32 $0x1, s21;
	[sflag:s11] =	ssyncset.done $0x0  }
0x7a: {  	s22 =	smul.u32 $0x6400, s12;
	[sflag:s11] =	ssyncadd.s32 $0xFFFFFFB0  }
0x7b: {  	s25 =	sadd.s32 $0x5, s12;
	s12 =	smul.u32 $0x1400, s12;
	_ =	swait.ge [sflag:s11], $0x50  }
0x7c: {  	s10 =	smul.u32 $0x50, s10;
	s24 =	sshrl.u32 s22, $0x2;
	[sflag:s11] =	ssyncset.done $0x0  }
0x7d: {  	s26 =	sshrl.u32 s12, $0x2;
	[sflag:s11] =	ssyncadd.s32 $0xFFFFFFB0;
	s11 =	sadd.s32 $0xC80, s24  }
0x7e: {  	[tilespmem:s11], [sflag:s25] =	stream.indirect.gather [hbm4b:s6+s13], $0x50, s10, s13, $0xb8;
	[tilespmem:$0x13880] =	vst v63  }
0x7f: {  	s10 =	sadd.s32 $0x140, s10;
	s11 =	sadd.s32 $0x280, s26  }
0x80: {  	[tilespmem:s11], [sflag:s25] =	stream.indirect.gather [hbm4b:s7+s13], $0x10, s10, s13, $0xb8;
	[tilespmem:$0x13880] =	vst v63  }
.LBB2_8:
0x81: {  	s10 =	sadd.s32 $0x5, s20  }
0x82: {  	s11 =	simm.s32 $0x1;
	_ =	swait.ge [sflag:s10], $0x1900  }
0x83: {  	s11 =	simm.s32 @!p0 $0x0;
	[sflag:s10] =	ssyncset.done $0x0  }
0x84: {  	s12 =	smul.u32 $0x6400, s11;
	[sflag:s10] =	ssyncadd.s32 $0xFFFFE700  }
0x85: {  	s11 =	smul.u32 $0x1400, s11;
	_ =	swait.ge [sflag:s10], $0x500  }
0x86: {  	s22 =	sshrl.u32 s12, $0x2;
	[sflag:s10] =	ssyncset.done $0x0  }
0x87: {  	s11 =	sshrl.u32 s11, $0x2;
	s12 =	sadd.s32 $0xDC0, s22;
	[sflag:s10] =	ssyncadd.s32 $0xFFFFFB00  }
0x88: {  	s26 =	sadd.s32 $0x2C0, s11;
	v1 =	vld [tilespmem:s12+$0x130]  }
0x89: {  	v2 =	vld [tilespmem:s26+$0x30]  }
0x8a: {  	v3 =	vld [tilespmem:s26+$0xFFFFFFC0]  }
0x8b: {  	v4 =	vld [tilespmem:s12+$0xFFFFFF50]  }
0x8c: {  	v5 =	vld [tilespmem:s26+$0xFFFFFFD0]  }
0x8d: {  	v6 =	vld [tilespmem:s12+$0xFFFFFFA0]  }
0x8e: {  	v7 =	vld [tilespmem:s26+$0xFFFFFFE0]  }
0x8f: {  	v8 =	vld [tilespmem:s26+$0xFFFFFFF0];
	v1 =	vadd.f32 v2, v1  }
0x90: {  	v10 =	vld [tilespmem:s12+$0x40]  }
0x91: {  	v11 =	vld [tilespmem:s26+$0x0];
	v4 =	vadd.f32 v5, v4;
	v9 =	vmul.f32 $2.000000030e-01, v1  }
0x92: {  	v2 =	vld [tilespmem:s12+$0xFFFFFFF0];
	vm0 =	vgt.f32 v1, $0.0e+00  }
0x93: {  	v5 =	vld [tilespmem:s12+$0x90];
	v12 =	vmul.f32 $2.000000030e-01, v4;
	v1 =	vsel vm0, v1, v9  }
0x94: {  	vm6 =	vgt.f32 v4, $0.0e+00;
	v9 =	vld [tilespmem:s26+$0x10];
	v1 =	vmul.f32 $1.442695020e+00, v1  }
0x95: {  	s10 =	sadd.s32 $0x80, s26;
	v4 =	vsel vm6, v4, v12;
	v12 =	vld [tilespmem:s12+$0xFFFFFF00]  }
0x96: {  	v18 =	vld [tilespmem:s10+$0x30];
	v6 =	vadd.f32 v7, v6;
	v10 =	vadd.f32 v11, v10;
	(erf) = vpow2.f32 v1  }
0x97: {  	v7 =	vld [tilespmem:s12+$0xE0];
	v4 =	vmul.f32 $1.442695020e+00, v4;
	v1 =	vadd.f32 v8, v2  }
0x98: {  	vm7 =	vgt.f32 v6, $0.0e+00;
	vm8 =	vgt.f32 v10, $0.0e+00;
	v2 =	vld [tilespmem:s26+$0x20];
	v8 =	vmul.f32 $2.000000030e-01, v6  }
0x99: {  	s23 =	sadd.s32 $0x280, s12;
	v19 =	vld [tilespmem:s10+$0xFFFFFFC0];
	(erf) = vpow2.f32 v4;
	vm1 =	vgt.f32 v1, $0.0e+00;
	v13 =	vmul.f32 $2.000000030e-01, v1  }
0x9a: {  	v20 =	vld [tilespmem:s23+$0xFFFFFF50];
	v6 =	vsel vm7, v6, v8;
	v5 =	vadd.f32 v9, v5;
	v3 =	vadd.f32 v3, v12  }
0x9b: {  	v21 =	vld [tilespmem:s10+$0xFFFFFFD0];
	v8 =	vmul.f32 $2.000000030e-01, v10;
	v6 =	vmul.f32 $1.442695020e+00, v6;
	v1 =	vsel vm1, v1, v13  }
0x9c: {  	v22 =	vld [tilespmem:s23+$0xFFFFFFA0];
	v4 =	vmul.f32 $2.000000030e-01, v5;
	vm9 =	vgt.f32 v5, $0.0e+00;
	vm11 =	vgt.f32 v3, $0.0e+00  }
0x9d: {  	v23 =	vld [tilespmem:s10+$0xFFFFFFE0];
	v2 =	vadd.f32 v2, v7;
	v1 =	vmul.f32 $1.442695020e+00, v1;
	v7 =	vsel vm8, v10, v8  }
0x9e: {  	v24 =	vld [tilespmem:s10+$0xFFFFFFF0];
	v8 =	vmul.f32 $2.000000030e-01, v3;
	v4 =	vsel vm9, v5, v4;
	v7 =	vmul.f32 $1.442695020e+00, v7  }
0x9f: {  	s22 =	sadd.s32 $0x3FC0, s22;
	v26 =	vld [tilespmem:s23+$0x40];
	vm10 =	vgt.f32 v2, $0.0e+00;
	v5 =	vmul.f32 $2.000000030e-01, v2;
	v9 =	vpop (erf);
	(erf) = vpow2.f32 v6  }
0xa0: {  	v27 =	vld [tilespmem:s10+$0x0];
	v4 =	vmul.f32 $1.442695020e+00, v4;
	v3 =	vsel vm11, v3, v8;
	[tilespmem:s22+$0x130] =	vst v9;
	(erf) = vpow2.f32 v1  }
0xa1: {  	s25 =	sadd.s32 $0x280, s23;
	v1 =	vsel vm10, v2, v5;
	v2 =	vmul.f32 $1.442695020e+00, v3;
	v8 =	vld [tilespmem:s12+$0xF0];
	(erf) = vpow2.f32 v7  }
0xa2: {  	s11 =	sadd.s32 $0x80, s10;
	v57 =	vld [tilespmem:s25+$0x130];
	v1 =	vmul.f32 $1.442695020e+00, v1;
	(erf) = vpow2.f32 v4  }
0xa3: {  	v34 =	vld [tilespmem:s11+$0x30];
	v20 =	vadd.f32 v21, v20;
	(erf) = vpow2.f32 v2  }
0xa4: {  	v35 =	vld [tilespmem:s11+$0xFFFFFFC0];
	v6 =	vbroadcast v9, $0x0;
	(erf) = vpow2.f32 v1  }
0xa5: {  	v36 =	vld [tilespmem:s25+$0xFFFFFF50];
	v28 =	vmul.f32 $2.000000030e-01, v20  }
0xa6: {  	v37 =	vld [tilespmem:s11+$0xFFFFFFD0];
	vm13 =	vgt.f32 v20, $0.0e+00;
	v2 =	vpop (erf);
	v1 =	vmul.f32 v6, v8  }
0xa7: {  	v20 =	vsel vm13, v20, v28;
	v28 =	vld [tilespmem:s23+$0xFFFFFF00];
	[tilespmem:s22+$0xFFFFFF50] =	vst v2  }
0xa8: {  	v4 =	vld [tilespmem:s12+$0xFFFFFF10];
	[tilespmem:s22+$0xF0] =	vst v1;
	v3 =	vpop (erf)  }
0xa9: {  	v1 =	vld [tilespmem:s12+$0x100];
	[tilespmem:s22+$0xFFFFFFA0] =	vst v3;
	v5 =	vpop (erf)  }
0xaa: {  	v7 =	vld [tilespmem:s12+$0xFFFFFF60];
	[tilespmem:s22+$0xFFFFFFF0] =	vst v5;
	v10 =	vpop (erf)  }
0xab: {  	v12 =	vld [tilespmem:s12+$0xFFFFFFB0];
	[tilespmem:s22+$0x40] =	vst v10;
	v14 =	vpop (erf)  }
0xac: {  	v8 =	vbroadcast v2, $0x0;
	v2 =	vld [tilespmem:s12+$0x0];
	[tilespmem:s22+$0x90] =	vst v14;
	v15 =	vpop (erf)  }
0xad: {  	v9 =	vbroadcast v3, $0x0;
	[tilespmem:s22+$0xFFFFFF00] =	vst v15;
	v3 =	vld [tilespmem:s12+$0x50];
	v16 =	vpop (erf)  }
0xae: {  	v11 =	vbroadcast v5, $0x0;
	v4 =	vmul.f32 v8, v4;
	v5 =	vld [tilespmem:s12+$0xFFFFFEC0];
	[tilespmem:s22+$0xE0] =	vst v16  }
0xaf: {  	v13 =	vbroadcast v10, $0x0;
	v1 =	vmul.f32 v6, v1;
	v17 =	vld [tilespmem:s12+$0xA0]  }
0xb0: {  	[tilespmem:s22+$0xFFFFFF10] =	vst v4;
	v10 =	vmul.f32 v9, v7;
	v7 =	vbroadcast v15, $0x0;
	v15 =	vld [tilespmem:s23+$0x130]  }
0xb1: {  	[tilespmem:s22+$0x100] =	vst v1;
	v1 =	vmul.f32 v11, v12;
	v12 =	vld [tilespmem:s12+$0xFFFFFF20]  }
0xb2: {  	v14 =	vbroadcast v14, $0x0;
	v4 =	vld [tilespmem:s12+$0x110];
	[tilespmem:s22+$0xFFFFFF60] =	vst v10;
	v2 =	vmul.f32 v13, v2  }
0xb3: {  	v10 =	vld [tilespmem:s12+$0xFFFFFF70];
	[tilespmem:s22+$0xFFFFFFB0] =	vst v1  }
0xb4: {  	v1 =	vmul.f32 v14, v3;
	v3 =	vmul.f32 v7, v5;
	v5 =	vld [tilespmem:s12+$0xFFFFFFC0];
	[tilespmem:s22+$0x0] =	vst v2  }
0xb5: {  	v22 =	vadd.f32 v23, v22;
	v2 =	vld [tilespmem:s12+$0x10];
	v18 =	vadd.f32 v18, v15  }
0xb6: {  	v15 =	vbroadcast v16, $0x0;
	v16 =	vld [tilespmem:s23+$0xFFFFFFF0]  }
0xb7: {  	v38 =	vld [tilespmem:s25+$0xFFFFFFA0];
	v26 =	vadd.f32 v27, v26;
	vm14 =	vgt.f32 v22, $0.0e+00;
	[tilespmem:s22+$0xFFFFFEC0] =	vst v3;
	v25 =	vmul.f32 $2.000000030e-01, v18  }
0xb8: {  	v20 =	vmul.f32 $1.442695020e+00, v20;
	v12 =	vmul.f32 v8, v12;
	v3 =	vld [tilespmem:s12+$0xFFFFFED0];
	vm12 =	vgt.f32 v18, $0.0e+00  }
0xb9: {  	v21 =	vld [tilespmem:s23+$0x90];
	v17 =	vmul.f32 v15, v17;
	v4 =	vmul.f32 v6, v4;
	v18 =	vsel vm12, v18, v25  }
0xba: {  	v19 =	vadd.f32 v19, v28;
	v10 =	vmul.f32 v9, v10;
	v25 =	vld [tilespmem:s10+$0x10];
	v18 =	vmul.f32 $1.442695020e+00, v18  }
0xbb: {  	v23 =	vld [tilespmem:s23+$0xE0];
	v5 =	vmul.f32 v11, v5;
	v2 =	vmul.f32 v13, v2;
	v16 =	vadd.f32 v24, v16  }
0xbc: {  	vm4 =	vgt.f32 v26, $0.0e+00;
	v24 =	vmul.f32 $2.000000030e-01, v22;
	(erf) = vpow2.f32 v18;
	v18 =	vld [tilespmem:s10+$0x20]  }
0xbd: {  	v39 =	vld [tilespmem:s11+$0xFFFFFFE0];
	vm7 =	vgt.f32 v19, $0.0e+00;
	v3 =	vmul.f32 v7, v3;
	v29 =	vmul.f32 $2.000000030e-01, v16  }
0xbe: {  	v58 =	vld [tilespmem:s25+$0xFFFFFFF0];
	vm15 =	vgt.f32 v16, $0.0e+00;
	v22 =	vsel vm14, v22, v24;
	v24 =	vmul.f32 $2.000000030e-01, v26  }
0xbf: {  	v59 =	vld [tilespmem:s11+$0xFFFFFFF0];
	[tilespmem:s22+$0x50] =	vst v1;
	v22 =	vmul.f32 $1.442695020e+00, v22;
	v21 =	vadd.f32 v25, v21;
	v16 =	vsel vm15, v16, v29  }
0xc0: {  	v41 =	vld [tilespmem:s25+$0x40];
	[tilespmem:s22+$0x110] =	vst v4;
	(erf) = vpow2.f32 v20;
	v4 =	vmul.f32 $1.442695020e+00, v16;
	v16 =	vsel vm4, v26, v24  }
0xc1: {  	v1 =	vld [tilespmem:s12+$0x60];
	[tilespmem:s22+$0xFFFFFF20] =	vst v12;
	(erf) = vpow2.f32 v22;
	v20 =	vmul.f32 $2.000000030e-01, v21;
	v18 =	vadd.f32 v18, v23  }
0xc2: {  	[tilespmem:s22+$0xA0] =	vst v17;
	v17 =	vld [tilespmem:s12+$0x120];
	vm5 =	vgt.f32 v21, $0.0e+00;
	v16 =	vmul.f32 $1.442695020e+00, v16;
	v23 =	vmul.f32 $2.000000030e-01, v19  }
0xc3: {  	v60 =	vld [tilespmem:s11+$0x0];
	[tilespmem:s22+$0xFFFFFF70] =	vst v10;
	(erf) = vpow2.f32 v4;
	v20 =	vsel vm5, v21, v20;
	v21 =	vmul.f32 $2.000000030e-01, v18  }
0xc4: {  	v61 =	vld [tilespmem:s25+$0x90];
	[tilespmem:s22+$0xFFFFFED0] =	vst v3;
	vm6 =	vgt.f32 v18, $0.0e+00;
	v3 =	vmul.f32 $1.442695020e+00, v20;
	v19 =	vsel vm7, v19, v23  }
0xc5: {  	s24 =	sadd.s32 $0x280, s22;
	[tilespmem:s22+$0xFFFFFFC0] =	vst v5;
	v25 =	vld [tilespmem:s12+$0xB0];
	(erf) = vpow2.f32 v16;
	v24 =	vpop (erf);
	v4 =	vsel vm6, v18, v21;
	v18 =	vmul.f32 $1.442695020e+00, v19  }
0xc6: {  	v10 =	vld [tilespmem:s12+$0xFFFFFF30];
	v1 =	vmul.f32 v14, v1;
	(erf) = vpow2.f32 v3;
	[tilespmem:s24+$0x130] =	vst v24  }
0xc7: {  	[tilespmem:s22+$0x10] =	vst v2;
	v17 =	vmul.f32 v17, v6;
	v20 =	vld [tilespmem:s23+$0xF0];
	(erf) = vpow2.f32 v18  }
0xc8: {  	[tilespmem:s22+$0x60] =	vst v1;
	v12 =	vld [tilespmem:s12+$0xFFFFFEE0]  }
0xc9: {  	[tilespmem:s22+$0x120] =	vst v17;
	v16 =	vld [tilespmem:s12+$0xFFFFFF80];
	v2 =	vpop (erf)  }
0xca: {  	v21 =	vld [tilespmem:s12+$0x20];
	v3 =	vmul.f32 v15, v25;
	v19 =	vbroadcast v24, $0x0;
	[tilespmem:s24+$0xFFFFFF50] =	vst v2;
	v5 =	vpop (erf)  }
0xcb: {  	v4 =	vmul.f32 $1.442695020e+00, v4;
	v18 =	vld [tilespmem:s12+$0xFFFFFFD0];
	[tilespmem:s24+$0xFFFFFFA0] =	vst v5  }
0xcc: {  	[tilespmem:s22+$0xB0] =	vst v3;
	v23 =	vpop (erf);
	v24 =	vld [tilespmem:s23+$0xFFFFFF60];
	v1 =	vmul.f32 v19, v20  }
0xcd: {  	(erf) = vpow2.f32 v4;
	v4 =	vld [tilespmem:s23+$0xFFFFFF10];
	[tilespmem:s24+$0xFFFFFFF0] =	vst v23  }
0xce: {  	v25 =	vpop (erf);
	v26 =	vld [tilespmem:s23+$0xFFFFFFB0];
	[tilespmem:s24+$0xF0] =	vst v1  }
0xcf: {  	v5 =	vbroadcast v5, $0x0;
	[tilespmem:s24+$0x40] =	vst v25;
	v27 =	vpop (erf);
	v3 =	vld [tilespmem:s23+$0x100]  }
0xd0: {  	v12 =	vmul.f32 v7, v12;
	v28 =	vld [tilespmem:s23+$0x0];
	v1 =	vbroadcast v2, $0x0;
	[tilespmem:s24+$0x90] =	vst v27;
	v29 =	vpop (erf)  }
0xd1: {  	v2 =	vbroadcast v23, $0x0;
	v24 =	vmul.f32 v5, v24;
	v30 =	vld [tilespmem:s23+$0x50];
	[tilespmem:s24+$0xFFFFFF00] =	vst v29  }
0xd2: {  	[tilespmem:s22+$0xFFFFFEE0] =	vst v12;
	v33 =	vmul.f32 v1, v4;
	v23 =	vld [tilespmem:s23+$0xFFFFFEC0]  }
0xd3: {  	v22 =	vld [tilespmem:s12+$0xC0];
	v4 =	vbroadcast v27, $0x0;
	v27 =	vmul.f32 v2, v26;
	[tilespmem:s24+$0xFFFFFF60] =	vst v24  }
0xd4: {  	v20 =	vld [tilespmem:s12+$0x70];
	[tilespmem:s24+$0xFFFFFF10] =	vst v33;
	v31 =	vmul.f32 v19, v3;
	v3 =	vbroadcast v25, $0x0  }
0xd5: {  	v26 =	vbroadcast v29, $0x0;
	v29 =	vld [tilespmem:s23+$0xFFFFFF20];
	[tilespmem:s24+$0xFFFFFFB0] =	vst v27  }
0xd6: {  	v36 =	vadd.f32 v37, v36;
	v32 =	vpop (erf);
	v27 =	vmul.f32 v4, v30;
	[tilespmem:s24+$0x100] =	vst v31;
	v24 =	vmul.f32 v3, v28;
	v28 =	vld [tilespmem:s23+$0xFFFFFF70]  }
0xd7: {  	[tilespmem:s24+$0xE0] =	vst v32;
	v31 =	vld [tilespmem:s23+$0x110];
	v23 =	vmul.f32 v26, v23  }
0xd8: {  	v43 =	vadd.f32 v60, v41;
	v63 =	vmul.f32 $2.000000030e-01, v36;
	v21 =	vmul.f32 v13, v21;
	v25 =	vld [tilespmem:s23+$0xA0];
	[tilespmem:s24+$0x50] =	vst v27  }
0xd9: {  	v10 =	vmul.f32 v8, v10;
	v22 =	vmul.f32 v15, v22;
	v33 =	vadd.f32 v34, v57;
	[tilespmem:s24+$0xFFFFFEC0] =	vst v23;
	v23 =	vld [tilespmem:s23+$0x60]  }
0xda: {  	vm9 =	vgt.f32 v36, $0.0e+00;
	v16 =	vmul.f32 v9, v16;
	[tilespmem:s22+$0x20] =	vst v21;
	v6 =	vbroadcast v32, $0x0;
	v30 =	vld [tilespmem:s23+$0xFFFFFFC0]  }
0xdb: {  	v62 =	vld [tilespmem:s11+$0x10];
	vm12 =	vgt.f32 v43, $0.0e+00;
	[tilespmem:s22+$0xC0] =	vst v22;
	v40 =	vmul.f32 $2.000000030e-01, v33;
	v29 =	vmul.f32 v1, v29  }
0xdc: {  	vm8 =	vgt.f32 v33, $0.0e+00;
	[tilespmem:s24+$0x0] =	vst v24;
	v28 =	vmul.f32 v5, v28;
	v27 =	vmul.f32 v19, v31;
	v31 =	vld [tilespmem:s23+$0xFFFFFED0]  }
0xdd: {  	v42 =	vld [tilespmem:s25+$0xE0];
	v18 =	vmul.f32 v11, v18;
	v33 =	vsel vm8, v33, v40;
	v25 =	vmul.f32 v6, v25;
	[tilespmem:s24+$0xFFFFFF20] =	vst v29  }
0xde: {  	v12 =	vadd.f32 v39, v38;
	v24 =	vld [tilespmem:s23+$0x10];
	[tilespmem:s24+$0xFFFFFF70] =	vst v28;
	v17 =	vmul.f32 v4, v23;
	v23 =	vmul.f32 $1.442695020e+00, v33  }
0xdf: {  	v20 =	vmul.f32 v14, v20;
	v32 =	vadd.f32 v59, v58;
	v30 =	vmul.f32 v2, v30;
	v28 =	vld [tilespmem:s12+$0xFFFFFEF0];
	[tilespmem:s24+$0x110] =	vst v27  }
0xe0: {  	v29 =	vsel vm9, v36, v63;
	[tilespmem:s24+$0xA0] =	vst v25;
	v33 =	vadd.f32 v62, v61;
	v27 =	vld [tilespmem:s23+$0x120];
	(erf) = vpow2.f32 v23  }
0xe1: {  	vm10 =	vgt.f32 v12, $0.0e+00;
	v29 =	vmul.f32 $1.442695020e+00, v29;
	[tilespmem:s24+$0xFFFFFFC0] =	vst v30;
	v25 =	vmul.f32 v26, v31;
	v31 =	vld [tilespmem:s25+$0xFFFFFF00]  }
0xe2: {  	vm11 =	vgt.f32 v32, $0.0e+00;
	v30 =	vmul.f32 $2.000000030e-01, v43;
	v23 =	vld [tilespmem:s11+$0x20];
	[tilespmem:s24+$0x60] =	vst v17;
	v17 =	vmul.f32 $2.000000030e-01, v33  }
0xe3: {  	v48 =	vld [tilespmem:s12+$0x30];
	v24 =	vmul.f32 v3, v24;
	vm13 =	vgt.f32 v33, $0.0e+00;
	[tilespmem:s24+$0xFFFFFED0] =	vst v25;
	v25 =	vmul.f32 $2.000000030e-01, v32  }
0xe4: {  	v50 =	vld [tilespmem:s12+$0xD0];
	[tilespmem:s22+$0x70] =	vst v20;
	(erf) = vpow2.f32 v29;
	v17 =	vsel vm13, v33, v17;
	v7 =	vmul.f32 v28, v7  }
0xe5: {  	v49 =	vld [tilespmem:s12+$0x80];
	[tilespmem:s24+$0x10] =	vst v24;
	v19 =	vmul.f32 v27, v19;
	v27 =	vmul.f32 $2.000000030e-01, v12;
	v24 =	vsel vm11, v32, v25  }
0xe6: {  	[tilespmem:s22+$0xFFFFFF30] =	vst v10;
	v29 =	vld [tilespmem:s23+$0xFFFFFF80];
	v31 =	vadd.f32 v35, v31;
	v10 =	vmul.f32 $1.442695020e+00, v24;
	v24 =	vsel vm12, v43, v30  }
0xe7: {  	s10 =	sadd.s32 $0x280, s24;
	[tilespmem:s22+$0xFFFFFF80] =	vst v16;
	v45 =	vld [tilespmem:s23+$0x20];
	v17 =	vmul.f32 $1.442695020e+00, v17;
	v23 =	vadd.f32 v23, v42;
	v12 =	vsel vm10, v12, v27  }
0xe8: {  	[tilespmem:s22+$0xFFFFFFD0] =	vst v18;
	v27 =	vld [tilespmem:s23+$0xB0];
	v12 =	vmul.f32 $1.442695020e+00, v12;
	v46 =	vmul.f32 $2.000000030e-01, v31  }
0xe9: {  	v47 =	vld [tilespmem:s23+$0x70];
	[tilespmem:s24+$0x120] =	vst v19;
	v19 =	vmul.f32 $2.000000030e-01, v23;
	v16 =	vmul.f32 $1.442695020e+00, v24;
	vm15 =	vgt.f32 v31, $0.0e+00;
	v24 =	vpop (erf)  }
0xea: {  	v44 =	vld [tilespmem:s23+$0xFFFFFEE0];
	vm14 =	vgt.f32 v23, $0.0e+00;
	(erf) = vpow2.f32 v12;
	[tilespmem:s10+$0x130] =	vst v24;
	v18 =	vsel vm15, v31, v46  }
0xeb: {  	v19 =	vsel vm14, v23, v19;
	(erf) = vpow2.f32 v10;
	v23 =	vld [tilespmem:s25+$0xF0];
	v10 =	vmul.f32 $1.442695020e+00, v18  }
0xec: {  	v25 =	vld [tilespmem:s23+$0xFFFFFF30];
	v19 =	vmul.f32 $1.442695020e+00, v19;
	(erf) = vpow2.f32 v16  }
0xed: {  	v30 =	vld [tilespmem:s23+$0xFFFFFFD0];
	v18 =	vmul.f32 v6, v27;
	(erf) = vpow2.f32 v17  }
0xee: {  	v12 =	vld [tilespmem:s12+$0xFFFFFF40];
	v17 =	vbroadcast v24, $0x0;
	(erf) = vpow2.f32 v10  }
0xef: {  	[tilespmem:s22+$0xFFFFFEF0] =	vst v7;
	v16 =	vld [tilespmem:s12+$0xFFFFFF90];
	v10 =	vpop (erf);
	(erf) = vpow2.f32 v19  }
0xf0: {  	v27 =	vld [tilespmem:s12+$0xFFFFFFE0];
	[tilespmem:s24+$0xB0] =	vst v18;
	v19 =	vmul.f32 v17, v23  }
0xf1: {  	v18 =	vmul.f32 v26, v44;
	v31 =	vld [tilespmem:s23+$0xC0];
	[tilespmem:s10+$0xFFFFFF50] =	vst v10  }
0xf2: {  	v28 =	vld [tilespmem:s25+$0xFFFFFF10];
	[tilespmem:s10+$0xF0] =	vst v19  }
0xf3: {  	v24 =	vmul.f32 v1, v25;
	[tilespmem:s24+$0xFFFFFEE0] =	vst v18;
	v7 =	vbroadcast v10, $0x0;
	v10 =	vpop (erf);
	v25 =	vld [tilespmem:s25+$0x100]  }
0xf4: {  	v14 =	vmul.f32 v49, v14;
	v22 =	vmul.f32 v5, v29;
	v51 =	vld [tilespmem:s23+$0xFFFFFEF0];
	[tilespmem:s10+$0xFFFFFFA0] =	vst v10;
	v29 =	vpop (erf)  }
0xf5: {  	v21 =	vmul.f32 v3, v45;
	v20 =	vmul.f32 v2, v30;
	v30 =	vld [tilespmem:s25+$0xFFFFFF60];
	[tilespmem:s10+$0xFFFFFFF0] =	vst v29;
	v52 =	vpop (erf)  }
0xf6: {  	v18 =	vmul.f32 v12, v8;
	v19 =	vmul.f32 v16, v9;
	v12 =	vld [tilespmem:s25+$0xFFFFFFB0];
	[tilespmem:s10+$0x40] =	vst v52;
	v53 =	vpop (erf)  }
0xf7: {  	v8 =	vbroadcast v10, $0x0;
	v16 =	vmul.f32 v7, v28;
	v28 =	vld [tilespmem:s25+$0x0];
	[tilespmem:s10+$0x90] =	vst v53;
	v54 =	vpop (erf)  }
0xf8: {  	v10 =	vbroadcast v29, $0x0;
	[tilespmem:s10+$0xFFFFFF00] =	vst v54;
	v29 =	vld [tilespmem:s25+$0x50];
	v55 =	vmul.f32 v17, v25;
	v56 =	vpop (erf)  }
0xf9: {  	v9 =	vbroadcast v52, $0x0;
	v25 =	vmul.f32 v27, v11;
	v57 =	vld [tilespmem:s25+$0xFFFFFEC0];
	[tilespmem:s10+$0xE0] =	vst v56  }
0xfa: {  	v27 =	vmul.f32 v6, v31;
	v30 =	vmul.f32 v8, v30;
	[tilespmem:s10+$0x100] =	vst v55;
	v58 =	vld [tilespmem:s25+$0xA0]  }
0xfb: {  	v11 =	vbroadcast v53, $0x0;
	[tilespmem:s10+$0xFFFFFF10] =	vst v16;
	v31 =	vmul.f32 v10, v12;
	v59 =	vld [tilespmem:s25+$0x110]  }
0xfc: {  	v16 =	vbroadcast v54, $0x0;
	v60 =	vld [tilespmem:s25+$0xFFFFFF20];
	[tilespmem:s10+$0xFFFFFF60] =	vst v30;
	v61 =	vmul.f32 v9, v28  }
0xfd: {  	v12 =	vbroadcast v56, $0x0;
	[tilespmem:s10+$0xFFFFFFB0] =	vst v31;
	v30 =	vld [tilespmem:s25+$0xFFFFFF70];
	v62 =	vmul.f32 v11, v29  }
0xfe: {  	v28 =	vmul.f32 v51, v26;
	v32 =	vmul.f32 v16, v57;
	v31 =	vld [tilespmem:s25+$0xFFFFFFC0];
	[tilespmem:s10+$0x0] =	vst v61  }
0xff: {  	v26 =	vmul.f32 v48, v13;
	v29 =	vld [tilespmem:s25+$0x10];
	[tilespmem:s10+$0x50] =	vst v62;
	v63 =	vmul.f32 v12, v58  }
0x100: {  	v13 =	vmul.f32 v50, v15;
	[tilespmem:s10+$0xFFFFFEC0] =	vst v32;
	v15 =	vld [tilespmem:s25+$0x60];
	v33 =	vmul.f32 v17, v59  }
0x101: {  	s26 =	sadd.s32 $0x280, s25;
	s12 =	simm.s32 $0x10;
	v23 =	vmul.f32 v4, v47;
	v34 =	vmul.f32 v7, v60;
	v32 =	vld [tilespmem:s25+$0xFFFFFED0];
	[tilespmem:s10+$0xA0] =	vst v63  }
.LBB2_9:
0x102: {  	v35 =	vld [tilespmem:s26+$0x130];
	v30 =	vmul.f32 v8, v30;
	[tilespmem:s10+$0x110] =	vst v33  }
0x103: {  	s11 =	sadd.s32 $0x80, s11;
	[tilespmem:s10+$0xFFFFFF20] =	vst v34;
	v31 =	vmul.f32 v10, v31;
	v33 =	vld [tilespmem:s25+$0x120]  }
0x104: {  	s12 =	sadd.s32 $0x8, s12;
	v34 =	vld [tilespmem:s11+$0x30];
	[tilespmem:s10+$0xFFFFFF70] =	vst v30;
	v29 =	vmul.f32 v9, v29  }
0x105: {  	p1 =	slt.u32 s12, $0x48;
	v30 =	vld [tilespmem:s11+$0xFFFFFFC0];
	[tilespmem:s10+$0xFFFFFFC0] =	vst v31;
	v15 =	vmul.f32 v11, v15  }
0x106: {  	v31 =	vld [tilespmem:s26+$0xFFFFFF50];
	v32 =	vmul.f32 v16, v32;
	[tilespmem:s10+$0x10] =	vst v29  }
0x107: {  	v29 =	vld [tilespmem:s11+$0xFFFFFFD0];
	[tilespmem:s10+$0x60] =	vst v15  }
0x108: {  	v15 =	vld [tilespmem:s26+$0xFFFFFFA0];
	[tilespmem:s10+$0xFFFFFED0] =	vst v32;
	v17 =	vmul.f32 v33, v17  }
0x109: {  	v32 =	vld [tilespmem:s11+$0xFFFFFFE0];
	v33 =	vadd.f32 v34, v35;
	[tilespmem:s24+$0xFFFFFF30] =	vst v24  }
0x10a: {  	v24 =	vld [tilespmem:s26+$0xFFFFFFF0];
	[tilespmem:s10+$0x120] =	vst v17  }
0x10b: {  	v17 =	vld [tilespmem:s11+$0xFFFFFFF0];
	v34 =	vmul.f32 $2.000000030e-01, v33;
	[tilespmem:s24+$0xFFFFFF80] =	vst v22  }
0x10c: {  	vm0 =	vgt.f32 v33, $0.0e+00;
	v22 =	vadd.f32 v29, v31;
	v29 =	vld [tilespmem:s26+$0x40];
	[tilespmem:s24+$0xFFFFFFD0] =	vst v20  }
0x10d: {  	v20 =	vld [tilespmem:s11+$0x0];
	v31 =	vsel vm0, v33, v34;
	[tilespmem:s24+$0x20] =	vst v21  }
0x10e: {  	v21 =	vmul.f32 $2.000000030e-01, v22;
	v15 =	vadd.f32 v32, v15;
	v32 =	vld [tilespmem:s26+$0x90];
	v31 =	vmul.f32 $1.442695020e+00, v31;
	[tilespmem:s24+$0x70] =	vst v23  }
0x10f: {  	vm0 =	vgt.f32 v22, $0.0e+00;
	v23 =	vld [tilespmem:s11+$0x10];
	[tilespmem:s24+$0xC0] =	vst v27  }
0x110: {  	v27 =	vmul.f32 $2.000000030e-01, v15;
	v17 =	vadd.f32 v17, v24;
	v24 =	vld [tilespmem:s26+$0xE0];
	(erf) = vpow2.f32 v31;
	[tilespmem:s24+$0xFFFFFEF0] =	vst v28  }
0x111: {  	v21 =	vsel vm0, v22, v21;
	vm0 =	vgt.f32 v15, $0.0e+00;
	v22 =	vld [tilespmem:s11+$0x20];
	[tilespmem:s22+$0xFFFFFF40] =	vst v18  }
0x112: {  	v18 =	vld [tilespmem:s26+$0xFFFFFF00];
	vm1 =	vgt.f32 v17, $0.0e+00;
	v28 =	vmul.f32 $2.000000030e-01, v17;
	v20 =	vadd.f32 v20, v29;
	[tilespmem:s22+$0xFFFFFF90] =	vst v19  }
0x113: {  	v19 =	vmul.f32 $1.442695020e+00, v21;
	v15 =	vsel vm0, v15, v27;
	v21 =	vld [tilespmem:s25+$0xB0];
	[tilespmem:s22+$0xFFFFFFE0] =	vst v25  }
0x114: {  	vm0 =	vgt.f32 v20, $0.0e+00;
	v25 =	vmul.f32 $2.000000030e-01, v20;
	v23 =	vadd.f32 v23, v32;
	v27 =	vld [tilespmem:s25+$0xFFFFFEE0];
	[tilespmem:s22+$0x30] =	vst v26  }
0x115: {  	v15 =	vmul.f32 $1.442695020e+00, v15;
	v17 =	vsel vm1, v17, v28;
	(erf) = vpow2.f32 v19;
	v19 =	vld [tilespmem:s25+$0xFFFFFF30];
	[tilespmem:s22+$0x80] =	vst v14  }
0x116: {  	vm1 =	vgt.f32 v23, $0.0e+00;
	v14 =	vmul.f32 $2.000000030e-01, v23;
	v22 =	vadd.f32 v22, v24;
	v26 =	vld [tilespmem:s25+$0xFFFFFF80];
	[tilespmem:s22+$0xD0] =	vst v13;
	s22 =	smov.u32 s24;
	s24 =	smov.u32 s10  }
0x117: {  	v17 =	vmul.f32 $1.442695020e+00, v17;
	v13 =	vadd.f32 v30, v18;
	v18 =	vsel vm0, v20, v25;
	v20 =	vld [tilespmem:s25+$0xFFFFFFD0]  }
0x118: {  	s10 =	sadd.s32 $0x280, s10;
	v14 =	vsel vm1, v23, v14;
	vm0 =	vgt.f32 v22, $0.0e+00;
	v23 =	vmul.f32 $2.000000030e-01, v22;
	v25 =	vld [tilespmem:s25+$0x20]  }
0x119: {  	v18 =	vmul.f32 $1.442695020e+00, v18;
	vm1 =	vgt.f32 v13, $0.0e+00;
	v24 =	vmul.f32 $2.000000030e-01, v13;
	v28 =	vpop (erf);
	v29 =	vld [tilespmem:s25+$0x70]  }
0x11a: {  	v14 =	vmul.f32 $1.442695020e+00, v14;
	v22 =	vsel vm0, v22, v23;
	[tilespmem:s10+$0x130] =	vst v28;
	(erf) = vpow2.f32 v15;
	v15 =	vld [tilespmem:s23+$0xFFFFFF40]  }
0x11b: {  	v13 =	vsel vm1, v13, v24;
	v22 =	vmul.f32 $1.442695020e+00, v22;
	v23 =	vld [tilespmem:s26+$0xF0];
	(erf) = vpow2.f32 v17  }
0x11c: {  	v24 =	vmul.f32 $1.442695020e+00, v13;
	(erf) = vpow2.f32 v18;
	v30 =	vld [tilespmem:s23+$0xFFFFFF90]  }
0x11d: {  	(erf) = vpow2.f32 v14;
	v14 =	vmul.f32 v12, v21;
	v31 =	vld [tilespmem:s23+$0xFFFFFFE0]  }
0x11e: {  	v17 =	vbroadcast v28, $0x0;
	(erf) = vpow2.f32 v24;
	v13 =	vpop (erf);
	v32 =	vld [tilespmem:s23+$0x30]  }
0x11f: {  	[tilespmem:s10+$0xFFFFFF50] =	vst v13;
	v13 =	vbroadcast v13, $0x0;
	(erf) = vpow2.f32 v22;
	v33 =	vld [tilespmem:s23+$0x80]  }
0x120: {  	v28 =	vld [tilespmem:s26+$0xFFFFFF10];
	v18 =	vmul.f32 v17, v23;
	v23 =	vmul.f32 v16, v27;
	[tilespmem:s24+$0xB0] =	vst v14  }
0x121: {  	v24 =	vmul.f32 v7, v19;
	v22 =	vmul.f32 v8, v26;
	v14 =	vld [tilespmem:s25+$0xC0]  }
0x122: {  	v20 =	vmul.f32 v10, v20;
	v21 =	vmul.f32 v9, v25;
	[tilespmem:s10+$0xF0] =	vst v18;
	v34 =	vld [tilespmem:s23+$0xD0];
	s23 =	smov.u32 s25;
	s25 =	smov.u32 s26  }
0x123: {  	v18 =	vmul.f32 v15, v1;
	v1 =	vmov v7;
	v26 =	vld [tilespmem:s26+$0x100];
	v19 =	vpop (erf);
	[tilespmem:s24+$0xFFFFFEE0] =	vst v23;
	v23 =	vmul.f32 v11, v29  }
0x124: {  	v7 =	vmov v13;
	[tilespmem:s10+$0xFFFFFFA0] =	vst v19;
	v15 =	vbroadcast v19, $0x0;
	v25 =	vpop (erf);
	v29 =	vld [tilespmem:s23+$0xFFFFFEF0];
	v19 =	vmul.f32 v30, v5  }
0x125: {  	v5 =	vmov v8;
	v13 =	vmul.f32 v7, v28;
	v30 =	vld [tilespmem:s26+$0xFFFFFF60];
	[tilespmem:s10+$0xFFFFFFF0] =	vst v25;
	v28 =	vbroadcast v25, $0x0;
	v25 =	vpop (erf)  }
0x126: {  	v35 =	vld [tilespmem:s26+$0xFFFFFFB0];
	[tilespmem:s10+$0x40] =	vst v25;
	v36 =	vbroadcast v25, $0x0;
	v25 =	vpop (erf);
	v27 =	vmul.f32 v12, v14;
	v8 =	vmov v15  }
0x127: {  	v15 =	vld [tilespmem:s26+$0x0];
	[tilespmem:s10+$0x90] =	vst v25;
	v37 =	vbroadcast v25, $0x0;
	v14 =	vpop (erf);
	v25 =	vmul.f32 v31, v2;
	v2 =	vmov v10  }
0x128: {  	v10 =	vmov v28;
	[tilespmem:s10+$0xFFFFFF00] =	vst v14;
	v31 =	vbroadcast v14, $0x0;
	v38 =	vld [tilespmem:s26+$0x50];
	v14 =	vmul.f32 v17, v26;
	v26 =	vpop (erf)  }
0x129: {  	v39 =	vld [tilespmem:s26+$0xFFFFFEC0];
	[tilespmem:s10+$0xE0] =	vst v26;
	v40 =	vbroadcast v26, $0x0;
	v28 =	vmul.f32 v29, v16  }
0x12a: {  	v26 =	vmul.f32 v32, v3;
	v3 =	vmovc v9;
	v9 =	vmov v36;
	v30 =	vmul.f32 v8, v30;
	v41 =	vld [tilespmem:s26+$0xA0];
	[tilespmem:s10+$0x100] =	vst v14  }
0x12b: {  	v14 =	vmul.f32 v33, v4;
	v4 =	vmovc v11;
	v11 =	vmov v37;
	[tilespmem:s10+$0xFFFFFF10] =	vst v13;
	v29 =	vmul.f32 v10, v35;
	v32 =	vld [tilespmem:s26+$0x110]  }
0x12c: {  	v16 =	vmovc v31;
	v13 =	vmul.f32 v34, v6;
	v6 =	vmov v12;
	v35 =	vld [tilespmem:s26+$0xFFFFFF20];
	[tilespmem:s10+$0xFFFFFF60] =	vst v30;
	v15 =	vmul.f32 v9, v15  }
.Ltmp4:
0x12d: {  	v12 =	vmov v40;
	v30 =	vld [tilespmem:s26+$0xFFFFFF70];
	[tilespmem:s10+$0xFFFFFFB0] =	vst v29;
	v33 =	vmul.f32 v11, v38;
	(pc) =	sbr.rel @p1 .LBB2_9-.Ltmp4, $4  }
0x12e: {  	v34 =	vmul.f32 v16, v39;
	v31 =	vld [tilespmem:s26+$0xFFFFFFC0];
	[tilespmem:s10+$0x0] =	vst v15  }
0x12f: {  	v29 =	vld [tilespmem:s26+$0x10];
	[tilespmem:s10+$0x50] =	vst v33;
	v36 =	vmul.f32 v12, v41  }
0x130: {  	[tilespmem:s10+$0xFFFFFEC0] =	vst v34;
	v15 =	vld [tilespmem:s26+$0x60];
	v33 =	vmul.f32 v17, v32  }
0x131: {  	s26 =	sadd.s32 $0x280, s26;
	v32 =	vld [tilespmem:s25+$0xFFFFFED0];
	v34 =	vmul.f32 v7, v35;
	[tilespmem:s10+$0xA0] =	vst v36  }
0x132: {  	[tilespmem:s10+$0x110] =	vst v33  }
0x133: {  	[tilespmem:s24+$0xFFFFFF30] =	vst v24  }
0x134: {  	[tilespmem:s24+$0xFFFFFF80] =	vst v22  }
0x135: {  	[tilespmem:s24+$0xFFFFFFD0] =	vst v20  }
0x136: {  	[tilespmem:s24+$0x20] =	vst v21  }
0x137: {  	[tilespmem:s24+$0x70] =	vst v23  }
0x138: {  	[tilespmem:s24+$0xC0] =	vst v27  }
0x139: {  	[tilespmem:s24+$0xFFFFFEF0] =	vst v28  }
0x13a: {  	[tilespmem:s22+$0xFFFFFF40] =	vst v18  }
0x13b: {  	[tilespmem:s22+$0xFFFFFF90] =	vst v19  }
0x13c: {  	[tilespmem:s22+$0xFFFFFFE0] =	vst v25  }
0x13d: {  	[tilespmem:s22+$0x30] =	vst v26  }
0x13e: {  	[tilespmem:s22+$0x80] =	vst v14  }
0x13f: {  	v30 =	vmul.f32 v8, v30;
	v43 =	vld [tilespmem:s25+$0xB0];
	[tilespmem:s22+$0xD0] =	vst v13  }
0x140: {  	[tilespmem:s10+$0xFFFFFF20] =	vst v34;
	v31 =	vmul.f32 v10, v31;
	v33 =	vld [tilespmem:s25+$0x120]  }
0x141: {  	v53 =	vld [tilespmem:s23+$0xFFFFFF40];
	[tilespmem:s10+$0xFFFFFF70] =	vst v30;
	v29 =	vmul.f32 v9, v29  }
0x142: {  	v54 =	vld [tilespmem:s23+$0xFFFFFF90];
	[tilespmem:s10+$0xFFFFFFC0] =	vst v31;
	v15 =	vmul.f32 v11, v15  }
0x143: {  	v55 =	vld [tilespmem:s23+$0xFFFFFFE0];
	v41 =	vmul.f32 v16, v32;
	[tilespmem:s10+$0x10] =	vst v29  }
0x144: {  	v56 =	vld [tilespmem:s23+$0x30];
	[tilespmem:s10+$0x60] =	vst v15;
	v15 =	vmul.f32 v12, v43  }
0x145: {  	v57 =	vld [tilespmem:s23+$0x80];
	[tilespmem:s10+$0xFFFFFED0] =	vst v41;
	v42 =	vmul.f32 v33, v17  }
0x146: {  	v45 =	vld [tilespmem:s25+$0xFFFFFF30];
	v1 =	vmul.f32 v53, v1;
	[tilespmem:s10+$0xB0] =	vst v15  }
0x147: {  	v46 =	vld [tilespmem:s25+$0xFFFFFF80];
	v5 =	vmul.f32 v54, v5;
	[tilespmem:s10+$0x120] =	vst v42  }
0x148: {  	v47 =	vld [tilespmem:s25+$0xFFFFFFD0];
	v2 =	vmul.f32 v55, v2;
	[tilespmem:s24+$0xFFFFFF40] =	vst v1  }
0x149: {  	v48 =	vld [tilespmem:s25+$0x20];
	v3 =	vmul.f32 v56, v3;
	[tilespmem:s24+$0xFFFFFF90] =	vst v5  }
0x14a: {  	v49 =	vld [tilespmem:s25+$0x70];
	v4 =	vmul.f32 v57, v4;
	[tilespmem:s24+$0xFFFFFFE0] =	vst v2  }
0x14b: {  	v44 =	vld [tilespmem:s25+$0xFFFFFEE0];
	v50 =	vmul.f32 v7, v45;
	[tilespmem:s24+$0x30] =	vst v3  }
0x14c: {  	v51 =	vld [tilespmem:s25+$0xC0];
	v52 =	vmul.f32 v8, v46;
	[tilespmem:s24+$0x80] =	vst v4  }
0x14d: {  	v59 =	vld [tilespmem:s23+$0xD0];
	v20 =	vmul.f32 v10, v47;
	[tilespmem:s10+$0xFFFFFF30] =	vst v50  }
0x14e: {  	v14 =	vmul.f32 v9, v48;
	[tilespmem:s10+$0xFFFFFF80] =	vst v52;
	v60 =	vld [tilespmem:s25+$0xFFFFFF40]  }
0x14f: {  	v21 =	vmul.f32 v11, v49;
	[tilespmem:s10+$0xFFFFFFD0] =	vst v20;
	v1 =	vld [tilespmem:s25+$0xFFFFFF90]  }
0x150: {  	v17 =	vmul.f32 v16, v44;
	[tilespmem:s10+$0x20] =	vst v14;
	v61 =	vld [tilespmem:s25+$0xFFFFFFE0]  }
0x151: {  	v18 =	vmul.f32 v12, v51;
	[tilespmem:s10+$0x70] =	vst v21;
	v2 =	vld [tilespmem:s25+$0x30]  }
0x152: {  	v6 =	vmul.f32 v59, v6;
	[tilespmem:s10+$0xFFFFFEE0] =	vst v17;
	v3 =	vld [tilespmem:s25+$0x80]  }
0x153: {  	v17 =	vld [tilespmem:s25+$0xFFFFFEF0];
	[tilespmem:s10+$0xC0] =	vst v18;
	v63 =	vmul.f32 v60, v7  }
0x154: {  	[tilespmem:s24+$0xD0] =	vst v6;
	v62 =	vld [tilespmem:s25+$0xD0];
	v1 =	vmul.f32 v1, v8  }
0x155: {  	v5 =	vmul.f32 v61, v10;
	[tilespmem:s10+$0xFFFFFF40] =	vst v63  }
0x156: {  	s11 =	sand.u32 $0x3, s19;
	s12 =	smul.u32 $0x6400, s20;
	v2 =	vmul.f32 v2, v9;
	[tilespmem:s10+$0xFFFFFF90] =	vst v1  }
0x157: {  	p1 =	sne.s32 s21, $0x7D;
	s11 =	smul.u32 $0x140, s11;
	v1 =	vmul.f32 v3, v11;
	[tilespmem:s10+$0xFFFFFFE0] =	vst v5  }
.Ltmp5:
0x158: {  	v58 =	vmul.f32 v17, v16;
	[tilespmem:s10+$0x30] =	vst v2;
	(pc) =	sbr.rel @p1 .LBB2_4-.Ltmp5, $4  }
0x159: {  	s26 =	sadd.s32 $0x7, s20;
	v3 =	vmul.f32 v62, v12;
	[tilespmem:s10+$0x80] =	vst v1  }
0x15a: {  	p0 =	por !p0, !p0;
	s12 =	sshrl.u32 s12, $0x2;
	s11 =	sshrl.u32 s11, $0x2;
	[tilespmem:s10+$0xFFFFFEF0] =	vst v58  }
0x15b: {  	s19 =	smov.u32 s21;
	s11 =	sadd.s32 $0x140, s11;
	s25 =	sadd.s32 $0x3E80, s12;
	[tilespmem:s10+$0xD0] =	vst v3  }
0x15c: {  	[spmem:s2] =	stream.indirect.scatter.add.f32 [tilespmem:s25], [sflag:s26], $0x50, s11, s13, $0xb8;
	[tilespmem:$0x13880] =	vst v63  }
0x15d: {  	_ =	swait.ge [sflag:s15], $0x1900  }
0x15e: {  	[sflag:s15] =	ssyncset.done $0x0  }
0x15f: {  	[sflag:s15] =	ssyncadd.s32 $0xFFFFE700  }
0x160: {  	_ =	swait.ge [sflag:s4], $0x1900  }
0x161: {  	[sflag:s4] =	ssyncset.done $0x0  }
0x162: {  	[sflag:s4] =	ssyncadd.s32 $0xFFFFE700  }
0x163: {  	[bflag:$0x0] =	sbarrier.arrive $0xFFFF  }
0x164: {  	[tilespmem:s31], [sflag:$0x5] =	stream.linear.gather [spmem:s9], $0x1900, $0x38;
	[tilespmem:$0x13880] =	vst v63  }
0x165: {  	_ = 	snop  }
0x166: {  	[tilespmem:s16], [sflag:$0x6] =	stream.linear.gather [spmem:s28], $0x1900, $0x38;
	[tilespmem:$0x13880] =	vst v63  }
0x167: {  	_ =	swait.ge [sflag:s0], $0x1900  }
0x168: {  	[sflag:s0] =	ssyncset.done $0x0  }
0x169: {  	s10 =	rddreg [dreg:$0x8];
	[sflag:s0] =	ssyncadd.s32 $0xFFFFE700  }
0x16a: {  	[hbm4b:s10+s3] =	stream.linear.scatter [tilespmem:s31], [sflag:$0x7], $0x1900, $0x38;
	[tilespmem:$0x13880] =	vst v63  }
0x16b: {  	_ =	swait.ge [sflag:s15], $0x1900  }
0x16c: {  	[sflag:s15] =	ssyncset.done $0x0  }
0x16d: {  	[sflag:s15] =	ssyncadd.s32 $0xFFFFE700  }
0x16e: {  	[tilespmem:s31], [sflag:$0x5] =	stream.linear.gather [spmem:s29], $0x1900, $0x38;
	[tilespmem:$0x13880] =	vst v63  }
0x16f: {  	_ =	swait.ge [sflag:s17], $0x1900  }
0x170: {  	[sflag:s17] =	ssyncset.done $0x0  }
0x171: {  	s20 =	smov.u32 s29;
	s29 =	rddreg [dreg:$0x9];
	[sflag:s17] =	ssyncadd.s32 $0xFFFFE700  }
0x172: {  	[hbm4b:s29+s3] =	stream.linear.scatter [tilespmem:s16], [sflag:$0x8], $0x1900, $0x38;
	[tilespmem:$0x13880] =	vst v63  }
0x173: {  	_ =	swait.ge [sflag:s4], $0x1900  }
0x174: {  	[sflag:s4] =	ssyncset.done $0x0  }
0x175: {  	[sflag:s4] =	ssyncadd.s32 $0xFFFFE700  }
0x176: {  	[tilespmem:s16], [sflag:$0x6] =	stream.linear.gather [spmem:s30], $0x1900, $0x38;
	[tilespmem:$0x13880] =	vst v63  }
0x177: {  	_ =	swait.ge [sflag:s0], $0x1900  }
0x178: {  	[sflag:s0] =	ssyncset.done $0x0  }
0x179: {  	s21 =	smov.u32 s30;
	s30 =	rddreg [dreg:$0xa];
	[sflag:s0] =	ssyncadd.s32 $0xFFFFE700  }
0x17a: {  	[hbm4b:s30+s3] =	stream.linear.scatter [tilespmem:s31], [sflag:$0x7], $0x1900, $0x38;
	[tilespmem:$0x13880] =	vst v63  }
0x17b: {  	_ =	swait.ge [sflag:s15], $0x1900  }
0x17c: {  	[sflag:s15] =	ssyncset.done $0x0  }
0x17d: {  	s11 =	rddreg [dreg:$0x11];
	[sflag:s15] =	ssyncadd.s32 $0xFFFFE700  }
0x17e: {  	[tilespmem:s31], [sflag:$0x5] =	stream.linear.gather [spmem:s11], $0x1900, $0x38;
	[tilespmem:$0x13880] =	vst v63  }
0x17f: {  	_ =	swait.ge [sflag:s17], $0x1900  }
0x180: {  	[sflag:s17] =	ssyncset.done $0x0  }
0x181: {  	s12 =	rddreg [dreg:$0xb];
	[sflag:s17] =	ssyncadd.s32 $0xFFFFE700  }
0x182: {  	[hbm4b:s12+s3] =	stream.linear.scatter [tilespmem:s16], [sflag:$0x8], $0x1900, $0x38;
	[tilespmem:$0x13880] =	vst v63  }
0x183: {  	_ =	swait.ge [sflag:s4], $0x1900  }
0x184: {  	[sflag:s4] =	ssyncset.done $0x0  }
0x185: {  	s22 =	rddreg [dreg:$0x12];
	[sflag:s4] =	ssyncadd.s32 $0xFFFFE700  }
0x186: {  	[tilespmem:s16], [sflag:$0x6] =	stream.linear.gather [spmem:s22], $0x1900, $0x38;
	[tilespmem:$0x13880] =	vst v63  }
0x187: {  	_ =	swait.ge [sflag:s0], $0x1900  }
0x188: {  	[sflag:s0] =	ssyncset.done $0x0  }
0x189: {  	s23 =	rddreg [dreg:$0xc];
	[sflag:s0] =	ssyncadd.s32 $0xFFFFE700  }
0x18a: {  	[hbm4b:s23+s3] =	stream.linear.scatter [tilespmem:s31], [sflag:$0x7], $0x1900, $0x38;
	[tilespmem:$0x13880] =	vst v63  }
0x18b: {  	_ =	swait.ge [sflag:s15], $0x1900  }
0x18c: {  	[sflag:s15] =	ssyncset.done $0x0  }
0x18d: {  	s24 =	rddreg [dreg:$0x13];
	[sflag:s15] =	ssyncadd.s32 $0xFFFFE700  }
0x18e: {  	[tilespmem:s31], [sflag:$0x5] =	stream.linear.gather [spmem:s24], $0x1900, $0x38;
	[tilespmem:$0x13880] =	vst v63  }
0x18f: {  	_ =	swait.ge [sflag:s17], $0x1900  }
0x190: {  	[sflag:s17] =	ssyncset.done $0x0  }
0x191: {  	s25 =	rddreg [dreg:$0xd];
	[sflag:s17] =	ssyncadd.s32 $0xFFFFE700  }
0x192: {  	[hbm4b:s25+s3] =	stream.linear.scatter [tilespmem:s16], [sflag:$0x8], $0x1900, $0x38;
	[tilespmem:$0x13880] =	vst v63  }
0x193: {  	_ =	swait.ge [sflag:s4], $0x1900  }
0x194: {  	[sflag:s4] =	ssyncset.done $0x0  }
0x195: {  	s26 =	rddreg [dreg:$0x14];
	[sflag:s4] =	ssyncadd.s32 $0xFFFFE700  }
0x196: {  	[tilespmem:s16], [sflag:$0x6] =	stream.linear.gather [spmem:s26], $0x1900, $0x38;
	[tilespmem:$0x13880] =	vst v63  }
0x197: {  	_ =	swait.ge [sflag:s0], $0x1900  }
0x198: {  	[sflag:s0] =	ssyncset.done $0x0  }
0x199: {  	s19 =	smov.u32 s28;
	s28 =	rddreg [dreg:$0xe];
	[sflag:s0] =	ssyncadd.s32 $0xFFFFE700  }
0x19a: {  	[hbm4b:s28+s3] =	stream.linear.scatter [tilespmem:s31], [sflag:$0x7], $0x1900, $0x38;
	[tilespmem:$0x13880] =	vst v63  }
0x19b: {  	_ =	swait.ge [sflag:s17], $0x1900  }
0x19c: {  	[sflag:s17] =	ssyncset.done $0x0  }
0x19d: {  	s29 =	rddreg [dreg:$0xf];
	[sflag:s17] =	ssyncadd.s32 $0xFFFFE700  }
0x19e: {  	[hbm4b:s29+s3] =	stream.linear.scatter [tilespmem:s16], [sflag:$0x8], $0x1900, $0x38;
	[tilespmem:$0x13880] =	vst v63  }
0x19f: {  	_ =	swait.ge [sflag:s15], $0x1900  }
0x1a0: {  	[sflag:s15] =	ssyncset.done $0x0  }
0x1a1: {  	[sflag:s15] =	ssyncadd.s32 $0xFFFFE700  }
0x1a2: {  	_ =	swait.ge [sflag:s4], $0x1900  }
0x1a3: {  	s18 =	sadd.s32 $0x1, s18;
	s30 =	rddreg [dreg:$0x10]  }
0x1a4: {  	p0 =	sne.s32 s18, s30  }
.Ltmp6:
0x1a5: {  	_ = 	snop;
	(pc) =	sbr.rel @p0 .LBB2_1-.Ltmp6, $3  }
0x1a6: {  	_ =	sdelay $0x1  }
0x1a7: {  	[sflag:s4] =	ssyncset.done $0x0  }
0x1a8: {  	[sflag:s4] =	ssyncadd.s32 $0xFFFFE700  }
0x1a9: {  	_ =	sfence.sel $0x180000  }
0x1aa: {  	[bflag:$0x0] =	sbarrier.arrive $0xFFFF  }
0x1ab: {  	_ =	strace $0x9000004A  }
0x1ac: {  	s0 =	stileid.u32;
	[bflag:$0x2] =	sbarrier.arrive $0xFFFF  }
0x1ad: {  	p0 =	sne.s32 s0, $0x0;
	s0 =	rddreg [dreg:$0x3]  }
0x1ae: {  	s0 =	sadd.s32 @!p0 $0x100000, s0  }
0x1af: {  	[sflag:s0] =	ssyncadd.tile.s32 @!p0 $0x1;
	_ =	shalt  }
.Lfunc_end2:
_tile_overlayer_lowered:
.L_overlay_start_2:
0x1b0: {  	(tag) =	ssettag $0x2  }
0x1b1: {  	s0 =	rddreg [dreg:$0x0];
	s2 =	stileid.u32  }
0x1b2: {  	s1 =	rddreg [dreg:$0x1];
	p0 =	sne.s32 s2, $0x0  }
0x1b3: {  	s3 =	rddreg [dreg:$0x2];
	[bflag:$0x3] =	sbarrier.arrive $0xFFFF;
	s2 =	simm.s32 @!p0 $0x1C09  }
0x1b4: {  	[timem:s3], [sflag:s2] =	dma.local @!p0 [hbm:s0], s1  }
0x1b5: {  	s0 =	simm.s32 @!p0 $0x9  }
0x1b6: {  	_ =	swait.ge @!p0 [sflag:s0], s1  }
0x1b7: {  	s1 =	ssub.s32 @!p0 $0x0, s1;
	[sflag:s0] =	ssyncset.done @!p0 $0x0  }
0x1b8: {  	[sflag:s0] =	ssyncadd.s32 @!p0 s1  }
0x1b9: {  	[bflag:$0x3] =	sbarrier.arrive $0xFFFF  }
0x1ba: {  	_ =	shalt  }

// kernel: kernel.7.cloned.1.call-start
scs
__scs_entry_jumppad:
0x0: {  	(pc) =	sbr.rel $0x88, $3  }
0x1: {  	(tag) =	ssettag $0x0;
	lr =	simm.s32 $0x1  }
0x2: {  	[smem:$0x3F97] =	sst lr;
	_ =	strace $0xD0000000  }
0x3: {  	_ = 	snop  }
0x4: {  	_ = 	snop  }
0x5: {  	_ = 	snop  }
0x6: {  	_ = 	snop  }
0x7: {  	_ = 	snop  }
__scs_overlays_trampoline_lowered:
0x8: {  	[smem:$0x3FA6] =	sst s0  }
0x9: {  	[smem:$0x3FA7] =	sst s1  }
0xa: {  	[smem:$0x3FA8] =	sst s2  }
0xb: {  	[smem:$0x3FA9] =	sst s3  }
0xc: {  	[smem:$0x3FAA] =	sst s4  }
0xd: {  	[smem:$0x3FAB] =	sst s5  }
0xe: {  	[smem:$0x3FAC] =	sst s6  }
0xf: {  	[smem:$0x3FAD] =	sst s7  }
0x10: {  	[smem:$0x3FAE] =	sst s8  }
0x11: {  	[smem:$0x3FAF] =	sst s9;
	s0 =	simm.s32 @!p0 $0x0  }
0x12: {  	s1 =	sld [smem:$0x3F95];
	s0 =	simm.s32 @p0 $0x1  }
0x13: {  	[smem:$0x3FB0] =	sst s0;
	s0 =	simm.s32 @!p1 $0x0  }
0x14: {  	s2 =	sld [smem:$0x3F94];
	s0 =	simm.s32 @p1 $0x1  }
0x15: {  	[smem:$0x3FB1] =	sst s0;
	s0 =	simm.s32 @!p2 $0x0  }
0x16: {  	s3 =	sld [smem:$0x3FDB];
	s0 =	simm.s32 @p2 $0x1  }
0x17: {  	s4 =	simm.s32 $0x1BF5;
	[smem:$0x3FB3] =	sst s0  }
0x18: {  	s0 =	sld [smem:$0x3F96];
	_ =	swait.ge [sflag:s4], $0x0  }
0x19: {  	s7 =	sld [smem:$0x3F97]  }
0x1a: {  	s8 =	sadd.s32 $0xFFFFE003, lr  }
0x1b: {  	s9 =	sadd.s32 $0xFFFFFEF7, lr;
	s5 =	simm.s32 $0xFFFFFFFF;
	p2 =	slt.u32 s8, $0xFFFFF086  }
0x1c: {  	p1 =	slt.u32 s9, $0xF7A;
	s5 =	simm.s32 @!p2 $0x0  }
0x1d: {  	s5 =	simm.s32 @p1 $0x1;
	p0 =	seq.s32 s7, s2  }
0x1e: {  	s7 =	smul.u32 @!p0 $0xF7A, s2;
	p2 =	seq.s32 @!p0 s5, $0x0  }
0x1f: {  	s9 =	smul.u32 $0xF7A, s1;
	s8 =	simm.s32 @!p0 $0x1BF5;
	p2 =	por !p2, p0  }
0x20: {  	[sflag:s8] =	ssyncset.s32 @!p0 $0xFFFFF086;
	s6 =	sadd.s32 @!p0 s3, s7;
	s7 =	simm.s32 @!p0 $0x108  }
0x21: {  	s3 =	sadd.s32 s3, s9;
	s6 =	sadd.s32 @!p0 $0x88, s6;
	s7 =	simm.s32 @p2 $0x1082  }
0x22: {  	[simem:s7], [sflag:s8] =	dma.local @!p0 [hbm:s6], $0xF7A  }
0x23: {  	s9 =	sor.u32 $0xD0000000, s2;
	s6 =	simm.s32 $0x108;
	_ =	swait.ge @!p0 [sflag:s8], $0x0  }
0x24: {  	s3 =	sadd.s32 $0x88, s3;
	s6 =	simm.s32 @!p1 $0x1082;
	[sflag:s4] =	ssyncset.s32 $0xFFFFF086  }
0x25: {  	[simem:s6], [sflag:s4] =	dma.local [hbm:s3], $0xF7A  }
0x26: {  	[smem:$0x3F97] =	sst s1;
	(tag) =	ssettag s2;
	_ =	strace s9  }
0x27: {  	s1 =	sld [smem:$0x3FA7]  }
0x28: {  	s2 =	sld [smem:$0x3FA8]  }
0x29: {  	s4 =	sld [smem:$0x3FAA]  }
0x2a: {  	p0 =	seq.s32 s5, $0x0;
	s5 =	sld [smem:$0x3FAB]  }
0x2b: {  	s6 =	sld [smem:$0x3FAC]  }
0x2c: {  	s7 =	sld [smem:$0x3FAD]  }
0x2d: {  	s3 =	simm.s32 $0x108;
	s8 =	sld [smem:$0x3FAE]  }
0x2e: {  	s3 =	simm.s32 @!p0 $0x1082;
	s9 =	sld [smem:$0x3FAF]  }
0x2f: {  	lr =	sadd.s32 s0, s3;
	s0 =	sld [smem:$0x3FA6]  }
0x30: {  	s3 =	sld [smem:$0x3FA9]  }
0x31: {  	[smem:$0x3FB2] =	sst s10  }
0x32: {  	s10 =	sld [smem:$0x3FB0];
	_ =	sdelay $0x3  }
0x33: {  	p0 =	seq.s32 s10, $0x1;
	s10 =	sld [smem:$0x3FB2];
	_ =	sdelay $0x3  }
0x34: {  	[smem:$0x3FB2] =	sst s10  }
0x35: {  	s10 =	sld [smem:$0x3FB1];
	_ =	sdelay $0x3  }
0x36: {  	p1 =	seq.s32 s10, $0x1;
	s10 =	sld [smem:$0x3FB2];
	_ =	sdelay $0x3  }
0x37: {  	[smem:$0x3FB2] =	sst s10  }
0x38: {  	s10 =	sld [smem:$0x3FB3]  }
0x39: {  	_ = 	snop;
	(pc) =	sbr.ind lr, $3  }
0x3a: {  	_ = 	snop  }
0x3b: {  	_ = 	snop  }
0x3c: {  	p2 =	seq.s32 s10, $0x1;
	s10 =	sld [smem:$0x3FB2]  }
0x3d: {  	_ =	shalt  }
0x3e: {  	_ =	shalt  }
0x3f: {  	_ =	shalt  }
0x40: {  	_ =	shalt  }
0x41: {  	_ =	shalt  }
0x42: {  	_ =	shalt  }
0x43: {  	_ =	shalt  }
0x44: {  	_ =	shalt  }
0x45: {  	_ =	shalt  }
0x46: {  	_ =	shalt  }
0x47: {  	_ =	shalt  }
0x48: {  	_ =	shalt  }
0x49: {  	_ =	shalt  }
0x4a: {  	_ =	shalt  }
0x4b: {  	_ =	shalt  }
0x4c: {  	_ =	shalt  }
0x4d: {  	_ =	shalt  }
0x4e: {  	_ =	shalt  }
0x4f: {  	_ =	shalt  }
0x50: {  	_ =	shalt  }
0x51: {  	_ =	shalt  }
0x52: {  	_ =	shalt  }
0x53: {  	_ =	shalt  }
0x54: {  	_ =	shalt  }
0x55: {  	_ =	shalt  }
0x56: {  	_ =	shalt  }
0x57: {  	_ =	shalt  }
0x58: {  	_ =	shalt  }
0x59: {  	_ =	shalt  }
0x5a: {  	_ =	shalt  }
0x5b: {  	_ =	shalt  }
0x5c: {  	_ =	shalt  }
0x5d: {  	_ =	shalt  }
0x5e: {  	_ =	shalt  }
0x5f: {  	_ =	shalt  }
0x60: {  	_ =	shalt  }
0x61: {  	_ =	shalt  }
0x62: {  	_ =	shalt  }
0x63: {  	_ =	shalt  }
0x64: {  	_ =	shalt  }
0x65: {  	_ =	shalt  }
0x66: {  	_ =	shalt  }
0x67: {  	_ =	shalt  }
0x68: {  	_ =	shalt  }
0x69: {  	_ =	shalt  }
0x6a: {  	_ =	shalt  }
0x6b: {  	_ =	shalt  }
0x6c: {  	_ =	shalt  }
0x6d: {  	_ =	shalt  }
0x6e: {  	_ =	shalt  }
0x6f: {  	_ =	shalt  }
0x70: {  	_ =	shalt  }
0x71: {  	_ =	shalt  }
0x72: {  	_ =	shalt  }
0x73: {  	_ =	shalt  }
0x74: {  	_ =	shalt  }
0x75: {  	_ =	shalt  }
0x76: {  	_ =	shalt  }
0x77: {  	_ =	shalt  }
0x78: {  	_ =	shalt  }
0x79: {  	_ =	shalt  }
0x7a: {  	_ =	shalt  }
0x7b: {  	_ =	shalt  }
0x7c: {  	_ =	shalt  }
0x7d: {  	_ =	shalt  }
0x7e: {  	_ =	shalt  }
0x7f: {  	_ =	shalt  }
0x80: {  	_ =	shalt  }
0x81: {  	_ =	shalt  }
0x82: {  	_ =	shalt  }
0x83: {  	_ =	shalt  }
0x84: {  	_ =	shalt  }
0x85: {  	_ =	shalt  }
0x86: {  	_ =	shalt  }
0x87: {  	_ =	shalt  }
.Lfunc_end0:
.L_simem_size_0:
called_computation_lowered:
.L_overlay_start_0:
0x88: {  	s2 =	sld [smem:$0x3FD9]  }
0x89: {  	s3 =	sld [smem:$0x3FFE];
	_ =	sdelay $0x1  }
0x8a: {  	s1 =	srdreg.scid  }
0x8b: {  	s0 =	sand.u32 $0x1, s1  }
0x8c: {  	s17 =	sshll.u32 s0, $0xA;
	s2 =	sadd.s32 s3, s2  }
0x8d: {  	s2 =	sadd.s32 s2, s17  }
0x8e: {  	[smem:$0x3FBE] =	sst s2  }
0x8f: {  	_ = 	snop  }
0x90: {  	s2 =	sld [smem:$0x3FD0];
	(tm) =	ssettm $0x1  }
0x91: {  	s18 =	sld [smem:$0x3FFB];
	_ =	sdelay $0x3  }
0x92: {  	_ =	strace s18  }
0x93: {  	s3 =	sld [smem:$0x3FFC];
	_ =	sdelay $0x3  }
0x94: {  	_ =	strace s3  }
0x95: {  	s3 =	sld [smem:$0x3FFD];
	_ =	sdelay $0x3  }
0x96: {  	_ =	strace s3  }
0x97: {  	_ =	strace $0x8FFFFFFF  }
0x98: {  	s19 =	sld [smem:$0x3FDB];
	_ =	sdelay $0x1  }
0x99: {  	s4 =	simm.s32 $_scs_section_size  }
0x9a: {  	s5 =	simm.s32 $_size__tile_overlayer_lowered;
	s6 =	simm.s32 $_tile_overlayer_lowered  }
0x9b: {  	s22 =	simm.s32 $0x1BFF;
	s21 =	sshll.u32 s6, $0x1;
	s3 =	sadd.s32 s4, s19  }
0x9c: {  	s7 =	simm.s32 $0x0;
	s20 =	sshll.u32 s5, $0x1;
	s5 =	sadd.s32 s21, s3  }
0x9d: {  	[timem:s7], [sflag:s22] =	dma.local [hbm:s5], s20  }
0x9e: {  	_ =	swait.ge [sflag:s22], s20  }
0x9f: {  	s4 =	ssub.s32 $0x0, s20;
	[sflag:s22] =	ssyncset.done $0x0  }
0xa0: {  	[sflag:s22] =	ssyncadd.s32 s4;
	_ =	sdelay $0x1  }
0xa1: {  	s23 =	simm.s32 $0x1B8B  }
0xa2: {  	_ =	swait.ge [sflag:s23], $0x1  }
0xa3: {  	[sflag:s23] =	ssyncset.done $0x0  }
0xa4: {  	s25 =	simm.s32 $0x1B8E;
	s24 =	sld [smem:$0x3FFE];
	[sflag:s23] =	ssyncadd.s32 $0xFFFFFFFF  }
0xa5: {  	s26 =	simm.s32 $execute0_lowered;
	[smem:$0x3FD2] =	sst s25  }
0xa6: {  	s5 =	sshll.u32 s26, $0x1;
	_ =	strace $0x80000046;
	[dreg:$0x1] =	wrdreg $0xFFFFFFFF  }
0xa7: {  	s28 =	simm.s32 $_size_execute0_lowered;
	s3 =	sadd.s32 s3, s5;
	[dreg:$0x0] =	wrdreg $0x0  }
0xa8: {  	s5 =	sshll.u32 s28, $0x1;
	[dreg:$0x2] =	wrdreg s3  }
0xa9: {  	[dreg:$0x3] =	wrdreg s5  }
0xaa: {  	[dreg:$0x4] =	wrdreg $0xC0  }
0xab: {  	_ =	task [dreg:s7], $0x5FFFF  }
0xac: {  	[dreg:$0x1] =	wrdreg $0xFFFFFFFF  }
0xad: {  	[dreg:$0x0] =	wrdreg $0x60  }
0xae: {  	[dreg:$0x2] =	wrdreg s24  }
0xaf: {  	[dreg:$0x3] =	wrdreg s2  }
0xb0: {  	[dreg:$0x4] =	wrdreg $0x93800  }
0xb1: {  	[dreg:$0x5] =	wrdreg $0x9  }
0xb2: {  	_ =	task.clear_ibuf [dreg:s7], $0x6FFFF;
	_ =	strace $0x90000046  }
0xb3: {  	s29 =	simm.s32 $0x9;
	_ =	strace $0x80000048  }
0xb4: {  	_ =	swait.ge [sflag:s29], $0x1  }
0xb5: {  	[sflag:s29] =	ssyncadd.s32 $0xFFFFFFFF  }
0xb6: {  	_ =	strace $0x90000048  }
0xb7: {  	_ =	sfence  }
0xb8: {  	s30 =	sld [smem:$0x0];
	_ =	sdelay $0x2  }
0xb9: {  	s31 =	sshll.u32 s1, $0xD;
	s1 =	sshrl.u32 s1, $0x2  }
0xba: {  	s3 =	sand.u32 $0x4000, s31;
	s1 =	sadd.s32 s1, s30  }
0xbb: {  	s0 =	sor.u32 s3, s0;
	s1 =	sshll.u32 s1, $0x11  }
0xbc: {  	s0 =	sor.u32 s1, s0  }
0xbd: {  	s0 =	sadd.s32 $0x8F2B, s0  }
0xbe: {  	[sflag:s0] =	ssyncadd.remote.s32 $0x1  }
0xbf: {  	_ =	sfence.sel $0xFFFF  }
0xc0: {  	[dreg:$0x0] =	wrdreg $0xFFFFFFFF;
	(pc) =	sbr.abs _section_cstart, $3  }
0xc1: {  	[dreg:$0x1] =	wrdreg $0xFFFFFFFF  }
0xc2: {  	_ =	task.clear_ibuf [dreg:s7], $0x2FFFF;
	_ =	strace $0x9FFFFFFF  }
0xc3: {  	(tm) =	ssettm $0x7FFFFFFF  }
tec
execute0_lowered:
.L_overlay_start_1:
0x0: {  	(tag) =	ssettag $0x1  }
0x1: {  	s0 =	rddreg [dreg:$0x0]  }
0x2: {  	s1 =	rddreg [dreg:$0x1]  }
0x3: {  	s2 =	rddreg [dreg:$0x2]  }
0x4: {  	s3 =	simm.s32 $0x0;
	s4 =	srdreg.scid;
	s13 =	stileid.u32  }
0x5: {  	[smem:$0x7FF] =	sst s3;
	s5 =	sadd.s32 $0x1600, s0;
	s9 =	smul.u32 $0x5A000, s13  }
0x6: {  	s6 =	sadd.s32 $0xB400, s0;
	s4 =	sand.u32 $0x1, s4;
	s12 =	smul.u32 $0x280, s13  }
0x7: {  	s8 =	ssub.s32 $0x2, s4;
	s11 =	sshll.u32 s4, $0x4;
	s4 =	smul.u32 $0x2800, s4  }
0x8: {  	s10 =	sshrl.u32 s8, $0x1;
	s11 =	sor.u32 s13, s11;
	s9 =	sshrl.u32 s9, $0x2  }
0x9: {  	s10 =	ssub.s32 s8, s10;
	s8 =	sadd.s32 s9, s2;
	s9 =	smul.u32 $0x2710, s11  }
0xa: {  	s7 =	sadd.s32 $0x38400, s0;
	_ =	strace $0x80000047;
	s4 =	sadd.s32 s12, s4  }
0xb: {  	s24 =	sadd.s32 $0x8700, s8;
	s12 =	smul.u32 $0x90, s4;
	s25 =	sshrl.u32 s9, $0x3  }
0xc: {  	s4 =	smul.u32 $0x12, s4;
	[dreg:$0x4] =	wrdreg s24;
	s26 =	sadd.s32 s5, s25  }
0xd: {  	s0 =	sadd.s32 $0x3D400, s0;
	s11 =	sadd.s32 s1, s25;
	[dreg:$0x5] =	wrdreg s26  }
0xe: {  	s4 =	sadd.s32 s0, s4;
	[dreg:$0x6] =	wrdreg s11  }
0xf: {  	s28 =	sadd.s32 $0xA, s25;
	s25 =	smax.u32 s10, $0x1;
	[dreg:$0x9] =	wrdreg s4  }
0x10: {  	s14 =	sadd.s32 s5, s28;
	[dreg:$0x11] =	wrdreg s25  }
0x11: {  	s31 =	simm.s32 $0x6680;
	s16 =	sadd.s32 s1, s28;
	[dreg:$0x7] =	wrdreg s14  }
0x12: {  	s15 =	sshrl.u32 s12, $0x3;
	s26 =	sadd.s32 $0xB400, s8;
	[dreg:$0x8] =	wrdreg s16  }
0x13: {  	s0 =	sadd.s32 s0, s15;
	s28 =	sadd.s32 $0xE100, s8;
	[dreg:$0x12] =	wrdreg s26  }
0x14: {  	s13 =	simm.s32 $0x1;
	s17 =	sadd.s32 $0x5A0, s0;
	[dreg:$0x13] =	wrdreg s28  }
0x15: {  	s19 =	sadd.s32 $0x2D00, s8;
	s18 =	sadd.s32 $0xB40, s0;
	[dreg:$0xa] =	wrdreg s17  }
0x16: {  	s20 =	sadd.s32 $0x5A00, s8;
	s21 =	sadd.s32 $0x10E0, s0;
	[dreg:$0xb] =	wrdreg s18  }
0x17: {  	s29 =	sadd.s32 $0x10E00, s8;
	s22 =	sadd.s32 $0x1680, s0;
	[dreg:$0xc] =	wrdreg s21  }
0x18: {  	s30 =	sadd.s32 $0x13B00, s8;
	s23 =	sadd.s32 $0x1C20, s0;
	[dreg:$0xd] =	wrdreg s22  }
0x19: {  	s4 =	simm.s32 $0x50;
	s24 =	sadd.s32 $0x21C0, s0;
	[dreg:$0xe] =	wrdreg s23  }
0x1a: {  	s15 =	simm.s32 $0x7;
	s0 =	sadd.s32 $0x2760, s0;
	[dreg:$0xf] =	wrdreg s24  }
0x1b: {  	s14 =	simm.s32 $0xC80;
	s16 =	simm.s32 $0x6;
	[dreg:$0x10] =	wrdreg s0  }
0x1c: {  	v0 =	vimm.f32 $0.0e+00;
	s0 =	simm.s32 $0x5;
	s17 =	simm.s32 $0x8;
	s18 =	simm.s32 $0x0  }
.LBB2_1:
0x1d: {  	s10 =	simm.s32 $0x0;
	s11 =	simm.s32 $0x240  }
.LBB2_2:
0x1e: {  	p0 =	sne.s32 s11, $0xB1C0;
	[tilespmem:s10+$0x6700] =	vst v0  }
0x1f: {  	[tilespmem:s10+$0x6680] =	vst v0  }
0x20: {  	[tilespmem:s10+$0x6690] =	vst v0  }
0x21: {  	[tilespmem:s10+$0x66A0] =	vst v0  }
.Ltmp0:
0x22: {  	[tilespmem:s10+$0x66B0] =	vst v0;
	(pc) =	sbr.rel @p0 .LBB2_2-.Ltmp0, $4  }
0x23: {  	[tilespmem:s10+$0x66C0] =	vst v0  }
0x24: {  	[tilespmem:s10+$0x66D0] =	vst v0  }
0x25: {  	[tilespmem:s10+$0x66E0] =	vst v0  }
0x26: {  	[tilespmem:s10+$0x66F0] =	vst v0;
	s10 =	sshra.s32 s11, $0x2;
	s11 =	sadd.s32 $0x240, s11  }
0x27: {  	[tilespmem:s10+$0x6700] =	vst v0  }
0x28: {  	[tilespmem:s10+$0x6680] =	vst v0  }
0x29: {  	[tilespmem:s10+$0x6690] =	vst v0  }
0x2a: {  	[tilespmem:s10+$0x66A0] =	vst v0  }
0x2b: {  	[tilespmem:s10+$0x66B0] =	vst v0  }
0x2c: {  	[tilespmem:s10+$0x66C0] =	vst v0  }
0x2d: {  	[tilespmem:s10+$0x66D0] =	vst v0  }
0x2e: {  	[tilespmem:s10+$0x66E0] =	vst v0  }
0x2f: {  	[tilespmem:s10+$0x66F0] =	vst v0  }
0x30: {  	[spmem:s8] =	stream.linear.scatter [tilespmem:s31], [sflag:$0x5], $0x2D00, $0x38;
	[tilespmem:$0x1FB80] =	vst v63  }
0x31: {  	_ = 	snop  }
0x32: {  	[spmem:s19] =	stream.linear.scatter [tilespmem:s31], [sflag:$0x5], $0x2D00, $0x38;
	[tilespmem:$0x1FB80] =	vst v63  }
0x33: {  	_ = 	snop  }
0x34: {  	[spmem:s20] =	stream.linear.scatter [tilespmem:s31], [sflag:$0x5], $0x2D00, $0x38;
	[tilespmem:$0x1FB80] =	vst v63  }
0x35: {  	s12 =	rddreg [dreg:$0x4]  }
0x36: {  	[spmem:s12] =	stream.linear.scatter [tilespmem:s31], [sflag:$0x5], $0x2D00, $0x38;
	[tilespmem:$0x1FB80] =	vst v63  }
0x37: {  	s26 =	smov.u32 s19;
	s19 =	rddreg [dreg:$0x12]  }
0x38: {  	[spmem:s19] =	stream.linear.scatter [tilespmem:s31], [sflag:$0x5], $0x2D00, $0x38;
	[tilespmem:$0x1FB80] =	vst v63  }
0x39: {  	s28 =	smov.u32 s20;
	s20 =	rddreg [dreg:$0x13]  }
0x3a: {  	[spmem:s20] =	stream.linear.scatter [tilespmem:s31], [sflag:$0x5], $0x2D00, $0x38;
	[tilespmem:$0x1FB80] =	vst v63  }
0x3b: {  	_ = 	snop  }
0x3c: {  	[spmem:s29] =	stream.linear.scatter [tilespmem:s31], [sflag:$0x5], $0x2D00, $0x38;
	[tilespmem:$0x1FB80] =	vst v63  }
0x3d: {  	_ = 	snop  }
0x3e: {  	[spmem:s30] =	stream.linear.scatter [tilespmem:s31], [sflag:$0x5], $0x2D00, $0x38;
	[tilespmem:$0x1FB80] =	vst v63  }
0x3f: {  	_ =	swait.ge [sflag:s0], $0x2D00  }
0x40: {  	[sflag:s0] =	ssyncset.done $0x0  }
0x41: {  	[sflag:s0] =	ssyncadd.s32 $0xFFFFD300  }
0x42: {  	_ =	swait.ge [sflag:s0], $0x2D00  }
0x43: {  	[sflag:s0] =	ssyncset.done $0x0  }
0x44: {  	[sflag:s0] =	ssyncadd.s32 $0xFFFFD300  }
0x45: {  	_ =	swait.ge [sflag:s0], $0x2D00  }
0x46: {  	[sflag:s0] =	ssyncset.done $0x0  }
0x47: {  	[sflag:s0] =	ssyncadd.s32 $0xFFFFD300  }
0x48: {  	_ =	swait.ge [sflag:s0], $0x2D00  }
0x49: {  	[sflag:s0] =	ssyncset.done $0x0  }
0x4a: {  	[sflag:s0] =	ssyncadd.s32 $0xFFFFD300  }
0x4b: {  	_ =	swait.ge [sflag:s0], $0x2D00  }
0x4c: {  	[sflag:s0] =	ssyncset.done $0x0  }
0x4d: {  	[sflag:s0] =	ssyncadd.s32 $0xFFFFD300  }
0x4e: {  	_ =	swait.ge [sflag:s0], $0x2D00  }
0x4f: {  	[sflag:s0] =	ssyncset.done $0x0  }
0x50: {  	[sflag:s0] =	ssyncadd.s32 $0xFFFFD300  }
0x51: {  	_ =	swait.ge [sflag:s0], $0x2D00  }
0x52: {  	[sflag:s0] =	ssyncset.done $0x0  }
0x53: {  	[sflag:s0] =	ssyncadd.s32 $0xFFFFD300  }
0x54: {  	_ =	swait.ge [sflag:s0], $0x2D00  }
0x55: {  	[sflag:s0] =	ssyncset.done $0x0  }
0x56: {  	[sflag:s0] =	ssyncadd.s32 $0xFFFFD300  }
0x57: {  	[bflag:$0x0] =	sbarrier.arrive $0xFFFF  }
0x58: {  	s19 =	simm.s32 $0x0;
	s21 =	rddreg [dreg:$0x5]  }
0x59: {  	[tilespmem:s19], [sflag:$0x1] =	stream.linear.gather [hbm4b:s21+s19], $0x50, $0x38;
	[tilespmem:$0x1FB80] =	vst v63  }
0x5a: {  	s11 =	simm.s32 $0x140;
	s22 =	rddreg [dreg:$0x6]  }
0x5b: {  	[tilespmem:s11], [sflag:$0x1] =	stream.linear.gather [hbm4b:s22+s19], $0x50, $0x38;
	[tilespmem:$0x1FB80] =	vst v63  }
0x5c: {  	s23 =	rddreg [dreg:$0x7]  }
0x5d: {  	[tilespmem:s4], [sflag:$0x2] =	stream.linear.gather [hbm4b:s23+s19], $0x50, $0x38;
	[tilespmem:$0x1FB80] =	vst v63  }
0x5e: {  	s12 =	simm.s32 $0x190;
	s24 =	rddreg [dreg:$0x8]  }
0x5f: {  	[tilespmem:s12], [sflag:$0x2] =	stream.linear.gather [hbm4b:s24+s19], $0x50, $0x38;
	[tilespmem:$0x1FB80] =	vst v63  }
0x60: {  	_ =	swait.ge [sflag:s13], $0x50  }
0x61: {  	[sflag:s13] =	ssyncset.done $0x0  }
0x62: {  	[sflag:s13] =	ssyncadd.s32 $0xFFFFFFB0  }
0x63: {  	_ =	swait.ge [sflag:s13], $0x50  }
0x64: {  	[sflag:s13] =	ssyncset.done $0x0  }
0x65: {  	[sflag:s13] =	ssyncadd.s32 $0xFFFFFFB0  }
0x66: {  	[tilespmem:s14], [sflag:$0x5] =	stream.indirect.gather [hbm4b:s6+s4], $0x90, s19, s4, $0xb8;
	[tilespmem:$0x1FB80] =	vst v63  }
0x67: {  	s25 =	simm.s32 $0x280;
	p0 =	por $0x0, $0x0  }
0x68: {  	[tilespmem:s25], [sflag:$0x5] =	stream.indirect.gather [hbm4b:s7+s4], $0x10, s11, s4, $0xb8;
	[tilespmem:$0x1FB80] =	vst v63  }
.LBB2_4:
0x69: {  	p1 =	sgt.u32 s19, $0x7A  }
.Ltmp1:
0x6a: {  	_ = 	snop;
	(pc) =	sbr.rel @p1 .LBB2_6-.Ltmp1, $2  }
0x6b: {  	_ =	sdelay $0x2  }
0x6c: {  	s20 =	sadd.s32 $0x1, s19  }
0x6d: {  	s10 =	sadd.s32 $0x2, s19  }
0x6e: {  	s11 =	smul.u32 $0x50, s10  }
0x6f: {  	s10 =	sand.u32 $0x3, s10  }
0x70: {  	s12 =	smul.u32 $0x50, s10;
	s11 =	sadd.s32 s9, s11  }
.Ltmp2:
0x71: {  	s11 =	sshrl.u32 s11, $0x3;
	(pc) =	sbr.rel .LBB2_7-.Ltmp2, $4  }
0x72: {  	s10 =	sadd.s32 $0x1, s10;
	s21 =	sadd.s32 s5, s11  }
0x73: {  	[tilespmem:s12], [sflag:s10] =	stream.linear.gather [hbm4b:s21+s3], $0x50, $0x38;
	[tilespmem:$0x1FB80] =	vst v63  }
0x74: {  	s11 =	sadd.s32 s1, s11;
	s12 =	sadd.s32 $0x140, s12  }
0x75: {  	[tilespmem:s12], [sflag:s10] =	stream.linear.gather [hbm4b:s11+s3], $0x50, $0x38;
	[tilespmem:$0x1FB80] =	vst v63  }
.LBB2_6:
0x76: {  	p1 =	seq.s32 s19, $0x7C  }
.Ltmp3:
0x77: {  	_ = 	snop;
	(pc) =	sbr.rel @p1 .LBB2_8-.Ltmp3, $1  }
0x78: {  	_ =	sdelay $0x3  }
.LBB2_7:
0x79: {  	s10 =	sand.u32 $0x3, s20  }
0x7a: {  	s11 =	sadd.s32 $0x1, s10  }
0x7b: {  	_ =	swait.ge [sflag:s11], $0x50  }
0x7c: {  	s12 =	sand.u32 $0x1, s20;
	[sflag:s11] =	ssyncset.done $0x0  }
0x7d: {  	s21 =	smul.u32 $0xB400, s12;
	[sflag:s11] =	ssyncadd.s32 $0xFFFFFFB0  }
0x7e: {  	s24 =	sadd.s32 $0x5, s12;
	s12 =	smul.u32 $0x1400, s12;
	_ =	swait.ge [sflag:s11], $0x50  }
0x7f: {  	s10 =	smul.u32 $0x50, s10;
	s23 =	sshrl.u32 s21, $0x2;
	[sflag:s11] =	ssyncset.done $0x0  }
0x80: {  	s25 =	sshrl.u32 s12, $0x2;
	[sflag:s11] =	ssyncadd.s32 $0xFFFFFFB0;
	s11 =	sadd.s32 $0xC80, s23  }
0x81: {  	[tilespmem:s11], [sflag:s24] =	stream.indirect.gather [hbm4b:s6+s4], $0x90, s10, s4, $0xb8;
	[tilespmem:$0x1FB80] =	vst v63  }
0x82: {  	s10 =	sadd.s32 $0x140, s10;
	s11 =	sadd.s32 $0x280, s25  }
0x83: {  	[tilespmem:s11], [sflag:s24] =	stream.indirect.gather [hbm4b:s7+s4], $0x10, s10, s4, $0xb8;
	[tilespmem:$0x1FB80] =	vst v63  }
.LBB2_8:
0x84: {  	s10 =	sand.u32 $0x1, s19  }
0x85: {  	s10 =	sadd.s32 $0x5, s10  }
0x86: {  	_ =	swait.ge [sflag:s10], $0x2D00  }
0x87: {  	[sflag:s10] =	ssyncset.done $0x0  }
0x88: {  	[sflag:s10] =	ssyncadd.s32 $0xFFFFD300  }
0x89: {  	s11 =	simm.s32 $0x1;
	_ =	swait.ge [sflag:s10], $0x500  }
0x8a: {  	p1 =	seq.s32 s19, $0x0;
	s11 =	simm.s32 @!p0 $0x0;
	[sflag:s10] =	ssyncset.done $0x0  }
0x8b: {  	s12 =	smul.u32 $0xB400, s11;
	[sflag:s10] =	ssyncadd.s32 $0xFFFFFB00;
	s10 =	simm.s32 @!p1 $0x7  }
0x8c: {  	s11 =	smul.u32 $0x1400, s11;
	_ =	swait.ge @!p1 [sflag:s10], $0x2D00  }
0x8d: {  	s12 =	sshrl.u32 s12, $0x2;
	[sflag:s10] =	ssyncset.done @!p1 $0x0  }
0x8e: {  	s11 =	sshrl.u32 s11, $0x2;
	s25 =	sadd.s32 $0xEC0, s12;
	[sflag:s10] =	ssyncadd.s32 @!p1 $0xFFFFD300  }
0x8f: {  	s24 =	sadd.s32 $0x2C0, s11;
	v1 =	vld [tilespmem:s25+$0x230]  }
0x90: {  	v2 =	vld [tilespmem:s24+$0x30]  }
0x91: {  	v3 =	vld [tilespmem:s24+$0xFFFFFFC0]  }
0x92: {  	v4 =	vld [tilespmem:s25+$0xFFFFFED0]  }
0x93: {  	v5 =	vld [tilespmem:s24+$0xFFFFFFD0]  }
0x94: {  	v6 =	vld [tilespmem:s25+$0xFFFFFF60]  }
0x95: {  	v7 =	vld [tilespmem:s24+$0xFFFFFFE0]  }
0x96: {  	v60 =	vld [tilespmem:s25+$0xFFFFFFF0];
	v1 =	vadd.f32 v2, v1  }
0x97: {  	v8 =	vld [tilespmem:s24+$0xFFFFFFF0]  }
0x98: {  	v10 =	vld [tilespmem:s25+$0x80];
	v9 =	vmul.f32 $2.000000030e-01, v1  }
0x99: {  	v11 =	vld [tilespmem:s24+$0x0];
	vm0 =	vgt.f32 v1, $0.0e+00  }
0x9a: {  	v62 =	vld [tilespmem:s24+$0x20];
	v4 =	vadd.f32 v5, v4;
	v1 =	vsel vm0, v1, v9  }
0x9b: {  	v5 =	vld [tilespmem:s25+$0x110];
	v1 =	vmul.f32 $1.442695020e+00, v1  }
0x9c: {  	v6 =	vadd.f32 v7, v6;
	v7 =	vld [tilespmem:s25+$0x1A0];
	v12 =	vmul.f32 $2.000000030e-01, v4  }
0x9d: {  	v61 =	vadd.f32 v8, v60;
	vm6 =	vgt.f32 v4, $0.0e+00;
	v9 =	vld [tilespmem:s24+$0x10];
	(erf) = vpow2.f32 v1  }
0x9e: {  	v10 =	vadd.f32 v11, v10;
	v8 =	vmul.f32 $2.000000030e-01, v6;
	v4 =	vsel vm6, v4, v12;
	v12 =	vld [tilespmem:s25+$0xFFFFFE40]  }
0x9f: {  	vm7 =	vgt.f32 v6, $0.0e+00;
	vm1 =	vgt.f32 v61, $0.0e+00;
	v13 =	vmul.f32 $2.000000030e-01, v61  }
0xa0: {  	vm8 =	vgt.f32 v10, $0.0e+00;
	v6 =	vsel vm7, v6, v8;
	v8 =	vmul.f32 $2.000000030e-01, v10  }
0xa1: {  	v4 =	vmul.f32 $1.442695020e+00, v4;
	v6 =	vmul.f32 $1.442695020e+00, v6;
	v2 =	vadd.f32 v62, v7  }
0xa2: {  	v8 =	vsel vm8, v10, v8;
	v1 =	vsel vm1, v61, v13;
	v5 =	vadd.f32 v9, v5  }
0xa3: {  	v8 =	vmul.f32 $1.442695020e+00, v8;
	(erf) = vpow2.f32 v4;
	v3 =	vadd.f32 v3, v12  }
0xa4: {  	vm10 =	vgt.f32 v2, $0.0e+00;
	v7 =	vmul.f32 $1.442695020e+00, v1;
	v4 =	vmul.f32 $2.000000030e-01, v5  }
0xa5: {  	vm9 =	vgt.f32 v5, $0.0e+00;
	v9 =	vmul.f32 $2.000000030e-01, v3;
	vm11 =	vgt.f32 v3, $0.0e+00  }
0xa6: {  	s21 =	simm.s32 $0x68C0;
	v4 =	vsel vm9, v5, v4;
	v5 =	vmul.f32 $2.000000030e-01, v2;
	v63 =	vpop (erf);
	(erf) = vpow2.f32 v6  }
0xa7: {  	v3 =	vsel vm11, v3, v9;
	v4 =	vmul.f32 $1.442695020e+00, v4;
	[tilespmem:s21+$0x230] =	vst v63;
	(erf) = vpow2.f32 v7  }
0xa8: {  	s10 =	sadd.s32 $0x80, s24;
	v3 =	vmul.f32 $1.442695020e+00, v3;
	v2 =	vsel vm10, v2, v5;
	v6 =	vld [tilespmem:s25+$0x1B0];
	(erf) = vpow2.f32 v8  }
0xa9: {  	s22 =	sadd.s32 $0x480, s25;
	v24 =	vld [tilespmem:s10+$0xFFFFFFC0];
	v2 =	vmul.f32 $1.442695020e+00, v2;
	(erf) = vpow2.f32 v4  }
0xaa: {  	v27 =	vld [tilespmem:s22+$0xFFFFFED0];
	(erf) = vpow2.f32 v3  }
0xab: {  	v30 =	vld [tilespmem:s10+$0xFFFFFFD0];
	v4 =	vbroadcast v63, $0x0;
	(erf) = vpow2.f32 v2  }
0xac: {  	v33 =	vld [tilespmem:s22+$0xFFFFFF60]  }
0xad: {  	v34 =	vld [tilespmem:s10+$0xFFFFFFE0];
	v3 =	vpop (erf);
	v42 =	vmul.f32 v4, v6  }
0xae: {  	v37 =	vld [tilespmem:s22+$0xFFFFFFF0];
	[tilespmem:s21+$0xFFFFFED0] =	vst v3  }
0xaf: {  	v8 =	vld [tilespmem:s25+$0xFFFFFE50];
	[tilespmem:s21+$0x1B0] =	vst v42;
	v5 =	vpop (erf)  }
0xb0: {  	v6 =	vld [tilespmem:s25+$0x1C0];
	[tilespmem:s21+$0xFFFFFF60] =	vst v5;
	v4 =	vpop (erf)  }
0xb1: {  	v9 =	vld [tilespmem:s25+$0xFFFFFEE0];
	[tilespmem:s21+$0xFFFFFFF0] =	vst v4;
	v7 =	vpop (erf)  }
0xb2: {  	v14 =	vbroadcast v3, $0x0;
	v10 =	vld [tilespmem:s25+$0xFFFFFF70];
	[tilespmem:s21+$0x80] =	vst v7;
	v12 =	vpop (erf)  }
0xb3: {  	v11 =	vbroadcast v63, $0x1;
	v15 =	vld [tilespmem:s25+$0x0];
	[tilespmem:s21+$0x110] =	vst v12;
	v43 =	vpop (erf)  }
0xb4: {  	v16 =	vbroadcast v5, $0x0;
	v8 =	vmul.f32 v14, v8;
	[tilespmem:s21+$0xFFFFFE40] =	vst v43;
	v17 =	vld [tilespmem:s25+$0x90];
	v13 =	vpop (erf)  }
0xb5: {  	v6 =	vmul.f32 v11, v6;
	v11 =	vbroadcast v4, $0x0;
	v14 =	vld [tilespmem:s25+$0xFFFFFDC0];
	[tilespmem:s21+$0x1A0] =	vst v13  }
0xb6: {  	v18 =	vbroadcast v7, $0x0;
	[tilespmem:s21+$0xFFFFFE50] =	vst v8;
	v9 =	vmul.f32 v16, v9;
	v16 =	vld [tilespmem:s25+$0x120]  }
0xb7: {  	v19 =	vld [tilespmem:s25+$0xFFFFFE60];
	[tilespmem:s21+$0x1C0] =	vst v6;
	v6 =	vbroadcast v12, $0x0;
	v8 =	vmul.f32 v11, v10  }
0xb8: {  	v11 =	vbroadcast v43, $0x0;
	v10 =	vld [tilespmem:s25+$0x1D0];
	[tilespmem:s21+$0xFFFFFEE0] =	vst v9;
	v9 =	vmul.f32 v18, v15  }
0xb9: {  	v15 =	vbroadcast v13, $0x0;
	v18 =	vld [tilespmem:s25+$0xFFFFFEF0];
	[tilespmem:s21+$0xFFFFFF70] =	vst v8;
	v6 =	vmul.f32 v6, v17  }
0xba: {  	v8 =	vmul.f32 v11, v14;
	v11 =	vld [tilespmem:s25+$0xFFFFFF80];
	[tilespmem:s21+$0x0] =	vst v9;
	v14 =	vbroadcast v3, $0x1  }
0xbb: {  	v9 =	vbroadcast v63, $0x2;
	v17 =	vld [tilespmem:s25+$0x10];
	[tilespmem:s21+$0x90] =	vst v6;
	v6 =	vmul.f32 v15, v16  }
0xbc: {  	v15 =	vbroadcast v5, $0x1;
	[tilespmem:s21+$0xFFFFFDC0] =	vst v8;
	v8 =	vld [tilespmem:s25+$0xA0];
	v14 =	vmul.f32 v14, v19  }
0xbd: {  	v9 =	vmul.f32 v9, v10;
	v10 =	vbroadcast v4, $0x1;
	v16 =	vld [tilespmem:s25+$0xFFFFFDD0];
	[tilespmem:s21+$0x120] =	vst v6  }
0xbe: {  	v6 =	vbroadcast v7, $0x1;
	v15 =	vmul.f32 v15, v18;
	v18 =	vld [tilespmem:s25+$0x130];
	[tilespmem:s21+$0xFFFFFE60] =	vst v14  }
0xbf: {  	[tilespmem:s21+$0x1D0] =	vst v9;
	v9 =	vbroadcast v12, $0x1;
	v10 =	vmul.f32 v10, v11;
	v19 =	vld [tilespmem:s25+$0xFFFFFE70]  }
0xc0: {  	v14 =	vbroadcast v43, $0x1;
	v11 =	vld [tilespmem:s25+$0x1E0];
	[tilespmem:s21+$0xFFFFFEF0] =	vst v15;
	v6 =	vmul.f32 v6, v17  }
0xc1: {  	v15 =	vbroadcast v13, $0x1;
	v17 =	vld [tilespmem:s25+$0xFFFFFF00];
	[tilespmem:s21+$0xFFFFFF80] =	vst v10;
	v8 =	vmul.f32 v9, v8  }
0xc2: {  	v9 =	vmul.f32 v14, v16;
	v10 =	vld [tilespmem:s25+$0xFFFFFF90];
	[tilespmem:s21+$0x10] =	vst v6;
	v14 =	vbroadcast v3, $0x2  }
0xc3: {  	v6 =	vbroadcast v63, $0x3;
	v16 =	vld [tilespmem:s25+$0x20];
	[tilespmem:s21+$0xA0] =	vst v8;
	v8 =	vmul.f32 v15, v18  }
0xc4: {  	v15 =	vbroadcast v5, $0x2;
	[tilespmem:s21+$0xFFFFFDD0] =	vst v9;
	v9 =	vld [tilespmem:s25+$0xB0];
	v14 =	vmul.f32 v14, v19  }
0xc5: {  	v6 =	vmul.f32 v11, v6;
	v11 =	vbroadcast v4, $0x2;
	v18 =	vld [tilespmem:s25+$0xFFFFFDE0];
	[tilespmem:s21+$0x130] =	vst v8  }
0xc6: {  	v8 =	vbroadcast v7, $0x2;
	v15 =	vmul.f32 v15, v17;
	v17 =	vld [tilespmem:s25+$0x140];
	[tilespmem:s21+$0xFFFFFE70] =	vst v14  }
0xc7: {  	[tilespmem:s21+$0x1E0] =	vst v6;
	v6 =	vbroadcast v12, $0x2;
	v10 =	vmul.f32 v11, v10;
	v19 =	vld [tilespmem:s25+$0xFFFFFE80]  }
0xc8: {  	v14 =	vbroadcast v43, $0x2;
	v11 =	vld [tilespmem:s25+$0x1F0];
	[tilespmem:s21+$0xFFFFFF00] =	vst v15;
	v8 =	vmul.f32 v8, v16  }
0xc9: {  	v15 =	vbroadcast v13, $0x2;
	v16 =	vld [tilespmem:s25+$0xFFFFFF10];
	[tilespmem:s21+$0xFFFFFF90] =	vst v10;
	v6 =	vmul.f32 v6, v9  }
0xca: {  	v9 =	vmul.f32 v14, v18;
	v10 =	vld [tilespmem:s25+$0xFFFFFFA0];
	[tilespmem:s21+$0x20] =	vst v8;
	v14 =	vbroadcast v3, $0x3  }
0xcb: {  	v8 =	vbroadcast v63, $0x4;
	v18 =	vld [tilespmem:s25+$0x30];
	[tilespmem:s21+$0xB0] =	vst v6;
	v6 =	vmul.f32 v15, v17  }
0xcc: {  	v15 =	vbroadcast v5, $0x3;
	[tilespmem:s21+$0xFFFFFDE0] =	vst v9;
	v9 =	vld [tilespmem:s25+$0xC0];
	v14 =	vmul.f32 v19, v14  }
0xcd: {  	v8 =	vmul.f32 v11, v8;
	v11 =	vbroadcast v4, $0x3;
	v17 =	vld [tilespmem:s25+$0xFFFFFDF0];
	[tilespmem:s21+$0x140] =	vst v6  }
0xce: {  	v6 =	vbroadcast v7, $0x3;
	v15 =	vmul.f32 v16, v15;
	v16 =	vld [tilespmem:s25+$0x150];
	[tilespmem:s21+$0xFFFFFE80] =	vst v14  }
0xcf: {  	[tilespmem:s21+$0x1F0] =	vst v8;
	v8 =	vbroadcast v12, $0x3;
	v10 =	vmul.f32 v10, v11;
	v19 =	vld [tilespmem:s25+$0xFFFFFE90]  }
0xd0: {  	v14 =	vbroadcast v43, $0x3;
	v11 =	vld [tilespmem:s25+$0x200];
	[tilespmem:s21+$0xFFFFFF10] =	vst v15;
	v6 =	vmul.f32 v18, v6  }
0xd1: {  	v15 =	vbroadcast v13, $0x3;
	v18 =	vld [tilespmem:s25+$0xFFFFFF20];
	[tilespmem:s21+$0xFFFFFFA0] =	vst v10;
	v8 =	vmul.f32 v9, v8  }
0xd2: {  	v9 =	vmul.f32 v17, v14;
	v10 =	vld [tilespmem:s25+$0xFFFFFFB0];
	[tilespmem:s21+$0x30] =	vst v6;
	v14 =	vbroadcast v3, $0x4  }
0xd3: {  	v38 =	vld [tilespmem:s10+$0xFFFFFFF0];
	v6 =	vbroadcast v63, $0x5;
	[tilespmem:s21+$0xC0] =	vst v8;
	v8 =	vmul.f32 v16, v15  }
0xd4: {  	v15 =	vbroadcast v5, $0x4;
	[tilespmem:s21+$0xFFFFFDF0] =	vst v9;
	v9 =	vld [tilespmem:s25+$0xD0];
	v14 =	vmul.f32 v19, v14  }
0xd5: {  	v6 =	vmul.f32 v11, v6;
	v11 =	vbroadcast v4, $0x4;
	v16 =	vld [tilespmem:s25+$0xFFFFFE00]  }
0xd6: {  	v17 =	vld [tilespmem:s25+$0x40];
	[tilespmem:s21+$0x150] =	vst v8  }
0xd7: {  	v15 =	vmul.f32 v18, v15;
	v18 =	vld [tilespmem:s25+$0x160];
	[tilespmem:s21+$0xFFFFFE90] =	vst v14;
	v10 =	vmul.f32 v10, v11  }
0xd8: {  	[tilespmem:s21+$0x200] =	vst v6;
	v6 =	vbroadcast v12, $0x4;
	v11 =	vbroadcast v43, $0x4;
	v20 =	vld [tilespmem:s25+$0xFFFFFEA0]  }
0xd9: {  	v8 =	vbroadcast v7, $0x4;
	[tilespmem:s21+$0xFFFFFFB0] =	vst v10;
	v10 =	vld [tilespmem:s22+$0x230]  }
0xda: {  	v27 =	vadd.f32 v30, v27;
	v6 =	vmul.f32 v9, v6;
	v9 =	vmul.f32 v16, v11;
	v11 =	vld [tilespmem:s10+$0x30]  }
0xdb: {  	v19 =	vld [tilespmem:s25+$0x210];
	[tilespmem:s21+$0xFFFFFF20] =	vst v15;
	v8 =	vmul.f32 v17, v8  }
0xdc: {  	v30 =	vmul.f32 $2.000000030e-01, v27;
	v15 =	vld [tilespmem:s25+$0xFFFFFF30]  }
0xdd: {  	v36 =	vbroadcast v63, $0x6;
	v23 =	vbroadcast v13, $0x4;
	v16 =	vld [tilespmem:s25+$0xFFFFFFC0];
	[tilespmem:s21+$0x40] =	vst v8  }
0xde: {  	v22 =	vbroadcast v3, $0x5;
	v46 =	vbroadcast v3, $0x7;
	v17 =	vld [tilespmem:s25+$0x50]  }
0xdf: {  	v26 =	vbroadcast v5, $0x5;
	[tilespmem:s21+$0xD0] =	vst v6;
	v18 =	vmul.f32 v18, v23;
	v23 =	vld [tilespmem:s22+$0x80];
	v35 =	vadd.f32 v11, v10  }
0xe0: {  	v28 =	vbroadcast v4, $0x5;
	v29 =	vbroadcast v7, $0x5;
	[tilespmem:s21+$0xFFFFFE00] =	vst v9;
	v6 =	vld [tilespmem:s25+$0xE0]  }
0xe1: {  	vm13 =	vgt.f32 v27, $0.0e+00;
	v31 =	vbroadcast v12, $0x5;
	v21 =	vld [tilespmem:s25+$0xFFFFFE10];
	v39 =	vmul.f32 $2.000000030e-01, v35  }
0xe2: {  	v20 =	vmul.f32 v20, v22;
	v22 =	vmul.f32 v15, v26;
	v15 =	vld [tilespmem:s10+$0x0];
	vm12 =	vgt.f32 v35, $0.0e+00  }
0xe3: {  	v25 =	vbroadcast v43, $0x5;
	v16 =	vmul.f32 v16, v28;
	v28 =	vld [tilespmem:s22+$0x110];
	v26 =	vsel vm12, v35, v39  }
0xe4: {  	v27 =	vsel vm13, v27, v30;
	v29 =	vmul.f32 v17, v29;
	v17 =	vld [tilespmem:s10+$0x10];
	v26 =	vmul.f32 $1.442695020e+00, v26  }
0xe5: {  	v30 =	vld [tilespmem:s22+$0xFFFFFE40];
	v0 =	vbroadcast v43, $0x7;
	v6 =	vmul.f32 v6, v31;
	v31 =	vadd.f32 v34, v33  }
0xe6: {  	v19 =	vmul.f32 v19, v36;
	(erf) = vpow2.f32 v26  }
0xe7: {  	v34 =	vmul.f32 $2.000000030e-01, v31;
	v15 =	vadd.f32 v15, v23;
	v23 =	vmul.f32 $1.442695020e+00, v27  }
0xe8: {  	v44 =	vld [tilespmem:s22+$0x1A0];
	v21 =	vmul.f32 v21, v25;
	v25 =	vadd.f32 v38, v37;
	vm14 =	vgt.f32 v31, $0.0e+00  }
0xe9: {  	v27 =	vsel vm14, v31, v34;
	v17 =	vadd.f32 v17, v28;
	v26 =	vld [tilespmem:s10+$0x20];
	(erf) = vpow2.f32 v23  }
0xea: {  	v24 =	vadd.f32 v24, v30;
	[tilespmem:s21+$0x160] =	vst v18;
	v45 =	vmul.f32 $2.000000030e-01, v25;
	v27 =	vmul.f32 $1.442695020e+00, v27  }
0xeb: {  	[tilespmem:s21+$0x210] =	vst v19;
	vm15 =	vgt.f32 v25, $0.0e+00;
	v28 =	vmul.f32 $2.000000030e-01, v15;
	v23 =	vmul.f32 $2.000000030e-01, v17  }
0xec: {  	v18 =	vld [tilespmem:s25+$0x220];
	[tilespmem:s21+$0x50] =	vst v29;
	v25 =	vsel vm15, v25, v45;
	vm5 =	vgt.f32 v17, $0.0e+00;
	(erf) = vpow2.f32 v27  }
0xed: {  	[tilespmem:s21+$0xFFFFFEA0] =	vst v20;
	v29 =	vld [tilespmem:s25+$0x60];
	vm4 =	vgt.f32 v15, $0.0e+00;
	v19 =	vmul.f32 $1.442695020e+00, v25;
	v23 =	vsel vm5, v17, v23  }
0xee: {  	s23 =	simm.s32 $0x6D40;
	[tilespmem:s21+$0xFFFFFE10] =	vst v21;
	v31 =	vld [tilespmem:s25+$0x170];
	v15 =	vsel vm4, v15, v28;
	v21 =	vmul.f32 $1.442695020e+00, v23;
	v26 =	vadd.f32 v26, v44  }
0xef: {  	[tilespmem:s21+$0xFFFFFF30] =	vst v22;
	v28 =	vmul.f32 $2.000000030e-01, v24;
	v30 =	vmul.f32 $1.442695020e+00, v15;
	v15 =	vld [tilespmem:s25+$0xFFFFFE20];
	v17 =	vpop (erf)  }
0xf0: {  	vm7 =	vgt.f32 v24, $0.0e+00;
	v27 =	vld [tilespmem:s25+$0xFFFFFF40];
	(erf) = vpow2.f32 v19;
	v25 =	vmul.f32 $2.000000030e-01, v26;
	[tilespmem:s23+$0x230] =	vst v17  }
0xf1: {  	[tilespmem:s21+$0xFFFFFFC0] =	vst v16;
	v23 =	vsel vm7, v24, v28;
	(erf) = vpow2.f32 v30;
	vm6 =	vgt.f32 v26, $0.0e+00;
	v24 =	vld [tilespmem:s22+$0x1B0]  }
0xf2: {  	[tilespmem:s21+$0xE0] =	vst v6;
	v28 =	vld [tilespmem:s25+$0xFFFFFFD0];
	v20 =	vmul.f32 $1.442695020e+00, v23;
	(erf) = vpow2.f32 v21;
	v19 =	vsel vm6, v26, v25;
	v21 =	vpop (erf)  }
0xf3: {  	v32 =	vbroadcast v13, $0x5;
	v30 =	vld [tilespmem:s25+$0xF0];
	v19 =	vmul.f32 $1.442695020e+00, v19;
	[tilespmem:s23+$0xFFFFFED0] =	vst v21  }
0xf4: {  	v26 =	vld [tilespmem:s25+$0xFFFFFEB0];
	(erf) = vpow2.f32 v20;
	v16 =	vbroadcast v17, $0x0;
	[tilespmem:$0x1FFB0] =	vst v0  }
0xf5: {  	v25 =	vpop (erf);
	(erf) = vpow2.f32 v19;
	v19 =	vmul.f32 v31, v32;
	[tilespmem:$0x1FFC0] =	vst v46  }
0xf6: {  	v48 =	vbroadcast v12, $0x7;
	v47 =	vld [tilespmem:s22+$0xFFFFFE50];
	[tilespmem:s23+$0xFFFFFF60] =	vst v25;
	v6 =	vmul.f32 v16, v24  }
0xf7: {  	v49 =	vbroadcast v13, $0x7;
	v14 =	vbroadcast v43, $0x6;
	[tilespmem:s21+$0x170] =	vst v19  }
0xf8: {  	v8 =	vbroadcast v3, $0x6;
	v22 =	vbroadcast v13, $0x6;
	v31 =	vld [tilespmem:s25+$0x180];
	[tilespmem:s23+$0x1B0] =	vst v6  }
0xf9: {  	v13 =	vbroadcast v21, $0x0;
	v16 =	vbroadcast v63, $0x7;
	v19 =	vld [tilespmem:s22+$0x1C0];
	[tilespmem:$0x1FFD0] =	vst v48  }
0xfa: {  	v9 =	vbroadcast v5, $0x6;
	v23 =	vbroadcast v12, $0x6;
	[tilespmem:$0x1FFE0] =	vst v49  }
0xfb: {  	s24 =	sadd.s32 $0x480, s22;
	v5 =	vbroadcast v5, $0x7;
	v24 =	vpop (erf);
	v13 =	vmul.f32 v13, v47;
	v12 =	vld [tilespmem:s22+$0xFFFFFEE0]  }
0xfc: {  	v11 =	vbroadcast v7, $0x6;
	v39 =	vmul.f32 v30, v23;
	[tilespmem:s23+$0xFFFFFFF0] =	vst v24;
	v23 =	vld [tilespmem:s24+$0xFFFFFFF0]  }
0xfd: {  	v10 =	vbroadcast v4, $0x6;
	v20 =	vmul.f32 v18, v16;
	v16 =	vpop (erf);
	[tilespmem:s23+$0xFFFFFE50] =	vst v13;
	v50 =	vld [tilespmem:s22+$0xFFFFFF70]  }
0xfe: {  	v29 =	vmul.f32 v29, v11;
	v51 =	vbroadcast v17, $0x1;
	[tilespmem:s23+$0x80] =	vst v16;
	v18 =	vpop (erf);
	v43 =	vld [tilespmem:s22+$0xFFFFFE60]  }
0xff: {  	v28 =	vmul.f32 v28, v10;
	v52 =	vbroadcast v21, $0x1;
	v53 =	vld [tilespmem:s22+$0x0];
	[tilespmem:s23+$0x110] =	vst v18;
	v32 =	vpop (erf)  }
0x100: {  	v54 =	vbroadcast v25, $0x0;
	[tilespmem:s23+$0xFFFFFE40] =	vst v32;
	v40 =	vld [tilespmem:s22+$0x90];
	v35 =	vmul.f32 v51, v19;
	v19 =	vpop (erf)  }
0x101: {  	v37 =	vbroadcast v21, $0x2;
	v55 =	vbroadcast v24, $0x0;
	v41 =	vld [tilespmem:s22+$0xFFFFFDC0];
	[tilespmem:s23+$0x1A0] =	vst v19  }
0x102: {  	v42 =	vbroadcast v16, $0x0;
	v12 =	vmul.f32 v54, v12;
	v56 =	vld [tilespmem:s22+$0x120]  }
0x103: {  	[tilespmem:s23+$0x1C0] =	vst v35;
	v13 =	vmul.f32 v55, v50;
	v35 =	vmul.f32 v31, v22;
	v31 =	vld [tilespmem:s24+$0x80]  }
0x104: {  	v57 =	vbroadcast v18, $0x0;
	v36 =	vmul.f32 v52, v43;
	v58 =	vld [tilespmem:s22+$0x1D0];
	[tilespmem:s23+$0xFFFFFEE0] =	vst v12  }
0x105: {  	v59 =	vbroadcast v32, $0x0;
	v12 =	vmul.f32 v42, v53;
	v61 =	vld [tilespmem:s22+$0xFFFFFEF0];
	[tilespmem:s23+$0xFFFFFF70] =	vst v13  }
0x106: {  	v60 =	vbroadcast v19, $0x0;
	v13 =	vmul.f32 v57, v40;
	[tilespmem:s23+$0xFFFFFE60] =	vst v36;
	v62 =	vld [tilespmem:s22+$0xFFFFFF80]  }
0x107: {  	v34 =	vmul.f32 v59, v41;
	[tilespmem:s23+$0x0] =	vst v12;
	v12 =	vbroadcast v17, $0x2;
	v49 =	vld [tilespmem:s22+$0xFFFFFE70]  }
0x108: {  	v0 =	vbroadcast v25, $0x1;
	v63 =	vld [tilespmem:s22+$0x10];
	[tilespmem:s23+$0x90] =	vst v13;
	v13 =	vmul.f32 v60, v56  }
0x109: {  	v2 =	vbroadcast v24, $0x1;
	[tilespmem:s23+$0xFFFFFDC0] =	vst v34;
	v1 =	vld [tilespmem:s22+$0xA0];
	v12 =	vmul.f32 v12, v58  }
0x10a: {  	v44 =	vbroadcast v25, $0x3;
	v45 =	vld [tilespmem:s22+$0xFFFFFDD0];
	[tilespmem:s23+$0x120] =	vst v13;
	v38 =	vmul.f32 v0, v61  }
0x10b: {  	v13 =	vbroadcast v16, $0x1;
	v46 =	vld [tilespmem:s22+$0x130];
	[tilespmem:s23+$0x1D0] =	vst v12;
	v33 =	vmul.f32 v2, v62  }
0x10c: {  	v12 =	vbroadcast v18, $0x1;
	v37 =	vmul.f32 v37, v49;
	v47 =	vld [tilespmem:s22+$0x1E0];
	[tilespmem:s23+$0xFFFFFEF0] =	vst v38  }
0x10d: {  	v48 =	vbroadcast v32, $0x1;
	v13 =	vmul.f32 v13, v63;
	v51 =	vld [tilespmem:s22+$0xFFFFFF00];
	[tilespmem:s23+$0xFFFFFF80] =	vst v33  }
0x10e: {  	v50 =	vbroadcast v19, $0x1;
	v12 =	vmul.f32 v12, v1;
	[tilespmem:s23+$0xFFFFFE70] =	vst v37;
	v53 =	vld [tilespmem:s22+$0xFFFFFF90]  }
0x10f: {  	v52 =	vmul.f32 v48, v45;
	[tilespmem:s23+$0x10] =	vst v13;
	v13 =	vbroadcast v17, $0x3;
	v62 =	vld [tilespmem:s22+$0xFFFFFE80]  }
0x110: {  	v55 =	vbroadcast v25, $0x2;
	v54 =	vld [tilespmem:s22+$0x20];
	[tilespmem:s23+$0xA0] =	vst v12;
	v12 =	vmul.f32 v50, v46  }
0x111: {  	v57 =	vbroadcast v24, $0x2;
	[tilespmem:s23+$0xFFFFFDD0] =	vst v52;
	v56 =	vld [tilespmem:s22+$0xB0];
	v13 =	vmul.f32 v47, v13  }
0x112: {  	v40 =	vbroadcast v21, $0x3;
	v58 =	vld [tilespmem:s22+$0xFFFFFDE0];
	[tilespmem:s23+$0x130] =	vst v12;
	v38 =	vmul.f32 v55, v51  }
0x113: {  	v12 =	vbroadcast v16, $0x2;
	v59 =	vld [tilespmem:s22+$0x140];
	[tilespmem:s23+$0x1E0] =	vst v13;
	v34 =	vmul.f32 v57, v53  }
0x114: {  	v13 =	vbroadcast v18, $0x2;
	v40 =	vmul.f32 v62, v40;
	v60 =	vld [tilespmem:s22+$0x1F0];
	[tilespmem:s23+$0xFFFFFF00] =	vst v38  }
0x115: {  	v61 =	vbroadcast v32, $0x2;
	v12 =	vmul.f32 v12, v54;
	v0 =	vld [tilespmem:s22+$0xFFFFFF10];
	[tilespmem:s23+$0xFFFFFF90] =	vst v34  }
0x116: {  	v63 =	vbroadcast v19, $0x2;
	v13 =	vmul.f32 v13, v56;
	[tilespmem:s23+$0xFFFFFE80] =	vst v40;
	v34 =	vld [tilespmem:s22+$0xFFFFFFA0]  }
0x117: {  	v6 =	vbroadcast v4, $0x7;
	v1 =	vmul.f32 v61, v58;
	[tilespmem:s23+$0x20] =	vst v12;
	v51 =	vld [tilespmem:s22+$0xFFFFFE90]  }
0x118: {  	v12 =	vbroadcast v17, $0x4;
	v2 =	vld [tilespmem:s22+$0x30];
	[tilespmem:s23+$0xB0] =	vst v13;
	v13 =	vmul.f32 v63, v59  }
0x119: {  	v4 =	vbroadcast v7, $0x7;
	v36 =	vbroadcast v21, $0x4;
	[tilespmem:s23+$0xFFFFFDE0] =	vst v1;
	v45 =	vld [tilespmem:s22+$0xC0]  }
0x11a: {  	v46 =	vbroadcast v24, $0x3;
	v12 =	vmul.f32 v60, v12;
	v47 =	vld [tilespmem:s22+$0xFFFFFDF0];
	[tilespmem:s23+$0x140] =	vst v13  }
0x11b: {  	v13 =	vbroadcast v16, $0x3;
	v38 =	vmul.f32 v0, v44;
	v48 =	vld [tilespmem:s22+$0x150]  }
0x11c: {  	[tilespmem:s23+$0x1F0] =	vst v12;
	v34 =	vmul.f32 v34, v46;
	v36 =	vmul.f32 v51, v36;
	v51 =	vld [tilespmem:s24+$0x230]  }
0x11d: {  	v42 =	vbroadcast v25, $0x6;
	v12 =	vbroadcast v18, $0x3;
	v49 =	vld [tilespmem:s22+$0x200];
	[tilespmem:s23+$0xFFFFFF10] =	vst v38  }
0x11e: {  	v37 =	vbroadcast v21, $0x5;
	v13 =	vmul.f32 v2, v13;
	v53 =	vld [tilespmem:s22+$0xFFFFFF20];
	[tilespmem:s23+$0xFFFFFFA0] =	vst v34  }
0x11f: {  	v50 =	vbroadcast v32, $0x3;
	v12 =	vmul.f32 v45, v12;
	[tilespmem:s23+$0xFFFFFE90] =	vst v36;
	v34 =	vld [tilespmem:s22+$0xFFFFFFB0]  }
0x120: {  	v33 =	vbroadcast v32, $0x6;
	v52 =	vbroadcast v19, $0x3;
	[tilespmem:s23+$0x30] =	vst v13;
	v44 =	vld [tilespmem:s22+$0xFFFFFEA0]  }
0x121: {  	v62 =	vbroadcast v32, $0x4;
	v54 =	vmul.f32 v47, v50;
	v55 =	vld [tilespmem:s22+$0x40];
	[tilespmem:s23+$0xC0] =	vst v12  }
0x122: {  	s11 =	sadd.s32 $0x80, s10;
	v56 =	vbroadcast v25, $0x4;
	v58 =	vbroadcast v24, $0x4;
	v57 =	vld [tilespmem:s22+$0xD0]  }
0x123: {  	v1 =	vbroadcast v21, $0x6;
	v12 =	vmul.f32 v48, v52;
	[tilespmem:s23+$0xFFFFFDF0] =	vst v54;
	v54 =	vld [tilespmem:s11+$0xFFFFFFC0]  }
0x124: {  	v0 =	vbroadcast v32, $0x5;
	v13 =	vbroadcast v17, $0x5;
	v59 =	vld [tilespmem:s22+$0xFFFFFE00]  }
0x125: {  	v45 =	vbroadcast v25, $0x5;
	[tilespmem:s23+$0x150] =	vst v12;
	v38 =	vmul.f32 v53, v56;
	v53 =	vld [tilespmem:s11+$0x30]  }
0x126: {  	v47 =	vbroadcast v16, $0x5;
	v13 =	vmul.f32 v49, v13;
	v60 =	vld [tilespmem:s22+$0x160]  }
0x127: {  	v37 =	vmul.f32 v44, v37;
	v44 =	vmul.f32 v27, v9;
	v9 =	vld [tilespmem:s11+$0xFFFFFFD0]  }
0x128: {  	v12 =	vbroadcast v16, $0x4;
	[tilespmem:s23+$0x200] =	vst v13;
	v34 =	vmul.f32 v34, v58;
	v58 =	vld [tilespmem:s24+$0xFFFFFF60]  }
0x129: {  	v50 =	vbroadcast v19, $0x5;
	v13 =	vbroadcast v18, $0x4;
	v61 =	vld [tilespmem:s22+$0x210]  }
0x12a: {  	[tilespmem:s23+$0xFFFFFF20] =	vst v38;
	v12 =	vmul.f32 v55, v12;
	v55 =	vmul.f32 v26, v8;
	v26 =	vld [tilespmem:s24+$0xFFFFFED0]  }
0x12b: {  	v49 =	vbroadcast v18, $0x5;
	v38 =	vmul.f32 v15, v14;
	v63 =	vld [tilespmem:s22+$0xFFFFFF30];
	[tilespmem:s23+$0xFFFFFFB0] =	vst v34  }
0x12c: {  	v15 =	vbroadcast v19, $0x4;
	v13 =	vmul.f32 v57, v13;
	v34 =	vld [tilespmem:s22+$0xFFFFFFC0]  }
0x12d: {  	v8 =	vbroadcast v32, $0x7;
	v14 =	vmul.f32 v59, v62;
	[tilespmem:s23+$0x40] =	vst v12;
	v59 =	vld [tilespmem:s11+$0xFFFFFFE0]  }
0x12e: {  	v57 =	vbroadcast v24, $0x5;
	v12 =	vbroadcast v17, $0x6;
	v2 =	vld [tilespmem:s22+$0x50];
	[tilespmem:s23+$0xD0] =	vst v13  }
0x12f: {  	v17 =	vbroadcast v17, $0x7;
	v10 =	vadd.f32 v53, v51;
	v51 =	vbroadcast v24, $0x7;
	v46 =	vld [tilespmem:s22+$0xE0]  }
0x130: {  	[tilespmem:s23+$0xFFFFFE00] =	vst v14;
	v14 =	vbroadcast v24, $0x6;
	v43 =	vmul.f32 v60, v15;
	v60 =	vld [tilespmem:s11+$0xFFFFFFF0]  }
0x131: {  	v12 =	vmul.f32 v61, v12;
	v48 =	vld [tilespmem:s22+$0xFFFFFE10];
	v11 =	vmul.f32 $2.000000030e-01, v10  }
0x132: {  	v15 =	vbroadcast v19, $0x6;
	vm8 =	vgt.f32 v10, $0.0e+00;
	v61 =	vld [tilespmem:s11+$0x0];
	v27 =	vmul.f32 v63, v45  }
0x133: {  	v63 =	vld [tilespmem:s24+$0x1A0];
	[tilespmem:s23+$0x210] =	vst v12;
	v12 =	vbroadcast v16, $0x6;
	v34 =	vmul.f32 v34, v57;
	v10 =	vsel vm8, v10, v11  }
0x134: {  	v11 =	vbroadcast v21, $0x7;
	v21 =	vadd.f32 v9, v26;
	v26 =	vld [tilespmem:s24+$0x110];
	v47 =	vmul.f32 v2, v47  }
0x135: {  	v52 =	vld [tilespmem:s22+$0x220];
	v9 =	vmul.f32 $1.442695020e+00, v10;
	v10 =	vbroadcast v25, $0x7  }
0x136: {  	v40 =	vadd.f32 v59, v58;
	v25 =	vld [tilespmem:s11+$0x10];
	[tilespmem:$0x1FFF0] =	vst v51;
	v30 =	vmul.f32 v46, v49;
	v62 =	vmul.f32 $2.000000030e-01, v21  }
0x137: {  	vm9 =	vgt.f32 v21, $0.0e+00;
	v23 =	vadd.f32 v60, v23;
	[tilespmem:s21+$0x220] =	vst v20;
	(erf) = vpow2.f32 v9  }
0x138: {  	v24 =	vld [tilespmem:s11+$0x20];
	v20 =	vmul.f32 $2.000000030e-01, v40;
	vm10 =	vgt.f32 v40, $0.0e+00;
	[tilespmem:s23+$0x160] =	vst v43;
	v22 =	vmul.f32 v48, v0  }
0x139: {  	[tilespmem:s23+$0xFFFFFEA0] =	vst v37;
	v31 =	vadd.f32 v61, v31;
	v21 =	vsel vm9, v21, v62;
	vm11 =	vgt.f32 v23, $0.0e+00  }
0x13a: {  	[tilespmem:s23+$0xFFFFFF30] =	vst v27;
	v53 =	vmul.f32 $2.000000030e-01, v23;
	v20 =	vsel vm10, v40, v20;
	v17 =	vmul.f32 v52, v17;
	v52 =	vld [tilespmem:s24+$0xFFFFFE40]  }
0x13b: {  	v21 =	vmul.f32 $1.442695020e+00, v21;
	[tilespmem:s23+$0xFFFFFE10] =	vst v22;
	vm12 =	vgt.f32 v31, $0.0e+00;
	v22 =	vmul.f32 $2.000000030e-01, v31  }
0x13c: {  	[tilespmem:s23+$0xFFFFFFC0] =	vst v34;
	v56 =	vld [tilespmem:s22+$0x170];
	v20 =	vmul.f32 $1.442695020e+00, v20;
	v25 =	vadd.f32 v25, v26;
	v23 =	vsel vm11, v23, v53  }
0x13d: {  	[tilespmem:s21+$0xF0] =	vst v39;
	v46 =	vld [tilespmem:s22+$0xFFFFFEB0];
	(erf) = vpow2.f32 v21;
	v24 =	vadd.f32 v24, v63;
	v23 =	vmul.f32 $1.442695020e+00, v23  }
0x13e: {  	[tilespmem:s21+$0x180] =	vst v35;
	v45 =	vld [tilespmem:s22+$0xFFFFFF40];
	v22 =	vsel vm12, v31, v22;
	v21 =	vmul.f32 $2.000000030e-01, v25;
	vm13 =	vgt.f32 v25, $0.0e+00  }
0x13f: {  	[tilespmem:s23+$0x50] =	vst v47;
	v27 =	vld [tilespmem:s22+$0xFFFFFFD0];
	v22 =	vmul.f32 $1.442695020e+00, v22;
	(erf) = vpow2.f32 v20;
	v58 =	vadd.f32 v54, v52  }
0x140: {  	s10 =	simm.s32 $0x71C0;
	v39 =	vld [tilespmem:s25+$0x190];
	[tilespmem:s23+$0xE0] =	vst v30;
	(erf) = vpow2.f32 v23;
	v21 =	vsel vm13, v25, v21;
	v25 =	vmul.f32 $2.000000030e-01, v24;
	v26 =	vpop (erf)  }
0x141: {  	v30 =	vld [tilespmem:s22+$0x60];
	vm14 =	vgt.f32 v24, $0.0e+00;
	v20 =	vmul.f32 $1.442695020e+00, v21;
	v31 =	vmul.f32 $2.000000030e-01, v58;
	[tilespmem:s10+$0x230] =	vst v26  }
0x142: {  	[tilespmem:s23+$0x220] =	vst v17;
	(erf) = vpow2.f32 v22;
	v17 =	vsel vm14, v24, v25;
	vm15 =	vgt.f32 v58, $0.0e+00;
	v59 =	vld [tilespmem:s24+$0x1B0]  }
0x143: {  	[tilespmem:s21+$0xFFFFFEB0] =	vst v55;
	v57 =	vld [tilespmem:s22+$0xFFFFFE20];
	v24 =	vmul.f32 $1.442695020e+00, v17;
	(erf) = vpow2.f32 v20;
	v21 =	vsel vm15, v58, v31  }
0x144: {  	[tilespmem:s21+$0xFFFFFFD0] =	vst v28;
	v22 =	vld [tilespmem:s25+$0xFFFFFEC0];
	v60 =	vbroadcast v26, $0x0;
	v23 =	vmul.f32 $1.442695020e+00, v21  }
0x145: {  	v25 =	vld [tilespmem:s25+$0xFFFFFFE0];
	v17 =	vbroadcast v16, $0x7;
	v16 =	vbroadcast v19, $0x7  }
0x146: {  	[tilespmem:s21+$0xFFFFFE20] =	vst v38;
	v19 =	vmul.f32 v56, v50;
	v31 =	vld [tilespmem:s22+$0xF0];
	v20 =	vpop (erf);
	(erf) = vpow2.f32 v23  }
0x147: {  	v21 =	vld [tilespmem:s25+$0xFFFFFE30];
	[tilespmem:s10+$0xFFFFFED0] =	vst v20;
	(erf) = vpow2.f32 v24;
	v28 =	vmul.f32 v60, v59  }
0x148: {  	v13 =	vbroadcast v18, $0x6;
	v18 =	vbroadcast v18, $0x7;
	[tilespmem:s23+$0x170] =	vst v19;
	v62 =	vld [tilespmem:s24+$0xFFFFFE50]  }
0x149: {  	[tilespmem:s21+$0xFFFFFF40] =	vst v44;
	v38 =	vmul.f32 v57, v33;
	v0 =	vbroadcast v26, $0x1;
	v37 =	vld [tilespmem:s22+$0x180]  }
0x14a: {  	v61 =	vbroadcast v20, $0x0;
	v43 =	vbroadcast v20, $0x1;
	v23 =	vld [tilespmem:s25+$0xFFFFFF50];
	[tilespmem:s10+$0x1B0] =	vst v28  }
0x14b: {  	[tilespmem:s21+$0x60] =	vst v29;
	v44 =	vbroadcast v20, $0x2;
	v49 =	vbroadcast v20, $0x3;
	v63 =	vld [tilespmem:s24+$0x1C0];
	v28 =	vpop (erf)  }
0x14c: {  	v40 =	vbroadcast v20, $0x4;
	v47 =	vbroadcast v20, $0x5;
	v24 =	vld [tilespmem:s25+$0x70];
	[tilespmem:s10+$0xFFFFFF60] =	vst v28;
	v29 =	vpop (erf)  }
0x14d: {  	v19 =	vbroadcast v20, $0x6;
	v2 =	vmul.f32 v61, v62;
	v48 =	vld [tilespmem:s24+$0xFFFFFEE0];
	[tilespmem:s10+$0xFFFFFFF0] =	vst v29;
	v32 =	vpop (erf)  }
0x14e: {  	v51 =	vbroadcast v28, $0x0;
	v54 =	vbroadcast v28, $0x1;
	v52 =	vld [tilespmem:s24+$0xFFFFFF70];
	[tilespmem:s10+$0x80] =	vst v32;
	v33 =	vpop (erf)  }
0x14f: {  	v35 =	vbroadcast v28, $0x6;
	v57 =	vbroadcast v29, $0x0;
	v56 =	vld [tilespmem:s24+$0x0];
	[tilespmem:s10+$0x110] =	vst v33;
	v36 =	vpop (erf)  }
0x150: {  	v59 =	vbroadcast v29, $0x1;
	v50 =	vmul.f32 v0, v63;
	[tilespmem:s10+$0xFFFFFE40] =	vst v36;
	v58 =	vld [tilespmem:s24+$0x90];
	v34 =	vpop (erf)  }
0x151: {  	v41 =	vbroadcast v32, $0x0;
	v61 =	vbroadcast v32, $0x4;
	v60 =	vld [tilespmem:s24+$0xFFFFFDC0];
	[tilespmem:s10+$0x1A0] =	vst v34  }
0x152: {  	v0 =	vbroadcast v33, $0x0;
	[tilespmem:s10+$0x1C0] =	vst v50;
	v48 =	vmul.f32 v51, v48;
	v50 =	vld [tilespmem:s24+$0x120]  }
0x153: {  	[tilespmem:s10+$0xFFFFFE50] =	vst v2;
	v2 =	vbroadcast v36, $0x0;
	v52 =	vmul.f32 v57, v52;
	v57 =	vld [tilespmem:s24+$0x1D0]  }
0x154: {  	[tilespmem:s10+$0xFFFFFEE0] =	vst v48;
	v48 =	vbroadcast v36, $0x1;
	v53 =	vmul.f32 v41, v56;
	v56 =	vld [tilespmem:s24+$0xFFFFFE60]  }
0x155: {  	v41 =	vbroadcast v34, $0x0;
	[tilespmem:s10+$0xFFFFFF70] =	vst v52;
	v51 =	vmul.f32 v0, v58;
	v58 =	vld [tilespmem:s24+$0xFFFFFEF0]  }
0x156: {  	v0 =	vbroadcast v26, $0x2;
	v55 =	vmul.f32 v2, v60;
	v60 =	vld [tilespmem:s24+$0xFFFFFF80];
	[tilespmem:s10+$0x0] =	vst v53  }
0x157: {  	v52 =	vbroadcast v36, $0x3;
	[tilespmem:s10+$0x90] =	vst v51;
	v50 =	vmul.f32 v41, v50;
	v2 =	vld [tilespmem:s24+$0x10]  }
0x158: {  	v51 =	vbroadcast v32, $0x1;
	[tilespmem:s10+$0xFFFFFDC0] =	vst v55;
	v53 =	vmul.f32 v0, v57;
	v57 =	vld [tilespmem:s24+$0xA0]  }
0x159: {  	v55 =	vbroadcast v33, $0x1;
	v43 =	vmul.f32 v43, v56;
	[tilespmem:s10+$0x120] =	vst v50;
	v0 =	vld [tilespmem:s24+$0xFFFFFDD0]  }
0x15a: {  	v56 =	vbroadcast v34, $0x1;
	v54 =	vmul.f32 v54, v58;
	[tilespmem:s10+$0x1D0] =	vst v53;
	v53 =	vld [tilespmem:s24+$0x130]  }
0x15b: {  	v58 =	vbroadcast v36, $0x2;
	[tilespmem:s10+$0xFFFFFE60] =	vst v43;
	v59 =	vmul.f32 v59, v60;
	v60 =	vld [tilespmem:s24+$0x1E0]  }
0x15c: {  	v43 =	vbroadcast v28, $0x2;
	[tilespmem:s10+$0xFFFFFEF0] =	vst v54;
	v51 =	vmul.f32 v51, v2;
	v2 =	vld [tilespmem:s24+$0xFFFFFE70]  }
0x15d: {  	v54 =	vbroadcast v29, $0x2;
	[tilespmem:s10+$0xFFFFFF80] =	vst v59;
	v55 =	vmul.f32 v55, v57;
	v41 =	vld [tilespmem:s24+$0xFFFFFF00]  }
0x15e: {  	v48 =	vmul.f32 v48, v0;
	v50 =	vld [tilespmem:s24+$0xFFFFFF90];
	[tilespmem:s10+$0x10] =	vst v51;
	v0 =	vbroadcast v26, $0x3  }
0x15f: {  	v59 =	vbroadcast v32, $0x2;
	[tilespmem:s10+$0xA0] =	vst v55;
	v53 =	vmul.f32 v56, v53;
	v56 =	vld [tilespmem:s24+$0x20]  }
0x160: {  	v57 =	vbroadcast v28, $0x3;
	[tilespmem:s10+$0xFFFFFDD0] =	vst v48;
	v51 =	vmul.f32 v60, v0;
	v60 =	vld [tilespmem:s24+$0xB0]  }
0x161: {  	v55 =	vbroadcast v33, $0x2;
	v44 =	vmul.f32 v44, v2;
	[tilespmem:s10+$0x130] =	vst v53;
	v2 =	vld [tilespmem:s24+$0xFFFFFDE0]  }
0x162: {  	v48 =	vbroadcast v34, $0x2;
	v43 =	vmul.f32 v43, v41;
	[tilespmem:s10+$0x1E0] =	vst v51;
	v51 =	vld [tilespmem:s24+$0x140]  }
0x163: {  	[tilespmem:s10+$0xFFFFFE70] =	vst v44;
	v44 =	vbroadcast v29, $0x3;
	v50 =	vmul.f32 v54, v50;
	v0 =	vld [tilespmem:s24+$0x1F0]  }
0x164: {  	[tilespmem:s10+$0xFFFFFF00] =	vst v43;
	v43 =	vbroadcast v32, $0x3;
	v56 =	vmul.f32 v59, v56;
	v59 =	vld [tilespmem:s24+$0xFFFFFE80]  }
0x165: {  	[tilespmem:s10+$0xFFFFFF90] =	vst v50;
	v50 =	vbroadcast v33, $0x3;
	v55 =	vmul.f32 v55, v60;
	v60 =	vld [tilespmem:s24+$0xFFFFFF10]  }
0x166: {  	v53 =	vmul.f32 v58, v2;
	v58 =	vld [tilespmem:s24+$0xFFFFFFA0];
	[tilespmem:s10+$0x20] =	vst v56;
	v2 =	vbroadcast v26, $0x4  }
0x167: {  	[tilespmem:s10+$0xB0] =	vst v55;
	v55 =	vbroadcast v34, $0x3;
	v48 =	vmul.f32 v48, v51;
	v41 =	vld [tilespmem:s24+$0x30]  }
0x168: {  	[tilespmem:s10+$0xFFFFFDE0] =	vst v53;
	v53 =	vbroadcast v36, $0x4;
	v54 =	vmul.f32 v0, v2;
	v0 =	vld [tilespmem:s24+$0xC0]  }
0x169: {  	v49 =	vmul.f32 v59, v49;
	v59 =	vbroadcast v28, $0x4;
	[tilespmem:s10+$0x140] =	vst v48;
	v2 =	vld [tilespmem:s24+$0xFFFFFDF0]  }
0x16a: {  	v48 =	vbroadcast v36, $0x5;
	v57 =	vmul.f32 v60, v57;
	[tilespmem:s10+$0x1F0] =	vst v54;
	v54 =	vld [tilespmem:s24+$0x150]  }
0x16b: {  	v60 =	vbroadcast v29, $0x4;
	[tilespmem:s10+$0xFFFFFE80] =	vst v49;
	v44 =	vmul.f32 v58, v44;
	v49 =	vld [tilespmem:s24+$0x200]  }
0x16c: {  	v58 =	vbroadcast v34, $0x4;
	[tilespmem:s10+$0xFFFFFF10] =	vst v57;
	v43 =	vmul.f32 v41, v43;
	v51 =	vld [tilespmem:s24+$0xFFFFFE90]  }
0x16d: {  	v57 =	vbroadcast v33, $0x4;
	[tilespmem:s10+$0xFFFFFFA0] =	vst v44;
	v44 =	vmul.f32 v0, v50;
	v56 =	vld [tilespmem:s24+$0xFFFFFF20]  }
0x16e: {  	v0 =	vmul.f32 v2, v52;
	v62 =	vld [tilespmem:s24+$0xFFFFFFB0];
	[tilespmem:s10+$0x30] =	vst v43;
	v2 =	vbroadcast v26, $0x5  }
0x16f: {  	v50 =	vbroadcast v28, $0x5;
	[tilespmem:s10+$0xC0] =	vst v44;
	v63 =	vmul.f32 v54, v55;
	v54 =	vld [tilespmem:s24+$0x40]  }
0x170: {  	v52 =	vbroadcast v33, $0x5;
	[tilespmem:s10+$0xFFFFFDF0] =	vst v0;
	v43 =	vmul.f32 v49, v2;
	v0 =	vld [tilespmem:s24+$0xD0]  }
0x171: {  	v44 =	vbroadcast v34, $0x5;
	v40 =	vmul.f32 v51, v40;
	[tilespmem:s10+$0x150] =	vst v63;
	v63 =	vld [tilespmem:s24+$0xFFFFFE00]  }
0x172: {  	v49 =	vbroadcast v32, $0x5;
	v51 =	vbroadcast v29, $0x5;
	[tilespmem:s10+$0x200] =	vst v43;
	v2 =	vld [tilespmem:s24+$0x160]  }
0x173: {  	v56 =	vmul.f32 v56, v59;
	v60 =	vmul.f32 v62, v60;
	v62 =	vld [tilespmem:s24+$0x210];
	[tilespmem:s10+$0xFFFFFE90] =	vst v40  }
0x174: {  	v43 =	vbroadcast v36, $0x6;
	v54 =	vmul.f32 v54, v61;
	v41 =	vld [tilespmem:s24+$0xFFFFFEA0]  }
0x175: {  	v40 =	vld [tilespmem:s25+$0x100];
	[tilespmem:s10+$0xFFFFFF20] =	vst v56;
	v56 =	vmul.f32 v46, v1;
	v55 =	vmul.f32 v0, v57  }
0x176: {  	v0 =	vbroadcast v26, $0x6;
	[tilespmem:s10+$0xFFFFFFB0] =	vst v60;
	v59 =	vld [tilespmem:s24+$0xFFFFFF30];
	v53 =	vmul.f32 v63, v53  }
0x177: {  	[tilespmem:s10+$0x40] =	vst v54;
	v54 =	vbroadcast v29, $0x6;
	v60 =	vld [tilespmem:s24+$0xFFFFFFC0];
	v2 =	vmul.f32 v2, v58  }
0x178: {  	[tilespmem:s10+$0xD0] =	vst v55;
	v55 =	vbroadcast v32, $0x6;
	v57 =	vld [tilespmem:s24+$0x50];
	v61 =	vmul.f32 v62, v0  }
0x179: {  	[tilespmem:s10+$0xFFFFFE00] =	vst v53;
	v53 =	vbroadcast v33, $0x6;
	v58 =	vld [tilespmem:s24+$0xE0];
	v46 =	vmul.f32 v41, v47  }
0x17a: {  	s12 =	sadd.s32 $0x480, s24;
	s25 =	simm.s32 $0x10;
	[tilespmem:s10+$0x160] =	vst v2;
	v47 =	vbroadcast v34, $0x6;
	v41 =	vmul.f32 v45, v42;
	v42 =	vld [tilespmem:s24+$0xFFFFFE10]  }
.LBB2_9:
0x17b: {  	v45 =	vld [tilespmem:s12+$0x230]  }
0x17c: {  	v0 =	vld [tilespmem:$0x1FFB0];
	[tilespmem:s10+$0xFFFFFEA0] =	vst v46  }
0x17d: {  	s11 =	sadd.s32 $0x80, s11;
	v62 =	vld [tilespmem:s12+$0xFFFFFED0]  }
0x17e: {  	[tilespmem:s10+$0x210] =	vst v61;
	v63 =	vld [tilespmem:s11+$0xFFFFFFD0]  }
0x17f: {  	v50 =	vmul.f32 v59, v50;
	v59 =	vld [tilespmem:s24+$0x220]  }
0x180: {  	v2 =	vmul.f32 v60, v51;
	v60 =	vld [tilespmem:s11+$0x30];
	v49 =	vmul.f32 v57, v49  }
0x181: {  	[tilespmem:s10+$0xFFFFFF30] =	vst v50;
	v50 =	vld [tilespmem:s11+$0xFFFFFFC0]  }
0x182: {  	[tilespmem:s10+$0x50] =	vst v49;
	v49 =	vld [tilespmem:$0x1FFD0]  }
0x183: {  	[tilespmem:s23+$0xFFFFFEB0] =	vst v56;
	v61 =	vmul.f32 v58, v52;
	v52 =	vld [tilespmem:s12+$0xFFFFFF60]  }
0x184: {  	v31 =	vmul.f32 v31, v13;
	v13 =	vmov v53;
	v42 =	vmul.f32 v42, v48;
	[tilespmem:s10+$0xFFFFFFC0] =	vst v2;
	v53 =	vld [tilespmem:s11+$0xFFFFFFE0]  }
0x185: {  	v27 =	vmul.f32 v27, v14;
	v14 =	vmov v54;
	[tilespmem:s10+$0xE0] =	vst v61;
	v54 =	vld [tilespmem:s12+$0xFFFFFFF0]  }
0x186: {  	v30 =	vmul.f32 v30, v12;
	v20 =	vbroadcast v20, $0x7;
	[tilespmem:s10+$0xFFFFFE10] =	vst v42;
	v58 =	vadd.f32 v63, v62;
	v62 =	vld [tilespmem:s11+$0x0]  }
0x187: {  	v37 =	vmul.f32 v37, v15;
	v26 =	vbroadcast v26, $0x7;
	[tilespmem:s23+$0xFFFFFE20] =	vst v38;
	v48 =	vld [tilespmem:s12+$0x110];
	v45 =	vadd.f32 v60, v45  }
0x188: {  	v36 =	vbroadcast v36, $0x7;
	v28 =	vbroadcast v28, $0x7;
	[tilespmem:s23+$0xFFFFFF40] =	vst v41;
	v61 =	vmovc v11;
	v11 =	vmov v20;
	v20 =	vld [tilespmem:s11+$0x10]  }
0x189: {  	v12 =	vmov v55;
	[tilespmem:s23+$0xF0] =	vst v31;
	v26 =	vmul.f32 v59, v26;
	v60 =	vld [tilespmem:$0x1FFC0];
	v55 =	vmul.f32 $2.000000030e-01, v45  }
0x18a: {  	v29 =	vbroadcast v29, $0x7;
	v21 =	vmul.f32 v21, v0;
	v31 =	vld [tilespmem:s12+$0x1A0];
	[tilespmem:s23+$0x180] =	vst v37;
	vm0 =	vgt.f32 v45, $0.0e+00  }
0x18b: {  	v32 =	vbroadcast v32, $0x7;
	v23 =	vmul.f32 v23, v5;
	[tilespmem:s10+$0x220] =	vst v26;
	v26 =	vld [tilespmem:s11+$0xFFFFFFF0];
	v63 =	vsel vm0, v45, v55  }
0x18c: {  	v25 =	vmul.f32 v25, v6;
	[tilespmem:s21+$0xFFFFFE30] =	vst v21;
	v59 =	vld [tilespmem:s12+$0x80];
	v6 =	vmul.f32 $1.442695020e+00, v63  }
0x18d: {  	v33 =	vbroadcast v33, $0x7;
	v51 =	vld [tilespmem:$0x1FFF0];
	vm10 =	vgt.f32 v58, $0.0e+00;
	[tilespmem:s23+$0xFFFFFFD0] =	vst v27;
	v27 =	vmul.f32 $2.000000030e-01, v58  }
0x18e: {  	[tilespmem:s21+$0xFFFFFF50] =	vst v23;
	v42 =	vadd.f32 v53, v52;
	v52 =	vmovc v29;
	v29 =	vld [tilespmem:s11+$0x20];
	v22 =	vmul.f32 v22, v60;
	(erf) = vpow2.f32 v6  }
0x18f: {  	v24 =	vmul.f32 v24, v4;
	[tilespmem:s23+$0x60] =	vst v30;
	v30 =	vmul.f32 v40, v49;
	v53 =	vld [tilespmem:$0x1FFE0];
	v27 =	vsel vm10, v58, v27  }
0x190: {  	v20 =	vadd.f32 v20, v48;
	v26 =	vadd.f32 v26, v54;
	v54 =	vld [tilespmem:s12+$0xFFFFFE40];
	[tilespmem:s21+$0xFFFFFEC0] =	vst v22;
	v22 =	vmul.f32 $1.442695020e+00, v27  }
0x191: {  	v7 =	vmovc v10;
	v10 =	vmovc v28;
	v41 =	vld [tilespmem:s24+$0xFFFFFF40];
	v28 =	vmul.f32 $2.000000030e-01, v42;
	vm11 =	vgt.f32 v42, $0.0e+00;
	v56 =	vadd.f32 v62, v59  }
0x192: {  	[tilespmem:s21+$0x70] =	vst v24;
	v58 =	vld [tilespmem:s24+$0xFFFFFE20];
	vm13 =	vgt.f32 v20, $0.0e+00;
	v55 =	vmul.f32 $2.000000030e-01, v26;
	(erf) = vpow2.f32 v22  }
0x193: {  	[tilespmem:s21+$0x100] =	vst v30;
	v30 =	vld [tilespmem:s24+$0x60];
	v27 =	vsel vm11, v42, v28;
	vm12 =	vgt.f32 v56, $0.0e+00;
	vm1 =	vgt.f32 v26, $0.0e+00  }
0x194: {  	v40 =	vld [tilespmem:s22+$0x100];
	v23 =	vmul.f32 $2.000000030e-01, v56;
	v22 =	vmul.f32 $2.000000030e-01, v20;
	v26 =	vsel vm1, v26, v55  }
0x195: {  	v28 =	vld [tilespmem:s24+$0x170];
	v21 =	vmul.f32 v39, v53;
	v24 =	vadd.f32 v29, v31;
	v29 =	vadd.f32 v50, v54  }
0x196: {  	[tilespmem:s21+$0xFFFFFFE0] =	vst v25;
	v25 =	vmul.f32 $1.442695020e+00, v27;
	v42 =	vld [tilespmem:s24+$0xFFFFFEB0];
	v20 =	vsel vm13, v20, v22;
	v59 =	vmul.f32 $1.442695020e+00, v26  }
0x197: {  	v23 =	vsel vm12, v56, v23;
	[tilespmem:s21+$0x190] =	vst v21;
	s21 =	smov.u32 s23;
	s23 =	smov.u32 s10;
	s10 =	sadd.s32 $0x480, s10;
	v20 =	vmul.f32 $1.442695020e+00, v20;
	v22 =	vmul.f32 $2.000000030e-01, v29;
	v26 =	vpop (erf)  }
0x198: {  	v27 =	vld [tilespmem:s24+$0xFFFFFFD0];
	v23 =	vmul.f32 $1.442695020e+00, v23;
	vm15 =	vgt.f32 v29, $0.0e+00;
	(erf) = vpow2.f32 v25;
	[tilespmem:s10+$0x230] =	vst v26  }
0x199: {  	v57 =	vmovc v8;
	v21 =	vmul.f32 $2.000000030e-01, v24;
	v22 =	vsel vm15, v29, v22;
	(erf) = vpow2.f32 v59;
	v29 =	vld [tilespmem:s12+$0x1B0]  }
0x19a: {  	v1 =	vmovc v18;
	[tilespmem:$0x1FFB0] =	vst v57;
	v31 =	vld [tilespmem:s24+$0xF0];
	vm14 =	vgt.f32 v24, $0.0e+00;
	v28 =	vmul.f32 v28, v44;
	(erf) = vpow2.f32 v23  }
0x19b: {  	[tilespmem:$0x1FFD0] =	vst v1;
	v24 =	vsel vm14, v24, v21;
	v21 =	vld [tilespmem:s22+$0xFFFFFE30];
	v25 =	vmul.f32 $1.442695020e+00, v22;
	(erf) = vpow2.f32 v20;
	v20 =	vpop (erf)  }
0x19c: {  	v24 =	vmul.f32 $1.442695020e+00, v24;
	v22 =	vld [tilespmem:s22+$0xFFFFFEC0];
	v60 =	vbroadcast v26, $0x0;
	[tilespmem:s10+$0xFFFFFED0] =	vst v20  }
0x19d: {  	v34 =	vbroadcast v34, $0x7;
	[tilespmem:s23+$0x170] =	vst v28;
	(erf) = vpow2.f32 v25;
	v62 =	vld [tilespmem:s12+$0xFFFFFE50]  }
0x19e: {  	v57 =	vmov v16;
	[tilespmem:$0x1FFC0] =	vst v61;
	v37 =	vld [tilespmem:s24+$0x180];
	(erf) = vpow2.f32 v24;
	v29 =	vmul.f32 v60, v29  }
0x19f: {  	[tilespmem:$0x1FFE0] =	vst v57;
	v41 =	vmul.f32 v41, v35;
	v38 =	vmul.f32 v58, v43;
	v39 =	vld [tilespmem:s22+$0x190]  }
0x1a0: {  	[tilespmem:$0x1FFF0] =	vst v52;
	v0 =	vbroadcast v26, $0x1;
	v23 =	vld [tilespmem:s22+$0xFFFFFF50];
	v61 =	vbroadcast v20, $0x0  }
0x1a1: {  	v25 =	vld [tilespmem:s22+$0xFFFFFFE0];
	v48 =	vbroadcast v20, $0x1;
	v49 =	vbroadcast v20, $0x2;
	[tilespmem:s10+$0x1B0] =	vst v29;
	v28 =	vpop (erf)  }
0x1a2: {  	v44 =	vbroadcast v20, $0x3;
	v50 =	vld [tilespmem:s12+$0x1C0];
	[tilespmem:s10+$0xFFFFFF60] =	vst v28;
	v52 =	vmul.f32 v61, v62;
	v29 =	vpop (erf)  }
0x1a3: {  	v15 =	vmovc v47;
	v18 =	vmovc v33;
	v6 =	vmov v17;
	v47 =	vbroadcast v20, $0x4;
	v45 =	vbroadcast v20, $0x5;
	v24 =	vld [tilespmem:s22+$0x70];
	[tilespmem:s10+$0xFFFFFFF0] =	vst v29  }
0x1a4: {  	v17 =	vmov v32;
	v46 =	vbroadcast v20, $0x6;
	v43 =	vbroadcast v28, $0x0;
	v53 =	vld [tilespmem:s12+$0xFFFFFEE0];
	v32 =	vpop (erf);
	[tilespmem:s10+$0xFFFFFE50] =	vst v52  }
0x1a5: {  	v8 =	vmov v51;
	v51 =	vbroadcast v28, $0x1;
	v54 =	vbroadcast v29, $0x0;
	v55 =	vld [tilespmem:s12+$0xFFFFFF70];
	[tilespmem:s10+$0x80] =	vst v32;
	v33 =	vpop (erf)  }
0x1a6: {  	v9 =	vmov v36;
	v57 =	vbroadcast v29, $0x1;
	v56 =	vbroadcast v32, $0x0;
	v58 =	vld [tilespmem:s12+$0x0];
	[tilespmem:s10+$0x110] =	vst v33;
	v36 =	vpop (erf)  }
0x1a7: {  	v16 =	vmov v34;
	v59 =	vbroadcast v33, $0x0;
	[tilespmem:s10+$0xFFFFFE40] =	vst v36;
	v61 =	vld [tilespmem:s12+$0x90];
	v50 =	vmul.f32 v0, v50;
	v34 =	vpop (erf)  }
0x1a8: {  	v52 =	vbroadcast v33, $0x1;
	v3 =	vbroadcast v33, $0x4;
	v62 =	vld [tilespmem:s12+$0xFFFFFDC0];
	[tilespmem:s10+$0x1A0] =	vst v34  }
0x1a9: {  	v60 =	vbroadcast v36, $0x0;
	v43 =	vmul.f32 v43, v53;
	v1 =	vld [tilespmem:s12+$0x120];
	[tilespmem:s10+$0x1C0] =	vst v50  }
0x1aa: {  	v63 =	vbroadcast v36, $0x1;
	v50 =	vmul.f32 v54, v55;
	v54 =	vld [tilespmem:s12+$0x1D0]  }
0x1ab: {  	v0 =	vbroadcast v34, $0x0;
	v55 =	vld [tilespmem:s12+$0xFFFFFE60];
	[tilespmem:s10+$0xFFFFFEE0] =	vst v43;
	v43 =	vmul.f32 v56, v58  }
0x1ac: {  	v53 =	vbroadcast v32, $0x1;
	v2 =	vld [tilespmem:s12+$0xFFFFFEF0];
	[tilespmem:s10+$0xFFFFFF70] =	vst v50;
	v50 =	vmul.f32 v59, v61  }
0x1ad: {  	v59 =	vmul.f32 v60, v62;
	v60 =	vld [tilespmem:s12+$0xFFFFFF80];
	[tilespmem:s10+$0x0] =	vst v43;
	v43 =	vbroadcast v26, $0x2  }
0x1ae: {  	v56 =	vbroadcast v34, $0x1;
	v62 =	vld [tilespmem:s12+$0x10];
	[tilespmem:s10+$0x90] =	vst v50;
	v0 =	vmul.f32 v0, v1  }
0x1af: {  	v58 =	vbroadcast v36, $0x2;
	[tilespmem:s10+$0xFFFFFDC0] =	vst v59;
	v50 =	vld [tilespmem:s12+$0xA0];
	v43 =	vmul.f32 v43, v54  }
0x1b0: {  	v61 =	vbroadcast v28, $0x2;
	v48 =	vmul.f32 v48, v55;
	v54 =	vld [tilespmem:s12+$0xFFFFFDD0];
	[tilespmem:s10+$0x120] =	vst v0  }
0x1b1: {  	v1 =	vbroadcast v29, $0x2;
	v0 =	vmul.f32 v51, v2;
	v51 =	vld [tilespmem:s12+$0x130];
	[tilespmem:s10+$0x1D0] =	vst v43  }
0x1b2: {  	v55 =	vbroadcast v32, $0x2;
	[tilespmem:s10+$0xFFFFFE60] =	vst v48;
	v43 =	vmul.f32 v57, v60;
	v57 =	vld [tilespmem:s12+$0x1E0]  }
0x1b3: {  	v59 =	vbroadcast v36, $0x3;
	v60 =	vld [tilespmem:s12+$0xFFFFFE70];
	[tilespmem:s10+$0xFFFFFEF0] =	vst v0;
	v0 =	vmul.f32 v53, v62  }
0x1b4: {  	v2 =	vbroadcast v33, $0x2;
	v53 =	vld [tilespmem:s12+$0xFFFFFF00];
	[tilespmem:s10+$0xFFFFFF80] =	vst v43;
	v43 =	vmul.f32 v52, v50  }
0x1b5: {  	v50 =	vmul.f32 v63, v54;
	v52 =	vld [tilespmem:s12+$0xFFFFFF90];
	[tilespmem:s10+$0x10] =	vst v0;
	v0 =	vbroadcast v26, $0x3  }
0x1b6: {  	v48 =	vbroadcast v34, $0x2;
	v63 =	vld [tilespmem:s12+$0x20];
	[tilespmem:s10+$0xA0] =	vst v43;
	v43 =	vmul.f32 v56, v51  }
0x1b7: {  	v62 =	vbroadcast v28, $0x3;
	[tilespmem:s10+$0xFFFFFDD0] =	vst v50;
	v50 =	vld [tilespmem:s12+$0xB0];
	v0 =	vmul.f32 v57, v0  }
0x1b8: {  	v54 =	vbroadcast v29, $0x3;
	v49 =	vmul.f32 v49, v60;
	v51 =	vld [tilespmem:s12+$0xFFFFFDE0];
	[tilespmem:s10+$0x130] =	vst v43  }
0x1b9: {  	v56 =	vbroadcast v32, $0x3;
	v43 =	vmul.f32 v61, v53;
	v53 =	vld [tilespmem:s12+$0x140];
	[tilespmem:s10+$0x1E0] =	vst v0  }
0x1ba: {  	v57 =	vbroadcast v33, $0x3;
	[tilespmem:s10+$0xFFFFFE70] =	vst v49;
	v1 =	vmul.f32 v1, v52;
	v49 =	vld [tilespmem:s12+$0x1F0]  }
0x1bb: {  	v60 =	vbroadcast v34, $0x3;
	v52 =	vld [tilespmem:s12+$0xFFFFFE80];
	[tilespmem:s10+$0xFFFFFF00] =	vst v43;
	v63 =	vmul.f32 v55, v63  }
0x1bc: {  	v61 =	vbroadcast v28, $0x4;
	v55 =	vld [tilespmem:s12+$0xFFFFFF10];
	[tilespmem:s10+$0xFFFFFF90] =	vst v1;
	v2 =	vmul.f32 v2, v50  }
0x1bd: {  	v43 =	vbroadcast v26, $0x4;
	v50 =	vmul.f32 v58, v51;
	v51 =	vld [tilespmem:s12+$0xFFFFFFA0];
	[tilespmem:s10+$0x20] =	vst v63  }
0x1be: {  	v0 =	vbroadcast v36, $0x4;
	v58 =	vld [tilespmem:s12+$0x30];
	[tilespmem:s10+$0xB0] =	vst v2;
	v48 =	vmul.f32 v48, v53  }
0x1bf: {  	v1 =	vbroadcast v29, $0x4;
	[tilespmem:s10+$0xFFFFFDE0] =	vst v50;
	v53 =	vld [tilespmem:s12+$0xC0];
	v43 =	vmul.f32 v49, v43  }
0x1c0: {  	v63 =	vbroadcast v32, $0x4;
	v44 =	vmul.f32 v52, v44;
	v4 =	vld [tilespmem:s12+$0xFFFFFDF0];
	[tilespmem:s10+$0x140] =	vst v48  }
0x1c1: {  	v2 =	vbroadcast v34, $0x4;
	v49 =	vmul.f32 v55, v62;
	v55 =	vld [tilespmem:s12+$0x150];
	[tilespmem:s10+$0x1F0] =	vst v43  }
0x1c2: {  	v50 =	vbroadcast v28, $0x5;
	[tilespmem:s10+$0xFFFFFE80] =	vst v44;
	v43 =	vmul.f32 v51, v54;
	v54 =	vld [tilespmem:s12+$0x200]  }
0x1c3: {  	v52 =	vbroadcast v33, $0x5;
	v62 =	vld [tilespmem:s12+$0xFFFFFE90];
	[tilespmem:s10+$0xFFFFFF10] =	vst v49;
	v44 =	vmul.f32 v58, v56  }
0x1c4: {  	v48 =	vbroadcast v36, $0x5;
	v56 =	vld [tilespmem:s12+$0xFFFFFF20];
	[tilespmem:s10+$0xFFFFFFA0] =	vst v43;
	v43 =	vmul.f32 v53, v57  }
0x1c5: {  	v57 =	vbroadcast v26, $0x5;
	v4 =	vmul.f32 v4, v59;
	v53 =	vld [tilespmem:s12+$0xFFFFFFB0];
	[tilespmem:s10+$0x30] =	vst v44  }
0x1c6: {  	v51 =	vbroadcast v29, $0x5;
	v58 =	vld [tilespmem:s12+$0x40];
	[tilespmem:s10+$0xC0] =	vst v43;
	v55 =	vmul.f32 v55, v60  }
0x1c7: {  	v49 =	vbroadcast v32, $0x5;
	[tilespmem:s10+$0xFFFFFDF0] =	vst v4;
	v4 =	vld [tilespmem:s12+$0xD0];
	v54 =	vmul.f32 v54, v57  }
0x1c8: {  	v44 =	vbroadcast v34, $0x5;
	v47 =	vmul.f32 v62, v47;
	v57 =	vld [tilespmem:s12+$0xFFFFFE00];
	[tilespmem:s10+$0x150] =	vst v55  }
0x1c9: {  	v43 =	vbroadcast v36, $0x6;
	v55 =	vmul.f32 v56, v61;
	v56 =	vld [tilespmem:s12+$0x160];
	[tilespmem:s10+$0x200] =	vst v54  }
0x1ca: {  	s25 =	sadd.s32 $0x8, s25;
	v62 =	vbroadcast v28, $0x6;
	[tilespmem:s10+$0xFFFFFE90] =	vst v47;
	v1 =	vmul.f32 v53, v1;
	v61 =	vld [tilespmem:s12+$0x210]  }
0x1cb: {  	p1 =	slt.u32 s25, $0x48;
	v54 =	vbroadcast v29, $0x6;
	v5 =	vld [tilespmem:s12+$0xFFFFFEA0];
	[tilespmem:s10+$0xFFFFFF20] =	vst v55;
	v47 =	vmul.f32 v58, v63  }
.Ltmp4:
0x1cc: {  	v55 =	vbroadcast v32, $0x6;
	v59 =	vld [tilespmem:s12+$0xFFFFFF30];
	[tilespmem:s10+$0xFFFFFFB0] =	vst v1;
	v1 =	vmul.f32 v4, v3;
	(pc) =	sbr.rel @p1 .LBB2_9-.Ltmp4, $4  }
0x1cd: {  	v53 =	vbroadcast v33, $0x6;
	v0 =	vmul.f32 v57, v0;
	v60 =	vld [tilespmem:s12+$0xFFFFFFC0];
	[tilespmem:s10+$0x40] =	vst v47  }
0x1ce: {  	v35 =	vmov v62;
	v3 =	vbroadcast v26, $0x6;
	v57 =	vld [tilespmem:s12+$0x50];
	[tilespmem:s10+$0xD0] =	vst v1;
	v1 =	vmul.f32 v56, v2  }
0x1cf: {  	s22 =	smov.u32 s24;
	s24 =	smov.u32 s12;
	v4 =	vmovc v6;
	v6 =	vmovc v8;
	v8 =	vmov v9;
	v47 =	vbroadcast v34, $0x6;
	v56 =	vmul.f32 v42, v19;
	[tilespmem:s10+$0xFFFFFE00] =	vst v0;
	v58 =	vld [tilespmem:s12+$0xE0]  }
0x1d0: {  	v19 =	vmovc v46;
	v61 =	vmul.f32 v61, v3;
	v46 =	vmul.f32 v5, v45;
	v5 =	vmov v7;
	s12 =	sadd.s32 $0x480, s12;
	v42 =	vld [tilespmem:s24+$0xFFFFFE10];
	[tilespmem:s10+$0x160] =	vst v1  }
0x1d1: {  	[tilespmem:s23+$0xFFFFFE20] =	vst v38  }
0x1d2: {  	[tilespmem:s23+$0xFFFFFEB0] =	vst v56  }
0x1d3: {  	v0 =	vmul.f32 v59, v50;
	[tilespmem:s10+$0x210] =	vst v61  }
0x1d4: {  	[tilespmem:s23+$0xFFFFFF40] =	vst v41;
	v1 =	vmul.f32 v60, v51;
	v2 =	vld [tilespmem:s24+$0x220]  }
0x1d5: {  	[tilespmem:s10+$0xFFFFFF30] =	vst v0;
	v0 =	vmul.f32 v57, v49  }
0x1d6: {  	[tilespmem:s10+$0xFFFFFFC0] =	vst v1  }
0x1d7: {  	v1 =	vmul.f32 v58, v52;
	[tilespmem:s10+$0x50] =	vst v0;
	v0 =	vbroadcast v26, $0x7  }
0x1d8: {  	[tilespmem:s10+$0xFFFFFEA0] =	vst v46;
	v3 =	vmul.f32 v42, v48  }
0x1d9: {  	[tilespmem:s10+$0xE0] =	vst v1;
	v0 =	vmul.f32 v2, v0  }
0x1da: {  	v1 =	vmul.f32 v30, v12;
	[tilespmem:s10+$0xFFFFFE10] =	vst v3  }
0x1db: {  	[tilespmem:s10+$0x220] =	vst v0;
	v0 =	vmul.f32 v27, v14  }
0x1dc: {  	v2 =	vmul.f32 v31, v13;
	[tilespmem:s23+$0x60] =	vst v1  }
0x1dd: {  	[tilespmem:s23+$0xFFFFFFD0] =	vst v0  }
0x1de: {  	v1 =	vld [tilespmem:$0x1FFB0];
	[tilespmem:s23+$0xF0] =	vst v2  }
0x1df: {  	v2 =	vld [tilespmem:$0x1FFC0]  }
0x1e0: {  	v0 =	vmul.f32 v37, v15  }
0x1e1: {  	v3 =	vmul.f32 v23, v5  }
0x1e2: {  	[tilespmem:s23+$0x180] =	vst v0;
	v0 =	vld [tilespmem:s24+$0x170]  }
0x1e3: {  	[tilespmem:s21+$0xFFFFFF50] =	vst v3;
	v3 =	vld [tilespmem:s24+$0xFFFFFEB0];
	v1 =	vmul.f32 v21, v1  }
0x1e4: {  	v7 =	vld [tilespmem:s24+$0xF0];
	v2 =	vmul.f32 v22, v2  }
0x1e5: {  	v49 =	vld [tilespmem:s24+$0xFFFFFFD0];
	[tilespmem:s21+$0xFFFFFE30] =	vst v1;
	v1 =	vmul.f32 v25, v6  }
0x1e6: {  	v4 =	vmul.f32 v24, v4;
	[tilespmem:s21+$0xFFFFFEC0] =	vst v2;
	v2 =	vld [tilespmem:s24+$0xFFFFFE20]  }
0x1e7: {  	v0 =	vmul.f32 v0, v44;
	v48 =	vld [tilespmem:$0x1FFD0];
	[tilespmem:s21+$0xFFFFFFE0] =	vst v1  }
0x1e8: {  	v3 =	vmul.f32 v3, v19;
	v1 =	vld [tilespmem:s24+$0xFFFFFF40];
	[tilespmem:s21+$0x70] =	vst v4  }
0x1e9: {  	v7 =	vmul.f32 v7, v53;
	v50 =	vld [tilespmem:$0x1FFE0];
	[tilespmem:s10+$0x170] =	vst v0  }
0x1ea: {  	v51 =	vld [tilespmem:s24+$0x60];
	v4 =	vmul.f32 v49, v54;
	[tilespmem:s10+$0xFFFFFEB0] =	vst v3  }
0x1eb: {  	v52 =	vld [tilespmem:s22+$0xFFFFFE30];
	[tilespmem:s10+$0xF0] =	vst v7;
	v0 =	vmul.f32 v2, v43  }
0x1ec: {  	[tilespmem:s10+$0xFFFFFFD0] =	vst v4;
	v2 =	vld [tilespmem:s24+$0x180];
	v5 =	vmul.f32 v40, v48  }
0x1ed: {  	v1 =	vmul.f32 v1, v35;
	[tilespmem:s10+$0xFFFFFE20] =	vst v0  }
0x1ee: {  	v56 =	vld [tilespmem:s22+$0x190];
	v6 =	vmul.f32 v39, v50;
	[tilespmem:s21+$0x100] =	vst v5  }
0x1ef: {  	v0 =	vld [tilespmem:s22+$0xFFFFFEC0];
	v5 =	vmul.f32 v51, v55;
	[tilespmem:s10+$0xFFFFFF40] =	vst v1  }
0x1f0: {  	v3 =	vld [tilespmem:s22+$0xFFFFFF50];
	[tilespmem:s21+$0x190] =	vst v6;
	v6 =	vmul.f32 v52, v8  }
0x1f1: {  	v54 =	vld [tilespmem:s22+$0x70];
	v2 =	vmul.f32 v2, v47;
	[tilespmem:s10+$0x60] =	vst v5  }
0x1f2: {  	v1 =	vld [tilespmem:s22+$0xFFFFFFE0];
	[tilespmem:s23+$0xFFFFFE30] =	vst v6  }
0x1f3: {  	v55 =	vld [tilespmem:s22+$0x100];
	[tilespmem:s10+$0x180] =	vst v2  }
0x1f4: {  	v0 =	vmul.f32 v0, v11;
	v6 =	vld [tilespmem:$0x1FFF0]  }
0x1f5: {  	v2 =	vmul.f32 v3, v10;
	v3 =	vld [tilespmem:s24+$0xFFFFFE30]  }
0x1f6: {  	v4 =	vmul.f32 v54, v17;
	[tilespmem:s23+$0xFFFFFEC0] =	vst v0;
	v0 =	vld [tilespmem:s24+$0xFFFFFEC0]  }
0x1f7: {  	v7 =	vmul.f32 v56, v16;
	[tilespmem:s23+$0xFFFFFF50] =	vst v2;
	v2 =	vld [tilespmem:s24+$0xFFFFFF50]  }
0x1f8: {  	v57 =	vbroadcast v36, $0x7;
	v59 =	vld [tilespmem:s24+$0x70];
	v5 =	vmul.f32 v55, v18;
	[tilespmem:s23+$0x70] =	vst v4  }
0x1f9: {  	v58 =	vbroadcast v20, $0x7;
	v60 =	vld [tilespmem:s24+$0x100];
	[tilespmem:s23+$0x190] =	vst v7;
	v1 =	vmul.f32 v1, v6  }
0x1fa: {  	v9 =	vbroadcast v28, $0x7;
	v62 =	vld [tilespmem:s24+$0x190];
	[tilespmem:s23+$0x100] =	vst v5;
	v3 =	vmul.f32 v3, v57  }
0x1fb: {  	v63 =	vbroadcast v32, $0x7;
	v0 =	vmul.f32 v0, v58;
	[tilespmem:s23+$0xFFFFFFE0] =	vst v1;
	v1 =	vld [tilespmem:s24+$0xFFFFFFE0]  }
0x1fc: {  	v2 =	vmul.f32 v2, v9;
	[tilespmem:s10+$0xFFFFFE30] =	vst v3;
	v3 =	vbroadcast v33, $0x7  }
0x1fd: {  	s11 =	sand.u32 $0x3, s19;
	v4 =	vmul.f32 v59, v63;
	[tilespmem:s10+$0xFFFFFEC0] =	vst v0;
	v0 =	vbroadcast v34, $0x7  }
0x1fe: {  	p1 =	sne.s32 s20, $0x7D;
	v61 =	vbroadcast v29, $0x7;
	s11 =	smul.u32 $0x140, s11;
	[tilespmem:s10+$0xFFFFFF50] =	vst v2;
	v2 =	vmul.f32 v60, v3  }
.Ltmp5:
0x1ff: {  	[tilespmem:s10+$0x70] =	vst v4;
	v0 =	vmul.f32 v62, v0;
	(pc) =	sbr.rel @p1 .LBB2_4-.Ltmp5, $4  }
0x200: {  	[tilespmem:s10+$0x100] =	vst v2;
	v1 =	vmul.f32 v1, v61  }
0x201: {  	s11 =	sshrl.u32 s11, $0x2;
	[tilespmem:s10+$0x190] =	vst v0  }
0x202: {  	p0 =	por !p0, !p0;
	s19 =	smov.u32 s20;
	s25 =	sadd.s32 $0x140, s11;
	[tilespmem:s10+$0xFFFFFFE0] =	vst v1  }
0x203: {  	v0 =	vimm.f32 $0.0e+00;
	[spmem:s2] =	stream.indirect.scatter.add.f32 [tilespmem:s31], [sflag:$0x7], $0x90, s25, s4, $0xb8;
	[tilespmem:$0x1FB80] =	vst v63  }
0x204: {  	_ =	swait.ge [sflag:s15], $0x2D00  }
0x205: {  	[sflag:s15] =	ssyncset.done $0x0  }
0x206: {  	[sflag:s15] =	ssyncadd.s32 $0xFFFFD300  }
0x207: {  	[bflag:$0x0] =	sbarrier.arrive $0xFFFF  }
0x208: {  	[tilespmem:s31], [sflag:$0x5] =	stream.linear.gather [spmem:s8], $0x2D00, $0x38;
	[tilespmem:$0x1FB80] =	vst v63  }
0x209: {  	_ = 	snop  }
0x20a: {  	[tilespmem:s14], [sflag:$0x6] =	stream.linear.gather [spmem:s26], $0x2D00, $0x38;
	[tilespmem:$0x1FB80] =	vst v63  }
0x20b: {  	_ =	swait.ge [sflag:s0], $0x2D00  }
0x20c: {  	[sflag:s0] =	ssyncset.done $0x0  }
0x20d: {  	s10 =	rddreg [dreg:$0x9];
	[sflag:s0] =	ssyncadd.s32 $0xFFFFD300  }
0x20e: {  	[hbm4b:s10+s3] =	stream.linear.scatter [tilespmem:s31], [sflag:$0x7], $0x2D00, $0x38;
	[tilespmem:$0x1FB80] =	vst v63  }
0x20f: {  	_ =	swait.ge [sflag:s15], $0x2D00  }
0x210: {  	[sflag:s15] =	ssyncset.done $0x0  }
0x211: {  	[sflag:s15] =	ssyncadd.s32 $0xFFFFD300  }
0x212: {  	[tilespmem:s31], [sflag:$0x5] =	stream.linear.gather [spmem:s28], $0x2D00, $0x38;
	[tilespmem:$0x1FB80] =	vst v63  }
0x213: {  	_ =	swait.ge [sflag:s16], $0x2D00  }
0x214: {  	[sflag:s16] =	ssyncset.done $0x0  }
0x215: {  	s19 =	smov.u32 s26;
	s26 =	rddreg [dreg:$0xa];
	[sflag:s16] =	ssyncadd.s32 $0xFFFFD300  }
0x216: {  	[hbm4b:s26+s3] =	stream.linear.scatter [tilespmem:s14], [sflag:$0x8], $0x2D00, $0x38;
	[tilespmem:$0x1FB80] =	vst v63  }
0x217: {  	_ =	swait.ge [sflag:s17], $0x2D00  }
0x218: {  	[sflag:s17] =	ssyncset.done $0x0  }
0x219: {  	s20 =	smov.u32 s28;
	s28 =	rddreg [dreg:$0x4];
	[sflag:s17] =	ssyncadd.s32 $0xFFFFD300  }
0x21a: {  	[tilespmem:s14], [sflag:$0x6] =	stream.linear.gather [spmem:s28], $0x2D00, $0x38;
	[tilespmem:$0x1FB80] =	vst v63  }
0x21b: {  	_ =	swait.ge [sflag:s0], $0x2D00  }
0x21c: {  	[sflag:s0] =	ssyncset.done $0x0  }
0x21d: {  	s11 =	rddreg [dreg:$0xb];
	[sflag:s0] =	ssyncadd.s32 $0xFFFFD300  }
0x21e: {  	[hbm4b:s11+s3] =	stream.linear.scatter [tilespmem:s31], [sflag:$0x7], $0x2D00, $0x38;
	[tilespmem:$0x1FB80] =	vst v63  }
0x21f: {  	_ =	swait.ge [sflag:s15], $0x2D00  }
0x220: {  	[sflag:s15] =	ssyncset.done $0x0  }
0x221: {  	s12 =	rddreg [dreg:$0x12];
	[sflag:s15] =	ssyncadd.s32 $0xFFFFD300  }
0x222: {  	[tilespmem:s31], [sflag:$0x5] =	stream.linear.gather [spmem:s12], $0x2D00, $0x38;
	[tilespmem:$0x1FB80] =	vst v63  }
0x223: {  	_ =	swait.ge [sflag:s16], $0x2D00  }
0x224: {  	[sflag:s16] =	ssyncset.done $0x0  }
0x225: {  	s21 =	rddreg [dreg:$0xc];
	[sflag:s16] =	ssyncadd.s32 $0xFFFFD300  }
0x226: {  	[hbm4b:s21+s3] =	stream.linear.scatter [tilespmem:s14], [sflag:$0x8], $0x2D00, $0x38;
	[tilespmem:$0x1FB80] =	vst v63  }
0x227: {  	_ =	swait.ge [sflag:s17], $0x2D00  }
0x228: {  	[sflag:s17] =	ssyncset.done $0x0  }
0x229: {  	s22 =	rddreg [dreg:$0x13];
	[sflag:s17] =	ssyncadd.s32 $0xFFFFD300  }
0x22a: {  	[tilespmem:s14], [sflag:$0x6] =	stream.linear.gather [spmem:s22], $0x2D00, $0x38;
	[tilespmem:$0x1FB80] =	vst v63  }
0x22b: {  	_ =	swait.ge [sflag:s0], $0x2D00  }
0x22c: {  	[sflag:s0] =	ssyncset.done $0x0  }
0x22d: {  	s23 =	rddreg [dreg:$0xd];
	[sflag:s0] =	ssyncadd.s32 $0xFFFFD300  }
0x22e: {  	[hbm4b:s23+s3] =	stream.linear.scatter [tilespmem:s31], [sflag:$0x7], $0x2D00, $0x38;
	[tilespmem:$0x1FB80] =	vst v63  }
0x22f: {  	_ =	swait.ge [sflag:s15], $0x2D00  }
0x230: {  	[sflag:s15] =	ssyncset.done $0x0  }
0x231: {  	[sflag:s15] =	ssyncadd.s32 $0xFFFFD300  }
0x232: {  	[tilespmem:s31], [sflag:$0x5] =	stream.linear.gather [spmem:s29], $0x2D00, $0x38;
	[tilespmem:$0x1FB80] =	vst v63  }
0x233: {  	_ =	swait.ge [sflag:s16], $0x2D00  }
0x234: {  	[sflag:s16] =	ssyncset.done $0x0  }
0x235: {  	s24 =	rddreg [dreg:$0xe];
	[sflag:s16] =	ssyncadd.s32 $0xFFFFD300  }
0x236: {  	[hbm4b:s24+s3] =	stream.linear.scatter [tilespmem:s14], [sflag:$0x8], $0x2D00, $0x38;
	[tilespmem:$0x1FB80] =	vst v63  }
0x237: {  	_ =	swait.ge [sflag:s17], $0x2D00  }
0x238: {  	[sflag:s17] =	ssyncset.done $0x0  }
0x239: {  	[sflag:s17] =	ssyncadd.s32 $0xFFFFD300  }
0x23a: {  	[tilespmem:s14], [sflag:$0x6] =	stream.linear.gather [spmem:s30], $0x2D00, $0x38;
	[tilespmem:$0x1FB80] =	vst v63  }
0x23b: {  	_ =	swait.ge [sflag:s0], $0x2D00  }
0x23c: {  	[sflag:s0] =	ssyncset.done $0x0  }
0x23d: {  	s25 =	rddreg [dreg:$0xf];
	[sflag:s0] =	ssyncadd.s32 $0xFFFFD300  }
0x23e: {  	[hbm4b:s25+s3] =	stream.linear.scatter [tilespmem:s31], [sflag:$0x7], $0x2D00, $0x38;
	[tilespmem:$0x1FB80] =	vst v63  }
0x23f: {  	_ =	swait.ge [sflag:s16], $0x2D00  }
0x240: {  	[sflag:s16] =	ssyncset.done $0x0  }
0x241: {  	s26 =	rddreg [dreg:$0x10];
	[sflag:s16] =	ssyncadd.s32 $0xFFFFD300  }
0x242: {  	[hbm4b:s26+s3] =	stream.linear.scatter [tilespmem:s14], [sflag:$0x8], $0x2D00, $0x38;
	[tilespmem:$0x1FB80] =	vst v63  }
0x243: {  	_ =	swait.ge [sflag:s15], $0x2D00  }
0x244: {  	[sflag:s15] =	ssyncset.done $0x0  }
0x245: {  	[sflag:s15] =	ssyncadd.s32 $0xFFFFD300  }
0x246: {  	_ =	swait.ge [sflag:s17], $0x2D00  }
0x247: {  	s18 =	sadd.s32 $0x1, s18;
	s28 =	rddreg [dreg:$0x11]  }
0x248: {  	p0 =	sne.s32 s18, s28  }
.Ltmp6:
0x249: {  	_ = 	snop;
	(pc) =	sbr.rel @p0 .LBB2_1-.Ltmp6, $3  }
0x24a: {  	_ =	sdelay $0x1  }
0x24b: {  	[sflag:s17] =	ssyncset.done $0x0  }
0x24c: {  	[sflag:s17] =	ssyncadd.s32 $0xFFFFD300  }
0x24d: {  	_ =	sfence.sel $0x180000  }
0x24e: {  	[bflag:$0x0] =	sbarrier.arrive $0xFFFF  }
0x24f: {  	_ =	strace $0x90000047  }
0x250: {  	s0 =	stileid.u32;
	[bflag:$0x2] =	sbarrier.arrive $0xFFFF  }
0x251: {  	p0 =	sne.s32 s0, $0x0;
	s0 =	rddreg [dreg:$0x3]  }
0x252: {  	s0 =	sadd.s32 @!p0 $0x100000, s0  }
0x253: {  	[sflag:s0] =	ssyncadd.tile.s32 @!p0 $0x1;
	_ =	shalt  }
.Lfunc_end2:
_tile_overlayer_lowered:
.L_overlay_start_2:
0x254: {  	(tag) =	ssettag $0x2  }
0x255: {  	s0 =	rddreg [dreg:$0x0];
	s2 =	stileid.u32  }
0x256: {  	s1 =	rddreg [dreg:$0x1];
	p0 =	sne.s32 s2, $0x0  }
0x257: {  	s3 =	rddreg [dreg:$0x2];
	[bflag:$0x3] =	sbarrier.arrive $0xFFFF;
	s2 =	simm.s32 @!p0 $0x1C09  }
0x258: {  	[timem:s3], [sflag:s2] =	dma.local @!p0 [hbm:s0], s1  }
0x259: {  	s0 =	simm.s32 @!p0 $0x9  }
0x25a: {  	_ =	swait.ge @!p0 [sflag:s0], s1  }
0x25b: {  	s1 =	ssub.s32 @!p0 $0x0, s1;
	[sflag:s0] =	ssyncset.done @!p0 $0x0  }
0x25c: {  	[sflag:s0] =	ssyncadd.s32 @!p0 s1  }
0x25d: {  	[bflag:$0x3] =	sbarrier.arrive $0xFFFF  }
0x25e: {  	_ =	shalt  }

</sc_bundles>
